<compile_context>
chip_gen: v7x
topology: tpu7x:2x2x1
jax: 0.10.2.dev20260603
libtpu: 0.0.44.dev20260713+nightly
codegen_flags: <defaults>
</compile_context>

<pallas_src>
import functools

import numpy as np
import jax
import jax.numpy as jnp
from jax import lax
from jax.experimental import pallas as pl
from jax.experimental.pallas import tpu as pltpu
from jax.experimental.pallas import tpu_sc as plsc

MAX_NODES = 9
RNN_H = 32
F = 4


def _lk(x):
    return jnp.maximum(x, 0.01 * x)


_S1_MATS = [(8, 512, 256), (520, 256, 128), (776, 128, 4), (904, 512, 256),
            (1416, 256, 128), (1672, 128, 128), (1800, 256, 384),
            (2056, 128, 384), (2184, 128, 128)]
_S1_ROWS = 2312


def _stage1_body(lat_ref, wn1, bn1r, wn2, bn2r, wn3, bn3r, wltr, wi1r, bi1r,
                 wi2r, bi2r, whwr, bihr, bhhr, wlr, blr,
                 nn_ref, st_ref, scr):
    @pl.when(pl.program_id(0) == 0)
    def _prep():
        scr[...] = jnp.zeros(scr.shape, scr.dtype)
        for u in range(F):
            scr[0:1, 64 * u:64 * u + 64] = bn1r[...]
            scr[1:2, 32 * u:32 * u + 32] = bn2r[...]
            scr[2:3, u:u + 1] = bn3r[...]
            scr[3:4, 32 * u:32 * u + 32] = bi1r[...]
            scr[4:5, 32 * u:32 * u + 32] = bi2r[...]
            scr[7:8, 32 * u:32 * u + 32] = blr[...]
            for k in range(3):
                scr[5:6, 128 * k + 32 * u:128 * k + 32 * u + 32] = bihr[0:1, 32 * k:32 * k + 32]
                scr[6:7, 128 * k + 32 * u:128 * k + 32 * u + 32] = bhhr[0:1, 32 * k:32 * k + 32]
        for (off, _, _), wref, do in zip(_S1_MATS[:6] + [_S1_MATS[8]],
                                         [wn1, wn2, wn3, wltr, wi1r, wi2r, wlr],
                                         [64, 32, 1, 64, 32, 32, 32]):
            wT = wref[...].T
            di = wT.shape[0]
            for u in range(F):
                scr[pl.ds(off + di * u, di), do * u:do * u + do] = wT
        for off, wv in ((1800, whwr[:, 0:64]), (2056, whwr[:, 64:96])):
            wT = wv.T
            di = wT.shape[0]
            for u in range(F):
                for k in range(3):
                    scr[pl.ds(off + di * u, di),
                        128 * k + 32 * u:128 * k + 32 * u + 32] = wT[:, 32 * k:32 * k + 32]

    def mat(i):
        off, r, c = _S1_MATS[i]
        return scr[pl.ds(off, r), 0:c]

    def bias(i, c):
        return scr[pl.ds(i, 1), 0:c]

    a1, a2, a3 = mat(0), mat(1), mat(2)
    wlt, wi1, wi2, wih, whh, wl = mat(3), mat(4), mat(5), mat(6), mat(7), mat(8)
    c1, c2, c3 = bias(0, 256), bias(1, 128), bias(2, 4)
    bi1, bi2 = bias(3, 128), bias(4, 128)
    bih, bhh, bl = bias(5, 384), bias(6, 384), bias(7, 128)

    lat = lat_ref[...].reshape(lat_ref.shape[0] // F, F * lat_ref.shape[1])
    h = _lk(lat @ a1 + c1)
    h = _lk(h @ a2 + c2)
    nn_ref[...] = h @ a3 + c3

    proj = jax.nn.sigmoid(lat @ wlt)
    hs = jnp.maximum(proj @ wi1 + bi1, 0.0)
    hs = hs @ wi2 + bi2
    gi = proj @ wih + bih
    W = F * RNN_H
    ir = gi[:, 0:W]
    iz = gi[:, W:2 * W]
    inn = gi[:, 2 * W:3 * W]
    for t in range(MAX_NODES):
        gh = hs @ whh + bhh
        hr = gh[:, 0:W]
        hz = gh[:, W:2 * W]
        hn = gh[:, 2 * W:3 * W]
        r = jax.nn.sigmoid(ir + hr)
        z = jax.nn.sigmoid(iz + hz)
        n = jnp.tanh(inn + r * hn)
        hs = (1.0 - z) * n + z * hs
        st_ref[t] = hs @ wl + bl


def _run_stage1(latent, nn_mlp, Wlt, gru):
    Bn, L = latent.shape
    R = Bn // F
    BLK = 1024
    grid = (R // BLK,)
    Wn1, bn1, Wn2, bn2, Wn3, bn3 = nn_mlp
    Wi1, bi1, Wi2, bi2, Wih, Whh, bih, bhh, Wl, bl = gru
    raw = [Wn1, bn1[None, :], Wn2, bn2[None, :], Wn3, bn3[None, :], Wlt,
           Wi1, bi1[None, :], Wi2, bi2[None, :],
           jnp.concatenate([Wih, Whh], axis=1),
           bih[None, :], bhh[None, :], Wl, bl[None, :]]

    def full(a):
        return pl.BlockSpec(a.shape, lambda i: (0,) * a.ndim)

    nn4, states = pl.pallas_call(
        _stage1_body,
        grid=grid,
        in_specs=[pl.BlockSpec((F * BLK, L), lambda i: (i, 0))] + [full(a) for a in raw],
        out_specs=[pl.BlockSpec((BLK, F), lambda i: (i, 0)),
                   pl.BlockSpec((MAX_NODES, BLK, F * RNN_H), lambda i: (0, i, 0))],
        out_shape=[jax.ShapeDtypeStruct((R, F), jnp.float32),
                   jax.ShapeDtypeStruct((MAX_NODES, R, F * RNN_H), jnp.float32)],
        scratch_shapes=[pltpu.VMEM((_S1_ROWS, 384), jnp.float32)],
    )(latent, *raw)
    return nn4.reshape(-1), states


def _run_sc_window_sum(flat128, B, per):
    NW = 32
    gpw = B // NW
    grp = gpw // 4
    rows = grp * MAX_NODES
    mesh = plsc.VectorSubcoreMesh(core_axis_name="c", subcore_axis_name="s")

    NCH = 4
    CH = rows // NCH
    GC = grp // NCH

    @functools.partial(
        pl.kernel,
        out_type=jax.ShapeDtypeStruct((B, RNN_H), jnp.float32),
        mesh=mesh,
        scratch_types=[pltpu.VMEM((2, CH, 128), jnp.float32),
                       pltpu.VMEM((gpw, RNN_H), jnp.float32),
                       pltpu.SemaphoreType.DMA,
                       pltpu.SemaphoreType.DMA],
    )
    def _sc_sum(flat_hbm, out_hbm, bufs, acc_v, sem0, sem1):
        wid = lax.axis_index("s") * 2 + lax.axis_index("c")
        base = wid * rows
        sems = (sem0, sem1)
        handles = [None, None]
        handles[0] = pltpu.async_copy(flat_hbm.at[pl.ds(base, CH)], bufs.at[0], sems[0])
        for c in range(NCH):
            nb = (c + 1) % 2
            if c + 1 < NCH:
                handles[nb] = pltpu.async_copy(
                    flat_hbm.at[pl.ds(base + (c + 1) * CH, CH)], bufs.at[nb], sems[nb])
            handles[c % 2].wait()

            def body(q, carry, c=c):
                rbase = q * MAX_NODES
                for d in range(4):
                    for h in range(2):
                        p0 = 32 * MAX_NODES * d + 16 * h
                        acc = bufs[c % 2, rbase + p0 // 128, pl.ds(p0 % 128, 16)]
                        for j in range(1, per):
                            p = p0 + 32 * j
                            acc = acc + bufs[c % 2, rbase + p // 128, pl.ds(p % 128, 16)]
                        acc_v[4 * (GC * c + q) + d, pl.ds(16 * h, 16)] = acc
                return carry

            lax.fori_loop(0, GC, body, 0)
        pltpu.sync_copy(acc_v, out_hbm.at[pl.ds(wid * gpw, gpw)])

    return _sc_sum(flat128)


def _stage3_body(offs, per, *refs):
    s_ref = refs[0]
    colp = refs[1]
    m128 = refs[2]
    out_ref = refs[-2]
    ot_scr = refs[-1]
    wrefs = refs[3:-2]
    scale = float(per)

    @pl.when(pl.program_id(0) == 0)
    def _compute():
        def col(i):
            return colp[pl.ds(offs[i], offs[i + 1] - offs[i]), :]

        xT = s_ref[...].T
        k = 0
        c = 0
        for i in range(4):
            has_m = i < 3
            if i == 2:
                pair = wrefs[k][...]
                w1, w2 = pair[:, 0:32], pair[:, 32:96]
                k += 1
            else:
                w1 = wrefs[k][...]
                w2 = wrefs[k + 1][...]
                k += 2
            if i == 0:
                w1 = w1[:, 0:RNN_H]
                z = w1 @ xT
            else:
                z = w1 @ (scale * xT)
            b1, g1, bt1, b2 = col(c), col(c + 1), col(c + 2), col(c + 3)
            z = z + b1
            m = jnp.mean(z, axis=1, keepdims=True)
            zc = z - m
            v = jnp.mean(zc * zc, axis=1, keepdims=True)
            z = _lk(zc * (g1 / jnp.sqrt(v + 1e-5)) + bt1)
            z = w2 @ z + b2
            if has_m:
                mg, mb = col(c + 4), col(c + 5)
                c += 6
                m = jnp.mean(z, axis=1, keepdims=True)
                zc = z - m
                v = jnp.mean(zc * zc, axis=1, keepdims=True)
                z = _lk(zc * (mg / jnp.sqrt(v + 1e-5)) + mb)
            else:
                c += 4
            xT = z
        f1, f2, f3 = wrefs[k][...], wrefs[k + 1][...], wrefs[k + 2][...]
        o = _lk(f1 @ xT)
        o = _lk(f2 @ o)
        ot_scr[...] = f3 @ o

    qcols = out_ref.shape[1] // (128 * per)
    base = pl.program_id(0) * qcols
    for t in range(qcols):
        out_ref[:, per * 128 * t:per * 128 * (t + 1)] = (
            ot_scr[:, pl.ds(128 * (base + t), 128)] @ m128[...])


def _run_stage3(S, gin, fin, B, per):
    wmats, cols, offs = [], [], [0]
    for li, layer in enumerate(gin):
        if len(layer) == 8:
            W1, b1, g1, bt1, W2, b2, mg, mb = layer
            vecs = [b1, g1, bt1, b2, mg, mb]
        else:
            W1, b1, g1, bt1, W2, b2 = layer
            vecs = [b1, g1, bt1, b2]
        if li == 2:
            wmats += [jnp.concatenate([W1, W2], axis=1)]
        else:
            wmats += [W1, W2]
        for vct in vecs:
            cols.append(vct)
            offs.append(offs[-1] + vct.shape[0])
    Wf1, Wf2, Wf3 = fin
    wmats += [Wf1, Wf2, Wf3]
    colp = jnp.concatenate(cols)[:, None]

    odim = Wf3.shape[0]
    m128 = np.zeros((128, 128 * per), np.float32)
    m128[np.arange(128).repeat(per), np.arange(128 * per)] = 1.0
    m128 = jnp.asarray(m128)

    def full(a):
        return pl.BlockSpec(a.shape, lambda i: (0,) * a.ndim)

    NQ = 4
    out_t = pl.pallas_call(
        functools.partial(_stage3_body, tuple(offs), per),
        grid=(NQ,),
        in_specs=[full(S), full(colp), full(m128)] + [full(a) for a in wmats],
        out_specs=pl.BlockSpec((odim, B * per // NQ), lambda i: (0, i)),
        out_shape=jax.ShapeDtypeStruct((odim, B * per), jnp.float32),
        scratch_shapes=[pltpu.VMEM((odim, B), jnp.float32)],
    )(S, colp, m128, *wmats)
    return out_t.T


def _edge_index_np(B, per):
    ii, jj = np.meshgrid(np.arange(per), np.arange(per), indexing="ij")
    m = ii != jj
    offs = (np.arange(B, dtype=np.int64) * per)[:, None]
    src = (ii[m][None, :] + offs).reshape(-1)
    dst = (jj[m][None, :] + offs).reshape(-1)
    return np.stack([src, dst]).astype(np.int32)


def kernel(latent_vec, batch, nn_mlp, Wlt, gru, gin, fin):
    B, L = latent_vec.shape
    per = batch.shape[0] // B
    edge_index = jnp.asarray(_edge_index_np(B, per))

    number_nodes, states = _run_stage1(latent_vec, nn_mlp, Wlt, gru)
    flat128 = states.reshape(MAX_NODES * B // F, F * RNN_H)
    S = _run_sc_window_sum(flat128, B, per)
    out = _run_stage3(S, gin, fin, B, per)
    return out, edge_index, batch, number_nodes

# --- scband reference (transcript-rebuilt; emitter-appended) ---
"""Pipeline reference for scband-sinkhorn-decoder4-34832184770743 (READ-ONLY COPY).

The authoritative reference and input builder live on the scoring server;
editing this copy changes nothing except your own understanding.
"""

import jax, jax.numpy as jnp
import numpy as np

B = 8192
LATENT_DIM = 128
HIDDEN_DIM = 64
NODE_DIM = 16
EDGE_DIM = 5
MAX_NODES = 9
NODES_PER_GRAPH = 8
RNN_H = 32


def _leaky(x):
    return jnp.where(x >= 0, x, 0.01 * x)


def _bn(x, g, b):
    m = x.mean(0)
    v = x.var(0)
    return (x - m) / jnp.sqrt(v + 1e-5) * g + b


def setup_inputs(seed: int = 0):
    key = jax.random.key(seed)
    kit = iter(jax.random.split(key, 80))
    def p(shape, s=0.1):
        return jax.random.normal(next(kit), shape, dtype=jnp.float32) * s
    inp = {}
    inp["latent_vec"] = jax.random.normal(next(kit), (B, LATENT_DIM), dtype=jnp.float32)
    inp["batch"] = jnp.repeat(jnp.arange(B, dtype=jnp.int32), NODES_PER_GRAPH)
    inp["nn_mlp"] = (p((64, LATENT_DIM)), p((64,)), p((32, 64)), p((32,)), p((1, 32)), p((1,)))
    inp["Wlt"] = p((HIDDEN_DIM, LATENT_DIM))
    inp["gru"] = (p((RNN_H, HIDDEN_DIM)), p((RNN_H,)), p((RNN_H, RNN_H)), p((RNN_H,)),
                  p((3 * RNN_H, HIDDEN_DIM)), p((3 * RNN_H, RNN_H)), p((3 * RNN_H,)), p((3 * RNN_H,)),
                  p((32, RNN_H)), p((32,)))
    dims = [(RNN_H + EDGE_DIM, 32), (32, 32), (32, 64), (64, 32)]
    gin = []
    for i, (di, do) in enumerate(dims):
        layer = [p((do, di)), p((do,)), jnp.ones((do,), jnp.float32), jnp.zeros((do,), jnp.float32),
                 p((do, do)), p((do,))]
        if i < len(dims) - 1:
            layer += [jnp.ones((do,), jnp.float32), jnp.zeros((do,), jnp.float32)]
        gin.append(tuple(layer))
    inp["gin"] = tuple(gin)
    inp["fin"] = (p((32, 32)), p((32, 32)), p((NODE_DIM + EDGE_DIM, 32)))
    return inp


def _structures(batch_np, n_graphs):
    nn_int = np.bincount(batch_np, minlength=n_graphs)
    offs = np.concatenate([[0], np.cumsum(nn_int)]).astype(np.int64)
    total = int(offs[-1])
    within = np.arange(total) - np.repeat(offs[:-1], nn_int)
    keep = np.repeat(np.arange(n_graphs) * MAX_NODES, nn_int) + within
    srcs, dsts = [], []
    for g in range(n_graphs):
        n = int(nn_int[g])
        if n > 1:
            ii, jj = np.meshgrid(np.arange(n), np.arange(n), indexing="ij")
            m = ii != jj
            srcs.append(ii[m] + offs[g])
            dsts.append(jj[m] + offs[g])
    src = np.concatenate(srcs) if srcs else np.zeros((0,), np.int64)
    dst = np.concatenate(dsts) if dsts else np.zeros((0,), np.int64)
    new_batch = np.repeat(np.arange(n_graphs), nn_int)
    return keep, src, dst, new_batch, total


def _forward(latent_vec, nn_mlp, Wlt, gru, gin, fin, keep, src, dst, total):
    Wn1, bn1, Wn2, bn2, Wn3, bn3 = nn_mlp
    h = _leaky(latent_vec @ Wn1.T + bn1)
    h = _leaky(h @ Wn2.T + bn2)
    number_nodes = (h @ Wn3.T + bn3).reshape(-1)
    projected = jax.nn.sigmoid(latent_vec @ Wlt.T)
    Wi1, bi1, Wi2, bi2, Wih, Whh, bih, bhh, Wl, bl = gru
    hs = jnp.maximum(projected @ Wi1.T + bi1, 0.0)
    hs = hs @ Wi2.T + bi2
    gi = projected @ Wih.T + bih
    ir, iz, inn = jnp.split(gi, 3, axis=1)
    states = []
    for _ in range(MAX_NODES):
        gh = hs @ Whh.T + bhh
        hr, hz, hn = jnp.split(gh, 3, axis=1)
        r = jax.nn.sigmoid(ir + hr)
        z = jax.nn.sigmoid(iz + hz)
        n = jnp.tanh(inn + r * hn)
        hs = (1.0 - z) * n + z * hs
        states.append(hs @ Wl.T + bl)
    node_states = jnp.concatenate(states, axis=0)
    emb = jnp.take(node_states, keep, axis=0)
    x = jnp.concatenate([emb, jnp.zeros((emb.shape[0], EDGE_DIM), emb.dtype)], axis=1)
    for layer in gin:
        if len(layer) == 8:
            W1, b1, g1, bt1, W2, b2, mg, mb = layer
        else:
            W1, b1, g1, bt1, W2, b2 = layer
            mg = mb = None
        agg = jnp.zeros((total, x.shape[1]), x.dtype).at[dst].add(jnp.take(x, src, axis=0))
        hh = x + agg
        hh = _leaky(_bn(hh @ W1.T + b1, g1, bt1))
        hh = hh @ W2.T + b2
        if mg is not None:
            hh = _leaky(_bn(hh, mg, mb))
        x = hh
    Wf1, Wf2, Wf3 = fin
    out = _leaky(x @ Wf1.T)
    out = _leaky(out @ Wf2.T)
    out = out @ Wf3.T
    return out, number_nodes


def reference(latent_vec, batch, nn_mlp, Wlt, gru, gin, fin):
    n_graphs = latent_vec.shape[0]
    per = batch.shape[0] // n_graphs
    batch_np = np.repeat(np.arange(n_graphs), per)
    keep, src, dst, new_batch, total = _structures(batch_np, n_graphs)
    keep_j = jnp.asarray(keep)
    src_j = jnp.asarray(src)
    dst_j = jnp.asarray(dst)
    out, number_nodes = _forward(latent_vec, nn_mlp, Wlt, gru, gin, fin, keep_j, src_j, dst_j, total)
    edge_index = jnp.stack([src_j, dst_j], axis=0)
    return out, edge_index, batch, number_nodes

if __name__ == "__main__":
    import jax
    _d = setup_inputs()
    print(jax.jit(kernel)(*tuple(_d.values())))

</pallas_src>

<mosaic_0001>
#map = affine_map<(d0, d1) -> (0, 0)>
module attributes {stable_mosaic.version = 14 : i64} {
  func.func @_sc_sum(%arg0: i32, %arg1: i32, %arg2: memref<18432x128xf32, #tpu.memory_space<hbm>>, %arg3: memref<8192x32xf32, #tpu.memory_space<hbm>>, %arg4: memref<2x144x128xf32, #tpu.memory_space<vmem>>, %arg5: memref<256x32xf32, #tpu.memory_space<vmem>>, %arg6: memref<!tpu.dma_semaphore, #tpu.memory_space<semaphore_mem>>, %arg7: memref<!tpu.dma_semaphore, #tpu.memory_space<semaphore_mem>>) attributes {dimension_semantics = [#tpu.dimension_semantics<core_parallel>, #tpu.dimension_semantics<subcore_parallel>], iteration_bounds = array<i64: 2, 16>, scalar_prefetch = 0 : i64, scratch_operands = 4 : i64, tpu.core_type = #tpu.core_type<sc_vector_subcore>, window_params = [{transform_indices = #map}, {transform_indices = #map}]} {
    %mul3A = arith.constant 2 : i32
    %mul3A_0 = arith.muli %arg1, %mul3A : i32
    %add3A = arith.addi %mul3A_0, %arg0 : i32
    %mul3A_1 = arith.constant 576 : i32
    %mul3A_2 = arith.muli %add3A, %mul3A_1 : i32
    %dma_start3A = arith.constant 0 : i32
    %dma_start3A_3 = arith.constant 0 : i32
    %dma_start3A_4 = arith.constant 0 : i32
    %dma_start3A_5 = tpu.memref_slice %arg4[%dma_start3A, %dma_start3A_3, %dma_start3A_4] : memref<2x144x128xf32, #tpu.memory_space<vmem>> -> memref<1x144x128xf32, #tpu.memory_space<vmem>>
    %dma_start3A_6 = tpu.memref_squeeze %dma_start3A_5 : memref<1x144x128xf32, #tpu.memory_space<vmem>> -> memref<144x128xf32, #tpu.memory_space<vmem>>
    %dma_start3A_7 = arith.constant 0 : i32
    %dma_start3A_8 = tpu.memref_slice %arg2[%mul3A_2, %dma_start3A_7] : memref<18432x128xf32, #tpu.memory_space<hbm>> -> memref<144x128xf32, #tpu.memory_space<hbm>>
    %dma_start3A_9 = arith.constant 0 : i32
    %dma_start3A_10 = arith.constant 0 : i32
    %dma_start3A_11 = tpu.memref_slice %arg4[%dma_start3A, %dma_start3A_9, %dma_start3A_10] : memref<2x144x128xf32, #tpu.memory_space<vmem>> -> memref<1x144x128xf32, #tpu.memory_space<vmem>>
    %dma_start3A_12 = tpu.memref_squeeze %dma_start3A_11 : memref<1x144x128xf32, #tpu.memory_space<vmem>> -> memref<144x128xf32, #tpu.memory_space<vmem>>
    %dma_start3A_13 = arith.constant 0 : i32
    %dma_start3A_14 = tpu.memref_slice %arg2[%mul3A_2, %dma_start3A_13] : memref<18432x128xf32, #tpu.memory_space<hbm>> -> memref<144x128xf32, #tpu.memory_space<hbm>>
    tpu.enqueue_dma source(%dma_start3A_14 : memref<144x128xf32, #tpu.memory_space<hbm>>) target(%dma_start3A_12 : memref<144x128xf32, #tpu.memory_space<vmem>>) target_semaphore(%arg6 : memref<!tpu.dma_semaphore, #tpu.memory_space<semaphore_mem>>)
    %add3A_15 = arith.constant 144 : i32
    %add3A_16 = arith.addi %mul3A_2, %add3A_15 : i32
    %dma_start3A_17 = arith.constant 1 : i32
    %dma_start3A_18 = arith.constant 0 : i32
    %dma_start3A_19 = arith.constant 0 : i32
    %dma_start3A_20 = tpu.memref_slice %arg4[%dma_start3A_17, %dma_start3A_18, %dma_start3A_19] : memref<2x144x128xf32, #tpu.memory_space<vmem>> -> memref<1x144x128xf32, #tpu.memory_space<vmem>>
    %dma_start3A_21 = tpu.memref_squeeze %dma_start3A_20 : memref<1x144x128xf32, #tpu.memory_space<vmem>> -> memref<144x128xf32, #tpu.memory_space<vmem>>
    %dma_start3A_22 = arith.constant 0 : i32
    %dma_start3A_23 = tpu.memref_slice %arg2[%add3A_16, %dma_start3A_22] : memref<18432x128xf32, #tpu.memory_space<hbm>> -> memref<144x128xf32, #tpu.memory_space<hbm>>
    %dma_start3A_24 = arith.constant 0 : i32
    %dma_start3A_25 = arith.constant 0 : i32
    %dma_start3A_26 = tpu.memref_slice %arg4[%dma_start3A_17, %dma_start3A_24, %dma_start3A_25] : memref<2x144x128xf32, #tpu.memory_space<vmem>> -> memref<1x144x128xf32, #tpu.memory_space<vmem>>
    %dma_start3A_27 = tpu.memref_squeeze %dma_start3A_26 : memref<1x144x128xf32, #tpu.memory_space<vmem>> -> memref<144x128xf32, #tpu.memory_space<vmem>>
    %dma_start3A_28 = arith.constant 0 : i32
    %dma_start3A_29 = tpu.memref_slice %arg2[%add3A_16, %dma_start3A_28] : memref<18432x128xf32, #tpu.memory_space<hbm>> -> memref<144x128xf32, #tpu.memory_space<hbm>>
    tpu.enqueue_dma source(%dma_start3A_29 : memref<144x128xf32, #tpu.memory_space<hbm>>) target(%dma_start3A_27 : memref<144x128xf32, #tpu.memory_space<vmem>>) target_semaphore(%arg7 : memref<!tpu.dma_semaphore, #tpu.memory_space<semaphore_mem>>)
    %dma_wait3A = arith.constant 0 : i32
    %dma_wait3A_30 = arith.constant 0 : i32
    %dma_wait3A_31 = arith.constant 0 : i32
    %dma_wait3A_32 = tpu.memref_slice %arg4[%dma_wait3A, %dma_wait3A_30, %dma_wait3A_31] : memref<2x144x128xf32, #tpu.memory_space<vmem>> -> memref<1x144x128xf32, #tpu.memory_space<vmem>>
    %dma_wait3A_33 = tpu.memref_squeeze %dma_wait3A_32 : memref<1x144x128xf32, #tpu.memory_space<vmem>> -> memref<144x128xf32, #tpu.memory_space<vmem>>
    %dma_wait3A_34 = arith.constant 0 : i32
    %dma_wait3A_35 = tpu.memref_slice %arg2[%mul3A_2, %dma_wait3A_34] : memref<18432x128xf32, #tpu.memory_space<hbm>> -> memref<144x128xf32, #tpu.memory_space<hbm>>
    %dma_wait3A_36 = arith.constant 0 : i32
    %dma_wait3A_37 = arith.constant 0 : i32
    %dma_wait3A_38 = tpu.memref_slice %arg4[%dma_wait3A, %dma_wait3A_36, %dma_wait3A_37] : memref<2x144x128xf32, #tpu.memory_space<vmem>> -> memref<1x144x128xf32, #tpu.memory_space<vmem>>
    %dma_wait3A_39 = tpu.memref_squeeze %dma_wait3A_38 : memref<1x144x128xf32, #tpu.memory_space<vmem>> -> memref<144x128xf32, #tpu.memory_space<vmem>>
    %dma_wait3A_40 = arith.constant 0 : i32
    %dma_wait3A_41 = tpu.memref_slice %arg2[%mul3A_2, %dma_wait3A_40] : memref<18432x128xf32, #tpu.memory_space<hbm>> -> memref<144x128xf32, #tpu.memory_space<hbm>>
    tpu.wait_dma2 semaphore(%arg6 : memref<!tpu.dma_semaphore, #tpu.memory_space<semaphore_mem>>) src(%dma_wait3A_41 : memref<144x128xf32, #tpu.memory_space<hbm>>) dst(%dma_wait3A_39 : memref<144x128xf32, #tpu.memory_space<vmem>>)
    %scan3A = arith.constant 0 : i32
    %scan3A_42 = arith.constant 0 : i32
    %scan3A_43 = arith.constant 16 : i32
    %scan3A_44 = arith.addi %scan3A_42, %scan3A_43 : i32
    %scan3A_45 = arith.constant 1 : i32
    scf.for %scan3A_136 = %scan3A_42 to %scan3A_44 step %scan3A_45  : i32 {
      %mul3A_137 = arith.constant 9 : i32
      %mul3A_138 = arith.muli %scan3A_136, %mul3A_137 : i32
      %add3A_139 = arith.constant 0 : i32
      %add3A_140 = arith.addi %mul3A_138, %add3A_139 : i32
      %get3A = arith.constant 0 : i32
      %get3A_141 = arith.index_cast %get3A : i32 to index
      %get3A_142 = arith.index_cast %add3A_140 : i32 to index
      %get3A_143 = arith.constant 0 : index
      %get3A_144 = tpu.vector_load %arg4[%get3A_141, %get3A_142, %get3A_143] {strides = array<i32>} : memref<2x144x128xf32, #tpu.memory_space<vmem>>, vector<1x1x16xf32>,
      %get3A_145 = vector.shape_cast %get3A_144 : vector<1x1x16xf32> to vector<16xf32>
      %add3A_146 = arith.constant 0 : i32
      %add3A_147 = arith.addi %mul3A_138, %add3A_146 : i32
      %get3A_148 = arith.constant 0 : i32
      %get3A_149 = arith.index_cast %get3A_148 : i32 to index
      %get3A_150 = arith.index_cast %add3A_147 : i32 to index
      %get3A_151 = arith.constant 32 : index
      %get3A_152 = tpu.vector_load %arg4[%get3A_149, %get3A_150, %get3A_151] {strides = array<i32>} : memref<2x144x128xf32, #tpu.memory_space<vmem>>, vector<1x1x16xf32>,
      %get3A_153 = vector.shape_cast %get3A_152 : vector<1x1x16xf32> to vector<16xf32>
      %add3A_154 = arith.addf %get3A_145, %get3A_153 : vector<16xf32>
      %add3A_155 = arith.constant 0 : i32
      %add3A_156 = arith.addi %mul3A_138, %add3A_155 : i32
      %get3A_157 = arith.constant 0 : i32
      %get3A_158 = arith.index_cast %get3A_157 : i32 to index
      %get3A_159 = arith.index_cast %add3A_156 : i32 to index
      %get3A_160 = arith.constant 64 : index
      %get3A_161 = tpu.vector_load %arg4[%get3A_158, %get3A_159, %get3A_160] {strides = array<i32>} : memref<2x144x128xf32, #tpu.memory_space<vmem>>, vector<1x1x16xf32>,
      %get3A_162 = vector.shape_cast %get3A_161 : vector<1x1x16xf32> to vector<16xf32>
      %add3A_163 = arith.addf %add3A_154, %get3A_162 : vector<16xf32>
      %add3A_164 = arith.constant 0 : i32
      %add3A_165 = arith.addi %mul3A_138, %add3A_164 : i32
      %get3A_166 = arith.constant 0 : i32
      %get3A_167 = arith.index_cast %get3A_166 : i32 to index
      %get3A_168 = arith.index_cast %add3A_165 : i32 to index
      %get3A_169 = arith.constant 96 : index
      %get3A_170 = tpu.vector_load %arg4[%get3A_167, %get3A_168, %get3A_169] {strides = array<i32>} : memref<2x144x128xf32, #tpu.memory_space<vmem>>, vector<1x1x16xf32>,
      %get3A_171 = vector.shape_cast %get3A_170 : vector<1x1x16xf32> to vector<16xf32>
      %add3A_172 = arith.addf %add3A_163, %get3A_171 : vector<16xf32>
      %add3A_173 = arith.constant 1 : i32
      %add3A_174 = arith.addi %mul3A_138, %add3A_173 : i32
      %get3A_175 = arith.constant 0 : i32
      %get3A_176 = arith.index_cast %get3A_175 : i32 to index
      %get3A_177 = arith.index_cast %add3A_174 : i32 to index
      %get3A_178 = arith.constant 0 : index
      %get3A_179 = tpu.vector_load %arg4[%get3A_176, %get3A_177, %get3A_178] {strides = array<i32>} : memref<2x144x128xf32, #tpu.memory_space<vmem>>, vector<1x1x16xf32>,
      %get3A_180 = vector.shape_cast %get3A_179 : vector<1x1x16xf32> to vector<16xf32>
      %add3A_181 = arith.addf %add3A_172, %get3A_180 : vector<16xf32>
      %add3A_182 = arith.constant 1 : i32
      %add3A_183 = arith.addi %mul3A_138, %add3A_182 : i32
      %get3A_184 = arith.constant 0 : i32
      %get3A_185 = arith.index_cast %get3A_184 : i32 to index
      %get3A_186 = arith.index_cast %add3A_183 : i32 to index
      %get3A_187 = arith.constant 32 : index
      %get3A_188 = tpu.vector_load %arg4[%get3A_185, %get3A_186, %get3A_187] {strides = array<i32>} : memref<2x144x128xf32, #tpu.memory_space<vmem>>, vector<1x1x16xf32>,
      %get3A_189 = vector.shape_cast %get3A_188 : vector<1x1x16xf32> to vector<16xf32>
      %add3A_190 = arith.addf %add3A_181, %get3A_189 : vector<16xf32>
      %add3A_191 = arith.constant 1 : i32
      %add3A_192 = arith.addi %mul3A_138, %add3A_191 : i32
      %get3A_193 = arith.constant 0 : i32
      %get3A_194 = arith.index_cast %get3A_193 : i32 to index
      %get3A_195 = arith.index_cast %add3A_192 : i32 to index
      %get3A_196 = arith.constant 64 : index
      %get3A_197 = tpu.vector_load %arg4[%get3A_194, %get3A_195, %get3A_196] {strides = array<i32>} : memref<2x144x128xf32, #tpu.memory_space<vmem>>, vector<1x1x16xf32>,
      %get3A_198 = vector.shape_cast %get3A_197 : vector<1x1x16xf32> to vector<16xf32>
      %add3A_199 = arith.addf %add3A_190, %get3A_198 : vector<16xf32>
      %add3A_200 = arith.constant 1 : i32
      %add3A_201 = arith.addi %mul3A_138, %add3A_200 : i32
      %get3A_202 = arith.constant 0 : i32
      %get3A_203 = arith.index_cast %get3A_202 : i32 to index
      %get3A_204 = arith.index_cast %add3A_201 : i32 to index
      %get3A_205 = arith.constant 96 : index
      %get3A_206 = tpu.vector_load %arg4[%get3A_203, %get3A_204, %get3A_205] {strides = array<i32>} : memref<2x144x128xf32, #tpu.memory_space<vmem>>, vector<1x1x16xf32>,
      %get3A_207 = vector.shape_cast %get3A_206 : vector<1x1x16xf32> to vector<16xf32>
      %add3A_208 = arith.addf %add3A_199, %get3A_207 : vector<16xf32>
      %add3A_209 = arith.constant 0 : i32
      %add3A_210 = arith.addi %add3A_209, %scan3A_136 : i32
      %mul3A_211 = arith.constant 4 : i32
      %mul3A_212 = arith.muli %mul3A_211, %add3A_210 : i32
      %add3A_213 = arith.constant 0 : i32
      %add3A_214 = arith.addi %mul3A_212, %add3A_213 : i32
      %swap3A = arith.index_cast %add3A_214 : i32 to index
      %swap3A_215 = arith.constant 0 : index
      %swap3A_216 = tpu.vector_load %arg5[%swap3A, %swap3A_215] {strides = array<i32>} : memref<256x32xf32, #tpu.memory_space<vmem>>, vector<1x16xf32>,
      %swap3A_217 = vector.shape_cast %swap3A_216 : vector<1x16xf32> to vector<16xf32>
      %swap3A_218 = vector.shape_cast %add3A_208 : vector<16xf32> to vector<1x16xf32>
      tpu.vector_store %arg5[%swap3A, %swap3A_215], %swap3A_218 {strides = array<i32>} : memref<256x32xf32, #tpu.memory_space<vmem>>, vector<1x16xf32>,
      %add3A_219 = arith.constant 0 : i32
      %add3A_220 = arith.addi %mul3A_138, %add3A_219 : i32
      %get3A_221 = arith.constant 0 : i32
      %get3A_222 = arith.index_cast %get3A_221 : i32 to index
      %get3A_223 = arith.index_cast %add3A_220 : i32 to index
      %get3A_224 = arith.constant 16 : index
      %get3A_225 = tpu.vector_load %arg4[%get3A_222, %get3A_223, %get3A_224] {strides = array<i32>} : memref<2x144x128xf32, #tpu.memory_space<vmem>>, vector<1x1x16xf32>,
      %get3A_226 = vector.shape_cast %get3A_225 : vector<1x1x16xf32> to vector<16xf32>
      %add3A_227 = arith.constant 0 : i32
      %add3A_228 = arith.addi %mul3A_138, %add3A_227 : i32
      %get3A_229 = arith.constant 0 : i32
      %get3A_230 = arith.index_cast %get3A_229 : i32 to index
      %get3A_231 = arith.index_cast %add3A_228 : i32 to index
      %get3A_232 = arith.constant 48 : index
      %get3A_233 = tpu.vector_load %arg4[%get3A_230, %get3A_231, %get3A_232] {strides = array<i32>} : memref<2x144x128xf32, #tpu.memory_space<vmem>>, vector<1x1x16xf32>,
      %get3A_234 = vector.shape_cast %get3A_233 : vector<1x1x16xf32> to vector<16xf32>
      %add3A_235 = arith.addf %get3A_226, %get3A_234 : vector<16xf32>
      %add3A_236 = arith.constant 0 : i32
      %add3A_237 = arith.addi %mul3A_138, %add3A_236 : i32
      %get3A_238 = arith.constant 0 : i32
      %get3A_239 = arith.index_cast %get3A_238 : i32 to index
      %get3A_240 = arith.index_cast %add3A_237 : i32 to index
      %get3A_241 = arith.constant 80 : index
      %get3A_242 = tpu.vector_load %arg4[%get3A_239, %get3A_240, %get3A_241] {strides = array<i32>} : memref<2x144x128xf32, #tpu.memory_space<vmem>>, vector<1x1x16xf32>,
      %get3A_243 = vector.shape_cast %get3A_242 : vector<1x1x16xf32> to vector<16xf32>
      %add3A_244 = arith.addf %add3A_235, %get3A_243 : vector<16xf32>
      %add3A_245 = arith.constant 0 : i32
      %add3A_246 = arith.addi %mul3A_138, %add3A_245 : i32
      %get3A_247 = arith.constant 0 : i32
      %get3A_248 = arith.index_cast %get3A_247 : i32 to index
      %get3A_249 = arith.index_cast %add3A_246 : i32 to index
      %get3A_250 = arith.constant 112 : index
      %get3A_251 = tpu.vector_load %arg4[%get3A_248, %get3A_249, %get3A_250] {strides = array<i32>} : memref<2x144x128xf32, #tpu.memory_space<vmem>>, vector<1x1x16xf32>,
      %get3A_252 = vector.shape_cast %get3A_251 : vector<1x1x16xf32> to vector<16xf32>
      %add3A_253 = arith.addf %add3A_244, %get3A_252 : vector<16xf32>
      %add3A_254 = arith.constant 1 : i32
      %add3A_255 = arith.addi %mul3A_138, %add3A_254 : i32
      %get3A_256 = arith.constant 0 : i32
      %get3A_257 = arith.index_cast %get3A_256 : i32 to index
      %get3A_258 = arith.index_cast %add3A_255 : i32 to index
      %get3A_259 = arith.constant 16 : index
      %get3A_260 = tpu.vector_load %arg4[%get3A_257, %get3A_258, %get3A_259] {strides = array<i32>} : memref<2x144x128xf32, #tpu.memory_space<vmem>>, vector<1x1x16xf32>,
      %get3A_261 = vector.shape_cast %get3A_260 : vector<1x1x16xf32> to vector<16xf32>
      %add3A_262 = arith.addf %add3A_253, %get3A_261 : vector<16xf32>
      %add3A_263 = arith.constant 1 : i32
      %add3A_264 = arith.addi %mul3A_138, %add3A_263 : i32
      %get3A_265 = arith.constant 0 : i32
      %get3A_266 = arith.index_cast %get3A_265 : i32 to index
      %get3A_267 = arith.index_cast %add3A_264 : i32 to index
      %get3A_268 = arith.constant 48 : index
      %get3A_269 = tpu.vector_load %arg4[%get3A_266, %get3A_267, %get3A_268] {strides = array<i32>} : memref<2x144x128xf32, #tpu.memory_space<vmem>>, vector<1x1x16xf32>,
      %get3A_270 = vector.shape_cast %get3A_269 : vector<1x1x16xf32> to vector<16xf32>
      %add3A_271 = arith.addf %add3A_262, %get3A_270 : vector<16xf32>
      %add3A_272 = arith.constant 1 : i32
      %add3A_273 = arith.addi %mul3A_138, %add3A_272 : i32
      %get3A_274 = arith.constant 0 : i32
      %get3A_275 = arith.index_cast %get3A_274 : i32 to index
      %get3A_276 = arith.index_cast %add3A_273 : i32 to index
      %get3A_277 = arith.constant 80 : index
      %get3A_278 = tpu.vector_load %arg4[%get3A_275, %get3A_276, %get3A_277] {strides = array<i32>} : memref<2x144x128xf32, #tpu.memory_space<vmem>>, vector<1x1x16xf32>,
      %get3A_279 = vector.shape_cast %get3A_278 : vector<1x1x16xf32> to vector<16xf32>
      %add3A_280 = arith.addf %add3A_271, %get3A_279 : vector<16xf32>
      %add3A_281 = arith.constant 1 : i32
      %add3A_282 = arith.addi %mul3A_138, %add3A_281 : i32
      %get3A_283 = arith.constant 0 : i32
      %get3A_284 = arith.index_cast %get3A_283 : i32 to index
      %get3A_285 = arith.index_cast %add3A_282 : i32 to index
      %get3A_286 = arith.constant 112 : index
      %get3A_287 = tpu.vector_load %arg4[%get3A_284, %get3A_285, %get3A_286] {strides = array<i32>} : memref<2x144x128xf32, #tpu.memory_space<vmem>>, vector<1x1x16xf32>,
      %get3A_288 = vector.shape_cast %get3A_287 : vector<1x1x16xf32> to vector<16xf32>
      %add3A_289 = arith.addf %add3A_280, %get3A_288 : vector<16xf32>
      %add3A_290 = arith.constant 0 : i32
      %add3A_291 = arith.addi %add3A_290, %scan3A_136 : i32
      %mul3A_292 = arith.constant 4 : i32
      %mul3A_293 = arith.muli %mul3A_292, %add3A_291 : i32
      %add3A_294 = arith.constant 0 : i32
      %add3A_295 = arith.addi %mul3A_293, %add3A_294 : i32
      %swap3A_296 = arith.index_cast %add3A_295 : i32 to index
      %swap3A_297 = arith.constant 16 : index
      %swap3A_298 = tpu.vector_load %arg5[%swap3A_296, %swap3A_297] {strides = array<i32>} : memref<256x32xf32, #tpu.memory_space<vmem>>, vector<1x16xf32>,
      %swap3A_299 = vector.shape_cast %swap3A_298 : vector<1x16xf32> to vector<16xf32>
      %swap3A_300 = vector.shape_cast %add3A_289 : vector<16xf32> to vector<1x16xf32>
      tpu.vector_store %arg5[%swap3A_296, %swap3A_297], %swap3A_300 {strides = array<i32>} : memref<256x32xf32, #tpu.memory_space<vmem>>, vector<1x16xf32>,
      %add3A_301 = arith.constant 2 : i32
      %add3A_302 = arith.addi %mul3A_138, %add3A_301 : i32
      %get3A_303 = arith.constant 0 : i32
      %get3A_304 = arith.index_cast %get3A_303 : i32 to index
      %get3A_305 = arith.index_cast %add3A_302 : i32 to index
      %get3A_306 = arith.constant 32 : index
      %get3A_307 = tpu.vector_load %arg4[%get3A_304, %get3A_305, %get3A_306] {strides = array<i32>} : memref<2x144x128xf32, #tpu.memory_space<vmem>>, vector<1x1x16xf32>,
      %get3A_308 = vector.shape_cast %get3A_307 : vector<1x1x16xf32> to vector<16xf32>
      %add3A_309 = arith.constant 2 : i32
      %add3A_310 = arith.addi %mul3A_138, %add3A_309 : i32
      %get3A_311 = arith.constant 0 : i32
      %get3A_312 = arith.index_cast %get3A_311 : i32 to index
      %get3A_313 = arith.index_cast %add3A_310 : i32 to index
      %get3A_314 = arith.constant 64 : index
      %get3A_315 = tpu.vector_load %arg4[%get3A_312, %get3A_313, %get3A_314] {strides = array<i32>} : memref<2x144x128xf32, #tpu.memory_space<vmem>>, vector<1x1x16xf32>,
      %get3A_316 = vector.shape_cast %get3A_315 : vector<1x1x16xf32> to vector<16xf32>
      %add3A_317 = arith.addf %get3A_308, %get3A_316 : vector<16xf32>
      %add3A_318 = arith.constant 2 : i32
      %add3A_319 = arith.addi %mul3A_138, %add3A_318 : i32
      %get3A_320 = arith.constant 0 : i32
      %get3A_321 = arith.index_cast %get3A_320 : i32 to index
      %get3A_322 = arith.index_cast %add3A_319 : i32 to index
      %get3A_323 = arith.constant 96 : index
      %get3A_324 = tpu.vector_load %arg4[%get3A_321, %get3A_322, %get3A_323] {strides = array<i32>} : memref<2x144x128xf32, #tpu.memory_space<vmem>>, vector<1x1x16xf32>,
      %get3A_325 = vector.shape_cast %get3A_324 : vector<1x1x16xf32> to vector<16xf32>
      %add3A_326 = arith.addf %add3A_317, %get3A_325 : vector<16xf32>
      %add3A_327 = arith.constant 3 : i32
      %add3A_328 = arith.addi %mul3A_138, %add3A_327 : i32
      %get3A_329 = arith.constant 0 : i32
      %get3A_330 = arith.index_cast %get3A_329 : i32 to index
      %get3A_331 = arith.index_cast %add3A_328 : i32 to index
      %get3A_332 = arith.constant 0 : index
      %get3A_333 = tpu.vector_load %arg4[%get3A_330, %get3A_331, %get3A_332] {strides = array<i32>} : memref<2x144x128xf32, #tpu.memory_space<vmem>>, vector<1x1x16xf32>,
      %get3A_334 = vector.shape_cast %get3A_333 : vector<1x1x16xf32> to vector<16xf32>
      %add3A_335 = arith.addf %add3A_326, %get3A_334 : vector<16xf32>
      %add3A_336 = arith.constant 3 : i32
      %add3A_337 = arith.addi %mul3A_138, %add3A_336 : i32
      %get3A_338 = arith.constant 0 : i32
      %get3A_339 = arith.index_cast %get3A_338 : i32 to index
      %get3A_340 = arith.index_cast %add3A_337 : i32 to index
      %get3A_341 = arith.constant 32 : index
      %get3A_342 = tpu.vector_load %arg4[%get3A_339, %get3A_340, %get3A_341] {strides = array<i32>} : memref<2x144x128xf32, #tpu.memory_space<vmem>>, vector<1x1x16xf32>,
      %get3A_343 = vector.shape_cast %get3A_342 : vector<1x1x16xf32> to vector<16xf32>
      %add3A_344 = arith.addf %add3A_335, %get3A_343 : vector<16xf32>
      %add3A_345 = arith.constant 3 : i32
      %add3A_346 = arith.addi %mul3A_138, %add3A_345 : i32
      %get3A_347 = arith.constant 0 : i32
      %get3A_348 = arith.index_cast %get3A_347 : i32 to index
      %get3A_349 = arith.index_cast %add3A_346 : i32 to index
      %get3A_350 = arith.constant 64 : index
      %get3A_351 = tpu.vector_load %arg4[%get3A_348, %get3A_349, %get3A_350] {strides = array<i32>} : memref<2x144x128xf32, #tpu.memory_space<vmem>>, vector<1x1x16xf32>,
      %get3A_352 = vector.shape_cast %get3A_351 : vector<1x1x16xf32> to vector<16xf32>
      %add3A_353 = arith.addf %add3A_344, %get3A_352 : vector<16xf32>
      %add3A_354 = arith.constant 3 : i32
      %add3A_355 = arith.addi %mul3A_138, %add3A_354 : i32
      %get3A_356 = arith.constant 0 : i32
      %get3A_357 = arith.index_cast %get3A_356 : i32 to index
      %get3A_358 = arith.index_cast %add3A_355 : i32 to index
      %get3A_359 = arith.constant 96 : index
      %get3A_360 = tpu.vector_load %arg4[%get3A_357, %get3A_358, %get3A_359] {strides = array<i32>} : memref<2x144x128xf32, #tpu.memory_space<vmem>>, vector<1x1x16xf32>,
      %get3A_361 = vector.shape_cast %get3A_360 : vector<1x1x16xf32> to vector<16xf32>
      %add3A_362 = arith.addf %add3A_353, %get3A_361 : vector<16xf32>
      %add3A_363 = arith.constant 4 : i32
      %add3A_364 = arith.addi %mul3A_138, %add3A_363 : i32
      %get3A_365 = arith.constant 0 : i32
      %get3A_366 = arith.index_cast %get3A_365 : i32 to index
      %get3A_367 = arith.index_cast %add3A_364 : i32 to index
      %get3A_368 = arith.constant 0 : index
      %get3A_369 = tpu.vector_load %arg4[%get3A_366, %get3A_367, %get3A_368] {strides = array<i32>} : memref<2x144x128xf32, #tpu.memory_space<vmem>>, vector<1x1x16xf32>,
      %get3A_370 = vector.shape_cast %get3A_369 : vector<1x1x16xf32> to vector<16xf32>
      %add3A_371 = arith.addf %add3A_362, %get3A_370 : vector<16xf32>
      %add3A_372 = arith.constant 0 : i32
      %add3A_373 = arith.addi %add3A_372, %scan3A_136 : i32
      %mul3A_374 = arith.constant 4 : i32
      %mul3A_375 = arith.muli %mul3A_374, %add3A_373 : i32
      %add3A_376 = arith.constant 1 : i32
      %add3A_377 = arith.addi %mul3A_375, %add3A_376 : i32
      %swap3A_378 = arith.index_cast %add3A_377 : i32 to index
      %swap3A_379 = arith.constant 0 : index
      %swap3A_380 = tpu.vector_load %arg5[%swap3A_378, %swap3A_379] {strides = array<i32>} : memref<256x32xf32, #tpu.memory_space<vmem>>, vector<1x16xf32>,
      %swap3A_381 = vector.shape_cast %swap3A_380 : vector<1x16xf32> to vector<16xf32>
      %swap3A_382 = vector.shape_cast %add3A_371 : vector<16xf32> to vector<1x16xf32>
      tpu.vector_store %arg5[%swap3A_378, %swap3A_379], %swap3A_382 {strides = array<i32>} : memref<256x32xf32, #tpu.memory_space<vmem>>, vector<1x16xf32>,
      %add3A_383 = arith.constant 2 : i32
      %add3A_384 = arith.addi %mul3A_138, %add3A_383 : i32
      %get3A_385 = arith.constant 0 : i32
      %get3A_386 = arith.index_cast %get3A_385 : i32 to index
      %get3A_387 = arith.index_cast %add3A_384 : i32 to index
      %get3A_388 = arith.constant 48 : index
      %get3A_389 = tpu.vector_load %arg4[%get3A_386, %get3A_387, %get3A_388] {strides = array<i32>} : memref<2x144x128xf32, #tpu.memory_space<vmem>>, vector<1x1x16xf32>,
      %get3A_390 = vector.shape_cast %get3A_389 : vector<1x1x16xf32> to vector<16xf32>
      %add3A_391 = arith.constant 2 : i32
      %add3A_392 = arith.addi %mul3A_138, %add3A_391 : i32
      %get3A_393 = arith.constant 0 : i32
      %get3A_394 = arith.index_cast %get3A_393 : i32 to index
      %get3A_395 = arith.index_cast %add3A_392 : i32 to index
      %get3A_396 = arith.constant 80 : index
      %get3A_397 = tpu.vector_load %arg4[%get3A_394, %get3A_395, %get3A_396] {strides = array<i32>} : memref<2x144x128xf32, #tpu.memory_space<vmem>>, vector<1x1x16xf32>,
      %get3A_398 = vector.shape_cast %get3A_397 : vector<1x1x16xf32> to vector<16xf32>
      %add3A_399 = arith.addf %get3A_390, %get3A_398 : vector<16xf32>
      %add3A_400 = arith.constant 2 : i32
      %add3A_401 = arith.addi %mul3A_138, %add3A_400 : i32
      %get3A_402 = arith.constant 0 : i32
      %get3A_403 = arith.index_cast %get3A_402 : i32 to index
      %get3A_404 = arith.index_cast %add3A_401 : i32 to index
      %get3A_405 = arith.constant 112 : index
      %get3A_406 = tpu.vector_load %arg4[%get3A_403, %get3A_404, %get3A_405] {strides = array<i32>} : memref<2x144x128xf32, #tpu.memory_space<vmem>>, vector<1x1x16xf32>,
      %get3A_407 = vector.shape_cast %get3A_406 : vector<1x1x16xf32> to vector<16xf32>
      %add3A_408 = arith.addf %add3A_399, %get3A_407 : vector<16xf32>
      %add3A_409 = arith.constant 3 : i32
      %add3A_410 = arith.addi %mul3A_138, %add3A_409 : i32
      %get3A_411 = arith.constant 0 : i32
      %get3A_412 = arith.index_cast %get3A_411 : i32 to index
      %get3A_413 = arith.index_cast %add3A_410 : i32 to index
      %get3A_414 = arith.constant 16 : index
      %get3A_415 = tpu.vector_load %arg4[%get3A_412, %get3A_413, %get3A_414] {strides = array<i32>} : memref<2x144x128xf32, #tpu.memory_space<vmem>>, vector<1x1x16xf32>,
      %get3A_416 = vector.shape_cast %get3A_415 : vector<1x1x16xf32> to vector<16xf32>
      %add3A_417 = arith.addf %add3A_408, %get3A_416 : vector<16xf32>
      %add3A_418 = arith.constant 3 : i32
      %add3A_419 = arith.addi %mul3A_138, %add3A_418 : i32
      %get3A_420 = arith.constant 0 : i32
      %get3A_421 = arith.index_cast %get3A_420 : i32 to index
      %get3A_422 = arith.index_cast %add3A_419 : i32 to index
      %get3A_423 = arith.constant 48 : index
      %get3A_424 = tpu.vector_load %arg4[%get3A_421, %get3A_422, %get3A_423] {strides = array<i32>} : memref<2x144x128xf32, #tpu.memory_space<vmem>>, vector<1x1x16xf32>,
      %get3A_425 = vector.shape_cast %get3A_424 : vector<1x1x16xf32> to vector<16xf32>
      %add3A_426 = arith.addf %add3A_417, %get3A_425 : vector<16xf32>
      %add3A_427 = arith.constant 3 : i32
      %add3A_428 = arith.addi %mul3A_138, %add3A_427 : i32
      %get3A_429 = arith.constant 0 : i32
      %get3A_430 = arith.index_cast %get3A_429 : i32 to index
      %get3A_431 = arith.index_cast %add3A_428 : i32 to index
      %get3A_432 = arith.constant 80 : index
      %get3A_433 = tpu.vector_load %arg4[%get3A_430, %get3A_431, %get3A_432] {strides = array<i32>} : memref<2x144x128xf32, #tpu.memory_space<vmem>>, vector<1x1x16xf32>,
      %get3A_434 = vector.shape_cast %get3A_433 : vector<1x1x16xf32> to vector<16xf32>
      %add3A_435 = arith.addf %add3A_426, %get3A_434 : vector<16xf32>
      %add3A_436 = arith.constant 3 : i32
      %add3A_437 = arith.addi %mul3A_138, %add3A_436 : i32
      %get3A_438 = arith.constant 0 : i32
      %get3A_439 = arith.index_cast %get3A_438 : i32 to index
      %get3A_440 = arith.index_cast %add3A_437 : i32 to index
      %get3A_441 = arith.constant 112 : index
      %get3A_442 = tpu.vector_load %arg4[%get3A_439, %get3A_440, %get3A_441] {strides = array<i32>} : memref<2x144x128xf32, #tpu.memory_space<vmem>>, vector<1x1x16xf32>,
      %get3A_443 = vector.shape_cast %get3A_442 : vector<1x1x16xf32> to vector<16xf32>
      %add3A_444 = arith.addf %add3A_435, %get3A_443 : vector<16xf32>
      %add3A_445 = arith.constant 4 : i32
      %add3A_446 = arith.addi %mul3A_138, %add3A_445 : i32
      %get3A_447 = arith.constant 0 : i32
      %get3A_448 = arith.index_cast %get3A_447 : i32 to index
      %get3A_449 = arith.index_cast %add3A_446 : i32 to index
      %get3A_450 = arith.constant 16 : index
      %get3A_451 = tpu.vector_load %arg4[%get3A_448, %get3A_449, %get3A_450] {strides = array<i32>} : memref<2x144x128xf32, #tpu.memory_space<vmem>>, vector<1x1x16xf32>,
      %get3A_452 = vector.shape_cast %get3A_451 : vector<1x1x16xf32> to vector<16xf32>
      %add3A_453 = arith.addf %add3A_444, %get3A_452 : vector<16xf32>
      %add3A_454 = arith.constant 0 : i32
      %add3A_455 = arith.addi %add3A_454, %scan3A_136 : i32
      %mul3A_456 = arith.constant 4 : i32
      %mul3A_457 = arith.muli %mul3A_456, %add3A_455 : i32
      %add3A_458 = arith.constant 1 : i32
      %add3A_459 = arith.addi %mul3A_457, %add3A_458 : i32
      %swap3A_460 = arith.index_cast %add3A_459 : i32 to index
      %swap3A_461 = arith.constant 16 : index
      %swap3A_462 = tpu.vector_load %arg5[%swap3A_460, %swap3A_461] {strides = array<i32>} : memref<256x32xf32, #tpu.memory_space<vmem>>, vector<1x16xf32>,
      %swap3A_463 = vector.shape_cast %swap3A_462 : vector<1x16xf32> to vector<16xf32>
      %swap3A_464 = vector.shape_cast %add3A_453 : vector<16xf32> to vector<1x16xf32>
      tpu.vector_store %arg5[%swap3A_460, %swap3A_461], %swap3A_464 {strides = array<i32>} : memref<256x32xf32, #tpu.memory_space<vmem>>, vector<1x16xf32>,
      %add3A_465 = arith.constant 4 : i32
      %add3A_466 = arith.addi %mul3A_138, %add3A_465 : i32
      %get3A_467 = arith.constant 0 : i32
      %get3A_468 = arith.index_cast %get3A_467 : i32 to index
      %get3A_469 = arith.index_cast %add3A_466 : i32 to index
      %get3A_470 = arith.constant 64 : index
      %get3A_471 = tpu.vector_load %arg4[%get3A_468, %get3A_469, %get3A_470] {strides = array<i32>} : memref<2x144x128xf32, #tpu.memory_space<vmem>>, vector<1x1x16xf32>,
      %get3A_472 = vector.shape_cast %get3A_471 : vector<1x1x16xf32> to vector<16xf32>
      %add3A_473 = arith.constant 4 : i32
      %add3A_474 = arith.addi %mul3A_138, %add3A_473 : i32
      %get3A_475 = arith.constant 0 : i32
      %get3A_476 = arith.index_cast %get3A_475 : i32 to index
      %get3A_477 = arith.index_cast %add3A_474 : i32 to index
      %get3A_478 = arith.constant 96 : index
      %get3A_479 = tpu.vector_load %arg4[%get3A_476, %get3A_477, %get3A_478] {strides = array<i32>} : memref<2x144x128xf32, #tpu.memory_space<vmem>>, vector<1x1x16xf32>,
      %get3A_480 = vector.shape_cast %get3A_479 : vector<1x1x16xf32> to vector<16xf32>
      %add3A_481 = arith.addf %get3A_472, %get3A_480 : vector<16xf32>
      %add3A_482 = arith.constant 5 : i32
      %add3A_483 = arith.addi %mul3A_138, %add3A_482 : i32
      %get3A_484 = arith.constant 0 : i32
      %get3A_485 = arith.index_cast %get3A_484 : i32 to index
      %get3A_486 = arith.index_cast %add3A_483 : i32 to index
      %get3A_487 = arith.constant 0 : index
      %get3A_488 = tpu.vector_load %arg4[%get3A_485, %get3A_486, %get3A_487] {strides = array<i32>} : memref<2x144x128xf32, #tpu.memory_space<vmem>>, vector<1x1x16xf32>,
      %get3A_489 = vector.shape_cast %get3A_488 : vector<1x1x16xf32> to vector<16xf32>
      %add3A_490 = arith.addf %add3A_481, %get3A_489 : vector<16xf32>
      %add3A_491 = arith.constant 5 : i32
      %add3A_492 = arith.addi %mul3A_138, %add3A_491 : i32
      %get3A_493 = arith.constant 0 : i32
      %get3A_494 = arith.index_cast %get3A_493 : i32 to index
      %get3A_495 = arith.index_cast %add3A_492 : i32 to index
      %get3A_496 = arith.constant 32 : index
      %get3A_497 = tpu.vector_load %arg4[%get3A_494, %get3A_495, %get3A_496] {strides = array<i32>} : memref<2x144x128xf32, #tpu.memory_space<vmem>>, vector<1x1x16xf32>,
      %get3A_498 = vector.shape_cast %get3A_497 : vector<1x1x16xf32> to vector<16xf32>
      %add3A_499 = arith.addf %add3A_490, %get3A_498 : vector<16xf32>
      %add3A_500 = arith.constant 5 : i32
      %add3A_501 = arith.addi %mul3A_138, %add3A_500 : i32
      %get3A_502 = arith.constant 0 : i32
      %get3A_503 = arith.index_cast %get3A_502 : i32 to index
      %get3A_504 = arith.index_cast %add3A_501 : i32 to index
      %get3A_505 = arith.constant 64 : index
      %get3A_506 = tpu.vector_load %arg4[%get3A_503, %get3A_504, %get3A_505] {strides = array<i32>} : memref<2x144x128xf32, #tpu.memory_space<vmem>>, vector<1x1x16xf32>,
      %get3A_507 = vector.shape_cast %get3A_506 : vector<1x1x16xf32> to vector<16xf32>
      %add3A_508 = arith.addf %add3A_499, %get3A_507 : vector<16xf32>
      %add3A_509 = arith.constant 5 : i32
      %add3A_510 = arith.addi %mul3A_138, %add3A_509 : i32
      %get3A_511 = arith.constant 0 : i32
      %get3A_512 = arith.index_cast %get3A_511 : i32 to index
      %get3A_513 = arith.index_cast %add3A_510 : i32 to index
      %get3A_514 = arith.constant 96 : index
      %get3A_515 = tpu.vector_load %arg4[%get3A_512, %get3A_513, %get3A_514] {strides = array<i32>} : memref<2x144x128xf32, #tpu.memory_space<vmem>>, vector<1x1x16xf32>,
      %get3A_516 = vector.shape_cast %get3A_515 : vector<1x1x16xf32> to vector<16xf32>
      %add3A_517 = arith.addf %add3A_508, %get3A_516 : vector<16xf32>
      %add3A_518 = arith.constant 6 : i32
      %add3A_519 = arith.addi %mul3A_138, %add3A_518 : i32
      %get3A_520 = arith.constant 0 : i32
      %get3A_521 = arith.index_cast %get3A_520 : i32 to index
      %get3A_522 = arith.index_cast %add3A_519 : i32 to index
      %get3A_523 = arith.constant 0 : index
      %get3A_524 = tpu.vector_load %arg4[%get3A_521, %get3A_522, %get3A_523] {strides = array<i32>} : memref<2x144x128xf32, #tpu.memory_space<vmem>>, vector<1x1x16xf32>,
      %get3A_525 = vector.shape_cast %get3A_524 : vector<1x1x16xf32> to vector<16xf32>
      %add3A_526 = arith.addf %add3A_517, %get3A_525 : vector<16xf32>
      %add3A_527 = arith.constant 6 : i32
      %add3A_528 = arith.addi %mul3A_138, %add3A_527 : i32
      %get3A_529 = arith.constant 0 : i32
      %get3A_530 = arith.index_cast %get3A_529 : i32 to index
      %get3A_531 = arith.index_cast %add3A_528 : i32 to index
      %get3A_532 = arith.constant 32 : index
      %get3A_533 = tpu.vector_load %arg4[%get3A_530, %get3A_531, %get3A_532] {strides = array<i32>} : memref<2x144x128xf32, #tpu.memory_space<vmem>>, vector<1x1x16xf32>,
      %get3A_534 = vector.shape_cast %get3A_533 : vector<1x1x16xf32> to vector<16xf32>
      %add3A_535 = arith.addf %add3A_526, %get3A_534 : vector<16xf32>
      %add3A_536 = arith.constant 0 : i32
      %add3A_537 = arith.addi %add3A_536, %scan3A_136 : i32
      %mul3A_538 = arith.constant 4 : i32
      %mul3A_539 = arith.muli %mul3A_538, %add3A_537 : i32
      %add3A_540 = arith.constant 2 : i32
      %add3A_541 = arith.addi %mul3A_539, %add3A_540 : i32
      %swap3A_542 = arith.index_cast %add3A_541 : i32 to index
      %swap3A_543 = arith.constant 0 : index
      %swap3A_544 = tpu.vector_load %arg5[%swap3A_542, %swap3A_543] {strides = array<i32>} : memref<256x32xf32, #tpu.memory_space<vmem>>, vector<1x16xf32>,
      %swap3A_545 = vector.shape_cast %swap3A_544 : vector<1x16xf32> to vector<16xf32>
      %swap3A_546 = vector.shape_cast %add3A_535 : vector<16xf32> to vector<1x16xf32>
      tpu.vector_store %arg5[%swap3A_542, %swap3A_543], %swap3A_546 {strides = array<i32>} : memref<256x32xf32, #tpu.memory_space<vmem>>, vector<1x16xf32>,
      %add3A_547 = arith.constant 4 : i32
      %add3A_548 = arith.addi %mul3A_138, %add3A_547 : i32
      %get3A_549 = arith.constant 0 : i32
      %get3A_550 = arith.index_cast %get3A_549 : i32 to index
      %get3A_551 = arith.index_cast %add3A_548 : i32 to index
      %get3A_552 = arith.constant 80 : index
      %get3A_553 = tpu.vector_load %arg4[%get3A_550, %get3A_551, %get3A_552] {strides = array<i32>} : memref<2x144x128xf32, #tpu.memory_space<vmem>>, vector<1x1x16xf32>,
      %get3A_554 = vector.shape_cast %get3A_553 : vector<1x1x16xf32> to vector<16xf32>
      %add3A_555 = arith.constant 4 : i32
      %add3A_556 = arith.addi %mul3A_138, %add3A_555 : i32
      %get3A_557 = arith.constant 0 : i32
      %get3A_558 = arith.index_cast %get3A_557 : i32 to index
      %get3A_559 = arith.index_cast %add3A_556 : i32 to index
      %get3A_560 = arith.constant 112 : index
      %get3A_561 = tpu.vector_load %arg4[%get3A_558, %get3A_559, %get3A_560] {strides = array<i32>} : memref<2x144x128xf32, #tpu.memory_space<vmem>>, vector<1x1x16xf32>,
      %get3A_562 = vector.shape_cast %get3A_561 : vector<1x1x16xf32> to vector<16xf32>
      %add3A_563 = arith.addf %get3A_554, %get3A_562 : vector<16xf32>
      %add3A_564 = arith.constant 5 : i32
      %add3A_565 = arith.addi %mul3A_138, %add3A_564 : i32
      %get3A_566 = arith.constant 0 : i32
      %get3A_567 = arith.index_cast %get3A_566 : i32 to index
      %get3A_568 = arith.index_cast %add3A_565 : i32 to index
      %get3A_569 = arith.constant 16 : index
      %get3A_570 = tpu.vector_load %arg4[%get3A_567, %get3A_568, %get3A_569] {strides = array<i32>} : memref<2x144x128xf32, #tpu.memory_space<vmem>>, vector<1x1x16xf32>,
      %get3A_571 = vector.shape_cast %get3A_570 : vector<1x1x16xf32> to vector<16xf32>
      %add3A_572 = arith.addf %add3A_563, %get3A_571 : vector<16xf32>
      %add3A_573 = arith.constant 5 : i32
      %add3A_574 = arith.addi %mul3A_138, %add3A_573 : i32
      %get3A_575 = arith.constant 0 : i32
      %get3A_576 = arith.index_cast %get3A_575 : i32 to index
      %get3A_577 = arith.index_cast %add3A_574 : i32 to index
      %get3A_578 = arith.constant 48 : index
      %get3A_579 = tpu.vector_load %arg4[%get3A_576, %get3A_577, %get3A_578] {strides = array<i32>} : memref<2x144x128xf32, #tpu.memory_space<vmem>>, vector<1x1x16xf32>,
      %get3A_580 = vector.shape_cast %get3A_579 : vector<1x1x16xf32> to vector<16xf32>
      %add3A_581 = arith.addf %add3A_572, %get3A_580 : vector<16xf32>
      %add3A_582 = arith.constant 5 : i32
      %add3A_583 = arith.addi %mul3A_138, %add3A_582 : i32
      %get3A_584 = arith.constant 0 : i32
      %get3A_585 = arith.index_cast %get3A_584 : i32 to index
      %get3A_586 = arith.index_cast %add3A_583 : i32 to index
      %get3A_587 = arith.constant 80 : index
      %get3A_588 = tpu.vector_load %arg4[%get3A_585, %get3A_586, %get3A_587] {strides = array<i32>} : memref<2x144x128xf32, #tpu.memory_space<vmem>>, vector<1x1x16xf32>,
      %get3A_589 = vector.shape_cast %get3A_588 : vector<1x1x16xf32> to vector<16xf32>
      %add3A_590 = arith.addf %add3A_581, %get3A_589 : vector<16xf32>
      %add3A_591 = arith.constant 5 : i32
      %add3A_592 = arith.addi %mul3A_138, %add3A_591 : i32
      %get3A_593 = arith.constant 0 : i32
      %get3A_594 = arith.index_cast %get3A_593 : i32 to index
      %get3A_595 = arith.index_cast %add3A_592 : i32 to index
      %get3A_596 = arith.constant 112 : index
      %get3A_597 = tpu.vector_load %arg4[%get3A_594, %get3A_595, %get3A_596] {strides = array<i32>} : memref<2x144x128xf32, #tpu.memory_space<vmem>>, vector<1x1x16xf32>,
      %get3A_598 = vector.shape_cast %get3A_597 : vector<1x1x16xf32> to vector<16xf32>
      %add3A_599 = arith.addf %add3A_590, %get3A_598 : vector<16xf32>
      %add3A_600 = arith.constant 6 : i32
      %add3A_601 = arith.addi %mul3A_138, %add3A_600 : i32
      %get3A_602 = arith.constant 0 : i32
      %get3A_603 = arith.index_cast %get3A_602 : i32 to index
      %get3A_604 = arith.index_cast %add3A_601 : i32 to index
      %get3A_605 = arith.constant 16 : index
      %get3A_606 = tpu.vector_load %arg4[%get3A_603, %get3A_604, %get3A_605] {strides = array<i32>} : memref<2x144x128xf32, #tpu.memory_space<vmem>>, vector<1x1x16xf32>,
      %get3A_607 = vector.shape_cast %get3A_606 : vector<1x1x16xf32> to vector<16xf32>
      %add3A_608 = arith.addf %add3A_599, %get3A_607 : vector<16xf32>
      %add3A_609 = arith.constant 6 : i32
      %add3A_610 = arith.addi %mul3A_138, %add3A_609 : i32
      %get3A_611 = arith.constant 0 : i32
      %get3A_612 = arith.index_cast %get3A_611 : i32 to index
      %get3A_613 = arith.index_cast %add3A_610 : i32 to index
      %get3A_614 = arith.constant 48 : index
      %get3A_615 = tpu.vector_load %arg4[%get3A_612, %get3A_613, %get3A_614] {strides = array<i32>} : memref<2x144x128xf32, #tpu.memory_space<vmem>>, vector<1x1x16xf32>,
      %get3A_616 = vector.shape_cast %get3A_615 : vector<1x1x16xf32> to vector<16xf32>
      %add3A_617 = arith.addf %add3A_608, %get3A_616 : vector<16xf32>
      %add3A_618 = arith.constant 0 : i32
      %add3A_619 = arith.addi %add3A_618, %scan3A_136 : i32
      %mul3A_620 = arith.constant 4 : i32
      %mul3A_621 = arith.muli %mul3A_620, %add3A_619 : i32
      %add3A_622 = arith.constant 2 : i32
      %add3A_623 = arith.addi %mul3A_621, %add3A_622 : i32
      %swap3A_624 = arith.index_cast %add3A_623 : i32 to index
      %swap3A_625 = arith.constant 16 : index
      %swap3A_626 = tpu.vector_load %arg5[%swap3A_624, %swap3A_625] {strides = array<i32>} : memref<256x32xf32, #tpu.memory_space<vmem>>, vector<1x16xf32>,
      %swap3A_627 = vector.shape_cast %swap3A_626 : vector<1x16xf32> to vector<16xf32>
      %swap3A_628 = vector.shape_cast %add3A_617 : vector<16xf32> to vector<1x16xf32>
      tpu.vector_store %arg5[%swap3A_624, %swap3A_625], %swap3A_628 {strides = array<i32>} : memref<256x32xf32, #tpu.memory_space<vmem>>, vector<1x16xf32>,
      %add3A_629 = arith.constant 6 : i32
      %add3A_630 = arith.addi %mul3A_138, %add3A_629 : i32
      %get3A_631 = arith.constant 0 : i32
      %get3A_632 = arith.index_cast %get3A_631 : i32 to index
      %get3A_633 = arith.index_cast %add3A_630 : i32 to index
      %get3A_634 = arith.constant 96 : index
      %get3A_635 = tpu.vector_load %arg4[%get3A_632, %get3A_633, %get3A_634] {strides = array<i32>} : memref<2x144x128xf32, #tpu.memory_space<vmem>>, vector<1x1x16xf32>,
      %get3A_636 = vector.shape_cast %get3A_635 : vector<1x1x16xf32> to vector<16xf32>
      %add3A_637 = arith.constant 7 : i32
      %add3A_638 = arith.addi %mul3A_138, %add3A_637 : i32
      %get3A_639 = arith.constant 0 : i32
      %get3A_640 = arith.index_cast %get3A_639 : i32 to index
      %get3A_641 = arith.index_cast %add3A_638 : i32 to index
      %get3A_642 = arith.constant 0 : index
      %get3A_643 = tpu.vector_load %arg4[%get3A_640, %get3A_641, %get3A_642] {strides = array<i32>} : memref<2x144x128xf32, #tpu.memory_space<vmem>>, vector<1x1x16xf32>,
      %get3A_644 = vector.shape_cast %get3A_643 : vector<1x1x16xf32> to vector<16xf32>
      %add3A_645 = arith.addf %get3A_636, %get3A_644 : vector<16xf32>
      %add3A_646 = arith.constant 7 : i32
      %add3A_647 = arith.addi %mul3A_138, %add3A_646 : i32
      %get3A_648 = arith.constant 0 : i32
      %get3A_649 = arith.index_cast %get3A_648 : i32 to index
      %get3A_650 = arith.index_cast %add3A_647 : i32 to index
      %get3A_651 = arith.constant 32 : index
      %get3A_652 = tpu.vector_load %arg4[%get3A_649, %get3A_650, %get3A_651] {strides = array<i32>} : memref<2x144x128xf32, #tpu.memory_space<vmem>>, vector<1x1x16xf32>,
      %get3A_653 = vector.shape_cast %get3A_652 : vector<1x1x16xf32> to vector<16xf32>
      %add3A_654 = arith.addf %add3A_645, %get3A_653 : vector<16xf32>
      %add3A_655 = arith.constant 7 : i32
      %add3A_656 = arith.addi %mul3A_138, %add3A_655 : i32
      %get3A_657 = arith.constant 0 : i32
      %get3A_658 = arith.index_cast %get3A_657 : i32 to index
      %get3A_659 = arith.index_cast %add3A_656 : i32 to index
      %get3A_660 = arith.constant 64 : index
      %get3A_661 = tpu.vector_load %arg4[%get3A_658, %get3A_659, %get3A_660] {strides = array<i32>} : memref<2x144x128xf32, #tpu.memory_space<vmem>>, vector<1x1x16xf32>,
      %get3A_662 = vector.shape_cast %get3A_661 : vector<1x1x16xf32> to vector<16xf32>
      %add3A_663 = arith.addf %add3A_654, %get3A_662 : vector<16xf32>
      %add3A_664 = arith.constant 7 : i32
      %add3A_665 = arith.addi %mul3A_138, %add3A_664 : i32
      %get3A_666 = arith.constant 0 : i32
      %get3A_667 = arith.index_cast %get3A_666 : i32 to index
      %get3A_668 = arith.index_cast %add3A_665 : i32 to index
      %get3A_669 = arith.constant 96 : index
      %get3A_670 = tpu.vector_load %arg4[%get3A_667, %get3A_668, %get3A_669] {strides = array<i32>} : memref<2x144x128xf32, #tpu.memory_space<vmem>>, vector<1x1x16xf32>,
      %get3A_671 = vector.shape_cast %get3A_670 : vector<1x1x16xf32> to vector<16xf32>
      %add3A_672 = arith.addf %add3A_663, %get3A_671 : vector<16xf32>
      %add3A_673 = arith.constant 8 : i32
      %add3A_674 = arith.addi %mul3A_138, %add3A_673 : i32
      %get3A_675 = arith.constant 0 : i32
      %get3A_676 = arith.index_cast %get3A_675 : i32 to index
      %get3A_677 = arith.index_cast %add3A_674 : i32 to index
      %get3A_678 = arith.constant 0 : index
      %get3A_679 = tpu.vector_load %arg4[%get3A_676, %get3A_677, %get3A_678] {strides = array<i32>} : memref<2x144x128xf32, #tpu.memory_space<vmem>>, vector<1x1x16xf32>,
      %get3A_680 = vector.shape_cast %get3A_679 : vector<1x1x16xf32> to vector<16xf32>
      %add3A_681 = arith.addf %add3A_672, %get3A_680 : vector<16xf32>
      %add3A_682 = arith.constant 8 : i32
      %add3A_683 = arith.addi %mul3A_138, %add3A_682 : i32
      %get3A_684 = arith.constant 0 : i32
      %get3A_685 = arith.index_cast %get3A_684 : i32 to index
      %get3A_686 = arith.index_cast %add3A_683 : i32 to index
      %get3A_687 = arith.constant 32 : index
      %get3A_688 = tpu.vector_load %arg4[%get3A_685, %get3A_686, %get3A_687] {strides = array<i32>} : memref<2x144x128xf32, #tpu.memory_space<vmem>>, vector<1x1x16xf32>,
      %get3A_689 = vector.shape_cast %get3A_688 : vector<1x1x16xf32> to vector<16xf32>
      %add3A_690 = arith.addf %add3A_681, %get3A_689 : vector<16xf32>
      %add3A_691 = arith.constant 8 : i32
      %add3A_692 = arith.addi %mul3A_138, %add3A_691 : i32
      %get3A_693 = arith.constant 0 : i32
      %get3A_694 = arith.index_cast %get3A_693 : i32 to index
      %get3A_695 = arith.index_cast %add3A_692 : i32 to index
      %get3A_696 = arith.constant 64 : index
      %get3A_697 = tpu.vector_load %arg4[%get3A_694, %get3A_695, %get3A_696] {strides = array<i32>} : memref<2x144x128xf32, #tpu.memory_space<vmem>>, vector<1x1x16xf32>,
      %get3A_698 = vector.shape_cast %get3A_697 : vector<1x1x16xf32> to vector<16xf32>
      %add3A_699 = arith.addf %add3A_690, %get3A_698 : vector<16xf32>
      %add3A_700 = arith.constant 0 : i32
      %add3A_701 = arith.addi %add3A_700, %scan3A_136 : i32
      %mul3A_702 = arith.constant 4 : i32
      %mul3A_703 = arith.muli %mul3A_702, %add3A_701 : i32
      %add3A_704 = arith.constant 3 : i32
      %add3A_705 = arith.addi %mul3A_703, %add3A_704 : i32
      %swap3A_706 = arith.index_cast %add3A_705 : i32 to index
      %swap3A_707 = arith.constant 0 : index
      %swap3A_708 = tpu.vector_load %arg5[%swap3A_706, %swap3A_707] {strides = array<i32>} : memref<256x32xf32, #tpu.memory_space<vmem>>, vector<1x16xf32>,
      %swap3A_709 = vector.shape_cast %swap3A_708 : vector<1x16xf32> to vector<16xf32>
      %swap3A_710 = vector.shape_cast %add3A_699 : vector<16xf32> to vector<1x16xf32>
      tpu.vector_store %arg5[%swap3A_706, %swap3A_707], %swap3A_710 {strides = array<i32>} : memref<256x32xf32, #tpu.memory_space<vmem>>, vector<1x16xf32>,
      %add3A_711 = arith.constant 6 : i32
      %add3A_712 = arith.addi %mul3A_138, %add3A_711 : i32
      %get3A_713 = arith.constant 0 : i32
      %get3A_714 = arith.index_cast %get3A_713 : i32 to index
      %get3A_715 = arith.index_cast %add3A_712 : i32 to index
      %get3A_716 = arith.constant 112 : index
      %get3A_717 = tpu.vector_load %arg4[%get3A_714, %get3A_715, %get3A_716] {strides = array<i32>} : memref<2x144x128xf32, #tpu.memory_space<vmem>>, vector<1x1x16xf32>,
      %get3A_718 = vector.shape_cast %get3A_717 : vector<1x1x16xf32> to vector<16xf32>
      %add3A_719 = arith.constant 7 : i32
      %add3A_720 = arith.addi %mul3A_138, %add3A_719 : i32
      %get3A_721 = arith.constant 0 : i32
      %get3A_722 = arith.index_cast %get3A_721 : i32 to index
      %get3A_723 = arith.index_cast %add3A_720 : i32 to index
      %get3A_724 = arith.constant 16 : index
      %get3A_725 = tpu.vector_load %arg4[%get3A_722, %get3A_723, %get3A_724] {strides = array<i32>} : memref<2x144x128xf32, #tpu.memory_space<vmem>>, vector<1x1x16xf32>,
      %get3A_726 = vector.shape_cast %get3A_725 : vector<1x1x16xf32> to vector<16xf32>
      %add3A_727 = arith.addf %get3A_718, %get3A_726 : vector<16xf32>
      %add3A_728 = arith.constant 7 : i32
      %add3A_729 = arith.addi %mul3A_138, %add3A_728 : i32
      %get3A_730 = arith.constant 0 : i32
      %get3A_731 = arith.index_cast %get3A_730 : i32 to index
      %get3A_732 = arith.index_cast %add3A_729 : i32 to index
      %get3A_733 = arith.constant 48 : index
      %get3A_734 = tpu.vector_load %arg4[%get3A_731, %get3A_732, %get3A_733] {strides = array<i32>} : memref<2x144x128xf32, #tpu.memory_space<vmem>>, vector<1x1x16xf32>,
      %get3A_735 = vector.shape_cast %get3A_734 : vector<1x1x16xf32> to vector<16xf32>
      %add3A_736 = arith.addf %add3A_727, %get3A_735 : vector<16xf32>
      %add3A_737 = arith.constant 7 : i32
      %add3A_738 = arith.addi %mul3A_138, %add3A_737 : i32
      %get3A_739 = arith.constant 0 : i32
      %get3A_740 = arith.index_cast %get3A_739 : i32 to index
      %get3A_741 = arith.index_cast %add3A_738 : i32 to index
      %get3A_742 = arith.constant 80 : index
      %get3A_743 = tpu.vector_load %arg4[%get3A_740, %get3A_741, %get3A_742] {strides = array<i32>} : memref<2x144x128xf32, #tpu.memory_space<vmem>>, vector<1x1x16xf32>,
      %get3A_744 = vector.shape_cast %get3A_743 : vector<1x1x16xf32> to vector<16xf32>
      %add3A_745 = arith.addf %add3A_736, %get3A_744 : vector<16xf32>
      %add3A_746 = arith.constant 7 : i32
      %add3A_747 = arith.addi %mul3A_138, %add3A_746 : i32
      %get3A_748 = arith.constant 0 : i32
      %get3A_749 = arith.index_cast %get3A_748 : i32 to index
      %get3A_750 = arith.index_cast %add3A_747 : i32 to index
      %get3A_751 = arith.constant 112 : index
      %get3A_752 = tpu.vector_load %arg4[%get3A_749, %get3A_750, %get3A_751] {strides = array<i32>} : memref<2x144x128xf32, #tpu.memory_space<vmem>>, vector<1x1x16xf32>,
      %get3A_753 = vector.shape_cast %get3A_752 : vector<1x1x16xf32> to vector<16xf32>
      %add3A_754 = arith.addf %add3A_745, %get3A_753 : vector<16xf32>
      %add3A_755 = arith.constant 8 : i32
      %add3A_756 = arith.addi %mul3A_138, %add3A_755 : i32
      %get3A_757 = arith.constant 0 : i32
      %get3A_758 = arith.index_cast %get3A_757 : i32 to index
      %get3A_759 = arith.index_cast %add3A_756 : i32 to index
      %get3A_760 = arith.constant 16 : index
      %get3A_761 = tpu.vector_load %arg4[%get3A_758, %get3A_759, %get3A_760] {strides = array<i32>} : memref<2x144x128xf32, #tpu.memory_space<vmem>>, vector<1x1x16xf32>,
      %get3A_762 = vector.shape_cast %get3A_761 : vector<1x1x16xf32> to vector<16xf32>
      %add3A_763 = arith.addf %add3A_754, %get3A_762 : vector<16xf32>
      %add3A_764 = arith.constant 8 : i32
      %add3A_765 = arith.addi %mul3A_138, %add3A_764 : i32
      %get3A_766 = arith.constant 0 : i32
      %get3A_767 = arith.index_cast %get3A_766 : i32 to index
      %get3A_768 = arith.index_cast %add3A_765 : i32 to index
      %get3A_769 = arith.constant 48 : index
      %get3A_770 = tpu.vector_load %arg4[%get3A_767, %get3A_768, %get3A_769] {strides = array<i32>} : memref<2x144x128xf32, #tpu.memory_space<vmem>>, vector<1x1x16xf32>,
      %get3A_771 = vector.shape_cast %get3A_770 : vector<1x1x16xf32> to vector<16xf32>
      %add3A_772 = arith.addf %add3A_763, %get3A_771 : vector<16xf32>
      %add3A_773 = arith.constant 8 : i32
      %add3A_774 = arith.addi %mul3A_138, %add3A_773 : i32
      %get3A_775 = arith.constant 0 : i32
      %get3A_776 = arith.index_cast %get3A_775 : i32 to index
      %get3A_777 = arith.index_cast %add3A_774 : i32 to index
      %get3A_778 = arith.constant 80 : index
      %get3A_779 = tpu.vector_load %arg4[%get3A_776, %get3A_777, %get3A_778] {strides = array<i32>} : memref<2x144x128xf32, #tpu.memory_space<vmem>>, vector<1x1x16xf32>,
      %get3A_780 = vector.shape_cast %get3A_779 : vector<1x1x16xf32> to vector<16xf32>
      %add3A_781 = arith.addf %add3A_772, %get3A_780 : vector<16xf32>
      %add3A_782 = arith.constant 0 : i32
      %add3A_783 = arith.addi %add3A_782, %scan3A_136 : i32
      %mul3A_784 = arith.constant 4 : i32
      %mul3A_785 = arith.muli %mul3A_784, %add3A_783 : i32
      %add3A_786 = arith.constant 3 : i32
      %add3A_787 = arith.addi %mul3A_785, %add3A_786 : i32
      %swap3A_788 = arith.index_cast %add3A_787 : i32 to index
      %swap3A_789 = arith.constant 16 : index
      %swap3A_790 = tpu.vector_load %arg5[%swap3A_788, %swap3A_789] {strides = array<i32>} : memref<256x32xf32, #tpu.memory_space<vmem>>, vector<1x16xf32>,
      %swap3A_791 = vector.shape_cast %swap3A_790 : vector<1x16xf32> to vector<16xf32>
      %swap3A_792 = vector.shape_cast %add3A_781 : vector<16xf32> to vector<1x16xf32>
      tpu.vector_store %arg5[%swap3A_788, %swap3A_789], %swap3A_792 {strides = array<i32>} : memref<256x32xf32, #tpu.memory_space<vmem>>, vector<1x16xf32>,
    }
    %scan3A_46 = arith.constant 16 : i32
    %add3A_47 = arith.constant 288 : i32
    %add3A_48 = arith.addi %mul3A_2, %add3A_47 : i32
    %dma_start3A_49 = arith.constant 0 : i32
    %dma_start3A_50 = arith.constant 0 : i32
    %dma_start3A_51 = arith.constant 0 : i32
    %dma_start3A_52 = tpu.memref_slice %arg4[%dma_start3A_49, %dma_start3A_50, %dma_start3A_51] : memref<2x144x128xf32, #tpu.memory_space<vmem>> -> memref<1x144x128xf32, #tpu.memory_space<vmem>>
    %dma_start3A_53 = tpu.memref_squeeze %dma_start3A_52 : memref<1x144x128xf32, #tpu.memory_space<vmem>> -> memref<144x128xf32, #tpu.memory_space<vmem>>
    %dma_start3A_54 = arith.constant 0 : i32
    %dma_start3A_55 = tpu.memref_slice %arg2[%add3A_48, %dma_start3A_54] : memref<18432x128xf32, #tpu.memory_space<hbm>> -> memref<144x128xf32, #tpu.memory_space<hbm>>
    %dma_start3A_56 = arith.constant 0 : i32
    %dma_start3A_57 = arith.constant 0 : i32
    %dma_start3A_58 = tpu.memref_slice %arg4[%dma_start3A_49, %dma_start3A_56, %dma_start3A_57] : memref<2x144x128xf32, #tpu.memory_space<vmem>> -> memref<1x144x128xf32, #tpu.memory_space<vmem>>
    %dma_start3A_59 = tpu.memref_squeeze %dma_start3A_58 : memref<1x144x128xf32, #tpu.memory_space<vmem>> -> memref<144x128xf32, #tpu.memory_space<vmem>>
    %dma_start3A_60 = arith.constant 0 : i32
    %dma_start3A_61 = tpu.memref_slice %arg2[%add3A_48, %dma_start3A_60] : memref<18432x128xf32, #tpu.memory_space<hbm>> -> memref<144x128xf32, #tpu.memory_space<hbm>>
    tpu.enqueue_dma source(%dma_start3A_61 : memref<144x128xf32, #tpu.memory_space<hbm>>) target(%dma_start3A_59 : memref<144x128xf32, #tpu.memory_space<vmem>>) target_semaphore(%arg6 : memref<!tpu.dma_semaphore, #tpu.memory_space<semaphore_mem>>)
    %dma_wait3A_62 = arith.constant 1 : i32
    %dma_wait3A_63 = arith.constant 0 : i32
    %dma_wait3A_64 = arith.constant 0 : i32
    %dma_wait3A_65 = tpu.memref_slice %arg4[%dma_wait3A_62, %dma_wait3A_63, %dma_wait3A_64] : memref<2x144x128xf32, #tpu.memory_space<vmem>> -> memref<1x144x128xf32, #tpu.memory_space<vmem>>
    %dma_wait3A_66 = tpu.memref_squeeze %dma_wait3A_65 : memref<1x144x128xf32, #tpu.memory_space<vmem>> -> memref<144x128xf32, #tpu.memory_space<vmem>>
    %dma_wait3A_67 = arith.constant 0 : i32
    %dma_wait3A_68 = tpu.memref_slice %arg2[%add3A_16, %dma_wait3A_67] : memref<18432x128xf32, #tpu.memory_space<hbm>> -> memref<144x128xf32, #tpu.memory_space<hbm>>
    %dma_wait3A_69 = arith.constant 0 : i32
    %dma_wait3A_70 = arith.constant 0 : i32
    %dma_wait3A_71 = tpu.memref_slice %arg4[%dma_wait3A_62, %dma_wait3A_69, %dma_wait3A_70] : memref<2x144x128xf32, #tpu.memory_space<vmem>> -> memref<1x144x128xf32, #tpu.memory_space<vmem>>
    %dma_wait3A_72 = tpu.memref_squeeze %dma_wait3A_71 : memref<1x144x128xf32, #tpu.memory_space<vmem>> -> memref<144x128xf32, #tpu.memory_space<vmem>>
    %dma_wait3A_73 = arith.constant 0 : i32
    %dma_wait3A_74 = tpu.memref_slice %arg2[%add3A_16, %dma_wait3A_73] : memref<18432x128xf32, #tpu.memory_space<hbm>> -> memref<144x128xf32, #tpu.memory_space<hbm>>
    tpu.wait_dma2 semaphore(%arg7 : memref<!tpu.dma_semaphore, #tpu.memory_space<semaphore_mem>>) src(%dma_wait3A_74 : memref<144x128xf32, #tpu.memory_space<hbm>>) dst(%dma_wait3A_72 : memref<144x128xf32, #tpu.memory_space<vmem>>)
    %scan3A_75 = arith.constant 0 : i32
    %scan3A_76 = arith.constant 0 : i32
    %scan3A_77 = arith.constant 16 : i32
    %scan3A_78 = arith.addi %scan3A_76, %scan3A_77 : i32
    %scan3A_79 = arith.constant 1 : i32
    scf.for %scan3A_136 = %scan3A_76 to %scan3A_78 step %scan3A_79  : i32 {
      %mul3A_137 = arith.constant 9 : i32
      %mul3A_138 = arith.muli %scan3A_136, %mul3A_137 : i32
      %add3A_139 = arith.constant 0 : i32
      %add3A_140 = arith.addi %mul3A_138, %add3A_139 : i32
      %get3A = arith.constant 1 : i32
      %get3A_141 = arith.index_cast %get3A : i32 to index
      %get3A_142 = arith.index_cast %add3A_140 : i32 to index
      %get3A_143 = arith.constant 0 : index
      %get3A_144 = tpu.vector_load %arg4[%get3A_141, %get3A_142, %get3A_143] {strides = array<i32>} : memref<2x144x128xf32, #tpu.memory_space<vmem>>, vector<1x1x16xf32>,
      %get3A_145 = vector.shape_cast %get3A_144 : vector<1x1x16xf32> to vector<16xf32>
      %add3A_146 = arith.constant 0 : i32
      %add3A_147 = arith.addi %mul3A_138, %add3A_146 : i32
      %get3A_148 = arith.constant 1 : i32
      %get3A_149 = arith.index_cast %get3A_148 : i32 to index
      %get3A_150 = arith.index_cast %add3A_147 : i32 to index
      %get3A_151 = arith.constant 32 : index
      %get3A_152 = tpu.vector_load %arg4[%get3A_149, %get3A_150, %get3A_151] {strides = array<i32>} : memref<2x144x128xf32, #tpu.memory_space<vmem>>, vector<1x1x16xf32>,
      %get3A_153 = vector.shape_cast %get3A_152 : vector<1x1x16xf32> to vector<16xf32>
      %add3A_154 = arith.addf %get3A_145, %get3A_153 : vector<16xf32>
      %add3A_155 = arith.constant 0 : i32
      %add3A_156 = arith.addi %mul3A_138, %add3A_155 : i32
      %get3A_157 = arith.constant 1 : i32
      %get3A_158 = arith.index_cast %get3A_157 : i32 to index
      %get3A_159 = arith.index_cast %add3A_156 : i32 to index
      %get3A_160 = arith.constant 64 : index
      %get3A_161 = tpu.vector_load %arg4[%get3A_158, %get3A_159, %get3A_160] {strides = array<i32>} : memref<2x144x128xf32, #tpu.memory_space<vmem>>, vector<1x1x16xf32>,
      %get3A_162 = vector.shape_cast %get3A_161 : vector<1x1x16xf32> to vector<16xf32>
      %add3A_163 = arith.addf %add3A_154, %get3A_162 : vector<16xf32>
      %add3A_164 = arith.constant 0 : i32
      %add3A_165 = arith.addi %mul3A_138, %add3A_164 : i32
      %get3A_166 = arith.constant 1 : i32
      %get3A_167 = arith.index_cast %get3A_166 : i32 to index
      %get3A_168 = arith.index_cast %add3A_165 : i32 to index
      %get3A_169 = arith.constant 96 : index
      %get3A_170 = tpu.vector_load %arg4[%get3A_167, %get3A_168, %get3A_169] {strides = array<i32>} : memref<2x144x128xf32, #tpu.memory_space<vmem>>, vector<1x1x16xf32>,
      %get3A_171 = vector.shape_cast %get3A_170 : vector<1x1x16xf32> to vector<16xf32>
      %add3A_172 = arith.addf %add3A_163, %get3A_171 : vector<16xf32>
      %add3A_173 = arith.constant 1 : i32
      %add3A_174 = arith.addi %mul3A_138, %add3A_173 : i32
      %get3A_175 = arith.constant 1 : i32
      %get3A_176 = arith.index_cast %get3A_175 : i32 to index
      %get3A_177 = arith.index_cast %add3A_174 : i32 to index
      %get3A_178 = arith.constant 0 : index
      %get3A_179 = tpu.vector_load %arg4[%get3A_176, %get3A_177, %get3A_178] {strides = array<i32>} : memref<2x144x128xf32, #tpu.memory_space<vmem>>, vector<1x1x16xf32>,
      %get3A_180 = vector.shape_cast %get3A_179 : vector<1x1x16xf32> to vector<16xf32>
      %add3A_181 = arith.addf %add3A_172, %get3A_180 : vector<16xf32>
      %add3A_182 = arith.constant 1 : i32
      %add3A_183 = arith.addi %mul3A_138, %add3A_182 : i32
      %get3A_184 = arith.constant 1 : i32
      %get3A_185 = arith.index_cast %get3A_184 : i32 to index
      %get3A_186 = arith.index_cast %add3A_183 : i32 to index
      %get3A_187 = arith.constant 32 : index
      %get3A_188 = tpu.vector_load %arg4[%get3A_185, %get3A_186, %get3A_187] {strides = array<i32>} : memref<2x144x128xf32, #tpu.memory_space<vmem>>, vector<1x1x16xf32>,
      %get3A_189 = vector.shape_cast %get3A_188 : vector<1x1x16xf32> to vector<16xf32>
      %add3A_190 = arith.addf %add3A_181, %get3A_189 : vector<16xf32>
      %add3A_191 = arith.constant 1 : i32
      %add3A_192 = arith.addi %mul3A_138, %add3A_191 : i32
      %get3A_193 = arith.constant 1 : i32
      %get3A_194 = arith.index_cast %get3A_193 : i32 to index
      %get3A_195 = arith.index_cast %add3A_192 : i32 to index
      %get3A_196 = arith.constant 64 : index
      %get3A_197 = tpu.vector_load %arg4[%get3A_194, %get3A_195, %get3A_196] {strides = array<i32>} : memref<2x144x128xf32, #tpu.memory_space<vmem>>, vector<1x1x16xf32>,
      %get3A_198 = vector.shape_cast %get3A_197 : vector<1x1x16xf32> to vector<16xf32>
      %add3A_199 = arith.addf %add3A_190, %get3A_198 : vector<16xf32>
      %add3A_200 = arith.constant 1 : i32
      %add3A_201 = arith.addi %mul3A_138, %add3A_200 : i32
      %get3A_202 = arith.constant 1 : i32
      %get3A_203 = arith.index_cast %get3A_202 : i32 to index
      %get3A_204 = arith.index_cast %add3A_201 : i32 to index
      %get3A_205 = arith.constant 96 : index
      %get3A_206 = tpu.vector_load %arg4[%get3A_203, %get3A_204, %get3A_205] {strides = array<i32>} : memref<2x144x128xf32, #tpu.memory_space<vmem>>, vector<1x1x16xf32>,
      %get3A_207 = vector.shape_cast %get3A_206 : vector<1x1x16xf32> to vector<16xf32>
      %add3A_208 = arith.addf %add3A_199, %get3A_207 : vector<16xf32>
      %add3A_209 = arith.constant 16 : i32
      %add3A_210 = arith.addi %add3A_209, %scan3A_136 : i32
      %mul3A_211 = arith.constant 4 : i32
      %mul3A_212 = arith.muli %mul3A_211, %add3A_210 : i32
      %add3A_213 = arith.constant 0 : i32
      %add3A_214 = arith.addi %mul3A_212, %add3A_213 : i32
      %swap3A = arith.index_cast %add3A_214 : i32 to index
      %swap3A_215 = arith.constant 0 : index
      %swap3A_216 = tpu.vector_load %arg5[%swap3A, %swap3A_215] {strides = array<i32>} : memref<256x32xf32, #tpu.memory_space<vmem>>, vector<1x16xf32>,
      %swap3A_217 = vector.shape_cast %swap3A_216 : vector<1x16xf32> to vector<16xf32>
      %swap3A_218 = vector.shape_cast %add3A_208 : vector<16xf32> to vector<1x16xf32>
      tpu.vector_store %arg5[%swap3A, %swap3A_215], %swap3A_218 {strides = array<i32>} : memref<256x32xf32, #tpu.memory_space<vmem>>, vector<1x16xf32>,
      %add3A_219 = arith.constant 0 : i32
      %add3A_220 = arith.addi %mul3A_138, %add3A_219 : i32
      %get3A_221 = arith.constant 1 : i32
      %get3A_222 = arith.index_cast %get3A_221 : i32 to index
      %get3A_223 = arith.index_cast %add3A_220 : i32 to index
      %get3A_224 = arith.constant 16 : index
      %get3A_225 = tpu.vector_load %arg4[%get3A_222, %get3A_223, %get3A_224] {strides = array<i32>} : memref<2x144x128xf32, #tpu.memory_space<vmem>>, vector<1x1x16xf32>,
      %get3A_226 = vector.shape_cast %get3A_225 : vector<1x1x16xf32> to vector<16xf32>
      %add3A_227 = arith.constant 0 : i32
      %add3A_228 = arith.addi %mul3A_138, %add3A_227 : i32
      %get3A_229 = arith.constant 1 : i32
      %get3A_230 = arith.index_cast %get3A_229 : i32 to index
      %get3A_231 = arith.index_cast %add3A_228 : i32 to index
      %get3A_232 = arith.constant 48 : index
      %get3A_233 = tpu.vector_load %arg4[%get3A_230, %get3A_231, %get3A_232] {strides = array<i32>} : memref<2x144x128xf32, #tpu.memory_space<vmem>>, vector<1x1x16xf32>,
      %get3A_234 = vector.shape_cast %get3A_233 : vector<1x1x16xf32> to vector<16xf32>
      %add3A_235 = arith.addf %get3A_226, %get3A_234 : vector<16xf32>
      %add3A_236 = arith.constant 0 : i32
      %add3A_237 = arith.addi %mul3A_138, %add3A_236 : i32
      %get3A_238 = arith.constant 1 : i32
      %get3A_239 = arith.index_cast %get3A_238 : i32 to index
      %get3A_240 = arith.index_cast %add3A_237 : i32 to index
      %get3A_241 = arith.constant 80 : index
      %get3A_242 = tpu.vector_load %arg4[%get3A_239, %get3A_240, %get3A_241] {strides = array<i32>} : memref<2x144x128xf32, #tpu.memory_space<vmem>>, vector<1x1x16xf32>,
      %get3A_243 = vector.shape_cast %get3A_242 : vector<1x1x16xf32> to vector<16xf32>
      %add3A_244 = arith.addf %add3A_235, %get3A_243 : vector<16xf32>
      %add3A_245 = arith.constant 0 : i32
      %add3A_246 = arith.addi %mul3A_138, %add3A_245 : i32
      %get3A_247 = arith.constant 1 : i32
      %get3A_248 = arith.index_cast %get3A_247 : i32 to index
      %get3A_249 = arith.index_cast %add3A_246 : i32 to index
      %get3A_250 = arith.constant 112 : index
      %get3A_251 = tpu.vector_load %arg4[%get3A_248, %get3A_249, %get3A_250] {strides = array<i32>} : memref<2x144x128xf32, #tpu.memory_space<vmem>>, vector<1x1x16xf32>,
      %get3A_252 = vector.shape_cast %get3A_251 : vector<1x1x16xf32> to vector<16xf32>
      %add3A_253 = arith.addf %add3A_244, %get3A_252 : vector<16xf32>
      %add3A_254 = arith.constant 1 : i32
      %add3A_255 = arith.addi %mul3A_138, %add3A_254 : i32
      %get3A_256 = arith.constant 1 : i32
      %get3A_257 = arith.index_cast %get3A_256 : i32 to index
      %get3A_258 = arith.index_cast %add3A_255 : i32 to index
      %get3A_259 = arith.constant 16 : index
      %get3A_260 = tpu.vector_load %arg4[%get3A_257, %get3A_258, %get3A_259] {strides = array<i32>} : memref<2x144x128xf32, #tpu.memory_space<vmem>>, vector<1x1x16xf32>,
      %get3A_261 = vector.shape_cast %get3A_260 : vector<1x1x16xf32> to vector<16xf32>
      %add3A_262 = arith.addf %add3A_253, %get3A_261 : vector<16xf32>
      %add3A_263 = arith.constant 1 : i32
      %add3A_264 = arith.addi %mul3A_138, %add3A_263 : i32
      %get3A_265 = arith.constant 1 : i32
      %get3A_266 = arith.index_cast %get3A_265 : i32 to index
      %get3A_267 = arith.index_cast %add3A_264 : i32 to index
      %get3A_268 = arith.constant 48 : index
      %get3A_269 = tpu.vector_load %arg4[%get3A_266, %get3A_267, %get3A_268] {strides = array<i32>} : memref<2x144x128xf32, #tpu.memory_space<vmem>>, vector<1x1x16xf32>,
      %get3A_270 = vector.shape_cast %get3A_269 : vector<1x1x16xf32> to vector<16xf32>
      %add3A_271 = arith.addf %add3A_262, %get3A_270 : vector<16xf32>
      %add3A_272 = arith.constant 1 : i32
      %add3A_273 = arith.addi %mul3A_138, %add3A_272 : i32
      %get3A_274 = arith.constant 1 : i32
      %get3A_275 = arith.index_cast %get3A_274 : i32 to index
      %get3A_276 = arith.index_cast %add3A_273 : i32 to index
      %get3A_277 = arith.constant 80 : index
      %get3A_278 = tpu.vector_load %arg4[%get3A_275, %get3A_276, %get3A_277] {strides = array<i32>} : memref<2x144x128xf32, #tpu.memory_space<vmem>>, vector<1x1x16xf32>,
      %get3A_279 = vector.shape_cast %get3A_278 : vector<1x1x16xf32> to vector<16xf32>
      %add3A_280 = arith.addf %add3A_271, %get3A_279 : vector<16xf32>
      %add3A_281 = arith.constant 1 : i32
      %add3A_282 = arith.addi %mul3A_138, %add3A_281 : i32
      %get3A_283 = arith.constant 1 : i32
      %get3A_284 = arith.index_cast %get3A_283 : i32 to index
      %get3A_285 = arith.index_cast %add3A_282 : i32 to index
      %get3A_286 = arith.constant 112 : index
      %get3A_287 = tpu.vector_load %arg4[%get3A_284, %get3A_285, %get3A_286] {strides = array<i32>} : memref<2x144x128xf32, #tpu.memory_space<vmem>>, vector<1x1x16xf32>,
      %get3A_288 = vector.shape_cast %get3A_287 : vector<1x1x16xf32> to vector<16xf32>
      %add3A_289 = arith.addf %add3A_280, %get3A_288 : vector<16xf32>
      %add3A_290 = arith.constant 16 : i32
      %add3A_291 = arith.addi %add3A_290, %scan3A_136 : i32
      %mul3A_292 = arith.constant 4 : i32
      %mul3A_293 = arith.muli %mul3A_292, %add3A_291 : i32
      %add3A_294 = arith.constant 0 : i32
      %add3A_295 = arith.addi %mul3A_293, %add3A_294 : i32
      %swap3A_296 = arith.index_cast %add3A_295 : i32 to index
      %swap3A_297 = arith.constant 16 : index
      %swap3A_298 = tpu.vector_load %arg5[%swap3A_296, %swap3A_297] {strides = array<i32>} : memref<256x32xf32, #tpu.memory_space<vmem>>, vector<1x16xf32>,
      %swap3A_299 = vector.shape_cast %swap3A_298 : vector<1x16xf32> to vector<16xf32>
      %swap3A_300 = vector.shape_cast %add3A_289 : vector<16xf32> to vector<1x16xf32>
      tpu.vector_store %arg5[%swap3A_296, %swap3A_297], %swap3A_300 {strides = array<i32>} : memref<256x32xf32, #tpu.memory_space<vmem>>, vector<1x16xf32>,
      %add3A_301 = arith.constant 2 : i32
      %add3A_302 = arith.addi %mul3A_138, %add3A_301 : i32
      %get3A_303 = arith.constant 1 : i32
      %get3A_304 = arith.index_cast %get3A_303 : i32 to index
      %get3A_305 = arith.index_cast %add3A_302 : i32 to index
      %get3A_306 = arith.constant 32 : index
      %get3A_307 = tpu.vector_load %arg4[%get3A_304, %get3A_305, %get3A_306] {strides = array<i32>} : memref<2x144x128xf32, #tpu.memory_space<vmem>>, vector<1x1x16xf32>,
      %get3A_308 = vector.shape_cast %get3A_307 : vector<1x1x16xf32> to vector<16xf32>
      %add3A_309 = arith.constant 2 : i32
      %add3A_310 = arith.addi %mul3A_138, %add3A_309 : i32
      %get3A_311 = arith.constant 1 : i32
      %get3A_312 = arith.index_cast %get3A_311 : i32 to index
      %get3A_313 = arith.index_cast %add3A_310 : i32 to index
      %get3A_314 = arith.constant 64 : index
      %get3A_315 = tpu.vector_load %arg4[%get3A_312, %get3A_313, %get3A_314] {strides = array<i32>} : memref<2x144x128xf32, #tpu.memory_space<vmem>>, vector<1x1x16xf32>,
      %get3A_316 = vector.shape_cast %get3A_315 : vector<1x1x16xf32> to vector<16xf32>
      %add3A_317 = arith.addf %get3A_308, %get3A_316 : vector<16xf32>
      %add3A_318 = arith.constant 2 : i32
      %add3A_319 = arith.addi %mul3A_138, %add3A_318 : i32
      %get3A_320 = arith.constant 1 : i32
      %get3A_321 = arith.index_cast %get3A_320 : i32 to index
      %get3A_322 = arith.index_cast %add3A_319 : i32 to index
      %get3A_323 = arith.constant 96 : index
      %get3A_324 = tpu.vector_load %arg4[%get3A_321, %get3A_322, %get3A_323] {strides = array<i32>} : memref<2x144x128xf32, #tpu.memory_space<vmem>>, vector<1x1x16xf32>,
      %get3A_325 = vector.shape_cast %get3A_324 : vector<1x1x16xf32> to vector<16xf32>
      %add3A_326 = arith.addf %add3A_317, %get3A_325 : vector<16xf32>
      %add3A_327 = arith.constant 3 : i32
      %add3A_328 = arith.addi %mul3A_138, %add3A_327 : i32
      %get3A_329 = arith.constant 1 : i32
      %get3A_330 = arith.index_cast %get3A_329 : i32 to index
      %get3A_331 = arith.index_cast %add3A_328 : i32 to index
      %get3A_332 = arith.constant 0 : index
      %get3A_333 = tpu.vector_load %arg4[%get3A_330, %get3A_331, %get3A_332] {strides = array<i32>} : memref<2x144x128xf32, #tpu.memory_space<vmem>>, vector<1x1x16xf32>,
      %get3A_334 = vector.shape_cast %get3A_333 : vector<1x1x16xf32> to vector<16xf32>
      %add3A_335 = arith.addf %add3A_326, %get3A_334 : vector<16xf32>
      %add3A_336 = arith.constant 3 : i32
      %add3A_337 = arith.addi %mul3A_138, %add3A_336 : i32
      %get3A_338 = arith.constant 1 : i32
      %get3A_339 = arith.index_cast %get3A_338 : i32 to index
      %get3A_340 = arith.index_cast %add3A_337 : i32 to index
      %get3A_341 = arith.constant 32 : index
      %get3A_342 = tpu.vector_load %arg4[%get3A_339, %get3A_340, %get3A_341] {strides = array<i32>} : memref<2x144x128xf32, #tpu.memory_space<vmem>>, vector<1x1x16xf32>,
      %get3A_343 = vector.shape_cast %get3A_342 : vector<1x1x16xf32> to vector<16xf32>
      %add3A_344 = arith.addf %add3A_335, %get3A_343 : vector<16xf32>
      %add3A_345 = arith.constant 3 : i32
      %add3A_346 = arith.addi %mul3A_138, %add3A_345 : i32
      %get3A_347 = arith.constant 1 : i32
      %get3A_348 = arith.index_cast %get3A_347 : i32 to index
      %get3A_349 = arith.index_cast %add3A_346 : i32 to index
      %get3A_350 = arith.constant 64 : index
      %get3A_351 = tpu.vector_load %arg4[%get3A_348, %get3A_349, %get3A_350] {strides = array<i32>} : memref<2x144x128xf32, #tpu.memory_space<vmem>>, vector<1x1x16xf32>,
      %get3A_352 = vector.shape_cast %get3A_351 : vector<1x1x16xf32> to vector<16xf32>
      %add3A_353 = arith.addf %add3A_344, %get3A_352 : vector<16xf32>
      %add3A_354 = arith.constant 3 : i32
      %add3A_355 = arith.addi %mul3A_138, %add3A_354 : i32
      %get3A_356 = arith.constant 1 : i32
      %get3A_357 = arith.index_cast %get3A_356 : i32 to index
      %get3A_358 = arith.index_cast %add3A_355 : i32 to index
      %get3A_359 = arith.constant 96 : index
      %get3A_360 = tpu.vector_load %arg4[%get3A_357, %get3A_358, %get3A_359] {strides = array<i32>} : memref<2x144x128xf32, #tpu.memory_space<vmem>>, vector<1x1x16xf32>,
      %get3A_361 = vector.shape_cast %get3A_360 : vector<1x1x16xf32> to vector<16xf32>
      %add3A_362 = arith.addf %add3A_353, %get3A_361 : vector<16xf32>
      %add3A_363 = arith.constant 4 : i32
      %add3A_364 = arith.addi %mul3A_138, %add3A_363 : i32
      %get3A_365 = arith.constant 1 : i32
      %get3A_366 = arith.index_cast %get3A_365 : i32 to index
      %get3A_367 = arith.index_cast %add3A_364 : i32 to index
      %get3A_368 = arith.constant 0 : index
      %get3A_369 = tpu.vector_load %arg4[%get3A_366, %get3A_367, %get3A_368] {strides = array<i32>} : memref<2x144x128xf32, #tpu.memory_space<vmem>>, vector<1x1x16xf32>,
      %get3A_370 = vector.shape_cast %get3A_369 : vector<1x1x16xf32> to vector<16xf32>
      %add3A_371 = arith.addf %add3A_362, %get3A_370 : vector<16xf32>
      %add3A_372 = arith.constant 16 : i32
      %add3A_373 = arith.addi %add3A_372, %scan3A_136 : i32
      %mul3A_374 = arith.constant 4 : i32
      %mul3A_375 = arith.muli %mul3A_374, %add3A_373 : i32
      %add3A_376 = arith.constant 1 : i32
      %add3A_377 = arith.addi %mul3A_375, %add3A_376 : i32
      %swap3A_378 = arith.index_cast %add3A_377 : i32 to index
      %swap3A_379 = arith.constant 0 : index
      %swap3A_380 = tpu.vector_load %arg5[%swap3A_378, %swap3A_379] {strides = array<i32>} : memref<256x32xf32, #tpu.memory_space<vmem>>, vector<1x16xf32>,
      %swap3A_381 = vector.shape_cast %swap3A_380 : vector<1x16xf32> to vector<16xf32>
      %swap3A_382 = vector.shape_cast %add3A_371 : vector<16xf32> to vector<1x16xf32>
      tpu.vector_store %arg5[%swap3A_378, %swap3A_379], %swap3A_382 {strides = array<i32>} : memref<256x32xf32, #tpu.memory_space<vmem>>, vector<1x16xf32>,
      %add3A_383 = arith.constant 2 : i32
      %add3A_384 = arith.addi %mul3A_138, %add3A_383 : i32
      %get3A_385 = arith.constant 1 : i32
      %get3A_386 = arith.index_cast %get3A_385 : i32 to index
      %get3A_387 = arith.index_cast %add3A_384 : i32 to index
      %get3A_388 = arith.constant 48 : index
      %get3A_389 = tpu.vector_load %arg4[%get3A_386, %get3A_387, %get3A_388] {strides = array<i32>} : memref<2x144x128xf32, #tpu.memory_space<vmem>>, vector<1x1x16xf32>,
      %get3A_390 = vector.shape_cast %get3A_389 : vector<1x1x16xf32> to vector<16xf32>
      %add3A_391 = arith.constant 2 : i32
      %add3A_392 = arith.addi %mul3A_138, %add3A_391 : i32
      %get3A_393 = arith.constant 1 : i32
      %get3A_394 = arith.index_cast %get3A_393 : i32 to index
      %get3A_395 = arith.index_cast %add3A_392 : i32 to index
      %get3A_396 = arith.constant 80 : index
      %get3A_397 = tpu.vector_load %arg4[%get3A_394, %get3A_395, %get3A_396] {strides = array<i32>} : memref<2x144x128xf32, #tpu.memory_space<vmem>>, vector<1x1x16xf32>,
      %get3A_398 = vector.shape_cast %get3A_397 : vector<1x1x16xf32> to vector<16xf32>
      %add3A_399 = arith.addf %get3A_390, %get3A_398 : vector<16xf32>
      %add3A_400 = arith.constant 2 : i32
      %add3A_401 = arith.addi %mul3A_138, %add3A_400 : i32
      %get3A_402 = arith.constant 1 : i32
      %get3A_403 = arith.index_cast %get3A_402 : i32 to index
      %get3A_404 = arith.index_cast %add3A_401 : i32 to index
      %get3A_405 = arith.constant 112 : index
      %get3A_406 = tpu.vector_load %arg4[%get3A_403, %get3A_404, %get3A_405] {strides = array<i32>} : memref<2x144x128xf32, #tpu.memory_space<vmem>>, vector<1x1x16xf32>,
      %get3A_407 = vector.shape_cast %get3A_406 : vector<1x1x16xf32> to vector<16xf32>
      %add3A_408 = arith.addf %add3A_399, %get3A_407 : vector<16xf32>
      %add3A_409 = arith.constant 3 : i32
      %add3A_410 = arith.addi %mul3A_138, %add3A_409 : i32
      %get3A_411 = arith.constant 1 : i32
      %get3A_412 = arith.index_cast %get3A_411 : i32 to index
      %get3A_413 = arith.index_cast %add3A_410 : i32 to index
      %get3A_414 = arith.constant 16 : index
      %get3A_415 = tpu.vector_load %arg4[%get3A_412, %get3A_413, %get3A_414] {strides = array<i32>} : memref<2x144x128xf32, #tpu.memory_space<vmem>>, vector<1x1x16xf32>,
      %get3A_416 = vector.shape_cast %get3A_415 : vector<1x1x16xf32> to vector<16xf32>
      %add3A_417 = arith.addf %add3A_408, %get3A_416 : vector<16xf32>
      %add3A_418 = arith.constant 3 : i32
      %add3A_419 = arith.addi %mul3A_138, %add3A_418 : i32
      %get3A_420 = arith.constant 1 : i32
      %get3A_421 = arith.index_cast %get3A_420 : i32 to index
      %get3A_422 = arith.index_cast %add3A_419 : i32 to index
      %get3A_423 = arith.constant 48 : index
      %get3A_424 = tpu.vector_load %arg4[%get3A_421, %get3A_422, %get3A_423] {strides = array<i32>} : memref<2x144x128xf32, #tpu.memory_space<vmem>>, vector<1x1x16xf32>,
      %get3A_425 = vector.shape_cast %get3A_424 : vector<1x1x16xf32> to vector<16xf32>
      %add3A_426 = arith.addf %add3A_417, %get3A_425 : vector<16xf32>
      %add3A_427 = arith.constant 3 : i32
      %add3A_428 = arith.addi %mul3A_138, %add3A_427 : i32
      %get3A_429 = arith.constant 1 : i32
      %get3A_430 = arith.index_cast %get3A_429 : i32 to index
      %get3A_431 = arith.index_cast %add3A_428 : i32 to index
      %get3A_432 = arith.constant 80 : index
      %get3A_433 = tpu.vector_load %arg4[%get3A_430, %get3A_431, %get3A_432] {strides = array<i32>} : memref<2x144x128xf32, #tpu.memory_space<vmem>>, vector<1x1x16xf32>,
      %get3A_434 = vector.shape_cast %get3A_433 : vector<1x1x16xf32> to vector<16xf32>
      %add3A_435 = arith.addf %add3A_426, %get3A_434 : vector<16xf32>
      %add3A_436 = arith.constant 3 : i32
      %add3A_437 = arith.addi %mul3A_138, %add3A_436 : i32
      %get3A_438 = arith.constant 1 : i32
      %get3A_439 = arith.index_cast %get3A_438 : i32 to index
      %get3A_440 = arith.index_cast %add3A_437 : i32 to index
      %get3A_441 = arith.constant 112 : index
      %get3A_442 = tpu.vector_load %arg4[%get3A_439, %get3A_440, %get3A_441] {strides = array<i32>} : memref<2x144x128xf32, #tpu.memory_space<vmem>>, vector<1x1x16xf32>,
      %get3A_443 = vector.shape_cast %get3A_442 : vector<1x1x16xf32> to vector<16xf32>
      %add3A_444 = arith.addf %add3A_435, %get3A_443 : vector<16xf32>
      %add3A_445 = arith.constant 4 : i32
      %add3A_446 = arith.addi %mul3A_138, %add3A_445 : i32
      %get3A_447 = arith.constant 1 : i32
      %get3A_448 = arith.index_cast %get3A_447 : i32 to index
      %get3A_449 = arith.index_cast %add3A_446 : i32 to index
      %get3A_450 = arith.constant 16 : index
      %get3A_451 = tpu.vector_load %arg4[%get3A_448, %get3A_449, %get3A_450] {strides = array<i32>} : memref<2x144x128xf32, #tpu.memory_space<vmem>>, vector<1x1x16xf32>,
      %get3A_452 = vector.shape_cast %get3A_451 : vector<1x1x16xf32> to vector<16xf32>
      %add3A_453 = arith.addf %add3A_444, %get3A_452 : vector<16xf32>
      %add3A_454 = arith.constant 16 : i32
      %add3A_455 = arith.addi %add3A_454, %scan3A_136 : i32
      %mul3A_456 = arith.constant 4 : i32
      %mul3A_457 = arith.muli %mul3A_456, %add3A_455 : i32
      %add3A_458 = arith.constant 1 : i32
      %add3A_459 = arith.addi %mul3A_457, %add3A_458 : i32
      %swap3A_460 = arith.index_cast %add3A_459 : i32 to index
      %swap3A_461 = arith.constant 16 : index
      %swap3A_462 = tpu.vector_load %arg5[%swap3A_460, %swap3A_461] {strides = array<i32>} : memref<256x32xf32, #tpu.memory_space<vmem>>, vector<1x16xf32>,
      %swap3A_463 = vector.shape_cast %swap3A_462 : vector<1x16xf32> to vector<16xf32>
      %swap3A_464 = vector.shape_cast %add3A_453 : vector<16xf32> to vector<1x16xf32>
      tpu.vector_store %arg5[%swap3A_460, %swap3A_461], %swap3A_464 {strides = array<i32>} : memref<256x32xf32, #tpu.memory_space<vmem>>, vector<1x16xf32>,
      %add3A_465 = arith.constant 4 : i32
      %add3A_466 = arith.addi %mul3A_138, %add3A_465 : i32
      %get3A_467 = arith.constant 1 : i32
      %get3A_468 = arith.index_cast %get3A_467 : i32 to index
      %get3A_469 = arith.index_cast %add3A_466 : i32 to index
      %get3A_470 = arith.constant 64 : index
      %get3A_471 = tpu.vector_load %arg4[%get3A_468, %get3A_469, %get3A_470] {strides = array<i32>} : memref<2x144x128xf32, #tpu.memory_space<vmem>>, vector<1x1x16xf32>,
      %get3A_472 = vector.shape_cast %get3A_471 : vector<1x1x16xf32> to vector<16xf32>
      %add3A_473 = arith.constant 4 : i32
      %add3A_474 = arith.addi %mul3A_138, %add3A_473 : i32
      %get3A_475 = arith.constant 1 : i32
      %get3A_476 = arith.index_cast %get3A_475 : i32 to index
      %get3A_477 = arith.index_cast %add3A_474 : i32 to index
      %get3A_478 = arith.constant 96 : index
      %get3A_479 = tpu.vector_load %arg4[%get3A_476, %get3A_477, %get3A_478] {strides = array<i32>} : memref<2x144x128xf32, #tpu.memory_space<vmem>>, vector<1x1x16xf32>,
      %get3A_480 = vector.shape_cast %get3A_479 : vector<1x1x16xf32> to vector<16xf32>
      %add3A_481 = arith.addf %get3A_472, %get3A_480 : vector<16xf32>
      %add3A_482 = arith.constant 5 : i32
      %add3A_483 = arith.addi %mul3A_138, %add3A_482 : i32
      %get3A_484 = arith.constant 1 : i32
      %get3A_485 = arith.index_cast %get3A_484 : i32 to index
      %get3A_486 = arith.index_cast %add3A_483 : i32 to index
      %get3A_487 = arith.constant 0 : index
      %get3A_488 = tpu.vector_load %arg4[%get3A_485, %get3A_486, %get3A_487] {strides = array<i32>} : memref<2x144x128xf32, #tpu.memory_space<vmem>>, vector<1x1x16xf32>,
      %get3A_489 = vector.shape_cast %get3A_488 : vector<1x1x16xf32> to vector<16xf32>
      %add3A_490 = arith.addf %add3A_481, %get3A_489 : vector<16xf32>
      %add3A_491 = arith.constant 5 : i32
      %add3A_492 = arith.addi %mul3A_138, %add3A_491 : i32
      %get3A_493 = arith.constant 1 : i32
      %get3A_494 = arith.index_cast %get3A_493 : i32 to index
      %get3A_495 = arith.index_cast %add3A_492 : i32 to index
      %get3A_496 = arith.constant 32 : index
      %get3A_497 = tpu.vector_load %arg4[%get3A_494, %get3A_495, %get3A_496] {strides = array<i32>} : memref<2x144x128xf32, #tpu.memory_space<vmem>>, vector<1x1x16xf32>,
      %get3A_498 = vector.shape_cast %get3A_497 : vector<1x1x16xf32> to vector<16xf32>
      %add3A_499 = arith.addf %add3A_490, %get3A_498 : vector<16xf32>
      %add3A_500 = arith.constant 5 : i32
      %add3A_501 = arith.addi %mul3A_138, %add3A_500 : i32
      %get3A_502 = arith.constant 1 : i32
      %get3A_503 = arith.index_cast %get3A_502 : i32 to index
      %get3A_504 = arith.index_cast %add3A_501 : i32 to index
      %get3A_505 = arith.constant 64 : index
      %get3A_506 = tpu.vector_load %arg4[%get3A_503, %get3A_504, %get3A_505] {strides = array<i32>} : memref<2x144x128xf32, #tpu.memory_space<vmem>>, vector<1x1x16xf32>,
      %get3A_507 = vector.shape_cast %get3A_506 : vector<1x1x16xf32> to vector<16xf32>
      %add3A_508 = arith.addf %add3A_499, %get3A_507 : vector<16xf32>
      %add3A_509 = arith.constant 5 : i32
      %add3A_510 = arith.addi %mul3A_138, %add3A_509 : i32
      %get3A_511 = arith.constant 1 : i32
      %get3A_512 = arith.index_cast %get3A_511 : i32 to index
      %get3A_513 = arith.index_cast %add3A_510 : i32 to index
      %get3A_514 = arith.constant 96 : index
      %get3A_515 = tpu.vector_load %arg4[%get3A_512, %get3A_513, %get3A_514] {strides = array<i32>} : memref<2x144x128xf32, #tpu.memory_space<vmem>>, vector<1x1x16xf32>,
      %get3A_516 = vector.shape_cast %get3A_515 : vector<1x1x16xf32> to vector<16xf32>
      %add3A_517 = arith.addf %add3A_508, %get3A_516 : vector<16xf32>
      %add3A_518 = arith.constant 6 : i32
      %add3A_519 = arith.addi %mul3A_138, %add3A_518 : i32
      %get3A_520 = arith.constant 1 : i32
      %get3A_521 = arith.index_cast %get3A_520 : i32 to index
      %get3A_522 = arith.index_cast %add3A_519 : i32 to index
      %get3A_523 = arith.constant 0 : index
      %get3A_524 = tpu.vector_load %arg4[%get3A_521, %get3A_522, %get3A_523] {strides = array<i32>} : memref<2x144x128xf32, #tpu.memory_space<vmem>>, vector<1x1x16xf32>,
      %get3A_525 = vector.shape_cast %get3A_524 : vector<1x1x16xf32> to vector<16xf32>
      %add3A_526 = arith.addf %add3A_517, %get3A_525 : vector<16xf32>
      %add3A_527 = arith.constant 6 : i32
      %add3A_528 = arith.addi %mul3A_138, %add3A_527 : i32
      %get3A_529 = arith.constant 1 : i32
      %get3A_530 = arith.index_cast %get3A_529 : i32 to index
      %get3A_531 = arith.index_cast %add3A_528 : i32 to index
      %get3A_532 = arith.constant 32 : index
      %get3A_533 = tpu.vector_load %arg4[%get3A_530, %get3A_531, %get3A_532] {strides = array<i32>} : memref<2x144x128xf32, #tpu.memory_space<vmem>>, vector<1x1x16xf32>,
      %get3A_534 = vector.shape_cast %get3A_533 : vector<1x1x16xf32> to vector<16xf32>
      %add3A_535 = arith.addf %add3A_526, %get3A_534 : vector<16xf32>
      %add3A_536 = arith.constant 16 : i32
      %add3A_537 = arith.addi %add3A_536, %scan3A_136 : i32
      %mul3A_538 = arith.constant 4 : i32
      %mul3A_539 = arith.muli %mul3A_538, %add3A_537 : i32
      %add3A_540 = arith.constant 2 : i32
      %add3A_541 = arith.addi %mul3A_539, %add3A_540 : i32
      %swap3A_542 = arith.index_cast %add3A_541 : i32 to index
      %swap3A_543 = arith.constant 0 : index
      %swap3A_544 = tpu.vector_load %arg5[%swap3A_542, %swap3A_543] {strides = array<i32>} : memref<256x32xf32, #tpu.memory_space<vmem>>, vector<1x16xf32>,
      %swap3A_545 = vector.shape_cast %swap3A_544 : vector<1x16xf32> to vector<16xf32>
      %swap3A_546 = vector.shape_cast %add3A_535 : vector<16xf32> to vector<1x16xf32>
      tpu.vector_store %arg5[%swap3A_542, %swap3A_543], %swap3A_546 {strides = array<i32>} : memref<256x32xf32, #tpu.memory_space<vmem>>, vector<1x16xf32>,
      %add3A_547 = arith.constant 4 : i32
      %add3A_548 = arith.addi %mul3A_138, %add3A_547 : i32
      %get3A_549 = arith.constant 1 : i32
      %get3A_550 = arith.index_cast %get3A_549 : i32 to index
      %get3A_551 = arith.index_cast %add3A_548 : i32 to index
      %get3A_552 = arith.constant 80 : index
      %get3A_553 = tpu.vector_load %arg4[%get3A_550, %get3A_551, %get3A_552] {strides = array<i32>} : memref<2x144x128xf32, #tpu.memory_space<vmem>>, vector<1x1x16xf32>,
      %get3A_554 = vector.shape_cast %get3A_553 : vector<1x1x16xf32> to vector<16xf32>
      %add3A_555 = arith.constant 4 : i32
      %add3A_556 = arith.addi %mul3A_138, %add3A_555 : i32
      %get3A_557 = arith.constant 1 : i32
      %get3A_558 = arith.index_cast %get3A_557 : i32 to index
      %get3A_559 = arith.index_cast %add3A_556 : i32 to index
      %get3A_560 = arith.constant 112 : index
      %get3A_561 = tpu.vector_load %arg4[%get3A_558, %get3A_559, %get3A_560] {strides = array<i32>} : memref<2x144x128xf32, #tpu.memory_space<vmem>>, vector<1x1x16xf32>,
      %get3A_562 = vector.shape_cast %get3A_561 : vector<1x1x16xf32> to vector<16xf32>
      %add3A_563 = arith.addf %get3A_554, %get3A_562 : vector<16xf32>
      %add3A_564 = arith.constant 5 : i32
      %add3A_565 = arith.addi %mul3A_138, %add3A_564 : i32
      %get3A_566 = arith.constant 1 : i32
      %get3A_567 = arith.index_cast %get3A_566 : i32 to index
      %get3A_568 = arith.index_cast %add3A_565 : i32 to index
      %get3A_569 = arith.constant 16 : index
      %get3A_570 = tpu.vector_load %arg4[%get3A_567, %get3A_568, %get3A_569] {strides = array<i32>} : memref<2x144x128xf32, #tpu.memory_space<vmem>>, vector<1x1x16xf32>,
      %get3A_571 = vector.shape_cast %get3A_570 : vector<1x1x16xf32> to vector<16xf32>
      %add3A_572 = arith.addf %add3A_563, %get3A_571 : vector<16xf32>
      %add3A_573 = arith.constant 5 : i32
      %add3A_574 = arith.addi %mul3A_138, %add3A_573 : i32
      %get3A_575 = arith.constant 1 : i32
      %get3A_576 = arith.index_cast %get3A_575 : i32 to index
      %get3A_577 = arith.index_cast %add3A_574 : i32 to index
      %get3A_578 = arith.constant 48 : index
      %get3A_579 = tpu.vector_load %arg4[%get3A_576, %get3A_577, %get3A_578] {strides = array<i32>} : memref<2x144x128xf32, #tpu.memory_space<vmem>>, vector<1x1x16xf32>,
      %get3A_580 = vector.shape_cast %get3A_579 : vector<1x1x16xf32> to vector<16xf32>
      %add3A_581 = arith.addf %add3A_572, %get3A_580 : vector<16xf32>
      %add3A_582 = arith.constant 5 : i32
      %add3A_583 = arith.addi %mul3A_138, %add3A_582 : i32
      %get3A_584 = arith.constant 1 : i32
      %get3A_585 = arith.index_cast %get3A_584 : i32 to index
      %get3A_586 = arith.index_cast %add3A_583 : i32 to index
      %get3A_587 = arith.constant 80 : index
      %get3A_588 = tpu.vector_load %arg4[%get3A_585, %get3A_586, %get3A_587] {strides = array<i32>} : memref<2x144x128xf32, #tpu.memory_space<vmem>>, vector<1x1x16xf32>,
      %get3A_589 = vector.shape_cast %get3A_588 : vector<1x1x16xf32> to vector<16xf32>
      %add3A_590 = arith.addf %add3A_581, %get3A_589 : vector<16xf32>
      %add3A_591 = arith.constant 5 : i32
      %add3A_592 = arith.addi %mul3A_138, %add3A_591 : i32
      %get3A_593 = arith.constant 1 : i32
      %get3A_594 = arith.index_cast %get3A_593 : i32 to index
      %get3A_595 = arith.index_cast %add3A_592 : i32 to index
      %get3A_596 = arith.constant 112 : index
      %get3A_597 = tpu.vector_load %arg4[%get3A_594, %get3A_595, %get3A_596] {strides = array<i32>} : memref<2x144x128xf32, #tpu.memory_space<vmem>>, vector<1x1x16xf32>,
      %get3A_598 = vector.shape_cast %get3A_597 : vector<1x1x16xf32> to vector<16xf32>
      %add3A_599 = arith.addf %add3A_590, %get3A_598 : vector<16xf32>
      %add3A_600 = arith.constant 6 : i32
      %add3A_601 = arith.addi %mul3A_138, %add3A_600 : i32
      %get3A_602 = arith.constant 1 : i32
      %get3A_603 = arith.index_cast %get3A_602 : i32 to index
      %get3A_604 = arith.index_cast %add3A_601 : i32 to index
      %get3A_605 = arith.constant 16 : index
      %get3A_606 = tpu.vector_load %arg4[%get3A_603, %get3A_604, %get3A_605] {strides = array<i32>} : memref<2x144x128xf32, #tpu.memory_space<vmem>>, vector<1x1x16xf32>,
      %get3A_607 = vector.shape_cast %get3A_606 : vector<1x1x16xf32> to vector<16xf32>
      %add3A_608 = arith.addf %add3A_599, %get3A_607 : vector<16xf32>
      %add3A_609 = arith.constant 6 : i32
      %add3A_610 = arith.addi %mul3A_138, %add3A_609 : i32
      %get3A_611 = arith.constant 1 : i32
      %get3A_612 = arith.index_cast %get3A_611 : i32 to index
      %get3A_613 = arith.index_cast %add3A_610 : i32 to index
      %get3A_614 = arith.constant 48 : index
      %get3A_615 = tpu.vector_load %arg4[%get3A_612, %get3A_613, %get3A_614] {strides = array<i32>} : memref<2x144x128xf32, #tpu.memory_space<vmem>>, vector<1x1x16xf32>,
      %get3A_616 = vector.shape_cast %get3A_615 : vector<1x1x16xf32> to vector<16xf32>
      %add3A_617 = arith.addf %add3A_608, %get3A_616 : vector<16xf32>
      %add3A_618 = arith.constant 16 : i32
      %add3A_619 = arith.addi %add3A_618, %scan3A_136 : i32
      %mul3A_620 = arith.constant 4 : i32
      %mul3A_621 = arith.muli %mul3A_620, %add3A_619 : i32
      %add3A_622 = arith.constant 2 : i32
      %add3A_623 = arith.addi %mul3A_621, %add3A_622 : i32
      %swap3A_624 = arith.index_cast %add3A_623 : i32 to index
      %swap3A_625 = arith.constant 16 : index
      %swap3A_626 = tpu.vector_load %arg5[%swap3A_624, %swap3A_625] {strides = array<i32>} : memref<256x32xf32, #tpu.memory_space<vmem>>, vector<1x16xf32>,
      %swap3A_627 = vector.shape_cast %swap3A_626 : vector<1x16xf32> to vector<16xf32>
      %swap3A_628 = vector.shape_cast %add3A_617 : vector<16xf32> to vector<1x16xf32>
      tpu.vector_store %arg5[%swap3A_624, %swap3A_625], %swap3A_628 {strides = array<i32>} : memref<256x32xf32, #tpu.memory_space<vmem>>, vector<1x16xf32>,
      %add3A_629 = arith.constant 6 : i32
      %add3A_630 = arith.addi %mul3A_138, %add3A_629 : i32
      %get3A_631 = arith.constant 1 : i32
      %get3A_632 = arith.index_cast %get3A_631 : i32 to index
      %get3A_633 = arith.index_cast %add3A_630 : i32 to index
      %get3A_634 = arith.constant 96 : index
      %get3A_635 = tpu.vector_load %arg4[%get3A_632, %get3A_633, %get3A_634] {strides = array<i32>} : memref<2x144x128xf32, #tpu.memory_space<vmem>>, vector<1x1x16xf32>,
      %get3A_636 = vector.shape_cast %get3A_635 : vector<1x1x16xf32> to vector<16xf32>
      %add3A_637 = arith.constant 7 : i32
      %add3A_638 = arith.addi %mul3A_138, %add3A_637 : i32
      %get3A_639 = arith.constant 1 : i32
      %get3A_640 = arith.index_cast %get3A_639 : i32 to index
      %get3A_641 = arith.index_cast %add3A_638 : i32 to index
      %get3A_642 = arith.constant 0 : index
      %get3A_643 = tpu.vector_load %arg4[%get3A_640, %get3A_641, %get3A_642] {strides = array<i32>} : memref<2x144x128xf32, #tpu.memory_space<vmem>>, vector<1x1x16xf32>,
      %get3A_644 = vector.shape_cast %get3A_643 : vector<1x1x16xf32> to vector<16xf32>
      %add3A_645 = arith.addf %get3A_636, %get3A_644 : vector<16xf32>
      %add3A_646 = arith.constant 7 : i32
      %add3A_647 = arith.addi %mul3A_138, %add3A_646 : i32
      %get3A_648 = arith.constant 1 : i32
      %get3A_649 = arith.index_cast %get3A_648 : i32 to index
      %get3A_650 = arith.index_cast %add3A_647 : i32 to index
      %get3A_651 = arith.constant 32 : index
      %get3A_652 = tpu.vector_load %arg4[%get3A_649, %get3A_650, %get3A_651] {strides = array<i32>} : memref<2x144x128xf32, #tpu.memory_space<vmem>>, vector<1x1x16xf32>,
      %get3A_653 = vector.shape_cast %get3A_652 : vector<1x1x16xf32> to vector<16xf32>
      %add3A_654 = arith.addf %add3A_645, %get3A_653 : vector<16xf32>
      %add3A_655 = arith.constant 7 : i32
      %add3A_656 = arith.addi %mul3A_138, %add3A_655 : i32
      %get3A_657 = arith.constant 1 : i32
      %get3A_658 = arith.index_cast %get3A_657 : i32 to index
      %get3A_659 = arith.index_cast %add3A_656 : i32 to index
      %get3A_660 = arith.constant 64 : index
      %get3A_661 = tpu.vector_load %arg4[%get3A_658, %get3A_659, %get3A_660] {strides = array<i32>} : memref<2x144x128xf32, #tpu.memory_space<vmem>>, vector<1x1x16xf32>,
      %get3A_662 = vector.shape_cast %get3A_661 : vector<1x1x16xf32> to vector<16xf32>
      %add3A_663 = arith.addf %add3A_654, %get3A_662 : vector<16xf32>
      %add3A_664 = arith.constant 7 : i32
      %add3A_665 = arith.addi %mul3A_138, %add3A_664 : i32
      %get3A_666 = arith.constant 1 : i32
      %get3A_667 = arith.index_cast %get3A_666 : i32 to index
      %get3A_668 = arith.index_cast %add3A_665 : i32 to index
      %get3A_669 = arith.constant 96 : index
      %get3A_670 = tpu.vector_load %arg4[%get3A_667, %get3A_668, %get3A_669] {strides = array<i32>} : memref<2x144x128xf32, #tpu.memory_space<vmem>>, vector<1x1x16xf32>,
      %get3A_671 = vector.shape_cast %get3A_670 : vector<1x1x16xf32> to vector<16xf32>
      %add3A_672 = arith.addf %add3A_663, %get3A_671 : vector<16xf32>
      %add3A_673 = arith.constant 8 : i32
      %add3A_674 = arith.addi %mul3A_138, %add3A_673 : i32
      %get3A_675 = arith.constant 1 : i32
      %get3A_676 = arith.index_cast %get3A_675 : i32 to index
      %get3A_677 = arith.index_cast %add3A_674 : i32 to index
      %get3A_678 = arith.constant 0 : index
      %get3A_679 = tpu.vector_load %arg4[%get3A_676, %get3A_677, %get3A_678] {strides = array<i32>} : memref<2x144x128xf32, #tpu.memory_space<vmem>>, vector<1x1x16xf32>,
      %get3A_680 = vector.shape_cast %get3A_679 : vector<1x1x16xf32> to vector<16xf32>
      %add3A_681 = arith.addf %add3A_672, %get3A_680 : vector<16xf32>
      %add3A_682 = arith.constant 8 : i32
      %add3A_683 = arith.addi %mul3A_138, %add3A_682 : i32
      %get3A_684 = arith.constant 1 : i32
      %get3A_685 = arith.index_cast %get3A_684 : i32 to index
      %get3A_686 = arith.index_cast %add3A_683 : i32 to index
      %get3A_687 = arith.constant 32 : index
      %get3A_688 = tpu.vector_load %arg4[%get3A_685, %get3A_686, %get3A_687] {strides = array<i32>} : memref<2x144x128xf32, #tpu.memory_space<vmem>>, vector<1x1x16xf32>,
      %get3A_689 = vector.shape_cast %get3A_688 : vector<1x1x16xf32> to vector<16xf32>
      %add3A_690 = arith.addf %add3A_681, %get3A_689 : vector<16xf32>
      %add3A_691 = arith.constant 8 : i32
      %add3A_692 = arith.addi %mul3A_138, %add3A_691 : i32
      %get3A_693 = arith.constant 1 : i32
      %get3A_694 = arith.index_cast %get3A_693 : i32 to index
      %get3A_695 = arith.index_cast %add3A_692 : i32 to index
      %get3A_696 = arith.constant 64 : index
      %get3A_697 = tpu.vector_load %arg4[%get3A_694, %get3A_695, %get3A_696] {strides = array<i32>} : memref<2x144x128xf32, #tpu.memory_space<vmem>>, vector<1x1x16xf32>,
      %get3A_698 = vector.shape_cast %get3A_697 : vector<1x1x16xf32> to vector<16xf32>
      %add3A_699 = arith.addf %add3A_690, %get3A_698 : vector<16xf32>
      %add3A_700 = arith.constant 16 : i32
      %add3A_701 = arith.addi %add3A_700, %scan3A_136 : i32
      %mul3A_702 = arith.constant 4 : i32
      %mul3A_703 = arith.muli %mul3A_702, %add3A_701 : i32
      %add3A_704 = arith.constant 3 : i32
      %add3A_705 = arith.addi %mul3A_703, %add3A_704 : i32
      %swap3A_706 = arith.index_cast %add3A_705 : i32 to index
      %swap3A_707 = arith.constant 0 : index
      %swap3A_708 = tpu.vector_load %arg5[%swap3A_706, %swap3A_707] {strides = array<i32>} : memref<256x32xf32, #tpu.memory_space<vmem>>, vector<1x16xf32>,
      %swap3A_709 = vector.shape_cast %swap3A_708 : vector<1x16xf32> to vector<16xf32>
      %swap3A_710 = vector.shape_cast %add3A_699 : vector<16xf32> to vector<1x16xf32>
      tpu.vector_store %arg5[%swap3A_706, %swap3A_707], %swap3A_710 {strides = array<i32>} : memref<256x32xf32, #tpu.memory_space<vmem>>, vector<1x16xf32>,
      %add3A_711 = arith.constant 6 : i32
      %add3A_712 = arith.addi %mul3A_138, %add3A_711 : i32
      %get3A_713 = arith.constant 1 : i32
      %get3A_714 = arith.index_cast %get3A_713 : i32 to index
      %get3A_715 = arith.index_cast %add3A_712 : i32 to index
      %get3A_716 = arith.constant 112 : index
      %get3A_717 = tpu.vector_load %arg4[%get3A_714, %get3A_715, %get3A_716] {strides = array<i32>} : memref<2x144x128xf32, #tpu.memory_space<vmem>>, vector<1x1x16xf32>,
      %get3A_718 = vector.shape_cast %get3A_717 : vector<1x1x16xf32> to vector<16xf32>
      %add3A_719 = arith.constant 7 : i32
      %add3A_720 = arith.addi %mul3A_138, %add3A_719 : i32
      %get3A_721 = arith.constant 1 : i32
      %get3A_722 = arith.index_cast %get3A_721 : i32 to index
      %get3A_723 = arith.index_cast %add3A_720 : i32 to index
      %get3A_724 = arith.constant 16 : index
      %get3A_725 = tpu.vector_load %arg4[%get3A_722, %get3A_723, %get3A_724] {strides = array<i32>} : memref<2x144x128xf32, #tpu.memory_space<vmem>>, vector<1x1x16xf32>,
      %get3A_726 = vector.shape_cast %get3A_725 : vector<1x1x16xf32> to vector<16xf32>
      %add3A_727 = arith.addf %get3A_718, %get3A_726 : vector<16xf32>
      %add3A_728 = arith.constant 7 : i32
      %add3A_729 = arith.addi %mul3A_138, %add3A_728 : i32
      %get3A_730 = arith.constant 1 : i32
      %get3A_731 = arith.index_cast %get3A_730 : i32 to index
      %get3A_732 = arith.index_cast %add3A_729 : i32 to index
      %get3A_733 = arith.constant 48 : index
      %get3A_734 = tpu.vector_load %arg4[%get3A_731, %get3A_732, %get3A_733] {strides = array<i32>} : memref<2x144x128xf32, #tpu.memory_space<vmem>>, vector<1x1x16xf32>,
      %get3A_735 = vector.shape_cast %get3A_734 : vector<1x1x16xf32> to vector<16xf32>
      %add3A_736 = arith.addf %add3A_727, %get3A_735 : vector<16xf32>
      %add3A_737 = arith.constant 7 : i32
      %add3A_738 = arith.addi %mul3A_138, %add3A_737 : i32
      %get3A_739 = arith.constant 1 : i32
      %get3A_740 = arith.index_cast %get3A_739 : i32 to index
      %get3A_741 = arith.index_cast %add3A_738 : i32 to index
      %get3A_742 = arith.constant 80 : index
      %get3A_743 = tpu.vector_load %arg4[%get3A_740, %get3A_741, %get3A_742] {strides = array<i32>} : memref<2x144x128xf32, #tpu.memory_space<vmem>>, vector<1x1x16xf32>,
      %get3A_744 = vector.shape_cast %get3A_743 : vector<1x1x16xf32> to vector<16xf32>
      %add3A_745 = arith.addf %add3A_736, %get3A_744 : vector<16xf32>
      %add3A_746 = arith.constant 7 : i32
      %add3A_747 = arith.addi %mul3A_138, %add3A_746 : i32
      %get3A_748 = arith.constant 1 : i32
      %get3A_749 = arith.index_cast %get3A_748 : i32 to index
      %get3A_750 = arith.index_cast %add3A_747 : i32 to index
      %get3A_751 = arith.constant 112 : index
      %get3A_752 = tpu.vector_load %arg4[%get3A_749, %get3A_750, %get3A_751] {strides = array<i32>} : memref<2x144x128xf32, #tpu.memory_space<vmem>>, vector<1x1x16xf32>,
      %get3A_753 = vector.shape_cast %get3A_752 : vector<1x1x16xf32> to vector<16xf32>
      %add3A_754 = arith.addf %add3A_745, %get3A_753 : vector<16xf32>
      %add3A_755 = arith.constant 8 : i32
      %add3A_756 = arith.addi %mul3A_138, %add3A_755 : i32
      %get3A_757 = arith.constant 1 : i32
      %get3A_758 = arith.index_cast %get3A_757 : i32 to index
      %get3A_759 = arith.index_cast %add3A_756 : i32 to index
      %get3A_760 = arith.constant 16 : index
      %get3A_761 = tpu.vector_load %arg4[%get3A_758, %get3A_759, %get3A_760] {strides = array<i32>} : memref<2x144x128xf32, #tpu.memory_space<vmem>>, vector<1x1x16xf32>,
      %get3A_762 = vector.shape_cast %get3A_761 : vector<1x1x16xf32> to vector<16xf32>
      %add3A_763 = arith.addf %add3A_754, %get3A_762 : vector<16xf32>
      %add3A_764 = arith.constant 8 : i32
      %add3A_765 = arith.addi %mul3A_138, %add3A_764 : i32
      %get3A_766 = arith.constant 1 : i32
      %get3A_767 = arith.index_cast %get3A_766 : i32 to index
      %get3A_768 = arith.index_cast %add3A_765 : i32 to index
      %get3A_769 = arith.constant 48 : index
      %get3A_770 = tpu.vector_load %arg4[%get3A_767, %get3A_768, %get3A_769] {strides = array<i32>} : memref<2x144x128xf32, #tpu.memory_space<vmem>>, vector<1x1x16xf32>,
      %get3A_771 = vector.shape_cast %get3A_770 : vector<1x1x16xf32> to vector<16xf32>
      %add3A_772 = arith.addf %add3A_763, %get3A_771 : vector<16xf32>
      %add3A_773 = arith.constant 8 : i32
      %add3A_774 = arith.addi %mul3A_138, %add3A_773 : i32
      %get3A_775 = arith.constant 1 : i32
      %get3A_776 = arith.index_cast %get3A_775 : i32 to index
      %get3A_777 = arith.index_cast %add3A_774 : i32 to index
      %get3A_778 = arith.constant 80 : index
      %get3A_779 = tpu.vector_load %arg4[%get3A_776, %get3A_777, %get3A_778] {strides = array<i32>} : memref<2x144x128xf32, #tpu.memory_space<vmem>>, vector<1x1x16xf32>,
      %get3A_780 = vector.shape_cast %get3A_779 : vector<1x1x16xf32> to vector<16xf32>
      %add3A_781 = arith.addf %add3A_772, %get3A_780 : vector<16xf32>
      %add3A_782 = arith.constant 16 : i32
      %add3A_783 = arith.addi %add3A_782, %scan3A_136 : i32
      %mul3A_784 = arith.constant 4 : i32
      %mul3A_785 = arith.muli %mul3A_784, %add3A_783 : i32
      %add3A_786 = arith.constant 3 : i32
      %add3A_787 = arith.addi %mul3A_785, %add3A_786 : i32
      %swap3A_788 = arith.index_cast %add3A_787 : i32 to index
      %swap3A_789 = arith.constant 16 : index
      %swap3A_790 = tpu.vector_load %arg5[%swap3A_788, %swap3A_789] {strides = array<i32>} : memref<256x32xf32, #tpu.memory_space<vmem>>, vector<1x16xf32>,
      %swap3A_791 = vector.shape_cast %swap3A_790 : vector<1x16xf32> to vector<16xf32>
      %swap3A_792 = vector.shape_cast %add3A_781 : vector<16xf32> to vector<1x16xf32>
      tpu.vector_store %arg5[%swap3A_788, %swap3A_789], %swap3A_792 {strides = array<i32>} : memref<256x32xf32, #tpu.memory_space<vmem>>, vector<1x16xf32>,
    }
    %scan3A_80 = arith.constant 16 : i32
    %add3A_81 = arith.constant 432 : i32
    %add3A_82 = arith.addi %mul3A_2, %add3A_81 : i32
    %dma_start3A_83 = arith.constant 1 : i32
    %dma_start3A_84 = arith.constant 0 : i32
    %dma_start3A_85 = arith.constant 0 : i32
    %dma_start3A_86 = tpu.memref_slice %arg4[%dma_start3A_83, %dma_start3A_84, %dma_start3A_85] : memref<2x144x128xf32, #tpu.memory_space<vmem>> -> memref<1x144x128xf32, #tpu.memory_space<vmem>>
    %dma_start3A_87 = tpu.memref_squeeze %dma_start3A_86 : memref<1x144x128xf32, #tpu.memory_space<vmem>> -> memref<144x128xf32, #tpu.memory_space<vmem>>
    %dma_start3A_88 = arith.constant 0 : i32
    %dma_start3A_89 = tpu.memref_slice %arg2[%add3A_82, %dma_start3A_88] : memref<18432x128xf32, #tpu.memory_space<hbm>> -> memref<144x128xf32, #tpu.memory_space<hbm>>
    %dma_start3A_90 = arith.constant 0 : i32
    %dma_start3A_91 = arith.constant 0 : i32
    %dma_start3A_92 = tpu.memref_slice %arg4[%dma_start3A_83, %dma_start3A_90, %dma_start3A_91] : memref<2x144x128xf32, #tpu.memory_space<vmem>> -> memref<1x144x128xf32, #tpu.memory_space<vmem>>
    %dma_start3A_93 = tpu.memref_squeeze %dma_start3A_92 : memref<1x144x128xf32, #tpu.memory_space<vmem>> -> memref<144x128xf32, #tpu.memory_space<vmem>>
    %dma_start3A_94 = arith.constant 0 : i32
    %dma_start3A_95 = tpu.memref_slice %arg2[%add3A_82, %dma_start3A_94] : memref<18432x128xf32, #tpu.memory_space<hbm>> -> memref<144x128xf32, #tpu.memory_space<hbm>>
    tpu.enqueue_dma source(%dma_start3A_95 : memref<144x128xf32, #tpu.memory_space<hbm>>) target(%dma_start3A_93 : memref<144x128xf32, #tpu.memory_space<vmem>>) target_semaphore(%arg7 : memref<!tpu.dma_semaphore, #tpu.memory_space<semaphore_mem>>)
    %dma_wait3A_96 = arith.constant 0 : i32
    %dma_wait3A_97 = arith.constant 0 : i32
    %dma_wait3A_98 = arith.constant 0 : i32
    %dma_wait3A_99 = tpu.memref_slice %arg4[%dma_wait3A_96, %dma_wait3A_97, %dma_wait3A_98] : memref<2x144x128xf32, #tpu.memory_space<vmem>> -> memref<1x144x128xf32, #tpu.memory_space<vmem>>
    %dma_wait3A_100 = tpu.memref_squeeze %dma_wait3A_99 : memref<1x144x128xf32, #tpu.memory_space<vmem>> -> memref<144x128xf32, #tpu.memory_space<vmem>>
    %dma_wait3A_101 = arith.constant 0 : i32
    %dma_wait3A_102 = tpu.memref_slice %arg2[%add3A_48, %dma_wait3A_101] : memref<18432x128xf32, #tpu.memory_space<hbm>> -> memref<144x128xf32, #tpu.memory_space<hbm>>
    %dma_wait3A_103 = arith.constant 0 : i32
    %dma_wait3A_104 = arith.constant 0 : i32
    %dma_wait3A_105 = tpu.memref_slice %arg4[%dma_wait3A_96, %dma_wait3A_103, %dma_wait3A_104] : memref<2x144x128xf32, #tpu.memory_space<vmem>> -> memref<1x144x128xf32, #tpu.memory_space<vmem>>
    %dma_wait3A_106 = tpu.memref_squeeze %dma_wait3A_105 : memref<1x144x128xf32, #tpu.memory_space<vmem>> -> memref<144x128xf32, #tpu.memory_space<vmem>>
    %dma_wait3A_107 = arith.constant 0 : i32
    %dma_wait3A_108 = tpu.memref_slice %arg2[%add3A_48, %dma_wait3A_107] : memref<18432x128xf32, #tpu.memory_space<hbm>> -> memref<144x128xf32, #tpu.memory_space<hbm>>
    tpu.wait_dma2 semaphore(%arg6 : memref<!tpu.dma_semaphore, #tpu.memory_space<semaphore_mem>>) src(%dma_wait3A_108 : memref<144x128xf32, #tpu.memory_space<hbm>>) dst(%dma_wait3A_106 : memref<144x128xf32, #tpu.memory_space<vmem>>)
    %scan3A_109 = arith.constant 0 : i32
    %scan3A_110 = arith.constant 0 : i32
    %scan3A_111 = arith.constant 16 : i32
    %scan3A_112 = arith.addi %scan3A_110, %scan3A_111 : i32
    %scan3A_113 = arith.constant 1 : i32
    scf.for %scan3A_136 = %scan3A_110 to %scan3A_112 step %scan3A_113  : i32 {
      %mul3A_137 = arith.constant 9 : i32
      %mul3A_138 = arith.muli %scan3A_136, %mul3A_137 : i32
      %add3A_139 = arith.constant 0 : i32
      %add3A_140 = arith.addi %mul3A_138, %add3A_139 : i32
      %get3A = arith.constant 0 : i32
      %get3A_141 = arith.index_cast %get3A : i32 to index
      %get3A_142 = arith.index_cast %add3A_140 : i32 to index
      %get3A_143 = arith.constant 0 : index
      %get3A_144 = tpu.vector_load %arg4[%get3A_141, %get3A_142, %get3A_143] {strides = array<i32>} : memref<2x144x128xf32, #tpu.memory_space<vmem>>, vector<1x1x16xf32>,
      %get3A_145 = vector.shape_cast %get3A_144 : vector<1x1x16xf32> to vector<16xf32>
      %add3A_146 = arith.constant 0 : i32
      %add3A_147 = arith.addi %mul3A_138, %add3A_146 : i32
      %get3A_148 = arith.constant 0 : i32
      %get3A_149 = arith.index_cast %get3A_148 : i32 to index
      %get3A_150 = arith.index_cast %add3A_147 : i32 to index
      %get3A_151 = arith.constant 32 : index
      %get3A_152 = tpu.vector_load %arg4[%get3A_149, %get3A_150, %get3A_151] {strides = array<i32>} : memref<2x144x128xf32, #tpu.memory_space<vmem>>, vector<1x1x16xf32>,
      %get3A_153 = vector.shape_cast %get3A_152 : vector<1x1x16xf32> to vector<16xf32>
      %add3A_154 = arith.addf %get3A_145, %get3A_153 : vector<16xf32>
      %add3A_155 = arith.constant 0 : i32
      %add3A_156 = arith.addi %mul3A_138, %add3A_155 : i32
      %get3A_157 = arith.constant 0 : i32
      %get3A_158 = arith.index_cast %get3A_157 : i32 to index
      %get3A_159 = arith.index_cast %add3A_156 : i32 to index
      %get3A_160 = arith.constant 64 : index
      %get3A_161 = tpu.vector_load %arg4[%get3A_158, %get3A_159, %get3A_160] {strides = array<i32>} : memref<2x144x128xf32, #tpu.memory_space<vmem>>, vector<1x1x16xf32>,
      %get3A_162 = vector.shape_cast %get3A_161 : vector<1x1x16xf32> to vector<16xf32>
      %add3A_163 = arith.addf %add3A_154, %get3A_162 : vector<16xf32>
      %add3A_164 = arith.constant 0 : i32
      %add3A_165 = arith.addi %mul3A_138, %add3A_164 : i32
      %get3A_166 = arith.constant 0 : i32
      %get3A_167 = arith.index_cast %get3A_166 : i32 to index
      %get3A_168 = arith.index_cast %add3A_165 : i32 to index
      %get3A_169 = arith.constant 96 : index
      %get3A_170 = tpu.vector_load %arg4[%get3A_167, %get3A_168, %get3A_169] {strides = array<i32>} : memref<2x144x128xf32, #tpu.memory_space<vmem>>, vector<1x1x16xf32>,
      %get3A_171 = vector.shape_cast %get3A_170 : vector<1x1x16xf32> to vector<16xf32>
      %add3A_172 = arith.addf %add3A_163, %get3A_171 : vector<16xf32>
      %add3A_173 = arith.constant 1 : i32
      %add3A_174 = arith.addi %mul3A_138, %add3A_173 : i32
      %get3A_175 = arith.constant 0 : i32
      %get3A_176 = arith.index_cast %get3A_175 : i32 to index
      %get3A_177 = arith.index_cast %add3A_174 : i32 to index
      %get3A_178 = arith.constant 0 : index
      %get3A_179 = tpu.vector_load %arg4[%get3A_176, %get3A_177, %get3A_178] {strides = array<i32>} : memref<2x144x128xf32, #tpu.memory_space<vmem>>, vector<1x1x16xf32>,
      %get3A_180 = vector.shape_cast %get3A_179 : vector<1x1x16xf32> to vector<16xf32>
      %add3A_181 = arith.addf %add3A_172, %get3A_180 : vector<16xf32>
      %add3A_182 = arith.constant 1 : i32
      %add3A_183 = arith.addi %mul3A_138, %add3A_182 : i32
      %get3A_184 = arith.constant 0 : i32
      %get3A_185 = arith.index_cast %get3A_184 : i32 to index
      %get3A_186 = arith.index_cast %add3A_183 : i32 to index
      %get3A_187 = arith.constant 32 : index
      %get3A_188 = tpu.vector_load %arg4[%get3A_185, %get3A_186, %get3A_187] {strides = array<i32>} : memref<2x144x128xf32, #tpu.memory_space<vmem>>, vector<1x1x16xf32>,
      %get3A_189 = vector.shape_cast %get3A_188 : vector<1x1x16xf32> to vector<16xf32>
      %add3A_190 = arith.addf %add3A_181, %get3A_189 : vector<16xf32>
      %add3A_191 = arith.constant 1 : i32
      %add3A_192 = arith.addi %mul3A_138, %add3A_191 : i32
      %get3A_193 = arith.constant 0 : i32
      %get3A_194 = arith.index_cast %get3A_193 : i32 to index
      %get3A_195 = arith.index_cast %add3A_192 : i32 to index
      %get3A_196 = arith.constant 64 : index
      %get3A_197 = tpu.vector_load %arg4[%get3A_194, %get3A_195, %get3A_196] {strides = array<i32>} : memref<2x144x128xf32, #tpu.memory_space<vmem>>, vector<1x1x16xf32>,
      %get3A_198 = vector.shape_cast %get3A_197 : vector<1x1x16xf32> to vector<16xf32>
      %add3A_199 = arith.addf %add3A_190, %get3A_198 : vector<16xf32>
      %add3A_200 = arith.constant 1 : i32
      %add3A_201 = arith.addi %mul3A_138, %add3A_200 : i32
      %get3A_202 = arith.constant 0 : i32
      %get3A_203 = arith.index_cast %get3A_202 : i32 to index
      %get3A_204 = arith.index_cast %add3A_201 : i32 to index
      %get3A_205 = arith.constant 96 : index
      %get3A_206 = tpu.vector_load %arg4[%get3A_203, %get3A_204, %get3A_205] {strides = array<i32>} : memref<2x144x128xf32, #tpu.memory_space<vmem>>, vector<1x1x16xf32>,
      %get3A_207 = vector.shape_cast %get3A_206 : vector<1x1x16xf32> to vector<16xf32>
      %add3A_208 = arith.addf %add3A_199, %get3A_207 : vector<16xf32>
      %add3A_209 = arith.constant 32 : i32
      %add3A_210 = arith.addi %add3A_209, %scan3A_136 : i32
      %mul3A_211 = arith.constant 4 : i32
      %mul3A_212 = arith.muli %mul3A_211, %add3A_210 : i32
      %add3A_213 = arith.constant 0 : i32
      %add3A_214 = arith.addi %mul3A_212, %add3A_213 : i32
      %swap3A = arith.index_cast %add3A_214 : i32 to index
      %swap3A_215 = arith.constant 0 : index
      %swap3A_216 = tpu.vector_load %arg5[%swap3A, %swap3A_215] {strides = array<i32>} : memref<256x32xf32, #tpu.memory_space<vmem>>, vector<1x16xf32>,
      %swap3A_217 = vector.shape_cast %swap3A_216 : vector<1x16xf32> to vector<16xf32>
      %swap3A_218 = vector.shape_cast %add3A_208 : vector<16xf32> to vector<1x16xf32>
      tpu.vector_store %arg5[%swap3A, %swap3A_215], %swap3A_218 {strides = array<i32>} : memref<256x32xf32, #tpu.memory_space<vmem>>, vector<1x16xf32>,
      %add3A_219 = arith.constant 0 : i32
      %add3A_220 = arith.addi %mul3A_138, %add3A_219 : i32
      %get3A_221 = arith.constant 0 : i32
      %get3A_222 = arith.index_cast %get3A_221 : i32 to index
      %get3A_223 = arith.index_cast %add3A_220 : i32 to index
      %get3A_224 = arith.constant 16 : index
      %get3A_225 = tpu.vector_load %arg4[%get3A_222, %get3A_223, %get3A_224] {strides = array<i32>} : memref<2x144x128xf32, #tpu.memory_space<vmem>>, vector<1x1x16xf32>,
      %get3A_226 = vector.shape_cast %get3A_225 : vector<1x1x16xf32> to vector<16xf32>
      %add3A_227 = arith.constant 0 : i32
      %add3A_228 = arith.addi %mul3A_138, %add3A_227 : i32
      %get3A_229 = arith.constant 0 : i32
      %get3A_230 = arith.index_cast %get3A_229 : i32 to index
      %get3A_231 = arith.index_cast %add3A_228 : i32 to index
      %get3A_232 = arith.constant 48 : index
      %get3A_233 = tpu.vector_load %arg4[%get3A_230, %get3A_231, %get3A_232] {strides = array<i32>} : memref<2x144x128xf32, #tpu.memory_space<vmem>>, vector<1x1x16xf32>,
      %get3A_234 = vector.shape_cast %get3A_233 : vector<1x1x16xf32> to vector<16xf32>
      %add3A_235 = arith.addf %get3A_226, %get3A_234 : vector<16xf32>
      %add3A_236 = arith.constant 0 : i32
      %add3A_237 = arith.addi %mul3A_138, %add3A_236 : i32
      %get3A_238 = arith.constant 0 : i32
      %get3A_239 = arith.index_cast %get3A_238 : i32 to index
      %get3A_240 = arith.index_cast %add3A_237 : i32 to index
      %get3A_241 = arith.constant 80 : index
      %get3A_242 = tpu.vector_load %arg4[%get3A_239, %get3A_240, %get3A_241] {strides = array<i32>} : memref<2x144x128xf32, #tpu.memory_space<vmem>>, vector<1x1x16xf32>,
      %get3A_243 = vector.shape_cast %get3A_242 : vector<1x1x16xf32> to vector<16xf32>
      %add3A_244 = arith.addf %add3A_235, %get3A_243 : vector<16xf32>
      %add3A_245 = arith.constant 0 : i32
      %add3A_246 = arith.addi %mul3A_138, %add3A_245 : i32
      %get3A_247 = arith.constant 0 : i32
      %get3A_248 = arith.index_cast %get3A_247 : i32 to index
      %get3A_249 = arith.index_cast %add3A_246 : i32 to index
      %get3A_250 = arith.constant 112 : index
      %get3A_251 = tpu.vector_load %arg4[%get3A_248, %get3A_249, %get3A_250] {strides = array<i32>} : memref<2x144x128xf32, #tpu.memory_space<vmem>>, vector<1x1x16xf32>,
      %get3A_252 = vector.shape_cast %get3A_251 : vector<1x1x16xf32> to vector<16xf32>
      %add3A_253 = arith.addf %add3A_244, %get3A_252 : vector<16xf32>
      %add3A_254 = arith.constant 1 : i32
      %add3A_255 = arith.addi %mul3A_138, %add3A_254 : i32
      %get3A_256 = arith.constant 0 : i32
      %get3A_257 = arith.index_cast %get3A_256 : i32 to index
      %get3A_258 = arith.index_cast %add3A_255 : i32 to index
      %get3A_259 = arith.constant 16 : index
      %get3A_260 = tpu.vector_load %arg4[%get3A_257, %get3A_258, %get3A_259] {strides = array<i32>} : memref<2x144x128xf32, #tpu.memory_space<vmem>>, vector<1x1x16xf32>,
      %get3A_261 = vector.shape_cast %get3A_260 : vector<1x1x16xf32> to vector<16xf32>
      %add3A_262 = arith.addf %add3A_253, %get3A_261 : vector<16xf32>
      %add3A_263 = arith.constant 1 : i32
      %add3A_264 = arith.addi %mul3A_138, %add3A_263 : i32
      %get3A_265 = arith.constant 0 : i32
      %get3A_266 = arith.index_cast %get3A_265 : i32 to index
      %get3A_267 = arith.index_cast %add3A_264 : i32 to index
      %get3A_268 = arith.constant 48 : index
      %get3A_269 = tpu.vector_load %arg4[%get3A_266, %get3A_267, %get3A_268] {strides = array<i32>} : memref<2x144x128xf32, #tpu.memory_space<vmem>>, vector<1x1x16xf32>,
      %get3A_270 = vector.shape_cast %get3A_269 : vector<1x1x16xf32> to vector<16xf32>
      %add3A_271 = arith.addf %add3A_262, %get3A_270 : vector<16xf32>
      %add3A_272 = arith.constant 1 : i32
      %add3A_273 = arith.addi %mul3A_138, %add3A_272 : i32
      %get3A_274 = arith.constant 0 : i32
      %get3A_275 = arith.index_cast %get3A_274 : i32 to index
      %get3A_276 = arith.index_cast %add3A_273 : i32 to index
      %get3A_277 = arith.constant 80 : index
      %get3A_278 = tpu.vector_load %arg4[%get3A_275, %get3A_276, %get3A_277] {strides = array<i32>} : memref<2x144x128xf32, #tpu.memory_space<vmem>>, vector<1x1x16xf32>,
      %get3A_279 = vector.shape_cast %get3A_278 : vector<1x1x16xf32> to vector<16xf32>
      %add3A_280 = arith.addf %add3A_271, %get3A_279 : vector<16xf32>
      %add3A_281 = arith.constant 1 : i32
      %add3A_282 = arith.addi %mul3A_138, %add3A_281 : i32
      %get3A_283 = arith.constant 0 : i32
      %get3A_284 = arith.index_cast %get3A_283 : i32 to index
      %get3A_285 = arith.index_cast %add3A_282 : i32 to index
      %get3A_286 = arith.constant 112 : index
      %get3A_287 = tpu.vector_load %arg4[%get3A_284, %get3A_285, %get3A_286] {strides = array<i32>} : memref<2x144x128xf32, #tpu.memory_space<vmem>>, vector<1x1x16xf32>,
      %get3A_288 = vector.shape_cast %get3A_287 : vector<1x1x16xf32> to vector<16xf32>
      %add3A_289 = arith.addf %add3A_280, %get3A_288 : vector<16xf32>
      %add3A_290 = arith.constant 32 : i32
      %add3A_291 = arith.addi %add3A_290, %scan3A_136 : i32
      %mul3A_292 = arith.constant 4 : i32
      %mul3A_293 = arith.muli %mul3A_292, %add3A_291 : i32
      %add3A_294 = arith.constant 0 : i32
      %add3A_295 = arith.addi %mul3A_293, %add3A_294 : i32
      %swap3A_296 = arith.index_cast %add3A_295 : i32 to index
      %swap3A_297 = arith.constant 16 : index
      %swap3A_298 = tpu.vector_load %arg5[%swap3A_296, %swap3A_297] {strides = array<i32>} : memref<256x32xf32, #tpu.memory_space<vmem>>, vector<1x16xf32>,
      %swap3A_299 = vector.shape_cast %swap3A_298 : vector<1x16xf32> to vector<16xf32>
      %swap3A_300 = vector.shape_cast %add3A_289 : vector<16xf32> to vector<1x16xf32>
      tpu.vector_store %arg5[%swap3A_296, %swap3A_297], %swap3A_300 {strides = array<i32>} : memref<256x32xf32, #tpu.memory_space<vmem>>, vector<1x16xf32>,
      %add3A_301 = arith.constant 2 : i32
      %add3A_302 = arith.addi %mul3A_138, %add3A_301 : i32
      %get3A_303 = arith.constant 0 : i32
      %get3A_304 = arith.index_cast %get3A_303 : i32 to index
      %get3A_305 = arith.index_cast %add3A_302 : i32 to index
      %get3A_306 = arith.constant 32 : index
      %get3A_307 = tpu.vector_load %arg4[%get3A_304, %get3A_305, %get3A_306] {strides = array<i32>} : memref<2x144x128xf32, #tpu.memory_space<vmem>>, vector<1x1x16xf32>,
      %get3A_308 = vector.shape_cast %get3A_307 : vector<1x1x16xf32> to vector<16xf32>
      %add3A_309 = arith.constant 2 : i32
      %add3A_310 = arith.addi %mul3A_138, %add3A_309 : i32
      %get3A_311 = arith.constant 0 : i32
      %get3A_312 = arith.index_cast %get3A_311 : i32 to index
      %get3A_313 = arith.index_cast %add3A_310 : i32 to index
      %get3A_314 = arith.constant 64 : index
      %get3A_315 = tpu.vector_load %arg4[%get3A_312, %get3A_313, %get3A_314] {strides = array<i32>} : memref<2x144x128xf32, #tpu.memory_space<vmem>>, vector<1x1x16xf32>,
      %get3A_316 = vector.shape_cast %get3A_315 : vector<1x1x16xf32> to vector<16xf32>
      %add3A_317 = arith.addf %get3A_308, %get3A_316 : vector<16xf32>
      %add3A_318 = arith.constant 2 : i32
      %add3A_319 = arith.addi %mul3A_138, %add3A_318 : i32
      %get3A_320 = arith.constant 0 : i32
      %get3A_321 = arith.index_cast %get3A_320 : i32 to index
      %get3A_322 = arith.index_cast %add3A_319 : i32 to index
      %get3A_323 = arith.constant 96 : index
      %get3A_324 = tpu.vector_load %arg4[%get3A_321, %get3A_322, %get3A_323] {strides = array<i32>} : memref<2x144x128xf32, #tpu.memory_space<vmem>>, vector<1x1x16xf32>,
      %get3A_325 = vector.shape_cast %get3A_324 : vector<1x1x16xf32> to vector<16xf32>
      %add3A_326 = arith.addf %add3A_317, %get3A_325 : vector<16xf32>
      %add3A_327 = arith.constant 3 : i32
      %add3A_328 = arith.addi %mul3A_138, %add3A_327 : i32
      %get3A_329 = arith.constant 0 : i32
      %get3A_330 = arith.index_cast %get3A_329 : i32 to index
      %get3A_331 = arith.index_cast %add3A_328 : i32 to index
      %get3A_332 = arith.constant 0 : index
      %get3A_333 = tpu.vector_load %arg4[%get3A_330, %get3A_331, %get3A_332] {strides = array<i32>} : memref<2x144x128xf32, #tpu.memory_space<vmem>>, vector<1x1x16xf32>,
      %get3A_334 = vector.shape_cast %get3A_333 : vector<1x1x16xf32> to vector<16xf32>
      %add3A_335 = arith.addf %add3A_326, %get3A_334 : vector<16xf32>
      %add3A_336 = arith.constant 3 : i32
      %add3A_337 = arith.addi %mul3A_138, %add3A_336 : i32
      %get3A_338 = arith.constant 0 : i32
      %get3A_339 = arith.index_cast %get3A_338 : i32 to index
      %get3A_340 = arith.index_cast %add3A_337 : i32 to index
      %get3A_341 = arith.constant 32 : index
      %get3A_342 = tpu.vector_load %arg4[%get3A_339, %get3A_340, %get3A_341] {strides = array<i32>} : memref<2x144x128xf32, #tpu.memory_space<vmem>>, vector<1x1x16xf32>,
      %get3A_343 = vector.shape_cast %get3A_342 : vector<1x1x16xf32> to vector<16xf32>
      %add3A_344 = arith.addf %add3A_335, %get3A_343 : vector<16xf32>
      %add3A_345 = arith.constant 3 : i32
      %add3A_346 = arith.addi %mul3A_138, %add3A_345 : i32
      %get3A_347 = arith.constant 0 : i32
      %get3A_348 = arith.index_cast %get3A_347 : i32 to index
      %get3A_349 = arith.index_cast %add3A_346 : i32 to index
      %get3A_350 = arith.constant 64 : index
      %get3A_351 = tpu.vector_load %arg4[%get3A_348, %get3A_349, %get3A_350] {strides = array<i32>} : memref<2x144x128xf32, #tpu.memory_space<vmem>>, vector<1x1x16xf32>,
      %get3A_352 = vector.shape_cast %get3A_351 : vector<1x1x16xf32> to vector<16xf32>
      %add3A_353 = arith.addf %add3A_344, %get3A_352 : vector<16xf32>
      %add3A_354 = arith.constant 3 : i32
      %add3A_355 = arith.addi %mul3A_138, %add3A_354 : i32
      %get3A_356 = arith.constant 0 : i32
      %get3A_357 = arith.index_cast %get3A_356 : i32 to index
      %get3A_358 = arith.index_cast %add3A_355 : i32 to index
      %get3A_359 = arith.constant 96 : index
      %get3A_360 = tpu.vector_load %arg4[%get3A_357, %get3A_358, %get3A_359] {strides = array<i32>} : memref<2x144x128xf32, #tpu.memory_space<vmem>>, vector<1x1x16xf32>,
      %get3A_361 = vector.shape_cast %get3A_360 : vector<1x1x16xf32> to vector<16xf32>
      %add3A_362 = arith.addf %add3A_353, %get3A_361 : vector<16xf32>
      %add3A_363 = arith.constant 4 : i32
      %add3A_364 = arith.addi %mul3A_138, %add3A_363 : i32
      %get3A_365 = arith.constant 0 : i32
      %get3A_366 = arith.index_cast %get3A_365 : i32 to index
      %get3A_367 = arith.index_cast %add3A_364 : i32 to index
      %get3A_368 = arith.constant 0 : index
      %get3A_369 = tpu.vector_load %arg4[%get3A_366, %get3A_367, %get3A_368] {strides = array<i32>} : memref<2x144x128xf32, #tpu.memory_space<vmem>>, vector<1x1x16xf32>,
      %get3A_370 = vector.shape_cast %get3A_369 : vector<1x1x16xf32> to vector<16xf32>
      %add3A_371 = arith.addf %add3A_362, %get3A_370 : vector<16xf32>
      %add3A_372 = arith.constant 32 : i32
      %add3A_373 = arith.addi %add3A_372, %scan3A_136 : i32
      %mul3A_374 = arith.constant 4 : i32
      %mul3A_375 = arith.muli %mul3A_374, %add3A_373 : i32
      %add3A_376 = arith.constant 1 : i32
      %add3A_377 = arith.addi %mul3A_375, %add3A_376 : i32
      %swap3A_378 = arith.index_cast %add3A_377 : i32 to index
      %swap3A_379 = arith.constant 0 : index
      %swap3A_380 = tpu.vector_load %arg5[%swap3A_378, %swap3A_379] {strides = array<i32>} : memref<256x32xf32, #tpu.memory_space<vmem>>, vector<1x16xf32>,
      %swap3A_381 = vector.shape_cast %swap3A_380 : vector<1x16xf32> to vector<16xf32>
      %swap3A_382 = vector.shape_cast %add3A_371 : vector<16xf32> to vector<1x16xf32>
      tpu.vector_store %arg5[%swap3A_378, %swap3A_379], %swap3A_382 {strides = array<i32>} : memref<256x32xf32, #tpu.memory_space<vmem>>, vector<1x16xf32>,
      %add3A_383 = arith.constant 2 : i32
      %add3A_384 = arith.addi %mul3A_138, %add3A_383 : i32
      %get3A_385 = arith.constant 0 : i32
      %get3A_386 = arith.index_cast %get3A_385 : i32 to index
      %get3A_387 = arith.index_cast %add3A_384 : i32 to index
      %get3A_388 = arith.constant 48 : index
      %get3A_389 = tpu.vector_load %arg4[%get3A_386, %get3A_387, %get3A_388] {strides = array<i32>} : memref<2x144x128xf32, #tpu.memory_space<vmem>>, vector<1x1x16xf32>,
      %get3A_390 = vector.shape_cast %get3A_389 : vector<1x1x16xf32> to vector<16xf32>
      %add3A_391 = arith.constant 2 : i32
      %add3A_392 = arith.addi %mul3A_138, %add3A_391 : i32
      %get3A_393 = arith.constant 0 : i32
      %get3A_394 = arith.index_cast %get3A_393 : i32 to index
      %get3A_395 = arith.index_cast %add3A_392 : i32 to index
      %get3A_396 = arith.constant 80 : index
      %get3A_397 = tpu.vector_load %arg4[%get3A_394, %get3A_395, %get3A_396] {strides = array<i32>} : memref<2x144x128xf32, #tpu.memory_space<vmem>>, vector<1x1x16xf32>,
      %get3A_398 = vector.shape_cast %get3A_397 : vector<1x1x16xf32> to vector<16xf32>
      %add3A_399 = arith.addf %get3A_390, %get3A_398 : vector<16xf32>
      %add3A_400 = arith.constant 2 : i32
      %add3A_401 = arith.addi %mul3A_138, %add3A_400 : i32
      %get3A_402 = arith.constant 0 : i32
      %get3A_403 = arith.index_cast %get3A_402 : i32 to index
      %get3A_404 = arith.index_cast %add3A_401 : i32 to index
      %get3A_405 = arith.constant 112 : index
      %get3A_406 = tpu.vector_load %arg4[%get3A_403, %get3A_404, %get3A_405] {strides = array<i32>} : memref<2x144x128xf32, #tpu.memory_space<vmem>>, vector<1x1x16xf32>,
      %get3A_407 = vector.shape_cast %get3A_406 : vector<1x1x16xf32> to vector<16xf32>
      %add3A_408 = arith.addf %add3A_399, %get3A_407 : vector<16xf32>
      %add3A_409 = arith.constant 3 : i32
      %add3A_410 = arith.addi %mul3A_138, %add3A_409 : i32
      %get3A_411 = arith.constant 0 : i32
      %get3A_412 = arith.index_cast %get3A_411 : i32 to index
      %get3A_413 = arith.index_cast %add3A_410 : i32 to index
      %get3A_414 = arith.constant 16 : index
      %get3A_415 = tpu.vector_load %arg4[%get3A_412, %get3A_413, %get3A_414] {strides = array<i32>} : memref<2x144x128xf32, #tpu.memory_space<vmem>>, vector<1x1x16xf32>,
      %get3A_416 = vector.shape_cast %get3A_415 : vector<1x1x16xf32> to vector<16xf32>
      %add3A_417 = arith.addf %add3A_408, %get3A_416 : vector<16xf32>
      %add3A_418 = arith.constant 3 : i32
      %add3A_419 = arith.addi %mul3A_138, %add3A_418 : i32
      %get3A_420 = arith.constant 0 : i32
      %get3A_421 = arith.index_cast %get3A_420 : i32 to index
      %get3A_422 = arith.index_cast %add3A_419 : i32 to index
      %get3A_423 = arith.constant 48 : index
      %get3A_424 = tpu.vector_load %arg4[%get3A_421, %get3A_422, %get3A_423] {strides = array<i32>} : memref<2x144x128xf32, #tpu.memory_space<vmem>>, vector<1x1x16xf32>,
      %get3A_425 = vector.shape_cast %get3A_424 : vector<1x1x16xf32> to vector<16xf32>
      %add3A_426 = arith.addf %add3A_417, %get3A_425 : vector<16xf32>
      %add3A_427 = arith.constant 3 : i32
      %add3A_428 = arith.addi %mul3A_138, %add3A_427 : i32
      %get3A_429 = arith.constant 0 : i32
      %get3A_430 = arith.index_cast %get3A_429 : i32 to index
      %get3A_431 = arith.index_cast %add3A_428 : i32 to index
      %get3A_432 = arith.constant 80 : index
      %get3A_433 = tpu.vector_load %arg4[%get3A_430, %get3A_431, %get3A_432] {strides = array<i32>} : memref<2x144x128xf32, #tpu.memory_space<vmem>>, vector<1x1x16xf32>,
      %get3A_434 = vector.shape_cast %get3A_433 : vector<1x1x16xf32> to vector<16xf32>
      %add3A_435 = arith.addf %add3A_426, %get3A_434 : vector<16xf32>
      %add3A_436 = arith.constant 3 : i32
      %add3A_437 = arith.addi %mul3A_138, %add3A_436 : i32
      %get3A_438 = arith.constant 0 : i32
      %get3A_439 = arith.index_cast %get3A_438 : i32 to index
      %get3A_440 = arith.index_cast %add3A_437 : i32 to index
      %get3A_441 = arith.constant 112 : index
      %get3A_442 = tpu.vector_load %arg4[%get3A_439, %get3A_440, %get3A_441] {strides = array<i32>} : memref<2x144x128xf32, #tpu.memory_space<vmem>>, vector<1x1x16xf32>,
      %get3A_443 = vector.shape_cast %get3A_442 : vector<1x1x16xf32> to vector<16xf32>
      %add3A_444 = arith.addf %add3A_435, %get3A_443 : vector<16xf32>
      %add3A_445 = arith.constant 4 : i32
      %add3A_446 = arith.addi %mul3A_138, %add3A_445 : i32
      %get3A_447 = arith.constant 0 : i32
      %get3A_448 = arith.index_cast %get3A_447 : i32 to index
      %get3A_449 = arith.index_cast %add3A_446 : i32 to index
      %get3A_450 = arith.constant 16 : index
      %get3A_451 = tpu.vector_load %arg4[%get3A_448, %get3A_449, %get3A_450] {strides = array<i32>} : memref<2x144x128xf32, #tpu.memory_space<vmem>>, vector<1x1x16xf32>,
      %get3A_452 = vector.shape_cast %get3A_451 : vector<1x1x16xf32> to vector<16xf32>
      %add3A_453 = arith.addf %add3A_444, %get3A_452 : vector<16xf32>
      %add3A_454 = arith.constant 32 : i32
      %add3A_455 = arith.addi %add3A_454, %scan3A_136 : i32
      %mul3A_456 = arith.constant 4 : i32
      %mul3A_457 = arith.muli %mul3A_456, %add3A_455 : i32
      %add3A_458 = arith.constant 1 : i32
      %add3A_459 = arith.addi %mul3A_457, %add3A_458 : i32
      %swap3A_460 = arith.index_cast %add3A_459 : i32 to index
      %swap3A_461 = arith.constant 16 : index
      %swap3A_462 = tpu.vector_load %arg5[%swap3A_460, %swap3A_461] {strides = array<i32>} : memref<256x32xf32, #tpu.memory_space<vmem>>, vector<1x16xf32>,
      %swap3A_463 = vector.shape_cast %swap3A_462 : vector<1x16xf32> to vector<16xf32>
      %swap3A_464 = vector.shape_cast %add3A_453 : vector<16xf32> to vector<1x16xf32>
      tpu.vector_store %arg5[%swap3A_460, %swap3A_461], %swap3A_464 {strides = array<i32>} : memref<256x32xf32, #tpu.memory_space<vmem>>, vector<1x16xf32>,
      %add3A_465 = arith.constant 4 : i32
      %add3A_466 = arith.addi %mul3A_138, %add3A_465 : i32
      %get3A_467 = arith.constant 0 : i32
      %get3A_468 = arith.index_cast %get3A_467 : i32 to index
      %get3A_469 = arith.index_cast %add3A_466 : i32 to index
      %get3A_470 = arith.constant 64 : index
      %get3A_471 = tpu.vector_load %arg4[%get3A_468, %get3A_469, %get3A_470] {strides = array<i32>} : memref<2x144x128xf32, #tpu.memory_space<vmem>>, vector<1x1x16xf32>,
      %get3A_472 = vector.shape_cast %get3A_471 : vector<1x1x16xf32> to vector<16xf32>
      %add3A_473 = arith.constant 4 : i32
      %add3A_474 = arith.addi %mul3A_138, %add3A_473 : i32
      %get3A_475 = arith.constant 0 : i32
      %get3A_476 = arith.index_cast %get3A_475 : i32 to index
      %get3A_477 = arith.index_cast %add3A_474 : i32 to index
      %get3A_478 = arith.constant 96 : index
      %get3A_479 = tpu.vector_load %arg4[%get3A_476, %get3A_477, %get3A_478] {strides = array<i32>} : memref<2x144x128xf32, #tpu.memory_space<vmem>>, vector<1x1x16xf32>,
      %get3A_480 = vector.shape_cast %get3A_479 : vector<1x1x16xf32> to vector<16xf32>
      %add3A_481 = arith.addf %get3A_472, %get3A_480 : vector<16xf32>
      %add3A_482 = arith.constant 5 : i32
      %add3A_483 = arith.addi %mul3A_138, %add3A_482 : i32
      %get3A_484 = arith.constant 0 : i32
      %get3A_485 = arith.index_cast %get3A_484 : i32 to index
      %get3A_486 = arith.index_cast %add3A_483 : i32 to index
      %get3A_487 = arith.constant 0 : index
      %get3A_488 = tpu.vector_load %arg4[%get3A_485, %get3A_486, %get3A_487] {strides = array<i32>} : memref<2x144x128xf32, #tpu.memory_space<vmem>>, vector<1x1x16xf32>,
      %get3A_489 = vector.shape_cast %get3A_488 : vector<1x1x16xf32> to vector<16xf32>
      %add3A_490 = arith.addf %add3A_481, %get3A_489 : vector<16xf32>
      %add3A_491 = arith.constant 5 : i32
      %add3A_492 = arith.addi %mul3A_138, %add3A_491 : i32
      %get3A_493 = arith.constant 0 : i32
      %get3A_494 = arith.index_cast %get3A_493 : i32 to index
      %get3A_495 = arith.index_cast %add3A_492 : i32 to index
      %get3A_496 = arith.constant 32 : index
      %get3A_497 = tpu.vector_load %arg4[%get3A_494, %get3A_495, %get3A_496] {strides = array<i32>} : memref<2x144x128xf32, #tpu.memory_space<vmem>>, vector<1x1x16xf32>,
      %get3A_498 = vector.shape_cast %get3A_497 : vector<1x1x16xf32> to vector<16xf32>
      %add3A_499 = arith.addf %add3A_490, %get3A_498 : vector<16xf32>
      %add3A_500 = arith.constant 5 : i32
      %add3A_501 = arith.addi %mul3A_138, %add3A_500 : i32
      %get3A_502 = arith.constant 0 : i32
      %get3A_503 = arith.index_cast %get3A_502 : i32 to index
      %get3A_504 = arith.index_cast %add3A_501 : i32 to index
      %get3A_505 = arith.constant 64 : index
      %get3A_506 = tpu.vector_load %arg4[%get3A_503, %get3A_504, %get3A_505] {strides = array<i32>} : memref<2x144x128xf32, #tpu.memory_space<vmem>>, vector<1x1x16xf32>,
      %get3A_507 = vector.shape_cast %get3A_506 : vector<1x1x16xf32> to vector<16xf32>
      %add3A_508 = arith.addf %add3A_499, %get3A_507 : vector<16xf32>
      %add3A_509 = arith.constant 5 : i32
      %add3A_510 = arith.addi %mul3A_138, %add3A_509 : i32
      %get3A_511 = arith.constant 0 : i32
      %get3A_512 = arith.index_cast %get3A_511 : i32 to index
      %get3A_513 = arith.index_cast %add3A_510 : i32 to index
      %get3A_514 = arith.constant 96 : index
      %get3A_515 = tpu.vector_load %arg4[%get3A_512, %get3A_513, %get3A_514] {strides = array<i32>} : memref<2x144x128xf32, #tpu.memory_space<vmem>>, vector<1x1x16xf32>,
      %get3A_516 = vector.shape_cast %get3A_515 : vector<1x1x16xf32> to vector<16xf32>
      %add3A_517 = arith.addf %add3A_508, %get3A_516 : vector<16xf32>
      %add3A_518 = arith.constant 6 : i32
      %add3A_519 = arith.addi %mul3A_138, %add3A_518 : i32
      %get3A_520 = arith.constant 0 : i32
      %get3A_521 = arith.index_cast %get3A_520 : i32 to index
      %get3A_522 = arith.index_cast %add3A_519 : i32 to index
      %get3A_523 = arith.constant 0 : index
      %get3A_524 = tpu.vector_load %arg4[%get3A_521, %get3A_522, %get3A_523] {strides = array<i32>} : memref<2x144x128xf32, #tpu.memory_space<vmem>>, vector<1x1x16xf32>,
      %get3A_525 = vector.shape_cast %get3A_524 : vector<1x1x16xf32> to vector<16xf32>
      %add3A_526 = arith.addf %add3A_517, %get3A_525 : vector<16xf32>
      %add3A_527 = arith.constant 6 : i32
      %add3A_528 = arith.addi %mul3A_138, %add3A_527 : i32
      %get3A_529 = arith.constant 0 : i32
      %get3A_530 = arith.index_cast %get3A_529 : i32 to index
      %get3A_531 = arith.index_cast %add3A_528 : i32 to index
      %get3A_532 = arith.constant 32 : index
      %get3A_533 = tpu.vector_load %arg4[%get3A_530, %get3A_531, %get3A_532] {strides = array<i32>} : memref<2x144x128xf32, #tpu.memory_space<vmem>>, vector<1x1x16xf32>,
      %get3A_534 = vector.shape_cast %get3A_533 : vector<1x1x16xf32> to vector<16xf32>
      %add3A_535 = arith.addf %add3A_526, %get3A_534 : vector<16xf32>
      %add3A_536 = arith.constant 32 : i32
      %add3A_537 = arith.addi %add3A_536, %scan3A_136 : i32
      %mul3A_538 = arith.constant 4 : i32
      %mul3A_539 = arith.muli %mul3A_538, %add3A_537 : i32
      %add3A_540 = arith.constant 2 : i32
      %add3A_541 = arith.addi %mul3A_539, %add3A_540 : i32
      %swap3A_542 = arith.index_cast %add3A_541 : i32 to index
      %swap3A_543 = arith.constant 0 : index
      %swap3A_544 = tpu.vector_load %arg5[%swap3A_542, %swap3A_543] {strides = array<i32>} : memref<256x32xf32, #tpu.memory_space<vmem>>, vector<1x16xf32>,
      %swap3A_545 = vector.shape_cast %swap3A_544 : vector<1x16xf32> to vector<16xf32>
      %swap3A_546 = vector.shape_cast %add3A_535 : vector<16xf32> to vector<1x16xf32>
      tpu.vector_store %arg5[%swap3A_542, %swap3A_543], %swap3A_546 {strides = array<i32>} : memref<256x32xf32, #tpu.memory_space<vmem>>, vector<1x16xf32>,
      %add3A_547 = arith.constant 4 : i32
      %add3A_548 = arith.addi %mul3A_138, %add3A_547 : i32
      %get3A_549 = arith.constant 0 : i32
      %get3A_550 = arith.index_cast %get3A_549 : i32 to index
      %get3A_551 = arith.index_cast %add3A_548 : i32 to index
      %get3A_552 = arith.constant 80 : index
      %get3A_553 = tpu.vector_load %arg4[%get3A_550, %get3A_551, %get3A_552] {strides = array<i32>} : memref<2x144x128xf32, #tpu.memory_space<vmem>>, vector<1x1x16xf32>,
      %get3A_554 = vector.shape_cast %get3A_553 : vector<1x1x16xf32> to vector<16xf32>
      %add3A_555 = arith.constant 4 : i32
      %add3A_556 = arith.addi %mul3A_138, %add3A_555 : i32
      %get3A_557 = arith.constant 0 : i32
      %get3A_558 = arith.index_cast %get3A_557 : i32 to index
      %get3A_559 = arith.index_cast %add3A_556 : i32 to index
      %get3A_560 = arith.constant 112 : index
      %get3A_561 = tpu.vector_load %arg4[%get3A_558, %get3A_559, %get3A_560] {strides = array<i32>} : memref<2x144x128xf32, #tpu.memory_space<vmem>>, vector<1x1x16xf32>,
      %get3A_562 = vector.shape_cast %get3A_561 : vector<1x1x16xf32> to vector<16xf32>
      %add3A_563 = arith.addf %get3A_554, %get3A_562 : vector<16xf32>
      %add3A_564 = arith.constant 5 : i32
      %add3A_565 = arith.addi %mul3A_138, %add3A_564 : i32
      %get3A_566 = arith.constant 0 : i32
      %get3A_567 = arith.index_cast %get3A_566 : i32 to index
      %get3A_568 = arith.index_cast %add3A_565 : i32 to index
      %get3A_569 = arith.constant 16 : index
      %get3A_570 = tpu.vector_load %arg4[%get3A_567, %get3A_568, %get3A_569] {strides = array<i32>} : memref<2x144x128xf32, #tpu.memory_space<vmem>>, vector<1x1x16xf32>,
      %get3A_571 = vector.shape_cast %get3A_570 : vector<1x1x16xf32> to vector<16xf32>
      %add3A_572 = arith.addf %add3A_563, %get3A_571 : vector<16xf32>
      %add3A_573 = arith.constant 5 : i32
      %add3A_574 = arith.addi %mul3A_138, %add3A_573 : i32
      %get3A_575 = arith.constant 0 : i32
      %get3A_576 = arith.index_cast %get3A_575 : i32 to index
      %get3A_577 = arith.index_cast %add3A_574 : i32 to index
      %get3A_578 = arith.constant 48 : index
      %get3A_579 = tpu.vector_load %arg4[%get3A_576, %get3A_577, %get3A_578] {strides = array<i32>} : memref<2x144x128xf32, #tpu.memory_space<vmem>>, vector<1x1x16xf32>,
      %get3A_580 = vector.shape_cast %get3A_579 : vector<1x1x16xf32> to vector<16xf32>
      %add3A_581 = arith.addf %add3A_572, %get3A_580 : vector<16xf32>
      %add3A_582 = arith.constant 5 : i32
      %add3A_583 = arith.addi %mul3A_138, %add3A_582 : i32
      %get3A_584 = arith.constant 0 : i32
      %get3A_585 = arith.index_cast %get3A_584 : i32 to index
      %get3A_586 = arith.index_cast %add3A_583 : i32 to index
      %get3A_587 = arith.constant 80 : index
      %get3A_588 = tpu.vector_load %arg4[%get3A_585, %get3A_586, %get3A_587] {strides = array<i32>} : memref<2x144x128xf32, #tpu.memory_space<vmem>>, vector<1x1x16xf32>,
      %get3A_589 = vector.shape_cast %get3A_588 : vector<1x1x16xf32> to vector<16xf32>
      %add3A_590 = arith.addf %add3A_581, %get3A_589 : vector<16xf32>
      %add3A_591 = arith.constant 5 : i32
      %add3A_592 = arith.addi %mul3A_138, %add3A_591 : i32
      %get3A_593 = arith.constant 0 : i32
      %get3A_594 = arith.index_cast %get3A_593 : i32 to index
      %get3A_595 = arith.index_cast %add3A_592 : i32 to index
      %get3A_596 = arith.constant 112 : index
      %get3A_597 = tpu.vector_load %arg4[%get3A_594, %get3A_595, %get3A_596] {strides = array<i32>} : memref<2x144x128xf32, #tpu.memory_space<vmem>>, vector<1x1x16xf32>,
      %get3A_598 = vector.shape_cast %get3A_597 : vector<1x1x16xf32> to vector<16xf32>
      %add3A_599 = arith.addf %add3A_590, %get3A_598 : vector<16xf32>
      %add3A_600 = arith.constant 6 : i32
      %add3A_601 = arith.addi %mul3A_138, %add3A_600 : i32
      %get3A_602 = arith.constant 0 : i32
      %get3A_603 = arith.index_cast %get3A_602 : i32 to index
      %get3A_604 = arith.index_cast %add3A_601 : i32 to index
      %get3A_605 = arith.constant 16 : index
      %get3A_606 = tpu.vector_load %arg4[%get3A_603, %get3A_604, %get3A_605] {strides = array<i32>} : memref<2x144x128xf32, #tpu.memory_space<vmem>>, vector<1x1x16xf32>,
      %get3A_607 = vector.shape_cast %get3A_606 : vector<1x1x16xf32> to vector<16xf32>
      %add3A_608 = arith.addf %add3A_599, %get3A_607 : vector<16xf32>
      %add3A_609 = arith.constant 6 : i32
      %add3A_610 = arith.addi %mul3A_138, %add3A_609 : i32
      %get3A_611 = arith.constant 0 : i32
      %get3A_612 = arith.index_cast %get3A_611 : i32 to index
      %get3A_613 = arith.index_cast %add3A_610 : i32 to index
      %get3A_614 = arith.constant 48 : index
      %get3A_615 = tpu.vector_load %arg4[%get3A_612, %get3A_613, %get3A_614] {strides = array<i32>} : memref<2x144x128xf32, #tpu.memory_space<vmem>>, vector<1x1x16xf32>,
      %get3A_616 = vector.shape_cast %get3A_615 : vector<1x1x16xf32> to vector<16xf32>
      %add3A_617 = arith.addf %add3A_608, %get3A_616 : vector<16xf32>
      %add3A_618 = arith.constant 32 : i32
      %add3A_619 = arith.addi %add3A_618, %scan3A_136 : i32
      %mul3A_620 = arith.constant 4 : i32
      %mul3A_621 = arith.muli %mul3A_620, %add3A_619 : i32
      %add3A_622 = arith.constant 2 : i32
      %add3A_623 = arith.addi %mul3A_621, %add3A_622 : i32
      %swap3A_624 = arith.index_cast %add3A_623 : i32 to index
      %swap3A_625 = arith.constant 16 : index
      %swap3A_626 = tpu.vector_load %arg5[%swap3A_624, %swap3A_625] {strides = array<i32>} : memref<256x32xf32, #tpu.memory_space<vmem>>, vector<1x16xf32>,
      %swap3A_627 = vector.shape_cast %swap3A_626 : vector<1x16xf32> to vector<16xf32>
      %swap3A_628 = vector.shape_cast %add3A_617 : vector<16xf32> to vector<1x16xf32>
      tpu.vector_store %arg5[%swap3A_624, %swap3A_625], %swap3A_628 {strides = array<i32>} : memref<256x32xf32, #tpu.memory_space<vmem>>, vector<1x16xf32>,
      %add3A_629 = arith.constant 6 : i32
      %add3A_630 = arith.addi %mul3A_138, %add3A_629 : i32
      %get3A_631 = arith.constant 0 : i32
      %get3A_632 = arith.index_cast %get3A_631 : i32 to index
      %get3A_633 = arith.index_cast %add3A_630 : i32 to index
      %get3A_634 = arith.constant 96 : index
      %get3A_635 = tpu.vector_load %arg4[%get3A_632, %get3A_633, %get3A_634] {strides = array<i32>} : memref<2x144x128xf32, #tpu.memory_space<vmem>>, vector<1x1x16xf32>,
      %get3A_636 = vector.shape_cast %get3A_635 : vector<1x1x16xf32> to vector<16xf32>
      %add3A_637 = arith.constant 7 : i32
      %add3A_638 = arith.addi %mul3A_138, %add3A_637 : i32
      %get3A_639 = arith.constant 0 : i32
      %get3A_640 = arith.index_cast %get3A_639 : i32 to index
      %get3A_641 = arith.index_cast %add3A_638 : i32 to index
      %get3A_642 = arith.constant 0 : index
      %get3A_643 = tpu.vector_load %arg4[%get3A_640, %get3A_641, %get3A_642] {strides = array<i32>} : memref<2x144x128xf32, #tpu.memory_space<vmem>>, vector<1x1x16xf32>,
      %get3A_644 = vector.shape_cast %get3A_643 : vector<1x1x16xf32> to vector<16xf32>
      %add3A_645 = arith.addf %get3A_636, %get3A_644 : vector<16xf32>
      %add3A_646 = arith.constant 7 : i32
      %add3A_647 = arith.addi %mul3A_138, %add3A_646 : i32
      %get3A_648 = arith.constant 0 : i32
      %get3A_649 = arith.index_cast %get3A_648 : i32 to index
      %get3A_650 = arith.index_cast %add3A_647 : i32 to index
      %get3A_651 = arith.constant 32 : index
      %get3A_652 = tpu.vector_load %arg4[%get3A_649, %get3A_650, %get3A_651] {strides = array<i32>} : memref<2x144x128xf32, #tpu.memory_space<vmem>>, vector<1x1x16xf32>,
      %get3A_653 = vector.shape_cast %get3A_652 : vector<1x1x16xf32> to vector<16xf32>
      %add3A_654 = arith.addf %add3A_645, %get3A_653 : vector<16xf32>
      %add3A_655 = arith.constant 7 : i32
      %add3A_656 = arith.addi %mul3A_138, %add3A_655 : i32
      %get3A_657 = arith.constant 0 : i32
      %get3A_658 = arith.index_cast %get3A_657 : i32 to index
      %get3A_659 = arith.index_cast %add3A_656 : i32 to index
      %get3A_660 = arith.constant 64 : index
      %get3A_661 = tpu.vector_load %arg4[%get3A_658, %get3A_659, %get3A_660] {strides = array<i32>} : memref<2x144x128xf32, #tpu.memory_space<vmem>>, vector<1x1x16xf32>,
      %get3A_662 = vector.shape_cast %get3A_661 : vector<1x1x16xf32> to vector<16xf32>
      %add3A_663 = arith.addf %add3A_654, %get3A_662 : vector<16xf32>
      %add3A_664 = arith.constant 7 : i32
      %add3A_665 = arith.addi %mul3A_138, %add3A_664 : i32
      %get3A_666 = arith.constant 0 : i32
      %get3A_667 = arith.index_cast %get3A_666 : i32 to index
      %get3A_668 = arith.index_cast %add3A_665 : i32 to index
      %get3A_669 = arith.constant 96 : index
      %get3A_670 = tpu.vector_load %arg4[%get3A_667, %get3A_668, %get3A_669] {strides = array<i32>} : memref<2x144x128xf32, #tpu.memory_space<vmem>>, vector<1x1x16xf32>,
      %get3A_671 = vector.shape_cast %get3A_670 : vector<1x1x16xf32> to vector<16xf32>
      %add3A_672 = arith.addf %add3A_663, %get3A_671 : vector<16xf32>
      %add3A_673 = arith.constant 8 : i32
      %add3A_674 = arith.addi %mul3A_138, %add3A_673 : i32
      %get3A_675 = arith.constant 0 : i32
      %get3A_676 = arith.index_cast %get3A_675 : i32 to index
      %get3A_677 = arith.index_cast %add3A_674 : i32 to index
      %get3A_678 = arith.constant 0 : index
      %get3A_679 = tpu.vector_load %arg4[%get3A_676, %get3A_677, %get3A_678] {strides = array<i32>} : memref<2x144x128xf32, #tpu.memory_space<vmem>>, vector<1x1x16xf32>,
      %get3A_680 = vector.shape_cast %get3A_679 : vector<1x1x16xf32> to vector<16xf32>
      %add3A_681 = arith.addf %add3A_672, %get3A_680 : vector<16xf32>
      %add3A_682 = arith.constant 8 : i32
      %add3A_683 = arith.addi %mul3A_138, %add3A_682 : i32
      %get3A_684 = arith.constant 0 : i32
      %get3A_685 = arith.index_cast %get3A_684 : i32 to index
      %get3A_686 = arith.index_cast %add3A_683 : i32 to index
      %get3A_687 = arith.constant 32 : index
      %get3A_688 = tpu.vector_load %arg4[%get3A_685, %get3A_686, %get3A_687] {strides = array<i32>} : memref<2x144x128xf32, #tpu.memory_space<vmem>>, vector<1x1x16xf32>,
      %get3A_689 = vector.shape_cast %get3A_688 : vector<1x1x16xf32> to vector<16xf32>
      %add3A_690 = arith.addf %add3A_681, %get3A_689 : vector<16xf32>
      %add3A_691 = arith.constant 8 : i32
      %add3A_692 = arith.addi %mul3A_138, %add3A_691 : i32
      %get3A_693 = arith.constant 0 : i32
      %get3A_694 = arith.index_cast %get3A_693 : i32 to index
      %get3A_695 = arith.index_cast %add3A_692 : i32 to index
      %get3A_696 = arith.constant 64 : index
      %get3A_697 = tpu.vector_load %arg4[%get3A_694, %get3A_695, %get3A_696] {strides = array<i32>} : memref<2x144x128xf32, #tpu.memory_space<vmem>>, vector<1x1x16xf32>,
      %get3A_698 = vector.shape_cast %get3A_697 : vector<1x1x16xf32> to vector<16xf32>
      %add3A_699 = arith.addf %add3A_690, %get3A_698 : vector<16xf32>
      %add3A_700 = arith.constant 32 : i32
      %add3A_701 = arith.addi %add3A_700, %scan3A_136 : i32
      %mul3A_702 = arith.constant 4 : i32
      %mul3A_703 = arith.muli %mul3A_702, %add3A_701 : i32
      %add3A_704 = arith.constant 3 : i32
      %add3A_705 = arith.addi %mul3A_703, %add3A_704 : i32
      %swap3A_706 = arith.index_cast %add3A_705 : i32 to index
      %swap3A_707 = arith.constant 0 : index
      %swap3A_708 = tpu.vector_load %arg5[%swap3A_706, %swap3A_707] {strides = array<i32>} : memref<256x32xf32, #tpu.memory_space<vmem>>, vector<1x16xf32>,
      %swap3A_709 = vector.shape_cast %swap3A_708 : vector<1x16xf32> to vector<16xf32>
      %swap3A_710 = vector.shape_cast %add3A_699 : vector<16xf32> to vector<1x16xf32>
      tpu.vector_store %arg5[%swap3A_706, %swap3A_707], %swap3A_710 {strides = array<i32>} : memref<256x32xf32, #tpu.memory_space<vmem>>, vector<1x16xf32>,
      %add3A_711 = arith.constant 6 : i32
      %add3A_712 = arith.addi %mul3A_138, %add3A_711 : i32
      %get3A_713 = arith.constant 0 : i32
      %get3A_714 = arith.index_cast %get3A_713 : i32 to index
      %get3A_715 = arith.index_cast %add3A_712 : i32 to index
      %get3A_716 = arith.constant 112 : index
      %get3A_717 = tpu.vector_load %arg4[%get3A_714, %get3A_715, %get3A_716] {strides = array<i32>} : memref<2x144x128xf32, #tpu.memory_space<vmem>>, vector<1x1x16xf32>,
      %get3A_718 = vector.shape_cast %get3A_717 : vector<1x1x16xf32> to vector<16xf32>
      %add3A_719 = arith.constant 7 : i32
      %add3A_720 = arith.addi %mul3A_138, %add3A_719 : i32
      %get3A_721 = arith.constant 0 : i32
      %get3A_722 = arith.index_cast %get3A_721 : i32 to index
      %get3A_723 = arith.index_cast %add3A_720 : i32 to index
      %get3A_724 = arith.constant 16 : index
      %get3A_725 = tpu.vector_load %arg4[%get3A_722, %get3A_723, %get3A_724] {strides = array<i32>} : memref<2x144x128xf32, #tpu.memory_space<vmem>>, vector<1x1x16xf32>,
      %get3A_726 = vector.shape_cast %get3A_725 : vector<1x1x16xf32> to vector<16xf32>
      %add3A_727 = arith.addf %get3A_718, %get3A_726 : vector<16xf32>
      %add3A_728 = arith.constant 7 : i32
      %add3A_729 = arith.addi %mul3A_138, %add3A_728 : i32
      %get3A_730 = arith.constant 0 : i32
      %get3A_731 = arith.index_cast %get3A_730 : i32 to index
      %get3A_732 = arith.index_cast %add3A_729 : i32 to index
      %get3A_733 = arith.constant 48 : index
      %get3A_734 = tpu.vector_load %arg4[%get3A_731, %get3A_732, %get3A_733] {strides = array<i32>} : memref<2x144x128xf32, #tpu.memory_space<vmem>>, vector<1x1x16xf32>,
      %get3A_735 = vector.shape_cast %get3A_734 : vector<1x1x16xf32> to vector<16xf32>
      %add3A_736 = arith.addf %add3A_727, %get3A_735 : vector<16xf32>
      %add3A_737 = arith.constant 7 : i32
      %add3A_738 = arith.addi %mul3A_138, %add3A_737 : i32
      %get3A_739 = arith.constant 0 : i32
      %get3A_740 = arith.index_cast %get3A_739 : i32 to index
      %get3A_741 = arith.index_cast %add3A_738 : i32 to index
      %get3A_742 = arith.constant 80 : index
      %get3A_743 = tpu.vector_load %arg4[%get3A_740, %get3A_741, %get3A_742] {strides = array<i32>} : memref<2x144x128xf32, #tpu.memory_space<vmem>>, vector<1x1x16xf32>,
      %get3A_744 = vector.shape_cast %get3A_743 : vector<1x1x16xf32> to vector<16xf32>
      %add3A_745 = arith.addf %add3A_736, %get3A_744 : vector<16xf32>
      %add3A_746 = arith.constant 7 : i32
      %add3A_747 = arith.addi %mul3A_138, %add3A_746 : i32
      %get3A_748 = arith.constant 0 : i32
      %get3A_749 = arith.index_cast %get3A_748 : i32 to index
      %get3A_750 = arith.index_cast %add3A_747 : i32 to index
      %get3A_751 = arith.constant 112 : index
      %get3A_752 = tpu.vector_load %arg4[%get3A_749, %get3A_750, %get3A_751] {strides = array<i32>} : memref<2x144x128xf32, #tpu.memory_space<vmem>>, vector<1x1x16xf32>,
      %get3A_753 = vector.shape_cast %get3A_752 : vector<1x1x16xf32> to vector<16xf32>
      %add3A_754 = arith.addf %add3A_745, %get3A_753 : vector<16xf32>
      %add3A_755 = arith.constant 8 : i32
      %add3A_756 = arith.addi %mul3A_138, %add3A_755 : i32
      %get3A_757 = arith.constant 0 : i32
      %get3A_758 = arith.index_cast %get3A_757 : i32 to index
      %get3A_759 = arith.index_cast %add3A_756 : i32 to index
      %get3A_760 = arith.constant 16 : index
      %get3A_761 = tpu.vector_load %arg4[%get3A_758, %get3A_759, %get3A_760] {strides = array<i32>} : memref<2x144x128xf32, #tpu.memory_space<vmem>>, vector<1x1x16xf32>,
      %get3A_762 = vector.shape_cast %get3A_761 : vector<1x1x16xf32> to vector<16xf32>
      %add3A_763 = arith.addf %add3A_754, %get3A_762 : vector<16xf32>
      %add3A_764 = arith.constant 8 : i32
      %add3A_765 = arith.addi %mul3A_138, %add3A_764 : i32
      %get3A_766 = arith.constant 0 : i32
      %get3A_767 = arith.index_cast %get3A_766 : i32 to index
      %get3A_768 = arith.index_cast %add3A_765 : i32 to index
      %get3A_769 = arith.constant 48 : index
      %get3A_770 = tpu.vector_load %arg4[%get3A_767, %get3A_768, %get3A_769] {strides = array<i32>} : memref<2x144x128xf32, #tpu.memory_space<vmem>>, vector<1x1x16xf32>,
      %get3A_771 = vector.shape_cast %get3A_770 : vector<1x1x16xf32> to vector<16xf32>
      %add3A_772 = arith.addf %add3A_763, %get3A_771 : vector<16xf32>
      %add3A_773 = arith.constant 8 : i32
      %add3A_774 = arith.addi %mul3A_138, %add3A_773 : i32
      %get3A_775 = arith.constant 0 : i32
      %get3A_776 = arith.index_cast %get3A_775 : i32 to index
      %get3A_777 = arith.index_cast %add3A_774 : i32 to index
      %get3A_778 = arith.constant 80 : index
      %get3A_779 = tpu.vector_load %arg4[%get3A_776, %get3A_777, %get3A_778] {strides = array<i32>} : memref<2x144x128xf32, #tpu.memory_space<vmem>>, vector<1x1x16xf32>,
      %get3A_780 = vector.shape_cast %get3A_779 : vector<1x1x16xf32> to vector<16xf32>
      %add3A_781 = arith.addf %add3A_772, %get3A_780 : vector<16xf32>
      %add3A_782 = arith.constant 32 : i32
      %add3A_783 = arith.addi %add3A_782, %scan3A_136 : i32
      %mul3A_784 = arith.constant 4 : i32
      %mul3A_785 = arith.muli %mul3A_784, %add3A_783 : i32
      %add3A_786 = arith.constant 3 : i32
      %add3A_787 = arith.addi %mul3A_785, %add3A_786 : i32
      %swap3A_788 = arith.index_cast %add3A_787 : i32 to index
      %swap3A_789 = arith.constant 16 : index
      %swap3A_790 = tpu.vector_load %arg5[%swap3A_788, %swap3A_789] {strides = array<i32>} : memref<256x32xf32, #tpu.memory_space<vmem>>, vector<1x16xf32>,
      %swap3A_791 = vector.shape_cast %swap3A_790 : vector<1x16xf32> to vector<16xf32>
      %swap3A_792 = vector.shape_cast %add3A_781 : vector<16xf32> to vector<1x16xf32>
      tpu.vector_store %arg5[%swap3A_788, %swap3A_789], %swap3A_792 {strides = array<i32>} : memref<256x32xf32, #tpu.memory_space<vmem>>, vector<1x16xf32>,
    }
    %scan3A_114 = arith.constant 16 : i32
    %dma_wait3A_115 = arith.constant 1 : i32
    %dma_wait3A_116 = arith.constant 0 : i32
    %dma_wait3A_117 = arith.constant 0 : i32
    %dma_wait3A_118 = tpu.memref_slice %arg4[%dma_wait3A_115, %dma_wait3A_116, %dma_wait3A_117] : memref<2x144x128xf32, #tpu.memory_space<vmem>> -> memref<1x144x128xf32, #tpu.memory_space<vmem>>
    %dma_wait3A_119 = tpu.memref_squeeze %dma_wait3A_118 : memref<1x144x128xf32, #tpu.memory_space<vmem>> -> memref<144x128xf32, #tpu.memory_space<vmem>>
    %dma_wait3A_120 = arith.constant 0 : i32
    %dma_wait3A_121 = tpu.memref_slice %arg2[%add3A_82, %dma_wait3A_120] : memref<18432x128xf32, #tpu.memory_space<hbm>> -> memref<144x128xf32, #tpu.memory_space<hbm>>
    %dma_wait3A_122 = arith.constant 0 : i32
    %dma_wait3A_123 = arith.constant 0 : i32
    %dma_wait3A_124 = tpu.memref_slice %arg4[%dma_wait3A_115, %dma_wait3A_122, %dma_wait3A_123] : memref<2x144x128xf32, #tpu.memory_space<vmem>> -> memref<1x144x128xf32, #tpu.memory_space<vmem>>
    %dma_wait3A_125 = tpu.memref_squeeze %dma_wait3A_124 : memref<1x144x128xf32, #tpu.memory_space<vmem>> -> memref<144x128xf32, #tpu.memory_space<vmem>>
    %dma_wait3A_126 = arith.constant 0 : i32
    %dma_wait3A_127 = tpu.memref_slice %arg2[%add3A_82, %dma_wait3A_126] : memref<18432x128xf32, #tpu.memory_space<hbm>> -> memref<144x128xf32, #tpu.memory_space<hbm>>
    tpu.wait_dma2 semaphore(%arg7 : memref<!tpu.dma_semaphore, #tpu.memory_space<semaphore_mem>>) src(%dma_wait3A_127 : memref<144x128xf32, #tpu.memory_space<hbm>>) dst(%dma_wait3A_125 : memref<144x128xf32, #tpu.memory_space<vmem>>)
    %scan3A_128 = arith.constant 0 : i32
    %scan3A_129 = arith.constant 0 : i32
    %scan3A_130 = arith.constant 16 : i32
    %scan3A_131 = arith.addi %scan3A_129, %scan3A_130 : i32
    %scan3A_132 = arith.constant 1 : i32
    scf.for %scan3A_136 = %scan3A_129 to %scan3A_131 step %scan3A_132  : i32 {
      %mul3A_137 = arith.constant 9 : i32
      %mul3A_138 = arith.muli %scan3A_136, %mul3A_137 : i32
      %add3A_139 = arith.constant 0 : i32
      %add3A_140 = arith.addi %mul3A_138, %add3A_139 : i32
      %get3A = arith.constant 1 : i32
      %get3A_141 = arith.index_cast %get3A : i32 to index
      %get3A_142 = arith.index_cast %add3A_140 : i32 to index
      %get3A_143 = arith.constant 0 : index
      %get3A_144 = tpu.vector_load %arg4[%get3A_141, %get3A_142, %get3A_143] {strides = array<i32>} : memref<2x144x128xf32, #tpu.memory_space<vmem>>, vector<1x1x16xf32>,
      %get3A_145 = vector.shape_cast %get3A_144 : vector<1x1x16xf32> to vector<16xf32>
      %add3A_146 = arith.constant 0 : i32
      %add3A_147 = arith.addi %mul3A_138, %add3A_146 : i32
      %get3A_148 = arith.constant 1 : i32
      %get3A_149 = arith.index_cast %get3A_148 : i32 to index
      %get3A_150 = arith.index_cast %add3A_147 : i32 to index
      %get3A_151 = arith.constant 32 : index
      %get3A_152 = tpu.vector_load %arg4[%get3A_149, %get3A_150, %get3A_151] {strides = array<i32>} : memref<2x144x128xf32, #tpu.memory_space<vmem>>, vector<1x1x16xf32>,
      %get3A_153 = vector.shape_cast %get3A_152 : vector<1x1x16xf32> to vector<16xf32>
      %add3A_154 = arith.addf %get3A_145, %get3A_153 : vector<16xf32>
      %add3A_155 = arith.constant 0 : i32
      %add3A_156 = arith.addi %mul3A_138, %add3A_155 : i32
      %get3A_157 = arith.constant 1 : i32
      %get3A_158 = arith.index_cast %get3A_157 : i32 to index
      %get3A_159 = arith.index_cast %add3A_156 : i32 to index
      %get3A_160 = arith.constant 64 : index
      %get3A_161 = tpu.vector_load %arg4[%get3A_158, %get3A_159, %get3A_160] {strides = array<i32>} : memref<2x144x128xf32, #tpu.memory_space<vmem>>, vector<1x1x16xf32>,
      %get3A_162 = vector.shape_cast %get3A_161 : vector<1x1x16xf32> to vector<16xf32>
      %add3A_163 = arith.addf %add3A_154, %get3A_162 : vector<16xf32>
      %add3A_164 = arith.constant 0 : i32
      %add3A_165 = arith.addi %mul3A_138, %add3A_164 : i32
      %get3A_166 = arith.constant 1 : i32
      %get3A_167 = arith.index_cast %get3A_166 : i32 to index
      %get3A_168 = arith.index_cast %add3A_165 : i32 to index
      %get3A_169 = arith.constant 96 : index
      %get3A_170 = tpu.vector_load %arg4[%get3A_167, %get3A_168, %get3A_169] {strides = array<i32>} : memref<2x144x128xf32, #tpu.memory_space<vmem>>, vector<1x1x16xf32>,
      %get3A_171 = vector.shape_cast %get3A_170 : vector<1x1x16xf32> to vector<16xf32>
      %add3A_172 = arith.addf %add3A_163, %get3A_171 : vector<16xf32>
      %add3A_173 = arith.constant 1 : i32
      %add3A_174 = arith.addi %mul3A_138, %add3A_173 : i32
      %get3A_175 = arith.constant 1 : i32
      %get3A_176 = arith.index_cast %get3A_175 : i32 to index
      %get3A_177 = arith.index_cast %add3A_174 : i32 to index
      %get3A_178 = arith.constant 0 : index
      %get3A_179 = tpu.vector_load %arg4[%get3A_176, %get3A_177, %get3A_178] {strides = array<i32>} : memref<2x144x128xf32, #tpu.memory_space<vmem>>, vector<1x1x16xf32>,
      %get3A_180 = vector.shape_cast %get3A_179 : vector<1x1x16xf32> to vector<16xf32>
      %add3A_181 = arith.addf %add3A_172, %get3A_180 : vector<16xf32>
      %add3A_182 = arith.constant 1 : i32
      %add3A_183 = arith.addi %mul3A_138, %add3A_182 : i32
      %get3A_184 = arith.constant 1 : i32
      %get3A_185 = arith.index_cast %get3A_184 : i32 to index
      %get3A_186 = arith.index_cast %add3A_183 : i32 to index
      %get3A_187 = arith.constant 32 : index
      %get3A_188 = tpu.vector_load %arg4[%get3A_185, %get3A_186, %get3A_187] {strides = array<i32>} : memref<2x144x128xf32, #tpu.memory_space<vmem>>, vector<1x1x16xf32>,
      %get3A_189 = vector.shape_cast %get3A_188 : vector<1x1x16xf32> to vector<16xf32>
      %add3A_190 = arith.addf %add3A_181, %get3A_189 : vector<16xf32>
      %add3A_191 = arith.constant 1 : i32
      %add3A_192 = arith.addi %mul3A_138, %add3A_191 : i32
      %get3A_193 = arith.constant 1 : i32
      %get3A_194 = arith.index_cast %get3A_193 : i32 to index
      %get3A_195 = arith.index_cast %add3A_192 : i32 to index
      %get3A_196 = arith.constant 64 : index
      %get3A_197 = tpu.vector_load %arg4[%get3A_194, %get3A_195, %get3A_196] {strides = array<i32>} : memref<2x144x128xf32, #tpu.memory_space<vmem>>, vector<1x1x16xf32>,
      %get3A_198 = vector.shape_cast %get3A_197 : vector<1x1x16xf32> to vector<16xf32>
      %add3A_199 = arith.addf %add3A_190, %get3A_198 : vector<16xf32>
      %add3A_200 = arith.constant 1 : i32
      %add3A_201 = arith.addi %mul3A_138, %add3A_200 : i32
      %get3A_202 = arith.constant 1 : i32
      %get3A_203 = arith.index_cast %get3A_202 : i32 to index
      %get3A_204 = arith.index_cast %add3A_201 : i32 to index
      %get3A_205 = arith.constant 96 : index
      %get3A_206 = tpu.vector_load %arg4[%get3A_203, %get3A_204, %get3A_205] {strides = array<i32>} : memref<2x144x128xf32, #tpu.memory_space<vmem>>, vector<1x1x16xf32>,
      %get3A_207 = vector.shape_cast %get3A_206 : vector<1x1x16xf32> to vector<16xf32>
      %add3A_208 = arith.addf %add3A_199, %get3A_207 : vector<16xf32>
      %add3A_209 = arith.constant 48 : i32
      %add3A_210 = arith.addi %add3A_209, %scan3A_136 : i32
      %mul3A_211 = arith.constant 4 : i32
      %mul3A_212 = arith.muli %mul3A_211, %add3A_210 : i32
      %add3A_213 = arith.constant 0 : i32
      %add3A_214 = arith.addi %mul3A_212, %add3A_213 : i32
      %swap3A = arith.index_cast %add3A_214 : i32 to index
      %swap3A_215 = arith.constant 0 : index
      %swap3A_216 = tpu.vector_load %arg5[%swap3A, %swap3A_215] {strides = array<i32>} : memref<256x32xf32, #tpu.memory_space<vmem>>, vector<1x16xf32>,
      %swap3A_217 = vector.shape_cast %swap3A_216 : vector<1x16xf32> to vector<16xf32>
      %swap3A_218 = vector.shape_cast %add3A_208 : vector<16xf32> to vector<1x16xf32>
      tpu.vector_store %arg5[%swap3A, %swap3A_215], %swap3A_218 {strides = array<i32>} : memref<256x32xf32, #tpu.memory_space<vmem>>, vector<1x16xf32>,
      %add3A_219 = arith.constant 0 : i32
      %add3A_220 = arith.addi %mul3A_138, %add3A_219 : i32
      %get3A_221 = arith.constant 1 : i32
      %get3A_222 = arith.index_cast %get3A_221 : i32 to index
      %get3A_223 = arith.index_cast %add3A_220 : i32 to index
      %get3A_224 = arith.constant 16 : index
      %get3A_225 = tpu.vector_load %arg4[%get3A_222, %get3A_223, %get3A_224] {strides = array<i32>} : memref<2x144x128xf32, #tpu.memory_space<vmem>>, vector<1x1x16xf32>,
      %get3A_226 = vector.shape_cast %get3A_225 : vector<1x1x16xf32> to vector<16xf32>
      %add3A_227 = arith.constant 0 : i32
      %add3A_228 = arith.addi %mul3A_138, %add3A_227 : i32
      %get3A_229 = arith.constant 1 : i32
      %get3A_230 = arith.index_cast %get3A_229 : i32 to index
      %get3A_231 = arith.index_cast %add3A_228 : i32 to index
      %get3A_232 = arith.constant 48 : index
      %get3A_233 = tpu.vector_load %arg4[%get3A_230, %get3A_231, %get3A_232] {strides = array<i32>} : memref<2x144x128xf32, #tpu.memory_space<vmem>>, vector<1x1x16xf32>,
      %get3A_234 = vector.shape_cast %get3A_233 : vector<1x1x16xf32> to vector<16xf32>
      %add3A_235 = arith.addf %get3A_226, %get3A_234 : vector<16xf32>
      %add3A_236 = arith.constant 0 : i32
      %add3A_237 = arith.addi %mul3A_138, %add3A_236 : i32
      %get3A_238 = arith.constant 1 : i32
      %get3A_239 = arith.index_cast %get3A_238 : i32 to index
      %get3A_240 = arith.index_cast %add3A_237 : i32 to index
      %get3A_241 = arith.constant 80 : index
      %get3A_242 = tpu.vector_load %arg4[%get3A_239, %get3A_240, %get3A_241] {strides = array<i32>} : memref<2x144x128xf32, #tpu.memory_space<vmem>>, vector<1x1x16xf32>,
      %get3A_243 = vector.shape_cast %get3A_242 : vector<1x1x16xf32> to vector<16xf32>
      %add3A_244 = arith.addf %add3A_235, %get3A_243 : vector<16xf32>
      %add3A_245 = arith.constant 0 : i32
      %add3A_246 = arith.addi %mul3A_138, %add3A_245 : i32
      %get3A_247 = arith.constant 1 : i32
      %get3A_248 = arith.index_cast %get3A_247 : i32 to index
      %get3A_249 = arith.index_cast %add3A_246 : i32 to index
      %get3A_250 = arith.constant 112 : index
      %get3A_251 = tpu.vector_load %arg4[%get3A_248, %get3A_249, %get3A_250] {strides = array<i32>} : memref<2x144x128xf32, #tpu.memory_space<vmem>>, vector<1x1x16xf32>,
      %get3A_252 = vector.shape_cast %get3A_251 : vector<1x1x16xf32> to vector<16xf32>
      %add3A_253 = arith.addf %add3A_244, %get3A_252 : vector<16xf32>
      %add3A_254 = arith.constant 1 : i32
      %add3A_255 = arith.addi %mul3A_138, %add3A_254 : i32
      %get3A_256 = arith.constant 1 : i32
      %get3A_257 = arith.index_cast %get3A_256 : i32 to index
      %get3A_258 = arith.index_cast %add3A_255 : i32 to index
      %get3A_259 = arith.constant 16 : index
      %get3A_260 = tpu.vector_load %arg4[%get3A_257, %get3A_258, %get3A_259] {strides = array<i32>} : memref<2x144x128xf32, #tpu.memory_space<vmem>>, vector<1x1x16xf32>,
      %get3A_261 = vector.shape_cast %get3A_260 : vector<1x1x16xf32> to vector<16xf32>
      %add3A_262 = arith.addf %add3A_253, %get3A_261 : vector<16xf32>
      %add3A_263 = arith.constant 1 : i32
      %add3A_264 = arith.addi %mul3A_138, %add3A_263 : i32
      %get3A_265 = arith.constant 1 : i32
      %get3A_266 = arith.index_cast %get3A_265 : i32 to index
      %get3A_267 = arith.index_cast %add3A_264 : i32 to index
      %get3A_268 = arith.constant 48 : index
      %get3A_269 = tpu.vector_load %arg4[%get3A_266, %get3A_267, %get3A_268] {strides = array<i32>} : memref<2x144x128xf32, #tpu.memory_space<vmem>>, vector<1x1x16xf32>,
      %get3A_270 = vector.shape_cast %get3A_269 : vector<1x1x16xf32> to vector<16xf32>
      %add3A_271 = arith.addf %add3A_262, %get3A_270 : vector<16xf32>
      %add3A_272 = arith.constant 1 : i32
      %add3A_273 = arith.addi %mul3A_138, %add3A_272 : i32
      %get3A_274 = arith.constant 1 : i32
      %get3A_275 = arith.index_cast %get3A_274 : i32 to index
      %get3A_276 = arith.index_cast %add3A_273 : i32 to index
      %get3A_277 = arith.constant 80 : index
      %get3A_278 = tpu.vector_load %arg4[%get3A_275, %get3A_276, %get3A_277] {strides = array<i32>} : memref<2x144x128xf32, #tpu.memory_space<vmem>>, vector<1x1x16xf32>,
      %get3A_279 = vector.shape_cast %get3A_278 : vector<1x1x16xf32> to vector<16xf32>
      %add3A_280 = arith.addf %add3A_271, %get3A_279 : vector<16xf32>
      %add3A_281 = arith.constant 1 : i32
      %add3A_282 = arith.addi %mul3A_138, %add3A_281 : i32
      %get3A_283 = arith.constant 1 : i32
      %get3A_284 = arith.index_cast %get3A_283 : i32 to index
      %get3A_285 = arith.index_cast %add3A_282 : i32 to index
      %get3A_286 = arith.constant 112 : index
      %get3A_287 = tpu.vector_load %arg4[%get3A_284, %get3A_285, %get3A_286] {strides = array<i32>} : memref<2x144x128xf32, #tpu.memory_space<vmem>>, vector<1x1x16xf32>,
      %get3A_288 = vector.shape_cast %get3A_287 : vector<1x1x16xf32> to vector<16xf32>
      %add3A_289 = arith.addf %add3A_280, %get3A_288 : vector<16xf32>
      %add3A_290 = arith.constant 48 : i32
      %add3A_291 = arith.addi %add3A_290, %scan3A_136 : i32
      %mul3A_292 = arith.constant 4 : i32
      %mul3A_293 = arith.muli %mul3A_292, %add3A_291 : i32
      %add3A_294 = arith.constant 0 : i32
      %add3A_295 = arith.addi %mul3A_293, %add3A_294 : i32
      %swap3A_296 = arith.index_cast %add3A_295 : i32 to index
      %swap3A_297 = arith.constant 16 : index
      %swap3A_298 = tpu.vector_load %arg5[%swap3A_296, %swap3A_297] {strides = array<i32>} : memref<256x32xf32, #tpu.memory_space<vmem>>, vector<1x16xf32>,
      %swap3A_299 = vector.shape_cast %swap3A_298 : vector<1x16xf32> to vector<16xf32>
      %swap3A_300 = vector.shape_cast %add3A_289 : vector<16xf32> to vector<1x16xf32>
      tpu.vector_store %arg5[%swap3A_296, %swap3A_297], %swap3A_300 {strides = array<i32>} : memref<256x32xf32, #tpu.memory_space<vmem>>, vector<1x16xf32>,
      %add3A_301 = arith.constant 2 : i32
      %add3A_302 = arith.addi %mul3A_138, %add3A_301 : i32
      %get3A_303 = arith.constant 1 : i32
      %get3A_304 = arith.index_cast %get3A_303 : i32 to index
      %get3A_305 = arith.index_cast %add3A_302 : i32 to index
      %get3A_306 = arith.constant 32 : index
      %get3A_307 = tpu.vector_load %arg4[%get3A_304, %get3A_305, %get3A_306] {strides = array<i32>} : memref<2x144x128xf32, #tpu.memory_space<vmem>>, vector<1x1x16xf32>,
      %get3A_308 = vector.shape_cast %get3A_307 : vector<1x1x16xf32> to vector<16xf32>
      %add3A_309 = arith.constant 2 : i32
      %add3A_310 = arith.addi %mul3A_138, %add3A_309 : i32
      %get3A_311 = arith.constant 1 : i32
      %get3A_312 = arith.index_cast %get3A_311 : i32 to index
      %get3A_313 = arith.index_cast %add3A_310 : i32 to index
      %get3A_314 = arith.constant 64 : index
      %get3A_315 = tpu.vector_load %arg4[%get3A_312, %get3A_313, %get3A_314] {strides = array<i32>} : memref<2x144x128xf32, #tpu.memory_space<vmem>>, vector<1x1x16xf32>,
      %get3A_316 = vector.shape_cast %get3A_315 : vector<1x1x16xf32> to vector<16xf32>
      %add3A_317 = arith.addf %get3A_308, %get3A_316 : vector<16xf32>
      %add3A_318 = arith.constant 2 : i32
      %add3A_319 = arith.addi %mul3A_138, %add3A_318 : i32
      %get3A_320 = arith.constant 1 : i32
      %get3A_321 = arith.index_cast %get3A_320 : i32 to index
      %get3A_322 = arith.index_cast %add3A_319 : i32 to index
      %get3A_323 = arith.constant 96 : index
      %get3A_324 = tpu.vector_load %arg4[%get3A_321, %get3A_322, %get3A_323] {strides = array<i32>} : memref<2x144x128xf32, #tpu.memory_space<vmem>>, vector<1x1x16xf32>,
      %get3A_325 = vector.shape_cast %get3A_324 : vector<1x1x16xf32> to vector<16xf32>
      %add3A_326 = arith.addf %add3A_317, %get3A_325 : vector<16xf32>
      %add3A_327 = arith.constant 3 : i32
      %add3A_328 = arith.addi %mul3A_138, %add3A_327 : i32
      %get3A_329 = arith.constant 1 : i32
      %get3A_330 = arith.index_cast %get3A_329 : i32 to index
      %get3A_331 = arith.index_cast %add3A_328 : i32 to index
      %get3A_332 = arith.constant 0 : index
      %get3A_333 = tpu.vector_load %arg4[%get3A_330, %get3A_331, %get3A_332] {strides = array<i32>} : memref<2x144x128xf32, #tpu.memory_space<vmem>>, vector<1x1x16xf32>,
      %get3A_334 = vector.shape_cast %get3A_333 : vector<1x1x16xf32> to vector<16xf32>
      %add3A_335 = arith.addf %add3A_326, %get3A_334 : vector<16xf32>
      %add3A_336 = arith.constant 3 : i32
      %add3A_337 = arith.addi %mul3A_138, %add3A_336 : i32
      %get3A_338 = arith.constant 1 : i32
      %get3A_339 = arith.index_cast %get3A_338 : i32 to index
      %get3A_340 = arith.index_cast %add3A_337 : i32 to index
      %get3A_341 = arith.constant 32 : index
      %get3A_342 = tpu.vector_load %arg4[%get3A_339, %get3A_340, %get3A_341] {strides = array<i32>} : memref<2x144x128xf32, #tpu.memory_space<vmem>>, vector<1x1x16xf32>,
      %get3A_343 = vector.shape_cast %get3A_342 : vector<1x1x16xf32> to vector<16xf32>
      %add3A_344 = arith.addf %add3A_335, %get3A_343 : vector<16xf32>
      %add3A_345 = arith.constant 3 : i32
      %add3A_346 = arith.addi %mul3A_138, %add3A_345 : i32
      %get3A_347 = arith.constant 1 : i32
      %get3A_348 = arith.index_cast %get3A_347 : i32 to index
      %get3A_349 = arith.index_cast %add3A_346 : i32 to index
      %get3A_350 = arith.constant 64 : index
      %get3A_351 = tpu.vector_load %arg4[%get3A_348, %get3A_349, %get3A_350] {strides = array<i32>} : memref<2x144x128xf32, #tpu.memory_space<vmem>>, vector<1x1x16xf32>,
      %get3A_352 = vector.shape_cast %get3A_351 : vector<1x1x16xf32> to vector<16xf32>
      %add3A_353 = arith.addf %add3A_344, %get3A_352 : vector<16xf32>
      %add3A_354 = arith.constant 3 : i32
      %add3A_355 = arith.addi %mul3A_138, %add3A_354 : i32
      %get3A_356 = arith.constant 1 : i32
      %get3A_357 = arith.index_cast %get3A_356 : i32 to index
      %get3A_358 = arith.index_cast %add3A_355 : i32 to index
      %get3A_359 = arith.constant 96 : index
      %get3A_360 = tpu.vector_load %arg4[%get3A_357, %get3A_358, %get3A_359] {strides = array<i32>} : memref<2x144x128xf32, #tpu.memory_space<vmem>>, vector<1x1x16xf32>,
      %get3A_361 = vector.shape_cast %get3A_360 : vector<1x1x16xf32> to vector<16xf32>
      %add3A_362 = arith.addf %add3A_353, %get3A_361 : vector<16xf32>
      %add3A_363 = arith.constant 4 : i32
      %add3A_364 = arith.addi %mul3A_138, %add3A_363 : i32
      %get3A_365 = arith.constant 1 : i32
      %get3A_366 = arith.index_cast %get3A_365 : i32 to index
      %get3A_367 = arith.index_cast %add3A_364 : i32 to index
      %get3A_368 = arith.constant 0 : index
      %get3A_369 = tpu.vector_load %arg4[%get3A_366, %get3A_367, %get3A_368] {strides = array<i32>} : memref<2x144x128xf32, #tpu.memory_space<vmem>>, vector<1x1x16xf32>,
      %get3A_370 = vector.shape_cast %get3A_369 : vector<1x1x16xf32> to vector<16xf32>
      %add3A_371 = arith.addf %add3A_362, %get3A_370 : vector<16xf32>
      %add3A_372 = arith.constant 48 : i32
      %add3A_373 = arith.addi %add3A_372, %scan3A_136 : i32
      %mul3A_374 = arith.constant 4 : i32
      %mul3A_375 = arith.muli %mul3A_374, %add3A_373 : i32
      %add3A_376 = arith.constant 1 : i32
      %add3A_377 = arith.addi %mul3A_375, %add3A_376 : i32
      %swap3A_378 = arith.index_cast %add3A_377 : i32 to index
      %swap3A_379 = arith.constant 0 : index
      %swap3A_380 = tpu.vector_load %arg5[%swap3A_378, %swap3A_379] {strides = array<i32>} : memref<256x32xf32, #tpu.memory_space<vmem>>, vector<1x16xf32>,
      %swap3A_381 = vector.shape_cast %swap3A_380 : vector<1x16xf32> to vector<16xf32>
      %swap3A_382 = vector.shape_cast %add3A_371 : vector<16xf32> to vector<1x16xf32>
      tpu.vector_store %arg5[%swap3A_378, %swap3A_379], %swap3A_382 {strides = array<i32>} : memref<256x32xf32, #tpu.memory_space<vmem>>, vector<1x16xf32>,
      %add3A_383 = arith.constant 2 : i32
      %add3A_384 = arith.addi %mul3A_138, %add3A_383 : i32
      %get3A_385 = arith.constant 1 : i32
      %get3A_386 = arith.index_cast %get3A_385 : i32 to index
      %get3A_387 = arith.index_cast %add3A_384 : i32 to index
      %get3A_388 = arith.constant 48 : index
      %get3A_389 = tpu.vector_load %arg4[%get3A_386, %get3A_387, %get3A_388] {strides = array<i32>} : memref<2x144x128xf32, #tpu.memory_space<vmem>>, vector<1x1x16xf32>,
      %get3A_390 = vector.shape_cast %get3A_389 : vector<1x1x16xf32> to vector<16xf32>
      %add3A_391 = arith.constant 2 : i32
      %add3A_392 = arith.addi %mul3A_138, %add3A_391 : i32
      %get3A_393 = arith.constant 1 : i32
      %get3A_394 = arith.index_cast %get3A_393 : i32 to index
      %get3A_395 = arith.index_cast %add3A_392 : i32 to index
      %get3A_396 = arith.constant 80 : index
      %get3A_397 = tpu.vector_load %arg4[%get3A_394, %get3A_395, %get3A_396] {strides = array<i32>} : memref<2x144x128xf32, #tpu.memory_space<vmem>>, vector<1x1x16xf32>,
      %get3A_398 = vector.shape_cast %get3A_397 : vector<1x1x16xf32> to vector<16xf32>
      %add3A_399 = arith.addf %get3A_390, %get3A_398 : vector<16xf32>
      %add3A_400 = arith.constant 2 : i32
      %add3A_401 = arith.addi %mul3A_138, %add3A_400 : i32
      %get3A_402 = arith.constant 1 : i32
      %get3A_403 = arith.index_cast %get3A_402 : i32 to index
      %get3A_404 = arith.index_cast %add3A_401 : i32 to index
      %get3A_405 = arith.constant 112 : index
      %get3A_406 = tpu.vector_load %arg4[%get3A_403, %get3A_404, %get3A_405] {strides = array<i32>} : memref<2x144x128xf32, #tpu.memory_space<vmem>>, vector<1x1x16xf32>,
      %get3A_407 = vector.shape_cast %get3A_406 : vector<1x1x16xf32> to vector<16xf32>
      %add3A_408 = arith.addf %add3A_399, %get3A_407 : vector<16xf32>
      %add3A_409 = arith.constant 3 : i32
      %add3A_410 = arith.addi %mul3A_138, %add3A_409 : i32
      %get3A_411 = arith.constant 1 : i32
      %get3A_412 = arith.index_cast %get3A_411 : i32 to index
      %get3A_413 = arith.index_cast %add3A_410 : i32 to index
      %get3A_414 = arith.constant 16 : index
      %get3A_415 = tpu.vector_load %arg4[%get3A_412, %get3A_413, %get3A_414] {strides = array<i32>} : memref<2x144x128xf32, #tpu.memory_space<vmem>>, vector<1x1x16xf32>,
      %get3A_416 = vector.shape_cast %get3A_415 : vector<1x1x16xf32> to vector<16xf32>
      %add3A_417 = arith.addf %add3A_408, %get3A_416 : vector<16xf32>
      %add3A_418 = arith.constant 3 : i32
      %add3A_419 = arith.addi %mul3A_138, %add3A_418 : i32
      %get3A_420 = arith.constant 1 : i32
      %get3A_421 = arith.index_cast %get3A_420 : i32 to index
      %get3A_422 = arith.index_cast %add3A_419 : i32 to index
      %get3A_423 = arith.constant 48 : index
      %get3A_424 = tpu.vector_load %arg4[%get3A_421, %get3A_422, %get3A_423] {strides = array<i32>} : memref<2x144x128xf32, #tpu.memory_space<vmem>>, vector<1x1x16xf32>,
      %get3A_425 = vector.shape_cast %get3A_424 : vector<1x1x16xf32> to vector<16xf32>
      %add3A_426 = arith.addf %add3A_417, %get3A_425 : vector<16xf32>
      %add3A_427 = arith.constant 3 : i32
      %add3A_428 = arith.addi %mul3A_138, %add3A_427 : i32
      %get3A_429 = arith.constant 1 : i32
      %get3A_430 = arith.index_cast %get3A_429 : i32 to index
      %get3A_431 = arith.index_cast %add3A_428 : i32 to index
      %get3A_432 = arith.constant 80 : index
      %get3A_433 = tpu.vector_load %arg4[%get3A_430, %get3A_431, %get3A_432] {strides = array<i32>} : memref<2x144x128xf32, #tpu.memory_space<vmem>>, vector<1x1x16xf32>,
      %get3A_434 = vector.shape_cast %get3A_433 : vector<1x1x16xf32> to vector<16xf32>
      %add3A_435 = arith.addf %add3A_426, %get3A_434 : vector<16xf32>
      %add3A_436 = arith.constant 3 : i32
      %add3A_437 = arith.addi %mul3A_138, %add3A_436 : i32
      %get3A_438 = arith.constant 1 : i32
      %get3A_439 = arith.index_cast %get3A_438 : i32 to index
      %get3A_440 = arith.index_cast %add3A_437 : i32 to index
      %get3A_441 = arith.constant 112 : index
      %get3A_442 = tpu.vector_load %arg4[%get3A_439, %get3A_440, %get3A_441] {strides = array<i32>} : memref<2x144x128xf32, #tpu.memory_space<vmem>>, vector<1x1x16xf32>,
      %get3A_443 = vector.shape_cast %get3A_442 : vector<1x1x16xf32> to vector<16xf32>
      %add3A_444 = arith.addf %add3A_435, %get3A_443 : vector<16xf32>
      %add3A_445 = arith.constant 4 : i32
      %add3A_446 = arith.addi %mul3A_138, %add3A_445 : i32
      %get3A_447 = arith.constant 1 : i32
      %get3A_448 = arith.index_cast %get3A_447 : i32 to index
      %get3A_449 = arith.index_cast %add3A_446 : i32 to index
      %get3A_450 = arith.constant 16 : index
      %get3A_451 = tpu.vector_load %arg4[%get3A_448, %get3A_449, %get3A_450] {strides = array<i32>} : memref<2x144x128xf32, #tpu.memory_space<vmem>>, vector<1x1x16xf32>,
      %get3A_452 = vector.shape_cast %get3A_451 : vector<1x1x16xf32> to vector<16xf32>
      %add3A_453 = arith.addf %add3A_444, %get3A_452 : vector<16xf32>
      %add3A_454 = arith.constant 48 : i32
      %add3A_455 = arith.addi %add3A_454, %scan3A_136 : i32
      %mul3A_456 = arith.constant 4 : i32
      %mul3A_457 = arith.muli %mul3A_456, %add3A_455 : i32
      %add3A_458 = arith.constant 1 : i32
      %add3A_459 = arith.addi %mul3A_457, %add3A_458 : i32
      %swap3A_460 = arith.index_cast %add3A_459 : i32 to index
      %swap3A_461 = arith.constant 16 : index
      %swap3A_462 = tpu.vector_load %arg5[%swap3A_460, %swap3A_461] {strides = array<i32>} : memref<256x32xf32, #tpu.memory_space<vmem>>, vector<1x16xf32>,
      %swap3A_463 = vector.shape_cast %swap3A_462 : vector<1x16xf32> to vector<16xf32>
      %swap3A_464 = vector.shape_cast %add3A_453 : vector<16xf32> to vector<1x16xf32>
      tpu.vector_store %arg5[%swap3A_460, %swap3A_461], %swap3A_464 {strides = array<i32>} : memref<256x32xf32, #tpu.memory_space<vmem>>, vector<1x16xf32>,
      %add3A_465 = arith.constant 4 : i32
      %add3A_466 = arith.addi %mul3A_138, %add3A_465 : i32
      %get3A_467 = arith.constant 1 : i32
      %get3A_468 = arith.index_cast %get3A_467 : i32 to index
      %get3A_469 = arith.index_cast %add3A_466 : i32 to index
      %get3A_470 = arith.constant 64 : index
      %get3A_471 = tpu.vector_load %arg4[%get3A_468, %get3A_469, %get3A_470] {strides = array<i32>} : memref<2x144x128xf32, #tpu.memory_space<vmem>>, vector<1x1x16xf32>,
      %get3A_472 = vector.shape_cast %get3A_471 : vector<1x1x16xf32> to vector<16xf32>
      %add3A_473 = arith.constant 4 : i32
      %add3A_474 = arith.addi %mul3A_138, %add3A_473 : i32
      %get3A_475 = arith.constant 1 : i32
      %get3A_476 = arith.index_cast %get3A_475 : i32 to index
      %get3A_477 = arith.index_cast %add3A_474 : i32 to index
      %get3A_478 = arith.constant 96 : index
      %get3A_479 = tpu.vector_load %arg4[%get3A_476, %get3A_477, %get3A_478] {strides = array<i32>} : memref<2x144x128xf32, #tpu.memory_space<vmem>>, vector<1x1x16xf32>,
      %get3A_480 = vector.shape_cast %get3A_479 : vector<1x1x16xf32> to vector<16xf32>
      %add3A_481 = arith.addf %get3A_472, %get3A_480 : vector<16xf32>
      %add3A_482 = arith.constant 5 : i32
      %add3A_483 = arith.addi %mul3A_138, %add3A_482 : i32
      %get3A_484 = arith.constant 1 : i32
      %get3A_485 = arith.index_cast %get3A_484 : i32 to index
      %get3A_486 = arith.index_cast %add3A_483 : i32 to index
      %get3A_487 = arith.constant 0 : index
      %get3A_488 = tpu.vector_load %arg4[%get3A_485, %get3A_486, %get3A_487] {strides = array<i32>} : memref<2x144x128xf32, #tpu.memory_space<vmem>>, vector<1x1x16xf32>,
      %get3A_489 = vector.shape_cast %get3A_488 : vector<1x1x16xf32> to vector<16xf32>
      %add3A_490 = arith.addf %add3A_481, %get3A_489 : vector<16xf32>
      %add3A_491 = arith.constant 5 : i32
      %add3A_492 = arith.addi %mul3A_138, %add3A_491 : i32
      %get3A_493 = arith.constant 1 : i32
      %get3A_494 = arith.index_cast %get3A_493 : i32 to index
      %get3A_495 = arith.index_cast %add3A_492 : i32 to index
      %get3A_496 = arith.constant 32 : index
      %get3A_497 = tpu.vector_load %arg4[%get3A_494, %get3A_495, %get3A_496] {strides = array<i32>} : memref<2x144x128xf32, #tpu.memory_space<vmem>>, vector<1x1x16xf32>,
      %get3A_498 = vector.shape_cast %get3A_497 : vector<1x1x16xf32> to vector<16xf32>
      %add3A_499 = arith.addf %add3A_490, %get3A_498 : vector<16xf32>
      %add3A_500 = arith.constant 5 : i32
      %add3A_501 = arith.addi %mul3A_138, %add3A_500 : i32
      %get3A_502 = arith.constant 1 : i32
      %get3A_503 = arith.index_cast %get3A_502 : i32 to index
      %get3A_504 = arith.index_cast %add3A_501 : i32 to index
      %get3A_505 = arith.constant 64 : index
      %get3A_506 = tpu.vector_load %arg4[%get3A_503, %get3A_504, %get3A_505] {strides = array<i32>} : memref<2x144x128xf32, #tpu.memory_space<vmem>>, vector<1x1x16xf32>,
      %get3A_507 = vector.shape_cast %get3A_506 : vector<1x1x16xf32> to vector<16xf32>
      %add3A_508 = arith.addf %add3A_499, %get3A_507 : vector<16xf32>
      %add3A_509 = arith.constant 5 : i32
      %add3A_510 = arith.addi %mul3A_138, %add3A_509 : i32
      %get3A_511 = arith.constant 1 : i32
      %get3A_512 = arith.index_cast %get3A_511 : i32 to index
      %get3A_513 = arith.index_cast %add3A_510 : i32 to index
      %get3A_514 = arith.constant 96 : index
      %get3A_515 = tpu.vector_load %arg4[%get3A_512, %get3A_513, %get3A_514] {strides = array<i32>} : memref<2x144x128xf32, #tpu.memory_space<vmem>>, vector<1x1x16xf32>,
      %get3A_516 = vector.shape_cast %get3A_515 : vector<1x1x16xf32> to vector<16xf32>
      %add3A_517 = arith.addf %add3A_508, %get3A_516 : vector<16xf32>
      %add3A_518 = arith.constant 6 : i32
      %add3A_519 = arith.addi %mul3A_138, %add3A_518 : i32
      %get3A_520 = arith.constant 1 : i32
      %get3A_521 = arith.index_cast %get3A_520 : i32 to index
      %get3A_522 = arith.index_cast %add3A_519 : i32 to index
      %get3A_523 = arith.constant 0 : index
      %get3A_524 = tpu.vector_load %arg4[%get3A_521, %get3A_522, %get3A_523] {strides = array<i32>} : memref<2x144x128xf32, #tpu.memory_space<vmem>>, vector<1x1x16xf32>,
      %get3A_525 = vector.shape_cast %get3A_524 : vector<1x1x16xf32> to vector<16xf32>
      %add3A_526 = arith.addf %add3A_517, %get3A_525 : vector<16xf32>
      %add3A_527 = arith.constant 6 : i32
      %add3A_528 = arith.addi %mul3A_138, %add3A_527 : i32
      %get3A_529 = arith.constant 1 : i32
      %get3A_530 = arith.index_cast %get3A_529 : i32 to index
      %get3A_531 = arith.index_cast %add3A_528 : i32 to index
      %get3A_532 = arith.constant 32 : index
      %get3A_533 = tpu.vector_load %arg4[%get3A_530, %get3A_531, %get3A_532] {strides = array<i32>} : memref<2x144x128xf32, #tpu.memory_space<vmem>>, vector<1x1x16xf32>,
      %get3A_534 = vector.shape_cast %get3A_533 : vector<1x1x16xf32> to vector<16xf32>
      %add3A_535 = arith.addf %add3A_526, %get3A_534 : vector<16xf32>
      %add3A_536 = arith.constant 48 : i32
      %add3A_537 = arith.addi %add3A_536, %scan3A_136 : i32
      %mul3A_538 = arith.constant 4 : i32
      %mul3A_539 = arith.muli %mul3A_538, %add3A_537 : i32
      %add3A_540 = arith.constant 2 : i32
      %add3A_541 = arith.addi %mul3A_539, %add3A_540 : i32
      %swap3A_542 = arith.index_cast %add3A_541 : i32 to index
      %swap3A_543 = arith.constant 0 : index
      %swap3A_544 = tpu.vector_load %arg5[%swap3A_542, %swap3A_543] {strides = array<i32>} : memref<256x32xf32, #tpu.memory_space<vmem>>, vector<1x16xf32>,
      %swap3A_545 = vector.shape_cast %swap3A_544 : vector<1x16xf32> to vector<16xf32>
      %swap3A_546 = vector.shape_cast %add3A_535 : vector<16xf32> to vector<1x16xf32>
      tpu.vector_store %arg5[%swap3A_542, %swap3A_543], %swap3A_546 {strides = array<i32>} : memref<256x32xf32, #tpu.memory_space<vmem>>, vector<1x16xf32>,
      %add3A_547 = arith.constant 4 : i32
      %add3A_548 = arith.addi %mul3A_138, %add3A_547 : i32
      %get3A_549 = arith.constant 1 : i32
      %get3A_550 = arith.index_cast %get3A_549 : i32 to index
      %get3A_551 = arith.index_cast %add3A_548 : i32 to index
      %get3A_552 = arith.constant 80 : index
      %get3A_553 = tpu.vector_load %arg4[%get3A_550, %get3A_551, %get3A_552] {strides = array<i32>} : memref<2x144x128xf32, #tpu.memory_space<vmem>>, vector<1x1x16xf32>,
      %get3A_554 = vector.shape_cast %get3A_553 : vector<1x1x16xf32> to vector<16xf32>
      %add3A_555 = arith.constant 4 : i32
      %add3A_556 = arith.addi %mul3A_138, %add3A_555 : i32
      %get3A_557 = arith.constant 1 : i32
      %get3A_558 = arith.index_cast %get3A_557 : i32 to index
      %get3A_559 = arith.index_cast %add3A_556 : i32 to index
      %get3A_560 = arith.constant 112 : index
      %get3A_561 = tpu.vector_load %arg4[%get3A_558, %get3A_559, %get3A_560] {strides = array<i32>} : memref<2x144x128xf32, #tpu.memory_space<vmem>>, vector<1x1x16xf32>,
      %get3A_562 = vector.shape_cast %get3A_561 : vector<1x1x16xf32> to vector<16xf32>
      %add3A_563 = arith.addf %get3A_554, %get3A_562 : vector<16xf32>
      %add3A_564 = arith.constant 5 : i32
      %add3A_565 = arith.addi %mul3A_138, %add3A_564 : i32
      %get3A_566 = arith.constant 1 : i32
      %get3A_567 = arith.index_cast %get3A_566 : i32 to index
      %get3A_568 = arith.index_cast %add3A_565 : i32 to index
      %get3A_569 = arith.constant 16 : index
      %get3A_570 = tpu.vector_load %arg4[%get3A_567, %get3A_568, %get3A_569] {strides = array<i32>} : memref<2x144x128xf32, #tpu.memory_space<vmem>>, vector<1x1x16xf32>,
      %get3A_571 = vector.shape_cast %get3A_570 : vector<1x1x16xf32> to vector<16xf32>
      %add3A_572 = arith.addf %add3A_563, %get3A_571 : vector<16xf32>
      %add3A_573 = arith.constant 5 : i32
      %add3A_574 = arith.addi %mul3A_138, %add3A_573 : i32
      %get3A_575 = arith.constant 1 : i32
      %get3A_576 = arith.index_cast %get3A_575 : i32 to index
      %get3A_577 = arith.index_cast %add3A_574 : i32 to index
      %get3A_578 = arith.constant 48 : index
      %get3A_579 = tpu.vector_load %arg4[%get3A_576, %get3A_577, %get3A_578] {strides = array<i32>} : memref<2x144x128xf32, #tpu.memory_space<vmem>>, vector<1x1x16xf32>,
      %get3A_580 = vector.shape_cast %get3A_579 : vector<1x1x16xf32> to vector<16xf32>
      %add3A_581 = arith.addf %add3A_572, %get3A_580 : vector<16xf32>
      %add3A_582 = arith.constant 5 : i32
      %add3A_583 = arith.addi %mul3A_138, %add3A_582 : i32
      %get3A_584 = arith.constant 1 : i32
      %get3A_585 = arith.index_cast %get3A_584 : i32 to index
      %get3A_586 = arith.index_cast %add3A_583 : i32 to index
      %get3A_587 = arith.constant 80 : index
      %get3A_588 = tpu.vector_load %arg4[%get3A_585, %get3A_586, %get3A_587] {strides = array<i32>} : memref<2x144x128xf32, #tpu.memory_space<vmem>>, vector<1x1x16xf32>,
      %get3A_589 = vector.shape_cast %get3A_588 : vector<1x1x16xf32> to vector<16xf32>
      %add3A_590 = arith.addf %add3A_581, %get3A_589 : vector<16xf32>
      %add3A_591 = arith.constant 5 : i32
      %add3A_592 = arith.addi %mul3A_138, %add3A_591 : i32
      %get3A_593 = arith.constant 1 : i32
      %get3A_594 = arith.index_cast %get3A_593 : i32 to index
      %get3A_595 = arith.index_cast %add3A_592 : i32 to index
      %get3A_596 = arith.constant 112 : index
      %get3A_597 = tpu.vector_load %arg4[%get3A_594, %get3A_595, %get3A_596] {strides = array<i32>} : memref<2x144x128xf32, #tpu.memory_space<vmem>>, vector<1x1x16xf32>,
      %get3A_598 = vector.shape_cast %get3A_597 : vector<1x1x16xf32> to vector<16xf32>
      %add3A_599 = arith.addf %add3A_590, %get3A_598 : vector<16xf32>
      %add3A_600 = arith.constant 6 : i32
      %add3A_601 = arith.addi %mul3A_138, %add3A_600 : i32
      %get3A_602 = arith.constant 1 : i32
      %get3A_603 = arith.index_cast %get3A_602 : i32 to index
      %get3A_604 = arith.index_cast %add3A_601 : i32 to index
      %get3A_605 = arith.constant 16 : index
      %get3A_606 = tpu.vector_load %arg4[%get3A_603, %get3A_604, %get3A_605] {strides = array<i32>} : memref<2x144x128xf32, #tpu.memory_space<vmem>>, vector<1x1x16xf32>,
      %get3A_607 = vector.shape_cast %get3A_606 : vector<1x1x16xf32> to vector<16xf32>
      %add3A_608 = arith.addf %add3A_599, %get3A_607 : vector<16xf32>
      %add3A_609 = arith.constant 6 : i32
      %add3A_610 = arith.addi %mul3A_138, %add3A_609 : i32
      %get3A_611 = arith.constant 1 : i32
      %get3A_612 = arith.index_cast %get3A_611 : i32 to index
      %get3A_613 = arith.index_cast %add3A_610 : i32 to index
      %get3A_614 = arith.constant 48 : index
      %get3A_615 = tpu.vector_load %arg4[%get3A_612, %get3A_613, %get3A_614] {strides = array<i32>} : memref<2x144x128xf32, #tpu.memory_space<vmem>>, vector<1x1x16xf32>,
      %get3A_616 = vector.shape_cast %get3A_615 : vector<1x1x16xf32> to vector<16xf32>
      %add3A_617 = arith.addf %add3A_608, %get3A_616 : vector<16xf32>
      %add3A_618 = arith.constant 48 : i32
      %add3A_619 = arith.addi %add3A_618, %scan3A_136 : i32
      %mul3A_620 = arith.constant 4 : i32
      %mul3A_621 = arith.muli %mul3A_620, %add3A_619 : i32
      %add3A_622 = arith.constant 2 : i32
      %add3A_623 = arith.addi %mul3A_621, %add3A_622 : i32
      %swap3A_624 = arith.index_cast %add3A_623 : i32 to index
      %swap3A_625 = arith.constant 16 : index
      %swap3A_626 = tpu.vector_load %arg5[%swap3A_624, %swap3A_625] {strides = array<i32>} : memref<256x32xf32, #tpu.memory_space<vmem>>, vector<1x16xf32>,
      %swap3A_627 = vector.shape_cast %swap3A_626 : vector<1x16xf32> to vector<16xf32>
      %swap3A_628 = vector.shape_cast %add3A_617 : vector<16xf32> to vector<1x16xf32>
      tpu.vector_store %arg5[%swap3A_624, %swap3A_625], %swap3A_628 {strides = array<i32>} : memref<256x32xf32, #tpu.memory_space<vmem>>, vector<1x16xf32>,
      %add3A_629 = arith.constant 6 : i32
      %add3A_630 = arith.addi %mul3A_138, %add3A_629 : i32
      %get3A_631 = arith.constant 1 : i32
      %get3A_632 = arith.index_cast %get3A_631 : i32 to index
      %get3A_633 = arith.index_cast %add3A_630 : i32 to index
      %get3A_634 = arith.constant 96 : index
      %get3A_635 = tpu.vector_load %arg4[%get3A_632, %get3A_633, %get3A_634] {strides = array<i32>} : memref<2x144x128xf32, #tpu.memory_space<vmem>>, vector<1x1x16xf32>,
      %get3A_636 = vector.shape_cast %get3A_635 : vector<1x1x16xf32> to vector<16xf32>
      %add3A_637 = arith.constant 7 : i32
      %add3A_638 = arith.addi %mul3A_138, %add3A_637 : i32
      %get3A_639 = arith.constant 1 : i32
      %get3A_640 = arith.index_cast %get3A_639 : i32 to index
      %get3A_641 = arith.index_cast %add3A_638 : i32 to index
      %get3A_642 = arith.constant 0 : index
      %get3A_643 = tpu.vector_load %arg4[%get3A_640, %get3A_641, %get3A_642] {strides = array<i32>} : memref<2x144x128xf32, #tpu.memory_space<vmem>>, vector<1x1x16xf32>,
      %get3A_644 = vector.shape_cast %get3A_643 : vector<1x1x16xf32> to vector<16xf32>
      %add3A_645 = arith.addf %get3A_636, %get3A_644 : vector<16xf32>
      %add3A_646 = arith.constant 7 : i32
      %add3A_647 = arith.addi %mul3A_138, %add3A_646 : i32
      %get3A_648 = arith.constant 1 : i32
      %get3A_649 = arith.index_cast %get3A_648 : i32 to index
      %get3A_650 = arith.index_cast %add3A_647 : i32 to index
      %get3A_651 = arith.constant 32 : index
      %get3A_652 = tpu.vector_load %arg4[%get3A_649, %get3A_650, %get3A_651] {strides = array<i32>} : memref<2x144x128xf32, #tpu.memory_space<vmem>>, vector<1x1x16xf32>,
      %get3A_653 = vector.shape_cast %get3A_652 : vector<1x1x16xf32> to vector<16xf32>
      %add3A_654 = arith.addf %add3A_645, %get3A_653 : vector<16xf32>
      %add3A_655 = arith.constant 7 : i32
      %add3A_656 = arith.addi %mul3A_138, %add3A_655 : i32
      %get3A_657 = arith.constant 1 : i32
      %get3A_658 = arith.index_cast %get3A_657 : i32 to index
      %get3A_659 = arith.index_cast %add3A_656 : i32 to index
      %get3A_660 = arith.constant 64 : index
      %get3A_661 = tpu.vector_load %arg4[%get3A_658, %get3A_659, %get3A_660] {strides = array<i32>} : memref<2x144x128xf32, #tpu.memory_space<vmem>>, vector<1x1x16xf32>,
      %get3A_662 = vector.shape_cast %get3A_661 : vector<1x1x16xf32> to vector<16xf32>
      %add3A_663 = arith.addf %add3A_654, %get3A_662 : vector<16xf32>
      %add3A_664 = arith.constant 7 : i32
      %add3A_665 = arith.addi %mul3A_138, %add3A_664 : i32
      %get3A_666 = arith.constant 1 : i32
      %get3A_667 = arith.index_cast %get3A_666 : i32 to index
      %get3A_668 = arith.index_cast %add3A_665 : i32 to index
      %get3A_669 = arith.constant 96 : index
      %get3A_670 = tpu.vector_load %arg4[%get3A_667, %get3A_668, %get3A_669] {strides = array<i32>} : memref<2x144x128xf32, #tpu.memory_space<vmem>>, vector<1x1x16xf32>,
      %get3A_671 = vector.shape_cast %get3A_670 : vector<1x1x16xf32> to vector<16xf32>
      %add3A_672 = arith.addf %add3A_663, %get3A_671 : vector<16xf32>
      %add3A_673 = arith.constant 8 : i32
      %add3A_674 = arith.addi %mul3A_138, %add3A_673 : i32
      %get3A_675 = arith.constant 1 : i32
      %get3A_676 = arith.index_cast %get3A_675 : i32 to index
      %get3A_677 = arith.index_cast %add3A_674 : i32 to index
      %get3A_678 = arith.constant 0 : index
      %get3A_679 = tpu.vector_load %arg4[%get3A_676, %get3A_677, %get3A_678] {strides = array<i32>} : memref<2x144x128xf32, #tpu.memory_space<vmem>>, vector<1x1x16xf32>,
      %get3A_680 = vector.shape_cast %get3A_679 : vector<1x1x16xf32> to vector<16xf32>
      %add3A_681 = arith.addf %add3A_672, %get3A_680 : vector<16xf32>
      %add3A_682 = arith.constant 8 : i32
      %add3A_683 = arith.addi %mul3A_138, %add3A_682 : i32
      %get3A_684 = arith.constant 1 : i32
      %get3A_685 = arith.index_cast %get3A_684 : i32 to index
      %get3A_686 = arith.index_cast %add3A_683 : i32 to index
      %get3A_687 = arith.constant 32 : index
      %get3A_688 = tpu.vector_load %arg4[%get3A_685, %get3A_686, %get3A_687] {strides = array<i32>} : memref<2x144x128xf32, #tpu.memory_space<vmem>>, vector<1x1x16xf32>,
      %get3A_689 = vector.shape_cast %get3A_688 : vector<1x1x16xf32> to vector<16xf32>
      %add3A_690 = arith.addf %add3A_681, %get3A_689 : vector<16xf32>
      %add3A_691 = arith.constant 8 : i32
      %add3A_692 = arith.addi %mul3A_138, %add3A_691 : i32
      %get3A_693 = arith.constant 1 : i32
      %get3A_694 = arith.index_cast %get3A_693 : i32 to index
      %get3A_695 = arith.index_cast %add3A_692 : i32 to index
      %get3A_696 = arith.constant 64 : index
      %get3A_697 = tpu.vector_load %arg4[%get3A_694, %get3A_695, %get3A_696] {strides = array<i32>} : memref<2x144x128xf32, #tpu.memory_space<vmem>>, vector<1x1x16xf32>,
      %get3A_698 = vector.shape_cast %get3A_697 : vector<1x1x16xf32> to vector<16xf32>
      %add3A_699 = arith.addf %add3A_690, %get3A_698 : vector<16xf32>
      %add3A_700 = arith.constant 48 : i32
      %add3A_701 = arith.addi %add3A_700, %scan3A_136 : i32
      %mul3A_702 = arith.constant 4 : i32
      %mul3A_703 = arith.muli %mul3A_702, %add3A_701 : i32
      %add3A_704 = arith.constant 3 : i32
      %add3A_705 = arith.addi %mul3A_703, %add3A_704 : i32
      %swap3A_706 = arith.index_cast %add3A_705 : i32 to index
      %swap3A_707 = arith.constant 0 : index
      %swap3A_708 = tpu.vector_load %arg5[%swap3A_706, %swap3A_707] {strides = array<i32>} : memref<256x32xf32, #tpu.memory_space<vmem>>, vector<1x16xf32>,
      %swap3A_709 = vector.shape_cast %swap3A_708 : vector<1x16xf32> to vector<16xf32>
      %swap3A_710 = vector.shape_cast %add3A_699 : vector<16xf32> to vector<1x16xf32>
      tpu.vector_store %arg5[%swap3A_706, %swap3A_707], %swap3A_710 {strides = array<i32>} : memref<256x32xf32, #tpu.memory_space<vmem>>, vector<1x16xf32>,
      %add3A_711 = arith.constant 6 : i32
      %add3A_712 = arith.addi %mul3A_138, %add3A_711 : i32
      %get3A_713 = arith.constant 1 : i32
      %get3A_714 = arith.index_cast %get3A_713 : i32 to index
      %get3A_715 = arith.index_cast %add3A_712 : i32 to index
      %get3A_716 = arith.constant 112 : index
      %get3A_717 = tpu.vector_load %arg4[%get3A_714, %get3A_715, %get3A_716] {strides = array<i32>} : memref<2x144x128xf32, #tpu.memory_space<vmem>>, vector<1x1x16xf32>,
      %get3A_718 = vector.shape_cast %get3A_717 : vector<1x1x16xf32> to vector<16xf32>
      %add3A_719 = arith.constant 7 : i32
      %add3A_720 = arith.addi %mul3A_138, %add3A_719 : i32
      %get3A_721 = arith.constant 1 : i32
      %get3A_722 = arith.index_cast %get3A_721 : i32 to index
      %get3A_723 = arith.index_cast %add3A_720 : i32 to index
      %get3A_724 = arith.constant 16 : index
      %get3A_725 = tpu.vector_load %arg4[%get3A_722, %get3A_723, %get3A_724] {strides = array<i32>} : memref<2x144x128xf32, #tpu.memory_space<vmem>>, vector<1x1x16xf32>,
      %get3A_726 = vector.shape_cast %get3A_725 : vector<1x1x16xf32> to vector<16xf32>
      %add3A_727 = arith.addf %get3A_718, %get3A_726 : vector<16xf32>
      %add3A_728 = arith.constant 7 : i32
      %add3A_729 = arith.addi %mul3A_138, %add3A_728 : i32
      %get3A_730 = arith.constant 1 : i32
      %get3A_731 = arith.index_cast %get3A_730 : i32 to index
      %get3A_732 = arith.index_cast %add3A_729 : i32 to index
      %get3A_733 = arith.constant 48 : index
      %get3A_734 = tpu.vector_load %arg4[%get3A_731, %get3A_732, %get3A_733] {strides = array<i32>} : memref<2x144x128xf32, #tpu.memory_space<vmem>>, vector<1x1x16xf32>,
      %get3A_735 = vector.shape_cast %get3A_734 : vector<1x1x16xf32> to vector<16xf32>
      %add3A_736 = arith.addf %add3A_727, %get3A_735 : vector<16xf32>
      %add3A_737 = arith.constant 7 : i32
      %add3A_738 = arith.addi %mul3A_138, %add3A_737 : i32
      %get3A_739 = arith.constant 1 : i32
      %get3A_740 = arith.index_cast %get3A_739 : i32 to index
      %get3A_741 = arith.index_cast %add3A_738 : i32 to index
      %get3A_742 = arith.constant 80 : index
      %get3A_743 = tpu.vector_load %arg4[%get3A_740, %get3A_741, %get3A_742] {strides = array<i32>} : memref<2x144x128xf32, #tpu.memory_space<vmem>>, vector<1x1x16xf32>,
      %get3A_744 = vector.shape_cast %get3A_743 : vector<1x1x16xf32> to vector<16xf32>
      %add3A_745 = arith.addf %add3A_736, %get3A_744 : vector<16xf32>
      %add3A_746 = arith.constant 7 : i32
      %add3A_747 = arith.addi %mul3A_138, %add3A_746 : i32
      %get3A_748 = arith.constant 1 : i32
      %get3A_749 = arith.index_cast %get3A_748 : i32 to index
      %get3A_750 = arith.index_cast %add3A_747 : i32 to index
      %get3A_751 = arith.constant 112 : index
      %get3A_752 = tpu.vector_load %arg4[%get3A_749, %get3A_750, %get3A_751] {strides = array<i32>} : memref<2x144x128xf32, #tpu.memory_space<vmem>>, vector<1x1x16xf32>,
      %get3A_753 = vector.shape_cast %get3A_752 : vector<1x1x16xf32> to vector<16xf32>
      %add3A_754 = arith.addf %add3A_745, %get3A_753 : vector<16xf32>
      %add3A_755 = arith.constant 8 : i32
      %add3A_756 = arith.addi %mul3A_138, %add3A_755 : i32
      %get3A_757 = arith.constant 1 : i32
      %get3A_758 = arith.index_cast %get3A_757 : i32 to index
      %get3A_759 = arith.index_cast %add3A_756 : i32 to index
      %get3A_760 = arith.constant 16 : index
      %get3A_761 = tpu.vector_load %arg4[%get3A_758, %get3A_759, %get3A_760] {strides = array<i32>} : memref<2x144x128xf32, #tpu.memory_space<vmem>>, vector<1x1x16xf32>,
      %get3A_762 = vector.shape_cast %get3A_761 : vector<1x1x16xf32> to vector<16xf32>
      %add3A_763 = arith.addf %add3A_754, %get3A_762 : vector<16xf32>
      %add3A_764 = arith.constant 8 : i32
      %add3A_765 = arith.addi %mul3A_138, %add3A_764 : i32
      %get3A_766 = arith.constant 1 : i32
      %get3A_767 = arith.index_cast %get3A_766 : i32 to index
      %get3A_768 = arith.index_cast %add3A_765 : i32 to index
      %get3A_769 = arith.constant 48 : index
      %get3A_770 = tpu.vector_load %arg4[%get3A_767, %get3A_768, %get3A_769] {strides = array<i32>} : memref<2x144x128xf32, #tpu.memory_space<vmem>>, vector<1x1x16xf32>,
      %get3A_771 = vector.shape_cast %get3A_770 : vector<1x1x16xf32> to vector<16xf32>
      %add3A_772 = arith.addf %add3A_763, %get3A_771 : vector<16xf32>
      %add3A_773 = arith.constant 8 : i32
      %add3A_774 = arith.addi %mul3A_138, %add3A_773 : i32
      %get3A_775 = arith.constant 1 : i32
      %get3A_776 = arith.index_cast %get3A_775 : i32 to index
      %get3A_777 = arith.index_cast %add3A_774 : i32 to index
      %get3A_778 = arith.constant 80 : index
      %get3A_779 = tpu.vector_load %arg4[%get3A_776, %get3A_777, %get3A_778] {strides = array<i32>} : memref<2x144x128xf32, #tpu.memory_space<vmem>>, vector<1x1x16xf32>,
      %get3A_780 = vector.shape_cast %get3A_779 : vector<1x1x16xf32> to vector<16xf32>
      %add3A_781 = arith.addf %add3A_772, %get3A_780 : vector<16xf32>
      %add3A_782 = arith.constant 48 : i32
      %add3A_783 = arith.addi %add3A_782, %scan3A_136 : i32
      %mul3A_784 = arith.constant 4 : i32
      %mul3A_785 = arith.muli %mul3A_784, %add3A_783 : i32
      %add3A_786 = arith.constant 3 : i32
      %add3A_787 = arith.addi %mul3A_785, %add3A_786 : i32
      %swap3A_788 = arith.index_cast %add3A_787 : i32 to index
      %swap3A_789 = arith.constant 16 : index
      %swap3A_790 = tpu.vector_load %arg5[%swap3A_788, %swap3A_789] {strides = array<i32>} : memref<256x32xf32, #tpu.memory_space<vmem>>, vector<1x16xf32>,
      %swap3A_791 = vector.shape_cast %swap3A_790 : vector<1x16xf32> to vector<16xf32>
      %swap3A_792 = vector.shape_cast %add3A_781 : vector<16xf32> to vector<1x16xf32>
      tpu.vector_store %arg5[%swap3A_788, %swap3A_789], %swap3A_792 {strides = array<i32>} : memref<256x32xf32, #tpu.memory_space<vmem>>, vector<1x16xf32>,
    }
    %scan3A_133 = arith.constant 16 : i32
    %mul3A_134 = arith.constant 256 : i32
    %mul3A_135 = arith.muli %add3A, %mul3A_134 : i32
    "tpu.region"() ({
      %run_scoped3A = tpu.sem_alloc : memref<!tpu.dma_semaphore, #tpu.memory_space<semaphore_mem>>
      %dma_start3A_136 = arith.constant 0 : i32
      %dma_start3A_137 = tpu.memref_slice %arg3[%mul3A_135, %dma_start3A_136] : memref<8192x32xf32, #tpu.memory_space<hbm>> -> memref<256x32xf32, #tpu.memory_space<hbm>>
      %dma_start3A_138 = arith.constant 0 : i32
      %dma_start3A_139 = tpu.memref_slice %arg3[%mul3A_135, %dma_start3A_138] : memref<8192x32xf32, #tpu.memory_space<hbm>> -> memref<256x32xf32, #tpu.memory_space<hbm>>
      tpu.enqueue_dma source(%arg5 : memref<256x32xf32, #tpu.memory_space<vmem>>) target(%dma_start3A_139 : memref<256x32xf32, #tpu.memory_space<hbm>>) target_semaphore(%run_scoped3A : memref<!tpu.dma_semaphore, #tpu.memory_space<semaphore_mem>>)
      %dma_wait3A_140 = arith.constant 0 : i32
      %dma_wait3A_141 = tpu.memref_slice %arg3[%mul3A_135, %dma_wait3A_140] : memref<8192x32xf32, #tpu.memory_space<hbm>> -> memref<256x32xf32, #tpu.memory_space<hbm>>
      %dma_wait3A_142 = arith.constant 0 : i32
      %dma_wait3A_143 = tpu.memref_slice %arg3[%mul3A_135, %dma_wait3A_142] : memref<8192x32xf32, #tpu.memory_space<hbm>> -> memref<256x32xf32, #tpu.memory_space<hbm>>
      tpu.wait_dma2 semaphore(%run_scoped3A : memref<!tpu.dma_semaphore, #tpu.memory_space<semaphore_mem>>) src(%arg5 : memref<256x32xf32, #tpu.memory_space<vmem>>) dst(%dma_wait3A_143 : memref<256x32xf32, #tpu.memory_space<hbm>>)
      tpu.yield
    }) : () -> ()
    return
  }
}

module attributes {stable_mosaic.version = 14 : i64} {
  func.func @_stage1_body(%arg0: i32, %arg1: memref<4096x128xf32, #tpu.memory_space<vmem>>, %arg2: memref<64x128xf32, #tpu.memory_space<vmem>>, %arg3: memref<1x64xf32, #tpu.memory_space<vmem>>, %arg4: memref<32x64xf32, #tpu.memory_space<vmem>>, %arg5: memref<1x32xf32, #tpu.memory_space<vmem>>, %arg6: memref<1x32xf32, #tpu.memory_space<vmem>>, %arg7: memref<1x1xf32, #tpu.memory_space<vmem>>, %arg8: memref<64x128xf32, #tpu.memory_space<vmem>>, %arg9: memref<32x64xf32, #tpu.memory_space<vmem>>, %arg10: memref<1x32xf32, #tpu.memory_space<vmem>>, %arg11: memref<32x32xf32, #tpu.memory_space<vmem>>, %arg12: memref<1x32xf32, #tpu.memory_space<vmem>>, %arg13: memref<96x96xf32, #tpu.memory_space<vmem>>, %arg14: memref<1x96xf32, #tpu.memory_space<vmem>>, %arg15: memref<1x96xf32, #tpu.memory_space<vmem>>, %arg16: memref<32x32xf32, #tpu.memory_space<vmem>>, %arg17: memref<1x32xf32, #tpu.memory_space<vmem>>, %arg18: memref<1024x4xf32, #tpu.memory_space<vmem>>, %arg19: memref<9x1024x128xf32, #tpu.memory_space<vmem>>, %arg20: memref<2312x384xf32, #tpu.memory_space<vmem>>) attributes {dimension_semantics = [#tpu.dimension_semantics<arbitrary>], iteration_bounds = array<i64: 2>, scalar_prefetch = 0 : i64, scratch_operands = 1 : i64, tpu.core_type = #tpu.core_type<tc>, window_params = [{transform_indices = @transform_0, window_bounds = array<i64: 4096, 128>}, {pipeline_mode = #tpu.pipeline_mode<synchronous>, transform_indices = @transform_1, window_bounds = array<i64: 64, 128>}, {pipeline_mode = #tpu.pipeline_mode<synchronous>, transform_indices = @transform_2, window_bounds = array<i64: 1, 64>}, {pipeline_mode = #tpu.pipeline_mode<synchronous>, transform_indices = @transform_3, window_bounds = array<i64: 32, 64>}, {pipeline_mode = #tpu.pipeline_mode<synchronous>, transform_indices = @transform_4, window_bounds = array<i64: 1, 32>}, {pipeline_mode = #tpu.pipeline_mode<synchronous>, transform_indices = @transform_5, window_bounds = array<i64: 1, 32>}, {pipeline_mode = #tpu.pipeline_mode<synchronous>, transform_indices = @transform_6, window_bounds = array<i64: 1, 1>}, {pipeline_mode = #tpu.pipeline_mode<synchronous>, transform_indices = @transform_7, window_bounds = array<i64: 64, 128>}, {pipeline_mode = #tpu.pipeline_mode<synchronous>, transform_indices = @transform_8, window_bounds = array<i64: 32, 64>}, {pipeline_mode = #tpu.pipeline_mode<synchronous>, transform_indices = @transform_9, window_bounds = array<i64: 1, 32>}, {pipeline_mode = #tpu.pipeline_mode<synchronous>, transform_indices = @transform_10, window_bounds = array<i64: 32, 32>}, {pipeline_mode = #tpu.pipeline_mode<synchronous>, transform_indices = @transform_11, window_bounds = array<i64: 1, 32>}, {pipeline_mode = #tpu.pipeline_mode<synchronous>, transform_indices = @transform_12, window_bounds = array<i64: 96, 96>}, {pipeline_mode = #tpu.pipeline_mode<synchronous>, transform_indices = @transform_13, window_bounds = array<i64: 1, 96>}, {pipeline_mode = #tpu.pipeline_mode<synchronous>, transform_indices = @transform_14, window_bounds = array<i64: 1, 96>}, {pipeline_mode = #tpu.pipeline_mode<synchronous>, transform_indices = @transform_15, window_bounds = array<i64: 32, 32>}, {pipeline_mode = #tpu.pipeline_mode<synchronous>, transform_indices = @transform_16, window_bounds = array<i64: 1, 32>}, {transform_indices = @transform_17, window_bounds = array<i64: 1024, 4>}, {transform_indices = @transform_18, window_bounds = array<i64: 9, 1024, 128>}]} {
    %eq3A = arith.constant 0 : i32
    %eq3A_0 = arith.cmpi eq, %arg0, %eq3A : i32
    %convert_element_type3A = arith.extui %eq3A_0 : i1 to i32
    %cond3A = arith.constant 0 : i32
    %cond3A_1 = arith.cmpi ne, %convert_element_type3A, %cond3A : i32
    scf.if %cond3A_1 {
      %broadcast_in_dim3A = arith.constant 0.000000e+00 : f32
      %broadcast_in_dim3A_455 = vector.broadcast %broadcast_in_dim3A : f32 to vector<2312x384xf32>
      %swap3A_456 = arith.constant 0 : index
      %swap3A_457 = arith.constant 0 : index
      %swap3A_458 = vector.load %arg20[%swap3A_456, %swap3A_457] : memref<2312x384xf32, #tpu.memory_space<vmem>>, vector<2312x384xf32>
      tpu.vector_store %arg20[%swap3A_456, %swap3A_457], %broadcast_in_dim3A_455 {strides = array<i32>} : memref<2312x384xf32, #tpu.memory_space<vmem>>, vector<2312x384xf32>,
      %get3A_459 = arith.constant 0 : index
      %get3A_460 = arith.constant 0 : index
      %get3A_461 = vector.load %arg3[%get3A_459, %get3A_460] : memref<1x64xf32, #tpu.memory_space<vmem>>, vector<1x64xf32>
      %swap3A_462 = arith.constant 0 : index
      %swap3A_463 = arith.constant 0 : index
      %swap3A_464 = vector.load %arg20[%swap3A_462, %swap3A_463] : memref<2312x384xf32, #tpu.memory_space<vmem>>, vector<1x64xf32>
      tpu.vector_store %arg20[%swap3A_462, %swap3A_463], %get3A_461 {strides = array<i32>} : memref<2312x384xf32, #tpu.memory_space<vmem>>, vector<1x64xf32>,
      %get3A_465 = arith.constant 0 : index
      %get3A_466 = arith.constant 0 : index
      %get3A_467 = vector.load %arg5[%get3A_465, %get3A_466] : memref<1x32xf32, #tpu.memory_space<vmem>>, vector<1x32xf32>
      %swap3A_468 = arith.constant 1 : index
      %swap3A_469 = arith.constant 0 : index
      %swap3A_470 = vector.load %arg20[%swap3A_468, %swap3A_469] : memref<2312x384xf32, #tpu.memory_space<vmem>>, vector<1x32xf32>
      tpu.vector_store %arg20[%swap3A_468, %swap3A_469], %get3A_467 {strides = array<i32>} : memref<2312x384xf32, #tpu.memory_space<vmem>>, vector<1x32xf32>,
      %get3A_471 = arith.constant 0 : index
      %get3A_472 = arith.constant 0 : index
      %get3A_473 = vector.load %arg7[%get3A_471, %get3A_472] : memref<1x1xf32, #tpu.memory_space<vmem>>, vector<1x1xf32>
      %swap3A_474 = arith.constant 2 : index
      %swap3A_475 = arith.constant 0 : index
      %swap3A_476 = vector.load %arg20[%swap3A_474, %swap3A_475] : memref<2312x384xf32, #tpu.memory_space<vmem>>, vector<1x1xf32>
      tpu.vector_store %arg20[%swap3A_474, %swap3A_475], %get3A_473 {strides = array<i32>} : memref<2312x384xf32, #tpu.memory_space<vmem>>, vector<1x1xf32>,
      %get3A_477 = arith.constant 0 : index
      %get3A_478 = arith.constant 0 : index
      %get3A_479 = vector.load %arg10[%get3A_477, %get3A_478] : memref<1x32xf32, #tpu.memory_space<vmem>>, vector<1x32xf32>
      %swap3A_480 = arith.constant 3 : index
      %swap3A_481 = arith.constant 0 : index
      %swap3A_482 = vector.load %arg20[%swap3A_480, %swap3A_481] : memref<2312x384xf32, #tpu.memory_space<vmem>>, vector<1x32xf32>
      tpu.vector_store %arg20[%swap3A_480, %swap3A_481], %get3A_479 {strides = array<i32>} : memref<2312x384xf32, #tpu.memory_space<vmem>>, vector<1x32xf32>,
      %get3A_483 = arith.constant 0 : index
      %get3A_484 = arith.constant 0 : index
      %get3A_485 = vector.load %arg12[%get3A_483, %get3A_484] : memref<1x32xf32, #tpu.memory_space<vmem>>, vector<1x32xf32>
      %swap3A_486 = arith.constant 4 : index
      %swap3A_487 = arith.constant 0 : index
      %swap3A_488 = vector.load %arg20[%swap3A_486, %swap3A_487] : memref<2312x384xf32, #tpu.memory_space<vmem>>, vector<1x32xf32>
      tpu.vector_store %arg20[%swap3A_486, %swap3A_487], %get3A_485 {strides = array<i32>} : memref<2312x384xf32, #tpu.memory_space<vmem>>, vector<1x32xf32>,
      %get3A_489 = arith.constant 0 : index
      %get3A_490 = arith.constant 0 : index
      %get3A_491 = vector.load %arg17[%get3A_489, %get3A_490] : memref<1x32xf32, #tpu.memory_space<vmem>>, vector<1x32xf32>
      %swap3A_492 = arith.constant 7 : index
      %swap3A_493 = arith.constant 0 : index
      %swap3A_494 = vector.load %arg20[%swap3A_492, %swap3A_493] : memref<2312x384xf32, #tpu.memory_space<vmem>>, vector<1x32xf32>
      tpu.vector_store %arg20[%swap3A_492, %swap3A_493], %get3A_491 {strides = array<i32>} : memref<2312x384xf32, #tpu.memory_space<vmem>>, vector<1x32xf32>,
      %get3A_495 = arith.constant 0 : index
      %get3A_496 = arith.constant 0 : index
      %get3A_497 = vector.load %arg14[%get3A_495, %get3A_496] : memref<1x96xf32, #tpu.memory_space<vmem>>, vector<1x32xf32>
      %swap3A_498 = arith.constant 5 : index
      %swap3A_499 = arith.constant 0 : index
      %swap3A_500 = vector.load %arg20[%swap3A_498, %swap3A_499] : memref<2312x384xf32, #tpu.memory_space<vmem>>, vector<1x32xf32>
      tpu.vector_store %arg20[%swap3A_498, %swap3A_499], %get3A_497 {strides = array<i32>} : memref<2312x384xf32, #tpu.memory_space<vmem>>, vector<1x32xf32>,
      %get3A_501 = arith.constant 0 : index
      %get3A_502 = arith.constant 0 : index
      %get3A_503 = vector.load %arg15[%get3A_501, %get3A_502] : memref<1x96xf32, #tpu.memory_space<vmem>>, vector<1x32xf32>
      %swap3A_504 = arith.constant 6 : index
      %swap3A_505 = arith.constant 0 : index
      %swap3A_506 = vector.load %arg20[%swap3A_504, %swap3A_505] : memref<2312x384xf32, #tpu.memory_space<vmem>>, vector<1x32xf32>
      tpu.vector_store %arg20[%swap3A_504, %swap3A_505], %get3A_503 {strides = array<i32>} : memref<2312x384xf32, #tpu.memory_space<vmem>>, vector<1x32xf32>,
      %get3A_507 = arith.constant 0 : index
      %get3A_508 = arith.constant 32 : index
      %get3A_509 = vector.load %arg14[%get3A_507, %get3A_508] : memref<1x96xf32, #tpu.memory_space<vmem>>, vector<1x32xf32>
      %swap3A_510 = arith.constant 5 : index
      %swap3A_511 = arith.constant 128 : index
      %swap3A_512 = vector.load %arg20[%swap3A_510, %swap3A_511] : memref<2312x384xf32, #tpu.memory_space<vmem>>, vector<1x32xf32>
      tpu.vector_store %arg20[%swap3A_510, %swap3A_511], %get3A_509 {strides = array<i32>} : memref<2312x384xf32, #tpu.memory_space<vmem>>, vector<1x32xf32>,
      %get3A_513 = arith.constant 0 : index
      %get3A_514 = arith.constant 32 : index
      %get3A_515 = vector.load %arg15[%get3A_513, %get3A_514] : memref<1x96xf32, #tpu.memory_space<vmem>>, vector<1x32xf32>
      %swap3A_516 = arith.constant 6 : index
      %swap3A_517 = arith.constant 128 : index
      %swap3A_518 = vector.load %arg20[%swap3A_516, %swap3A_517] : memref<2312x384xf32, #tpu.memory_space<vmem>>, vector<1x32xf32>
      tpu.vector_store %arg20[%swap3A_516, %swap3A_517], %get3A_515 {strides = array<i32>} : memref<2312x384xf32, #tpu.memory_space<vmem>>, vector<1x32xf32>,
      %get3A_519 = arith.constant 0 : index
      %get3A_520 = arith.constant 64 : index
      %get3A_521 = vector.load %arg14[%get3A_519, %get3A_520] : memref<1x96xf32, #tpu.memory_space<vmem>>, vector<1x32xf32>
      %swap3A_522 = arith.constant 5 : index
      %swap3A_523 = arith.constant 256 : index
      %swap3A_524 = vector.load %arg20[%swap3A_522, %swap3A_523] : memref<2312x384xf32, #tpu.memory_space<vmem>>, vector<1x32xf32>
      tpu.vector_store %arg20[%swap3A_522, %swap3A_523], %get3A_521 {strides = array<i32>} : memref<2312x384xf32, #tpu.memory_space<vmem>>, vector<1x32xf32>,
      %get3A_525 = arith.constant 0 : index
      %get3A_526 = arith.constant 64 : index
      %get3A_527 = vector.load %arg15[%get3A_525, %get3A_526] : memref<1x96xf32, #tpu.memory_space<vmem>>, vector<1x32xf32>
      %swap3A_528 = arith.constant 6 : index
      %swap3A_529 = arith.constant 256 : index
      %swap3A_530 = vector.load %arg20[%swap3A_528, %swap3A_529] : memref<2312x384xf32, #tpu.memory_space<vmem>>, vector<1x32xf32>
      tpu.vector_store %arg20[%swap3A_528, %swap3A_529], %get3A_527 {strides = array<i32>} : memref<2312x384xf32, #tpu.memory_space<vmem>>, vector<1x32xf32>,
      %get3A_531 = arith.constant 0 : index
      %get3A_532 = arith.constant 0 : index
      %get3A_533 = vector.load %arg3[%get3A_531, %get3A_532] : memref<1x64xf32, #tpu.memory_space<vmem>>, vector<1x64xf32>
      %swap3A_534 = arith.constant 0 : index
      %swap3A_535 = arith.constant 64 : index
      %swap3A_536 = vector.load %arg20[%swap3A_534, %swap3A_535] : memref<2312x384xf32, #tpu.memory_space<vmem>>, vector<1x64xf32>
      tpu.vector_store %arg20[%swap3A_534, %swap3A_535], %get3A_533 {strides = array<i32>} : memref<2312x384xf32, #tpu.memory_space<vmem>>, vector<1x64xf32>,
      %get3A_537 = arith.constant 0 : index
      %get3A_538 = arith.constant 0 : index
      %get3A_539 = vector.load %arg5[%get3A_537, %get3A_538] : memref<1x32xf32, #tpu.memory_space<vmem>>, vector<1x32xf32>
      %swap3A_540 = arith.constant 1 : index
      %swap3A_541 = arith.constant 32 : index
      %swap3A_542 = vector.load %arg20[%swap3A_540, %swap3A_541] : memref<2312x384xf32, #tpu.memory_space<vmem>>, vector<1x32xf32>
      tpu.vector_store %arg20[%swap3A_540, %swap3A_541], %get3A_539 {strides = array<i32>} : memref<2312x384xf32, #tpu.memory_space<vmem>>, vector<1x32xf32>,
      %get3A_543 = arith.constant 0 : index
      %get3A_544 = arith.constant 0 : index
      %get3A_545 = vector.load %arg7[%get3A_543, %get3A_544] : memref<1x1xf32, #tpu.memory_space<vmem>>, vector<1x1xf32>
      %swap3A_546 = arith.constant 2 : index
      %swap3A_547 = arith.constant 1 : index
      %swap3A_548 = vector.load %arg20[%swap3A_546, %swap3A_547] : memref<2312x384xf32, #tpu.memory_space<vmem>>, vector<1x1xf32>
      tpu.vector_store %arg20[%swap3A_546, %swap3A_547], %get3A_545 {strides = array<i32>} : memref<2312x384xf32, #tpu.memory_space<vmem>>, vector<1x1xf32>,
      %get3A_549 = arith.constant 0 : index
      %get3A_550 = arith.constant 0 : index
      %get3A_551 = vector.load %arg10[%get3A_549, %get3A_550] : memref<1x32xf32, #tpu.memory_space<vmem>>, vector<1x32xf32>
      %swap3A_552 = arith.constant 3 : index
      %swap3A_553 = arith.constant 32 : index
      %swap3A_554 = vector.load %arg20[%swap3A_552, %swap3A_553] : memref<2312x384xf32, #tpu.memory_space<vmem>>, vector<1x32xf32>
      tpu.vector_store %arg20[%swap3A_552, %swap3A_553], %get3A_551 {strides = array<i32>} : memref<2312x384xf32, #tpu.memory_space<vmem>>, vector<1x32xf32>,
      %get3A_555 = arith.constant 0 : index
      %get3A_556 = arith.constant 0 : index
      %get3A_557 = vector.load %arg12[%get3A_555, %get3A_556] : memref<1x32xf32, #tpu.memory_space<vmem>>, vector<1x32xf32>
      %swap3A_558 = arith.constant 4 : index
      %swap3A_559 = arith.constant 32 : index
      %swap3A_560 = vector.load %arg20[%swap3A_558, %swap3A_559] : memref<2312x384xf32, #tpu.memory_space<vmem>>, vector<1x32xf32>
      tpu.vector_store %arg20[%swap3A_558, %swap3A_559], %get3A_557 {strides = array<i32>} : memref<2312x384xf32, #tpu.memory_space<vmem>>, vector<1x32xf32>,
      %get3A_561 = arith.constant 0 : index
      %get3A_562 = arith.constant 0 : index
      %get3A_563 = vector.load %arg17[%get3A_561, %get3A_562] : memref<1x32xf32, #tpu.memory_space<vmem>>, vector<1x32xf32>
      %swap3A_564 = arith.constant 7 : index
      %swap3A_565 = arith.constant 32 : index
      %swap3A_566 = vector.load %arg20[%swap3A_564, %swap3A_565] : memref<2312x384xf32, #tpu.memory_space<vmem>>, vector<1x32xf32>
      tpu.vector_store %arg20[%swap3A_564, %swap3A_565], %get3A_563 {strides = array<i32>} : memref<2312x384xf32, #tpu.memory_space<vmem>>, vector<1x32xf32>,
      %get3A_567 = arith.constant 0 : index
      %get3A_568 = arith.constant 0 : index
      %get3A_569 = vector.load %arg14[%get3A_567, %get3A_568] : memref<1x96xf32, #tpu.memory_space<vmem>>, vector<1x32xf32>
      %swap3A_570 = arith.constant 5 : index
      %swap3A_571 = arith.constant 32 : index
      %swap3A_572 = vector.load %arg20[%swap3A_570, %swap3A_571] : memref<2312x384xf32, #tpu.memory_space<vmem>>, vector<1x32xf32>
      tpu.vector_store %arg20[%swap3A_570, %swap3A_571], %get3A_569 {strides = array<i32>} : memref<2312x384xf32, #tpu.memory_space<vmem>>, vector<1x32xf32>,
      %get3A_573 = arith.constant 0 : index
      %get3A_574 = arith.constant 0 : index
      %get3A_575 = vector.load %arg15[%get3A_573, %get3A_574] : memref<1x96xf32, #tpu.memory_space<vmem>>, vector<1x32xf32>
      %swap3A_576 = arith.constant 6 : index
      %swap3A_577 = arith.constant 32 : index
      %swap3A_578 = vector.load %arg20[%swap3A_576, %swap3A_577] : memref<2312x384xf32, #tpu.memory_space<vmem>>, vector<1x32xf32>
      tpu.vector_store %arg20[%swap3A_576, %swap3A_577], %get3A_575 {strides = array<i32>} : memref<2312x384xf32, #tpu.memory_space<vmem>>, vector<1x32xf32>,
      %get3A_579 = arith.constant 0 : index
      %get3A_580 = arith.constant 32 : index
      %get3A_581 = vector.load %arg14[%get3A_579, %get3A_580] : memref<1x96xf32, #tpu.memory_space<vmem>>, vector<1x32xf32>
      %swap3A_582 = arith.constant 5 : index
      %swap3A_583 = arith.constant 160 : index
      %swap3A_584 = vector.load %arg20[%swap3A_582, %swap3A_583] : memref<2312x384xf32, #tpu.memory_space<vmem>>, vector<1x32xf32>
      tpu.vector_store %arg20[%swap3A_582, %swap3A_583], %get3A_581 {strides = array<i32>} : memref<2312x384xf32, #tpu.memory_space<vmem>>, vector<1x32xf32>,
      %get3A_585 = arith.constant 0 : index
      %get3A_586 = arith.constant 32 : index
      %get3A_587 = vector.load %arg15[%get3A_585, %get3A_586] : memref<1x96xf32, #tpu.memory_space<vmem>>, vector<1x32xf32>
      %swap3A_588 = arith.constant 6 : index
      %swap3A_589 = arith.constant 160 : index
      %swap3A_590 = vector.load %arg20[%swap3A_588, %swap3A_589] : memref<2312x384xf32, #tpu.memory_space<vmem>>, vector<1x32xf32>
      tpu.vector_store %arg20[%swap3A_588, %swap3A_589], %get3A_587 {strides = array<i32>} : memref<2312x384xf32, #tpu.memory_space<vmem>>, vector<1x32xf32>,
      %get3A_591 = arith.constant 0 : index
      %get3A_592 = arith.constant 64 : index
      %get3A_593 = vector.load %arg14[%get3A_591, %get3A_592] : memref<1x96xf32, #tpu.memory_space<vmem>>, vector<1x32xf32>
      %swap3A_594 = arith.constant 5 : index
      %swap3A_595 = arith.constant 288 : index
      %swap3A_596 = vector.load %arg20[%swap3A_594, %swap3A_595] : memref<2312x384xf32, #tpu.memory_space<vmem>>, vector<1x32xf32>
      tpu.vector_store %arg20[%swap3A_594, %swap3A_595], %get3A_593 {strides = array<i32>} : memref<2312x384xf32, #tpu.memory_space<vmem>>, vector<1x32xf32>,
      %get3A_597 = arith.constant 0 : index
      %get3A_598 = arith.constant 64 : index
      %get3A_599 = vector.load %arg15[%get3A_597, %get3A_598] : memref<1x96xf32, #tpu.memory_space<vmem>>, vector<1x32xf32>
      %swap3A_600 = arith.constant 6 : index
      %swap3A_601 = arith.constant 288 : index
      %swap3A_602 = vector.load %arg20[%swap3A_600, %swap3A_601] : memref<2312x384xf32, #tpu.memory_space<vmem>>, vector<1x32xf32>
      tpu.vector_store %arg20[%swap3A_600, %swap3A_601], %get3A_599 {strides = array<i32>} : memref<2312x384xf32, #tpu.memory_space<vmem>>, vector<1x32xf32>,
      %get3A_603 = arith.constant 0 : index
      %get3A_604 = arith.constant 0 : index
      %get3A_605 = vector.load %arg3[%get3A_603, %get3A_604] : memref<1x64xf32, #tpu.memory_space<vmem>>, vector<1x64xf32>
      %swap3A_606 = arith.constant 0 : index
      %swap3A_607 = arith.constant 128 : index
      %swap3A_608 = vector.load %arg20[%swap3A_606, %swap3A_607] : memref<2312x384xf32, #tpu.memory_space<vmem>>, vector<1x64xf32>
      tpu.vector_store %arg20[%swap3A_606, %swap3A_607], %get3A_605 {strides = array<i32>} : memref<2312x384xf32, #tpu.memory_space<vmem>>, vector<1x64xf32>,
      %get3A_609 = arith.constant 0 : index
      %get3A_610 = arith.constant 0 : index
      %get3A_611 = vector.load %arg5[%get3A_609, %get3A_610] : memref<1x32xf32, #tpu.memory_space<vmem>>, vector<1x32xf32>
      %swap3A_612 = arith.constant 1 : index
      %swap3A_613 = arith.constant 64 : index
      %swap3A_614 = vector.load %arg20[%swap3A_612, %swap3A_613] : memref<2312x384xf32, #tpu.memory_space<vmem>>, vector<1x32xf32>
      tpu.vector_store %arg20[%swap3A_612, %swap3A_613], %get3A_611 {strides = array<i32>} : memref<2312x384xf32, #tpu.memory_space<vmem>>, vector<1x32xf32>,
      %get3A_615 = arith.constant 0 : index
      %get3A_616 = arith.constant 0 : index
      %get3A_617 = vector.load %arg7[%get3A_615, %get3A_616] : memref<1x1xf32, #tpu.memory_space<vmem>>, vector<1x1xf32>
      %swap3A_618 = arith.constant 2 : index
      %swap3A_619 = arith.constant 2 : index
      %swap3A_620 = vector.load %arg20[%swap3A_618, %swap3A_619] : memref<2312x384xf32, #tpu.memory_space<vmem>>, vector<1x1xf32>
      tpu.vector_store %arg20[%swap3A_618, %swap3A_619], %get3A_617 {strides = array<i32>} : memref<2312x384xf32, #tpu.memory_space<vmem>>, vector<1x1xf32>,
      %get3A_621 = arith.constant 0 : index
      %get3A_622 = arith.constant 0 : index
      %get3A_623 = vector.load %arg10[%get3A_621, %get3A_622] : memref<1x32xf32, #tpu.memory_space<vmem>>, vector<1x32xf32>
      %swap3A_624 = arith.constant 3 : index
      %swap3A_625 = arith.constant 64 : index
      %swap3A_626 = vector.load %arg20[%swap3A_624, %swap3A_625] : memref<2312x384xf32, #tpu.memory_space<vmem>>, vector<1x32xf32>
      tpu.vector_store %arg20[%swap3A_624, %swap3A_625], %get3A_623 {strides = array<i32>} : memref<2312x384xf32, #tpu.memory_space<vmem>>, vector<1x32xf32>,
      %get3A_627 = arith.constant 0 : index
      %get3A_628 = arith.constant 0 : index
      %get3A_629 = vector.load %arg12[%get3A_627, %get3A_628] : memref<1x32xf32, #tpu.memory_space<vmem>>, vector<1x32xf32>
      %swap3A_630 = arith.constant 4 : index
      %swap3A_631 = arith.constant 64 : index
      %swap3A_632 = vector.load %arg20[%swap3A_630, %swap3A_631] : memref<2312x384xf32, #tpu.memory_space<vmem>>, vector<1x32xf32>
      tpu.vector_store %arg20[%swap3A_630, %swap3A_631], %get3A_629 {strides = array<i32>} : memref<2312x384xf32, #tpu.memory_space<vmem>>, vector<1x32xf32>,
      %get3A_633 = arith.constant 0 : index
      %get3A_634 = arith.constant 0 : index
      %get3A_635 = vector.load %arg17[%get3A_633, %get3A_634] : memref<1x32xf32, #tpu.memory_space<vmem>>, vector<1x32xf32>
      %swap3A_636 = arith.constant 7 : index
      %swap3A_637 = arith.constant 64 : index
      %swap3A_638 = vector.load %arg20[%swap3A_636, %swap3A_637] : memref<2312x384xf32, #tpu.memory_space<vmem>>, vector<1x32xf32>
      tpu.vector_store %arg20[%swap3A_636, %swap3A_637], %get3A_635 {strides = array<i32>} : memref<2312x384xf32, #tpu.memory_space<vmem>>, vector<1x32xf32>,
      %get3A_639 = arith.constant 0 : index
      %get3A_640 = arith.constant 0 : index
      %get3A_641 = vector.load %arg14[%get3A_639, %get3A_640] : memref<1x96xf32, #tpu.memory_space<vmem>>, vector<1x32xf32>
      %swap3A_642 = arith.constant 5 : index
      %swap3A_643 = arith.constant 64 : index
      %swap3A_644 = vector.load %arg20[%swap3A_642, %swap3A_643] : memref<2312x384xf32, #tpu.memory_space<vmem>>, vector<1x32xf32>
      tpu.vector_store %arg20[%swap3A_642, %swap3A_643], %get3A_641 {strides = array<i32>} : memref<2312x384xf32, #tpu.memory_space<vmem>>, vector<1x32xf32>,
      %get3A_645 = arith.constant 0 : index
      %get3A_646 = arith.constant 0 : index
      %get3A_647 = vector.load %arg15[%get3A_645, %get3A_646] : memref<1x96xf32, #tpu.memory_space<vmem>>, vector<1x32xf32>
      %swap3A_648 = arith.constant 6 : index
      %swap3A_649 = arith.constant 64 : index
      %swap3A_650 = vector.load %arg20[%swap3A_648, %swap3A_649] : memref<2312x384xf32, #tpu.memory_space<vmem>>, vector<1x32xf32>
      tpu.vector_store %arg20[%swap3A_648, %swap3A_649], %get3A_647 {strides = array<i32>} : memref<2312x384xf32, #tpu.memory_space<vmem>>, vector<1x32xf32>,
      %get3A_651 = arith.constant 0 : index
      %get3A_652 = arith.constant 32 : index
      %get3A_653 = vector.load %arg14[%get3A_651, %get3A_652] : memref<1x96xf32, #tpu.memory_space<vmem>>, vector<1x32xf32>
      %swap3A_654 = arith.constant 5 : index
      %swap3A_655 = arith.constant 192 : index
      %swap3A_656 = vector.load %arg20[%swap3A_654, %swap3A_655] : memref<2312x384xf32, #tpu.memory_space<vmem>>, vector<1x32xf32>
      tpu.vector_store %arg20[%swap3A_654, %swap3A_655], %get3A_653 {strides = array<i32>} : memref<2312x384xf32, #tpu.memory_space<vmem>>, vector<1x32xf32>,
      %get3A_657 = arith.constant 0 : index
      %get3A_658 = arith.constant 32 : index
      %get3A_659 = vector.load %arg15[%get3A_657, %get3A_658] : memref<1x96xf32, #tpu.memory_space<vmem>>, vector<1x32xf32>
      %swap3A_660 = arith.constant 6 : index
      %swap3A_661 = arith.constant 192 : index
      %swap3A_662 = vector.load %arg20[%swap3A_660, %swap3A_661] : memref<2312x384xf32, #tpu.memory_space<vmem>>, vector<1x32xf32>
      tpu.vector_store %arg20[%swap3A_660, %swap3A_661], %get3A_659 {strides = array<i32>} : memref<2312x384xf32, #tpu.memory_space<vmem>>, vector<1x32xf32>,
      %get3A_663 = arith.constant 0 : index
      %get3A_664 = arith.constant 64 : index
      %get3A_665 = vector.load %arg14[%get3A_663, %get3A_664] : memref<1x96xf32, #tpu.memory_space<vmem>>, vector<1x32xf32>
      %swap3A_666 = arith.constant 5 : index
      %swap3A_667 = arith.constant 320 : index
      %swap3A_668 = vector.load %arg20[%swap3A_666, %swap3A_667] : memref<2312x384xf32, #tpu.memory_space<vmem>>, vector<1x32xf32>
      tpu.vector_store %arg20[%swap3A_666, %swap3A_667], %get3A_665 {strides = array<i32>} : memref<2312x384xf32, #tpu.memory_space<vmem>>, vector<1x32xf32>,
      %get3A_669 = arith.constant 0 : index
      %get3A_670 = arith.constant 64 : index
      %get3A_671 = vector.load %arg15[%get3A_669, %get3A_670] : memref<1x96xf32, #tpu.memory_space<vmem>>, vector<1x32xf32>
      %swap3A_672 = arith.constant 6 : index
      %swap3A_673 = arith.constant 320 : index
      %swap3A_674 = vector.load %arg20[%swap3A_672, %swap3A_673] : memref<2312x384xf32, #tpu.memory_space<vmem>>, vector<1x32xf32>
      tpu.vector_store %arg20[%swap3A_672, %swap3A_673], %get3A_671 {strides = array<i32>} : memref<2312x384xf32, #tpu.memory_space<vmem>>, vector<1x32xf32>,
      %get3A_675 = arith.constant 0 : index
      %get3A_676 = arith.constant 0 : index
      %get3A_677 = vector.load %arg3[%get3A_675, %get3A_676] : memref<1x64xf32, #tpu.memory_space<vmem>>, vector<1x64xf32>
      %swap3A_678 = arith.constant 0 : index
      %swap3A_679 = arith.constant 192 : index
      %swap3A_680 = vector.load %arg20[%swap3A_678, %swap3A_679] : memref<2312x384xf32, #tpu.memory_space<vmem>>, vector<1x64xf32>
      tpu.vector_store %arg20[%swap3A_678, %swap3A_679], %get3A_677 {strides = array<i32>} : memref<2312x384xf32, #tpu.memory_space<vmem>>, vector<1x64xf32>,
      %get3A_681 = arith.constant 0 : index
      %get3A_682 = arith.constant 0 : index
      %get3A_683 = vector.load %arg5[%get3A_681, %get3A_682] : memref<1x32xf32, #tpu.memory_space<vmem>>, vector<1x32xf32>
      %swap3A_684 = arith.constant 1 : index
      %swap3A_685 = arith.constant 96 : index
      %swap3A_686 = vector.load %arg20[%swap3A_684, %swap3A_685] : memref<2312x384xf32, #tpu.memory_space<vmem>>, vector<1x32xf32>
      tpu.vector_store %arg20[%swap3A_684, %swap3A_685], %get3A_683 {strides = array<i32>} : memref<2312x384xf32, #tpu.memory_space<vmem>>, vector<1x32xf32>,
      %get3A_687 = arith.constant 0 : index
      %get3A_688 = arith.constant 0 : index
      %get3A_689 = vector.load %arg7[%get3A_687, %get3A_688] : memref<1x1xf32, #tpu.memory_space<vmem>>, vector<1x1xf32>
      %swap3A_690 = arith.constant 2 : index
      %swap3A_691 = arith.constant 3 : index
      %swap3A_692 = vector.load %arg20[%swap3A_690, %swap3A_691] : memref<2312x384xf32, #tpu.memory_space<vmem>>, vector<1x1xf32>
      tpu.vector_store %arg20[%swap3A_690, %swap3A_691], %get3A_689 {strides = array<i32>} : memref<2312x384xf32, #tpu.memory_space<vmem>>, vector<1x1xf32>,
      %get3A_693 = arith.constant 0 : index
      %get3A_694 = arith.constant 0 : index
      %get3A_695 = vector.load %arg10[%get3A_693, %get3A_694] : memref<1x32xf32, #tpu.memory_space<vmem>>, vector<1x32xf32>
      %swap3A_696 = arith.constant 3 : index
      %swap3A_697 = arith.constant 96 : index
      %swap3A_698 = vector.load %arg20[%swap3A_696, %swap3A_697] : memref<2312x384xf32, #tpu.memory_space<vmem>>, vector<1x32xf32>
      tpu.vector_store %arg20[%swap3A_696, %swap3A_697], %get3A_695 {strides = array<i32>} : memref<2312x384xf32, #tpu.memory_space<vmem>>, vector<1x32xf32>,
      %get3A_699 = arith.constant 0 : index
      %get3A_700 = arith.constant 0 : index
      %get3A_701 = vector.load %arg12[%get3A_699, %get3A_700] : memref<1x32xf32, #tpu.memory_space<vmem>>, vector<1x32xf32>
      %swap3A_702 = arith.constant 4 : index
      %swap3A_703 = arith.constant 96 : index
      %swap3A_704 = vector.load %arg20[%swap3A_702, %swap3A_703] : memref<2312x384xf32, #tpu.memory_space<vmem>>, vector<1x32xf32>
      tpu.vector_store %arg20[%swap3A_702, %swap3A_703], %get3A_701 {strides = array<i32>} : memref<2312x384xf32, #tpu.memory_space<vmem>>, vector<1x32xf32>,
      %get3A_705 = arith.constant 0 : index
      %get3A_706 = arith.constant 0 : index
      %get3A_707 = vector.load %arg17[%get3A_705, %get3A_706] : memref<1x32xf32, #tpu.memory_space<vmem>>, vector<1x32xf32>
      %swap3A_708 = arith.constant 7 : index
      %swap3A_709 = arith.constant 96 : index
      %swap3A_710 = vector.load %arg20[%swap3A_708, %swap3A_709] : memref<2312x384xf32, #tpu.memory_space<vmem>>, vector<1x32xf32>
      tpu.vector_store %arg20[%swap3A_708, %swap3A_709], %get3A_707 {strides = array<i32>} : memref<2312x384xf32, #tpu.memory_space<vmem>>, vector<1x32xf32>,
      %get3A_711 = arith.constant 0 : index
      %get3A_712 = arith.constant 0 : index
      %get3A_713 = vector.load %arg14[%get3A_711, %get3A_712] : memref<1x96xf32, #tpu.memory_space<vmem>>, vector<1x32xf32>
      %swap3A_714 = arith.constant 5 : index
      %swap3A_715 = arith.constant 96 : index
      %swap3A_716 = vector.load %arg20[%swap3A_714, %swap3A_715] : memref<2312x384xf32, #tpu.memory_space<vmem>>, vector<1x32xf32>
      tpu.vector_store %arg20[%swap3A_714, %swap3A_715], %get3A_713 {strides = array<i32>} : memref<2312x384xf32, #tpu.memory_space<vmem>>, vector<1x32xf32>,
      %get3A_717 = arith.constant 0 : index
      %get3A_718 = arith.constant 0 : index
      %get3A_719 = vector.load %arg15[%get3A_717, %get3A_718] : memref<1x96xf32, #tpu.memory_space<vmem>>, vector<1x32xf32>
      %swap3A_720 = arith.constant 6 : index
      %swap3A_721 = arith.constant 96 : index
      %swap3A_722 = vector.load %arg20[%swap3A_720, %swap3A_721] : memref<2312x384xf32, #tpu.memory_space<vmem>>, vector<1x32xf32>
      tpu.vector_store %arg20[%swap3A_720, %swap3A_721], %get3A_719 {strides = array<i32>} : memref<2312x384xf32, #tpu.memory_space<vmem>>, vector<1x32xf32>,
      %get3A_723 = arith.constant 0 : index
      %get3A_724 = arith.constant 32 : index
      %get3A_725 = vector.load %arg14[%get3A_723, %get3A_724] : memref<1x96xf32, #tpu.memory_space<vmem>>, vector<1x32xf32>
      %swap3A_726 = arith.constant 5 : index
      %swap3A_727 = arith.constant 224 : index
      %swap3A_728 = vector.load %arg20[%swap3A_726, %swap3A_727] : memref<2312x384xf32, #tpu.memory_space<vmem>>, vector<1x32xf32>
      tpu.vector_store %arg20[%swap3A_726, %swap3A_727], %get3A_725 {strides = array<i32>} : memref<2312x384xf32, #tpu.memory_space<vmem>>, vector<1x32xf32>,
      %get3A_729 = arith.constant 0 : index
      %get3A_730 = arith.constant 32 : index
      %get3A_731 = vector.load %arg15[%get3A_729, %get3A_730] : memref<1x96xf32, #tpu.memory_space<vmem>>, vector<1x32xf32>
      %swap3A_732 = arith.constant 6 : index
      %swap3A_733 = arith.constant 224 : index
      %swap3A_734 = vector.load %arg20[%swap3A_732, %swap3A_733] : memref<2312x384xf32, #tpu.memory_space<vmem>>, vector<1x32xf32>
      tpu.vector_store %arg20[%swap3A_732, %swap3A_733], %get3A_731 {strides = array<i32>} : memref<2312x384xf32, #tpu.memory_space<vmem>>, vector<1x32xf32>,
      %get3A_735 = arith.constant 0 : index
      %get3A_736 = arith.constant 64 : index
      %get3A_737 = vector.load %arg14[%get3A_735, %get3A_736] : memref<1x96xf32, #tpu.memory_space<vmem>>, vector<1x32xf32>
      %swap3A_738 = arith.constant 5 : index
      %swap3A_739 = arith.constant 352 : index
      %swap3A_740 = vector.load %arg20[%swap3A_738, %swap3A_739] : memref<2312x384xf32, #tpu.memory_space<vmem>>, vector<1x32xf32>
      tpu.vector_store %arg20[%swap3A_738, %swap3A_739], %get3A_737 {strides = array<i32>} : memref<2312x384xf32, #tpu.memory_space<vmem>>, vector<1x32xf32>,
      %get3A_741 = arith.constant 0 : index
      %get3A_742 = arith.constant 64 : index
      %get3A_743 = vector.load %arg15[%get3A_741, %get3A_742] : memref<1x96xf32, #tpu.memory_space<vmem>>, vector<1x32xf32>
      %swap3A_744 = arith.constant 6 : index
      %swap3A_745 = arith.constant 352 : index
      %swap3A_746 = vector.load %arg20[%swap3A_744, %swap3A_745] : memref<2312x384xf32, #tpu.memory_space<vmem>>, vector<1x32xf32>
      tpu.vector_store %arg20[%swap3A_744, %swap3A_745], %get3A_743 {strides = array<i32>} : memref<2312x384xf32, #tpu.memory_space<vmem>>, vector<1x32xf32>,
      %get3A_747 = arith.constant 0 : index
      %get3A_748 = arith.constant 0 : index
      %get3A_749 = vector.load %arg2[%get3A_747, %get3A_748] : memref<64x128xf32, #tpu.memory_space<vmem>>, vector<64x128xf32>
      %transpose3A = tpu.transpose %get3A_749, [1, 0] : vector<64x128xf32> -> vector<128x64xf32>
      %swap3A_750 = arith.constant 8 : index
      %swap3A_751 = arith.constant 0 : index
      %swap3A_752 = vector.load %arg20[%swap3A_750, %swap3A_751] : memref<2312x384xf32, #tpu.memory_space<vmem>>, vector<128x64xf32>
      tpu.vector_store %arg20[%swap3A_750, %swap3A_751], %transpose3A {strides = array<i32>} : memref<2312x384xf32, #tpu.memory_space<vmem>>, vector<128x64xf32>,
      %swap3A_753 = arith.constant 136 : index
      %swap3A_754 = arith.constant 64 : index
      %swap3A_755 = vector.load %arg20[%swap3A_753, %swap3A_754] : memref<2312x384xf32, #tpu.memory_space<vmem>>, vector<128x64xf32>
      tpu.vector_store %arg20[%swap3A_753, %swap3A_754], %transpose3A {strides = array<i32>} : memref<2312x384xf32, #tpu.memory_space<vmem>>, vector<128x64xf32>,
      %swap3A_756 = arith.constant 264 : index
      %swap3A_757 = arith.constant 128 : index
      %swap3A_758 = vector.load %arg20[%swap3A_756, %swap3A_757] : memref<2312x384xf32, #tpu.memory_space<vmem>>, vector<128x64xf32>
      tpu.vector_store %arg20[%swap3A_756, %swap3A_757], %transpose3A {strides = array<i32>} : memref<2312x384xf32, #tpu.memory_space<vmem>>, vector<128x64xf32>,
      %swap3A_759 = arith.constant 392 : index
      %swap3A_760 = arith.constant 192 : index
      %swap3A_761 = vector.load %arg20[%swap3A_759, %swap3A_760] : memref<2312x384xf32, #tpu.memory_space<vmem>>, vector<128x64xf32>
      tpu.vector_store %arg20[%swap3A_759, %swap3A_760], %transpose3A {strides = array<i32>} : memref<2312x384xf32, #tpu.memory_space<vmem>>, vector<128x64xf32>,
      %get3A_762 = arith.constant 0 : index
      %get3A_763 = arith.constant 0 : index
      %get3A_764 = vector.load %arg4[%get3A_762, %get3A_763] : memref<32x64xf32, #tpu.memory_space<vmem>>, vector<32x64xf32>
      %transpose3A_765 = tpu.transpose %get3A_764, [1, 0] : vector<32x64xf32> -> vector<64x32xf32>
      %swap3A_766 = arith.constant 520 : index
      %swap3A_767 = arith.constant 0 : index
      %swap3A_768 = vector.load %arg20[%swap3A_766, %swap3A_767] : memref<2312x384xf32, #tpu.memory_space<vmem>>, vector<64x32xf32>
      tpu.vector_store %arg20[%swap3A_766, %swap3A_767], %transpose3A_765 {strides = array<i32>} : memref<2312x384xf32, #tpu.memory_space<vmem>>, vector<64x32xf32>,
      %swap3A_769 = arith.constant 584 : index
      %swap3A_770 = arith.constant 32 : index
      %swap3A_771 = vector.load %arg20[%swap3A_769, %swap3A_770] : memref<2312x384xf32, #tpu.memory_space<vmem>>, vector<64x32xf32>
      tpu.vector_store %arg20[%swap3A_769, %swap3A_770], %transpose3A_765 {strides = array<i32>} : memref<2312x384xf32, #tpu.memory_space<vmem>>, vector<64x32xf32>,
      %swap3A_772 = arith.constant 648 : index
      %swap3A_773 = arith.constant 64 : index
      %swap3A_774 = vector.load %arg20[%swap3A_772, %swap3A_773] : memref<2312x384xf32, #tpu.memory_space<vmem>>, vector<64x32xf32>
      tpu.vector_store %arg20[%swap3A_772, %swap3A_773], %transpose3A_765 {strides = array<i32>} : memref<2312x384xf32, #tpu.memory_space<vmem>>, vector<64x32xf32>,
      %swap3A_775 = arith.constant 712 : index
      %swap3A_776 = arith.constant 96 : index
      %swap3A_777 = vector.load %arg20[%swap3A_775, %swap3A_776] : memref<2312x384xf32, #tpu.memory_space<vmem>>, vector<64x32xf32>
      tpu.vector_store %arg20[%swap3A_775, %swap3A_776], %transpose3A_765 {strides = array<i32>} : memref<2312x384xf32, #tpu.memory_space<vmem>>, vector<64x32xf32>,
      %get3A_778 = arith.constant 0 : index
      %get3A_779 = arith.constant 0 : index
      %get3A_780 = vector.load %arg6[%get3A_778, %get3A_779] : memref<1x32xf32, #tpu.memory_space<vmem>>, vector<1x32xf32>
      %transpose3A_781 = tpu.transpose %get3A_780, [1, 0] : vector<1x32xf32> -> vector<32x1xf32>
      %swap3A_782 = arith.constant 776 : index
      %swap3A_783 = arith.constant 0 : index
      %swap3A_784 = vector.load %arg20[%swap3A_782, %swap3A_783] : memref<2312x384xf32, #tpu.memory_space<vmem>>, vector<32x1xf32>
      tpu.vector_store %arg20[%swap3A_782, %swap3A_783], %transpose3A_781 {strides = array<i32>} : memref<2312x384xf32, #tpu.memory_space<vmem>>, vector<32x1xf32>,
      %swap3A_785 = arith.constant 808 : index
      %swap3A_786 = arith.constant 1 : index
      %swap3A_787 = vector.load %arg20[%swap3A_785, %swap3A_786] : memref<2312x384xf32, #tpu.memory_space<vmem>>, vector<32x1xf32>
      tpu.vector_store %arg20[%swap3A_785, %swap3A_786], %transpose3A_781 {strides = array<i32>} : memref<2312x384xf32, #tpu.memory_space<vmem>>, vector<32x1xf32>,
      %swap3A_788 = arith.constant 840 : index
      %swap3A_789 = arith.constant 2 : index
      %swap3A_790 = vector.load %arg20[%swap3A_788, %swap3A_789] : memref<2312x384xf32, #tpu.memory_space<vmem>>, vector<32x1xf32>
      tpu.vector_store %arg20[%swap3A_788, %swap3A_789], %transpose3A_781 {strides = array<i32>} : memref<2312x384xf32, #tpu.memory_space<vmem>>, vector<32x1xf32>,
      %swap3A_791 = arith.constant 872 : index
      %swap3A_792 = arith.constant 3 : index
      %swap3A_793 = vector.load %arg20[%swap3A_791, %swap3A_792] : memref<2312x384xf32, #tpu.memory_space<vmem>>, vector<32x1xf32>
      tpu.vector_store %arg20[%swap3A_791, %swap3A_792], %transpose3A_781 {strides = array<i32>} : memref<2312x384xf32, #tpu.memory_space<vmem>>, vector<32x1xf32>,
      %get3A_794 = arith.constant 0 : index
      %get3A_795 = arith.constant 0 : index
      %get3A_796 = vector.load %arg8[%get3A_794, %get3A_795] : memref<64x128xf32, #tpu.memory_space<vmem>>, vector<64x128xf32>
      %transpose3A_797 = tpu.transpose %get3A_796, [1, 0] : vector<64x128xf32> -> vector<128x64xf32>
      %swap3A_798 = arith.constant 904 : index
      %swap3A_799 = arith.constant 0 : index
      %swap3A_800 = vector.load %arg20[%swap3A_798, %swap3A_799] : memref<2312x384xf32, #tpu.memory_space<vmem>>, vector<128x64xf32>
      tpu.vector_store %arg20[%swap3A_798, %swap3A_799], %transpose3A_797 {strides = array<i32>} : memref<2312x384xf32, #tpu.memory_space<vmem>>, vector<128x64xf32>,
      %swap3A_801 = arith.constant 1032 : index
      %swap3A_802 = arith.constant 64 : index
      %swap3A_803 = vector.load %arg20[%swap3A_801, %swap3A_802] : memref<2312x384xf32, #tpu.memory_space<vmem>>, vector<128x64xf32>
      tpu.vector_store %arg20[%swap3A_801, %swap3A_802], %transpose3A_797 {strides = array<i32>} : memref<2312x384xf32, #tpu.memory_space<vmem>>, vector<128x64xf32>,
      %swap3A_804 = arith.constant 1160 : index
      %swap3A_805 = arith.constant 128 : index
      %swap3A_806 = vector.load %arg20[%swap3A_804, %swap3A_805] : memref<2312x384xf32, #tpu.memory_space<vmem>>, vector<128x64xf32>
      tpu.vector_store %arg20[%swap3A_804, %swap3A_805], %transpose3A_797 {strides = array<i32>} : memref<2312x384xf32, #tpu.memory_space<vmem>>, vector<128x64xf32>,
      %swap3A_807 = arith.constant 1288 : index
      %swap3A_808 = arith.constant 192 : index
      %swap3A_809 = vector.load %arg20[%swap3A_807, %swap3A_808] : memref<2312x384xf32, #tpu.memory_space<vmem>>, vector<128x64xf32>
      tpu.vector_store %arg20[%swap3A_807, %swap3A_808], %transpose3A_797 {strides = array<i32>} : memref<2312x384xf32, #tpu.memory_space<vmem>>, vector<128x64xf32>,
      %get3A_810 = arith.constant 0 : index
      %get3A_811 = arith.constant 0 : index
      %get3A_812 = vector.load %arg9[%get3A_810, %get3A_811] : memref<32x64xf32, #tpu.memory_space<vmem>>, vector<32x64xf32>
      %transpose3A_813 = tpu.transpose %get3A_812, [1, 0] : vector<32x64xf32> -> vector<64x32xf32>
      %swap3A_814 = arith.constant 1416 : index
      %swap3A_815 = arith.constant 0 : index
      %swap3A_816 = vector.load %arg20[%swap3A_814, %swap3A_815] : memref<2312x384xf32, #tpu.memory_space<vmem>>, vector<64x32xf32>
      tpu.vector_store %arg20[%swap3A_814, %swap3A_815], %transpose3A_813 {strides = array<i32>} : memref<2312x384xf32, #tpu.memory_space<vmem>>, vector<64x32xf32>,
      %swap3A_817 = arith.constant 1480 : index
      %swap3A_818 = arith.constant 32 : index
      %swap3A_819 = vector.load %arg20[%swap3A_817, %swap3A_818] : memref<2312x384xf32, #tpu.memory_space<vmem>>, vector<64x32xf32>
      tpu.vector_store %arg20[%swap3A_817, %swap3A_818], %transpose3A_813 {strides = array<i32>} : memref<2312x384xf32, #tpu.memory_space<vmem>>, vector<64x32xf32>,
      %swap3A_820 = arith.constant 1544 : index
      %swap3A_821 = arith.constant 64 : index
      %swap3A_822 = vector.load %arg20[%swap3A_820, %swap3A_821] : memref<2312x384xf32, #tpu.memory_space<vmem>>, vector<64x32xf32>
      tpu.vector_store %arg20[%swap3A_820, %swap3A_821], %transpose3A_813 {strides = array<i32>} : memref<2312x384xf32, #tpu.memory_space<vmem>>, vector<64x32xf32>,
      %swap3A_823 = arith.constant 1608 : index
      %swap3A_824 = arith.constant 96 : index
      %swap3A_825 = vector.load %arg20[%swap3A_823, %swap3A_824] : memref<2312x384xf32, #tpu.memory_space<vmem>>, vector<64x32xf32>
      tpu.vector_store %arg20[%swap3A_823, %swap3A_824], %transpose3A_813 {strides = array<i32>} : memref<2312x384xf32, #tpu.memory_space<vmem>>, vector<64x32xf32>,
      %get3A_826 = arith.constant 0 : index
      %get3A_827 = arith.constant 0 : index
      %get3A_828 = vector.load %arg11[%get3A_826, %get3A_827] : memref<32x32xf32, #tpu.memory_space<vmem>>, vector<32x32xf32>
      %transpose3A_829 = tpu.transpose %get3A_828, [1, 0] : vector<32x32xf32> -> vector<32x32xf32>
      %swap3A_830 = arith.constant 1672 : index
      %swap3A_831 = arith.constant 0 : index
      %swap3A_832 = vector.load %arg20[%swap3A_830, %swap3A_831] : memref<2312x384xf32, #tpu.memory_space<vmem>>, vector<32x32xf32>
      tpu.vector_store %arg20[%swap3A_830, %swap3A_831], %transpose3A_829 {strides = array<i32>} : memref<2312x384xf32, #tpu.memory_space<vmem>>, vector<32x32xf32>,
      %swap3A_833 = arith.constant 1704 : index
      %swap3A_834 = arith.constant 32 : index
      %swap3A_835 = vector.load %arg20[%swap3A_833, %swap3A_834] : memref<2312x384xf32, #tpu.memory_space<vmem>>, vector<32x32xf32>
      tpu.vector_store %arg20[%swap3A_833, %swap3A_834], %transpose3A_829 {strides = array<i32>} : memref<2312x384xf32, #tpu.memory_space<vmem>>, vector<32x32xf32>,
      %swap3A_836 = arith.constant 1736 : index
      %swap3A_837 = arith.constant 64 : index
      %swap3A_838 = vector.load %arg20[%swap3A_836, %swap3A_837] : memref<2312x384xf32, #tpu.memory_space<vmem>>, vector<32x32xf32>
      tpu.vector_store %arg20[%swap3A_836, %swap3A_837], %transpose3A_829 {strides = array<i32>} : memref<2312x384xf32, #tpu.memory_space<vmem>>, vector<32x32xf32>,
      %swap3A_839 = arith.constant 1768 : index
      %swap3A_840 = arith.constant 96 : index
      %swap3A_841 = vector.load %arg20[%swap3A_839, %swap3A_840] : memref<2312x384xf32, #tpu.memory_space<vmem>>, vector<32x32xf32>
      tpu.vector_store %arg20[%swap3A_839, %swap3A_840], %transpose3A_829 {strides = array<i32>} : memref<2312x384xf32, #tpu.memory_space<vmem>>, vector<32x32xf32>,
      %get3A_842 = arith.constant 0 : index
      %get3A_843 = arith.constant 0 : index
      %get3A_844 = vector.load %arg16[%get3A_842, %get3A_843] : memref<32x32xf32, #tpu.memory_space<vmem>>, vector<32x32xf32>
      %transpose3A_845 = tpu.transpose %get3A_844, [1, 0] : vector<32x32xf32> -> vector<32x32xf32>
      %swap3A_846 = arith.constant 2184 : index
      %swap3A_847 = arith.constant 0 : index
      %swap3A_848 = vector.load %arg20[%swap3A_846, %swap3A_847] : memref<2312x384xf32, #tpu.memory_space<vmem>>, vector<32x32xf32>
      tpu.vector_store %arg20[%swap3A_846, %swap3A_847], %transpose3A_845 {strides = array<i32>} : memref<2312x384xf32, #tpu.memory_space<vmem>>, vector<32x32xf32>,
      %swap3A_849 = arith.constant 2216 : index
      %swap3A_850 = arith.constant 32 : index
      %swap3A_851 = vector.load %arg20[%swap3A_849, %swap3A_850] : memref<2312x384xf32, #tpu.memory_space<vmem>>, vector<32x32xf32>
      tpu.vector_store %arg20[%swap3A_849, %swap3A_850], %transpose3A_845 {strides = array<i32>} : memref<2312x384xf32, #tpu.memory_space<vmem>>, vector<32x32xf32>,
      %swap3A_852 = arith.constant 2248 : index
      %swap3A_853 = arith.constant 64 : index
      %swap3A_854 = vector.load %arg20[%swap3A_852, %swap3A_853] : memref<2312x384xf32, #tpu.memory_space<vmem>>, vector<32x32xf32>
      tpu.vector_store %arg20[%swap3A_852, %swap3A_853], %transpose3A_845 {strides = array<i32>} : memref<2312x384xf32, #tpu.memory_space<vmem>>, vector<32x32xf32>,
      %swap3A_855 = arith.constant 2280 : index
      %swap3A_856 = arith.constant 96 : index
      %swap3A_857 = vector.load %arg20[%swap3A_855, %swap3A_856] : memref<2312x384xf32, #tpu.memory_space<vmem>>, vector<32x32xf32>
      tpu.vector_store %arg20[%swap3A_855, %swap3A_856], %transpose3A_845 {strides = array<i32>} : memref<2312x384xf32, #tpu.memory_space<vmem>>, vector<32x32xf32>,
      %get3A_858 = arith.constant 0 : index
      %get3A_859 = arith.constant 0 : index
      %get3A_860 = vector.load %arg13[%get3A_858, %get3A_859] : memref<96x96xf32, #tpu.memory_space<vmem>>, vector<96x64xf32>
      %get3A_861 = arith.constant 0 : index
      %get3A_862 = arith.constant 64 : index
      %get3A_863 = vector.load %arg13[%get3A_861, %get3A_862] : memref<96x96xf32, #tpu.memory_space<vmem>>, vector<96x32xf32>
      %transpose3A_864 = tpu.transpose %get3A_860, [1, 0] : vector<96x64xf32> -> vector<64x96xf32>
      %slice3A_865 = vector.extract_strided_slice %transpose3A_864 {offsets = [0, 0], sizes = [64, 32], strides = [1, 1]} : vector<64x96xf32> to vector<64x32xf32>
      %swap3A_866 = arith.constant 1800 : index
      %swap3A_867 = arith.constant 0 : index
      %swap3A_868 = vector.load %arg20[%swap3A_866, %swap3A_867] : memref<2312x384xf32, #tpu.memory_space<vmem>>, vector<64x32xf32>
      tpu.vector_store %arg20[%swap3A_866, %swap3A_867], %slice3A_865 {strides = array<i32>} : memref<2312x384xf32, #tpu.memory_space<vmem>>, vector<64x32xf32>,
      %slice3A_869 = vector.extract_strided_slice %transpose3A_864 {offsets = [0, 32], sizes = [64, 32], strides = [1, 1]} : vector<64x96xf32> to vector<64x32xf32>
      %swap3A_870 = arith.constant 1800 : index
      %swap3A_871 = arith.constant 128 : index
      %swap3A_872 = vector.load %arg20[%swap3A_870, %swap3A_871] : memref<2312x384xf32, #tpu.memory_space<vmem>>, vector<64x32xf32>
      tpu.vector_store %arg20[%swap3A_870, %swap3A_871], %slice3A_869 {strides = array<i32>} : memref<2312x384xf32, #tpu.memory_space<vmem>>, vector<64x32xf32>,
      %slice3A_873 = vector.extract_strided_slice %transpose3A_864 {offsets = [0, 64], sizes = [64, 32], strides = [1, 1]} : vector<64x96xf32> to vector<64x32xf32>
      %swap3A_874 = arith.constant 1800 : index
      %swap3A_875 = arith.constant 256 : index
      %swap3A_876 = vector.load %arg20[%swap3A_874, %swap3A_875] : memref<2312x384xf32, #tpu.memory_space<vmem>>, vector<64x32xf32>
      tpu.vector_store %arg20[%swap3A_874, %swap3A_875], %slice3A_873 {strides = array<i32>} : memref<2312x384xf32, #tpu.memory_space<vmem>>, vector<64x32xf32>,
      %slice3A_877 = vector.extract_strided_slice %transpose3A_864 {offsets = [0, 0], sizes = [64, 32], strides = [1, 1]} : vector<64x96xf32> to vector<64x32xf32>
      %swap3A_878 = arith.constant 1864 : index
      %swap3A_879 = arith.constant 32 : index
      %swap3A_880 = vector.load %arg20[%swap3A_878, %swap3A_879] : memref<2312x384xf32, #tpu.memory_space<vmem>>, vector<64x32xf32>
      tpu.vector_store %arg20[%swap3A_878, %swap3A_879], %slice3A_877 {strides = array<i32>} : memref<2312x384xf32, #tpu.memory_space<vmem>>, vector<64x32xf32>,
      %slice3A_881 = vector.extract_strided_slice %transpose3A_864 {offsets = [0, 32], sizes = [64, 32], strides = [1, 1]} : vector<64x96xf32> to vector<64x32xf32>
      %swap3A_882 = arith.constant 1864 : index
      %swap3A_883 = arith.constant 160 : index
      %swap3A_884 = vector.load %arg20[%swap3A_882, %swap3A_883] : memref<2312x384xf32, #tpu.memory_space<vmem>>, vector<64x32xf32>
      tpu.vector_store %arg20[%swap3A_882, %swap3A_883], %slice3A_881 {strides = array<i32>} : memref<2312x384xf32, #tpu.memory_space<vmem>>, vector<64x32xf32>,
      %slice3A_885 = vector.extract_strided_slice %transpose3A_864 {offsets = [0, 64], sizes = [64, 32], strides = [1, 1]} : vector<64x96xf32> to vector<64x32xf32>
      %swap3A_886 = arith.constant 1864 : index
      %swap3A_887 = arith.constant 288 : index
      %swap3A_888 = vector.load %arg20[%swap3A_886, %swap3A_887] : memref<2312x384xf32, #tpu.memory_space<vmem>>, vector<64x32xf32>
      tpu.vector_store %arg20[%swap3A_886, %swap3A_887], %slice3A_885 {strides = array<i32>} : memref<2312x384xf32, #tpu.memory_space<vmem>>, vector<64x32xf32>,
      %slice3A_889 = vector.extract_strided_slice %transpose3A_864 {offsets = [0, 0], sizes = [64, 32], strides = [1, 1]} : vector<64x96xf32> to vector<64x32xf32>
      %swap3A_890 = arith.constant 1928 : index
      %swap3A_891 = arith.constant 64 : index
      %swap3A_892 = vector.load %arg20[%swap3A_890, %swap3A_891] : memref<2312x384xf32, #tpu.memory_space<vmem>>, vector<64x32xf32>
      tpu.vector_store %arg20[%swap3A_890, %swap3A_891], %slice3A_889 {strides = array<i32>} : memref<2312x384xf32, #tpu.memory_space<vmem>>, vector<64x32xf32>,
      %slice3A_893 = vector.extract_strided_slice %transpose3A_864 {offsets = [0, 32], sizes = [64, 32], strides = [1, 1]} : vector<64x96xf32> to vector<64x32xf32>
      %swap3A_894 = arith.constant 1928 : index
      %swap3A_895 = arith.constant 192 : index
      %swap3A_896 = vector.load %arg20[%swap3A_894, %swap3A_895] : memref<2312x384xf32, #tpu.memory_space<vmem>>, vector<64x32xf32>
      tpu.vector_store %arg20[%swap3A_894, %swap3A_895], %slice3A_893 {strides = array<i32>} : memref<2312x384xf32, #tpu.memory_space<vmem>>, vector<64x32xf32>,
      %slice3A_897 = vector.extract_strided_slice %transpose3A_864 {offsets = [0, 64], sizes = [64, 32], strides = [1, 1]} : vector<64x96xf32> to vector<64x32xf32>
      %swap3A_898 = arith.constant 1928 : index
      %swap3A_899 = arith.constant 320 : index
      %swap3A_900 = vector.load %arg20[%swap3A_898, %swap3A_899] : memref<2312x384xf32, #tpu.memory_space<vmem>>, vector<64x32xf32>
      tpu.vector_store %arg20[%swap3A_898, %swap3A_899], %slice3A_897 {strides = array<i32>} : memref<2312x384xf32, #tpu.memory_space<vmem>>, vector<64x32xf32>,
      %slice3A_901 = vector.extract_strided_slice %transpose3A_864 {offsets = [0, 0], sizes = [64, 32], strides = [1, 1]} : vector<64x96xf32> to vector<64x32xf32>
      %swap3A_902 = arith.constant 1992 : index
      %swap3A_903 = arith.constant 96 : index
      %swap3A_904 = vector.load %arg20[%swap3A_902, %swap3A_903] : memref<2312x384xf32, #tpu.memory_space<vmem>>, vector<64x32xf32>
      tpu.vector_store %arg20[%swap3A_902, %swap3A_903], %slice3A_901 {strides = array<i32>} : memref<2312x384xf32, #tpu.memory_space<vmem>>, vector<64x32xf32>,
      %slice3A_905 = vector.extract_strided_slice %transpose3A_864 {offsets = [0, 32], sizes = [64, 32], strides = [1, 1]} : vector<64x96xf32> to vector<64x32xf32>
      %swap3A_906 = arith.constant 1992 : index
      %swap3A_907 = arith.constant 224 : index
      %swap3A_908 = vector.load %arg20[%swap3A_906, %swap3A_907] : memref<2312x384xf32, #tpu.memory_space<vmem>>, vector<64x32xf32>
      tpu.vector_store %arg20[%swap3A_906, %swap3A_907], %slice3A_905 {strides = array<i32>} : memref<2312x384xf32, #tpu.memory_space<vmem>>, vector<64x32xf32>,
      %slice3A_909 = vector.extract_strided_slice %transpose3A_864 {offsets = [0, 64], sizes = [64, 32], strides = [1, 1]} : vector<64x96xf32> to vector<64x32xf32>
      %swap3A_910 = arith.constant 1992 : index
      %swap3A_911 = arith.constant 352 : index
      %swap3A_912 = vector.load %arg20[%swap3A_910, %swap3A_911] : memref<2312x384xf32, #tpu.memory_space<vmem>>, vector<64x32xf32>
      tpu.vector_store %arg20[%swap3A_910, %swap3A_911], %slice3A_909 {strides = array<i32>} : memref<2312x384xf32, #tpu.memory_space<vmem>>, vector<64x32xf32>,
      %transpose3A_913 = tpu.transpose %get3A_863, [1, 0] : vector<96x32xf32> -> vector<32x96xf32>
      %slice3A_914 = vector.extract_strided_slice %transpose3A_913 {offsets = [0, 0], sizes = [32, 32], strides = [1, 1]} : vector<32x96xf32> to vector<32x32xf32>
      %swap3A_915 = arith.constant 2056 : index
      %swap3A_916 = arith.constant 0 : index
      %swap3A_917 = vector.load %arg20[%swap3A_915, %swap3A_916] : memref<2312x384xf32, #tpu.memory_space<vmem>>, vector<32x32xf32>
      tpu.vector_store %arg20[%swap3A_915, %swap3A_916], %slice3A_914 {strides = array<i32>} : memref<2312x384xf32, #tpu.memory_space<vmem>>, vector<32x32xf32>,
      %slice3A_918 = vector.extract_strided_slice %transpose3A_913 {offsets = [0, 32], sizes = [32, 32], strides = [1, 1]} : vector<32x96xf32> to vector<32x32xf32>
      %swap3A_919 = arith.constant 2056 : index
      %swap3A_920 = arith.constant 128 : index
      %swap3A_921 = vector.load %arg20[%swap3A_919, %swap3A_920] : memref<2312x384xf32, #tpu.memory_space<vmem>>, vector<32x32xf32>
      tpu.vector_store %arg20[%swap3A_919, %swap3A_920], %slice3A_918 {strides = array<i32>} : memref<2312x384xf32, #tpu.memory_space<vmem>>, vector<32x32xf32>,
      %slice3A_922 = vector.extract_strided_slice %transpose3A_913 {offsets = [0, 64], sizes = [32, 32], strides = [1, 1]} : vector<32x96xf32> to vector<32x32xf32>
      %swap3A_923 = arith.constant 2056 : index
      %swap3A_924 = arith.constant 256 : index
      %swap3A_925 = vector.load %arg20[%swap3A_923, %swap3A_924] : memref<2312x384xf32, #tpu.memory_space<vmem>>, vector<32x32xf32>
      tpu.vector_store %arg20[%swap3A_923, %swap3A_924], %slice3A_922 {strides = array<i32>} : memref<2312x384xf32, #tpu.memory_space<vmem>>, vector<32x32xf32>,
      %slice3A_926 = vector.extract_strided_slice %transpose3A_913 {offsets = [0, 0], sizes = [32, 32], strides = [1, 1]} : vector<32x96xf32> to vector<32x32xf32>
      %swap3A_927 = arith.constant 2088 : index
      %swap3A_928 = arith.constant 32 : index
      %swap3A_929 = vector.load %arg20[%swap3A_927, %swap3A_928] : memref<2312x384xf32, #tpu.memory_space<vmem>>, vector<32x32xf32>
      tpu.vector_store %arg20[%swap3A_927, %swap3A_928], %slice3A_926 {strides = array<i32>} : memref<2312x384xf32, #tpu.memory_space<vmem>>, vector<32x32xf32>,
      %slice3A_930 = vector.extract_strided_slice %transpose3A_913 {offsets = [0, 32], sizes = [32, 32], strides = [1, 1]} : vector<32x96xf32> to vector<32x32xf32>
      %swap3A_931 = arith.constant 2088 : index
      %swap3A_932 = arith.constant 160 : index
      %swap3A_933 = vector.load %arg20[%swap3A_931, %swap3A_932] : memref<2312x384xf32, #tpu.memory_space<vmem>>, vector<32x32xf32>
      tpu.vector_store %arg20[%swap3A_931, %swap3A_932], %slice3A_930 {strides = array<i32>} : memref<2312x384xf32, #tpu.memory_space<vmem>>, vector<32x32xf32>,
      %slice3A_934 = vector.extract_strided_slice %transpose3A_913 {offsets = [0, 64], sizes = [32, 32], strides = [1, 1]} : vector<32x96xf32> to vector<32x32xf32>
      %swap3A_935 = arith.constant 2088 : index
      %swap3A_936 = arith.constant 288 : index
      %swap3A_937 = vector.load %arg20[%swap3A_935, %swap3A_936] : memref<2312x384xf32, #tpu.memory_space<vmem>>, vector<32x32xf32>
      tpu.vector_store %arg20[%swap3A_935, %swap3A_936], %slice3A_934 {strides = array<i32>} : memref<2312x384xf32, #tpu.memory_space<vmem>>, vector<32x32xf32>,
      %slice3A_938 = vector.extract_strided_slice %transpose3A_913 {offsets = [0, 0], sizes = [32, 32], strides = [1, 1]} : vector<32x96xf32> to vector<32x32xf32>
      %swap3A_939 = arith.constant 2120 : index
      %swap3A_940 = arith.constant 64 : index
      %swap3A_941 = vector.load %arg20[%swap3A_939, %swap3A_940] : memref<2312x384xf32, #tpu.memory_space<vmem>>, vector<32x32xf32>
      tpu.vector_store %arg20[%swap3A_939, %swap3A_940], %slice3A_938 {strides = array<i32>} : memref<2312x384xf32, #tpu.memory_space<vmem>>, vector<32x32xf32>,
      %slice3A_942 = vector.extract_strided_slice %transpose3A_913 {offsets = [0, 32], sizes = [32, 32], strides = [1, 1]} : vector<32x96xf32> to vector<32x32xf32>
      %swap3A_943 = arith.constant 2120 : index
      %swap3A_944 = arith.constant 192 : index
      %swap3A_945 = vector.load %arg20[%swap3A_943, %swap3A_944] : memref<2312x384xf32, #tpu.memory_space<vmem>>, vector<32x32xf32>
      tpu.vector_store %arg20[%swap3A_943, %swap3A_944], %slice3A_942 {strides = array<i32>} : memref<2312x384xf32, #tpu.memory_space<vmem>>, vector<32x32xf32>,
      %slice3A_946 = vector.extract_strided_slice %transpose3A_913 {offsets = [0, 64], sizes = [32, 32], strides = [1, 1]} : vector<32x96xf32> to vector<32x32xf32>
      %swap3A_947 = arith.constant 2120 : index
      %swap3A_948 = arith.constant 320 : index
      %swap3A_949 = vector.load %arg20[%swap3A_947, %swap3A_948] : memref<2312x384xf32, #tpu.memory_space<vmem>>, vector<32x32xf32>
      tpu.vector_store %arg20[%swap3A_947, %swap3A_948], %slice3A_946 {strides = array<i32>} : memref<2312x384xf32, #tpu.memory_space<vmem>>, vector<32x32xf32>,
      %slice3A_950 = vector.extract_strided_slice %transpose3A_913 {offsets = [0, 0], sizes = [32, 32], strides = [1, 1]} : vector<32x96xf32> to vector<32x32xf32>
      %swap3A_951 = arith.constant 2152 : index
      %swap3A_952 = arith.constant 96 : index
      %swap3A_953 = vector.load %arg20[%swap3A_951, %swap3A_952] : memref<2312x384xf32, #tpu.memory_space<vmem>>, vector<32x32xf32>
      tpu.vector_store %arg20[%swap3A_951, %swap3A_952], %slice3A_950 {strides = array<i32>} : memref<2312x384xf32, #tpu.memory_space<vmem>>, vector<32x32xf32>,
      %slice3A_954 = vector.extract_strided_slice %transpose3A_913 {offsets = [0, 32], sizes = [32, 32], strides = [1, 1]} : vector<32x96xf32> to vector<32x32xf32>
      %swap3A_955 = arith.constant 2152 : index
      %swap3A_956 = arith.constant 224 : index
      %swap3A_957 = vector.load %arg20[%swap3A_955, %swap3A_956] : memref<2312x384xf32, #tpu.memory_space<vmem>>, vector<32x32xf32>
      tpu.vector_store %arg20[%swap3A_955, %swap3A_956], %slice3A_954 {strides = array<i32>} : memref<2312x384xf32, #tpu.memory_space<vmem>>, vector<32x32xf32>,
      %slice3A_958 = vector.extract_strided_slice %transpose3A_913 {offsets = [0, 64], sizes = [32, 32], strides = [1, 1]} : vector<32x96xf32> to vector<32x32xf32>
      %swap3A_959 = arith.constant 2152 : index
      %swap3A_960 = arith.constant 352 : index
      %swap3A_961 = vector.load %arg20[%swap3A_959, %swap3A_960] : memref<2312x384xf32, #tpu.memory_space<vmem>>, vector<32x32xf32>
      tpu.vector_store %arg20[%swap3A_959, %swap3A_960], %slice3A_958 {strides = array<i32>} : memref<2312x384xf32, #tpu.memory_space<vmem>>, vector<32x32xf32>,
    } else {
    }
    %get3A = arith.constant 8 : index
    %get3A_2 = arith.constant 0 : index
    %get3A_3 = vector.load %arg20[%get3A, %get3A_2] : memref<2312x384xf32, #tpu.memory_space<vmem>>, vector<512x256xf32>
    %get3A_4 = arith.constant 520 : index
    %get3A_5 = arith.constant 0 : index
    %get3A_6 = vector.load %arg20[%get3A_4, %get3A_5] : memref<2312x384xf32, #tpu.memory_space<vmem>>, vector<256x128xf32>
    %get3A_7 = arith.constant 776 : index
    %get3A_8 = arith.constant 0 : index
    %get3A_9 = vector.load %arg20[%get3A_7, %get3A_8] : memref<2312x384xf32, #tpu.memory_space<vmem>>, vector<128x4xf32>
    %get3A_10 = arith.constant 904 : index
    %get3A_11 = arith.constant 0 : index
    %get3A_12 = vector.load %arg20[%get3A_10, %get3A_11] : memref<2312x384xf32, #tpu.memory_space<vmem>>, vector<512x256xf32>
    %get3A_13 = arith.constant 1416 : index
    %get3A_14 = arith.constant 0 : index
    %get3A_15 = vector.load %arg20[%get3A_13, %get3A_14] : memref<2312x384xf32, #tpu.memory_space<vmem>>, vector<256x128xf32>
    %get3A_16 = arith.constant 1672 : index
    %get3A_17 = arith.constant 0 : index
    %get3A_18 = vector.load %arg20[%get3A_16, %get3A_17] : memref<2312x384xf32, #tpu.memory_space<vmem>>, vector<128x128xf32>
    %get3A_19 = arith.constant 1800 : index
    %get3A_20 = arith.constant 0 : index
    %get3A_21 = vector.load %arg20[%get3A_19, %get3A_20] : memref<2312x384xf32, #tpu.memory_space<vmem>>, vector<256x384xf32>
    %get3A_22 = arith.constant 2056 : index
    %get3A_23 = arith.constant 0 : index
    %get3A_24 = vector.load %arg20[%get3A_22, %get3A_23] : memref<2312x384xf32, #tpu.memory_space<vmem>>, vector<128x384xf32>
    %get3A_25 = arith.constant 2184 : index
    %get3A_26 = arith.constant 0 : index
    %get3A_27 = vector.load %arg20[%get3A_25, %get3A_26] : memref<2312x384xf32, #tpu.memory_space<vmem>>, vector<128x128xf32>
    %get3A_28 = arith.constant 0 : index
    %get3A_29 = arith.constant 0 : index
    %get3A_30 = vector.load %arg20[%get3A_28, %get3A_29] : memref<2312x384xf32, #tpu.memory_space<vmem>>, vector<1x256xf32>
    %get3A_31 = arith.constant 1 : index
    %get3A_32 = arith.constant 0 : index
    %get3A_33 = vector.load %arg20[%get3A_31, %get3A_32] : memref<2312x384xf32, #tpu.memory_space<vmem>>, vector<1x128xf32>
    %get3A_34 = arith.constant 2 : index
    %get3A_35 = arith.constant 0 : index
    %get3A_36 = vector.load %arg20[%get3A_34, %get3A_35] : memref<2312x384xf32, #tpu.memory_space<vmem>>, vector<1x4xf32>
    %get3A_37 = arith.constant 3 : index
    %get3A_38 = arith.constant 0 : index
    %get3A_39 = vector.load %arg20[%get3A_37, %get3A_38] : memref<2312x384xf32, #tpu.memory_space<vmem>>, vector<1x128xf32>
    %get3A_40 = arith.constant 4 : index
    %get3A_41 = arith.constant 0 : index
    %get3A_42 = vector.load %arg20[%get3A_40, %get3A_41] : memref<2312x384xf32, #tpu.memory_space<vmem>>, vector<1x128xf32>
    %get3A_43 = arith.constant 5 : index
    %get3A_44 = arith.constant 0 : index
    %get3A_45 = vector.load %arg20[%get3A_43, %get3A_44] : memref<2312x384xf32, #tpu.memory_space<vmem>>, vector<1x384xf32>
    %get3A_46 = arith.constant 6 : index
    %get3A_47 = arith.constant 0 : index
    %get3A_48 = vector.load %arg20[%get3A_46, %get3A_47] : memref<2312x384xf32, #tpu.memory_space<vmem>>, vector<1x384xf32>
    %get3A_49 = arith.constant 7 : index
    %get3A_50 = arith.constant 0 : index
    %get3A_51 = vector.load %arg20[%get3A_49, %get3A_50] : memref<2312x384xf32, #tpu.memory_space<vmem>>, vector<1x128xf32>
    %get3A_52 = arith.constant 0 : index
    %get3A_53 = arith.constant 0 : index
    %get3A_54 = vector.load %arg1[%get3A_52, %get3A_53] : memref<4096x128xf32, #tpu.memory_space<vmem>>, vector<4096x128xf32>
    %reshape3A = vector.shape_cast %get3A_54 : vector<4096x128xf32> to vector<1024x512xf32>
    %dot_general3A = arith.constant dense<0.000000e+00> : vector<1024x256xf32>
    %dot_general3A_55 = tpu.matmul %reshape3A, %get3A_3, %dot_general3A {dimension_numbers = #tpu.dot_dimension_numbers<[1], [0], [0], [1], [0, 0, 1, 1], [], []>, transpose_lhs_hint = false} : vector<1024x512xf32>, vector<512x256xf32>, vector<1024x256xf32> -> vector<1024x256xf32>
    %add3A = vector.broadcast %get3A_30 : vector<1x256xf32> to vector<1024x256xf32>
    %add3A_56 = arith.addf %dot_general3A_55, %add3A : vector<1024x256xf32>
    %mul3A = arith.constant 0.00999999977 : f32
    %mul3A_57 = vector.broadcast %mul3A : f32 to vector<1024x256xf32>
    %mul3A_58 = arith.mulf %mul3A_57, %add3A_56 : vector<1024x256xf32>
    %max3A = arith.maximumf %add3A_56, %mul3A_58 : vector<1024x256xf32>
    %dot_general3A_59 = arith.constant dense<0.000000e+00> : vector<1024x128xf32>
    %dot_general3A_60 = tpu.matmul %max3A, %get3A_6, %dot_general3A_59 {dimension_numbers = #tpu.dot_dimension_numbers<[1], [0], [0], [1], [0, 0, 1, 1], [], []>, transpose_lhs_hint = false} : vector<1024x256xf32>, vector<256x128xf32>, vector<1024x128xf32> -> vector<1024x128xf32>
    %add3A_61 = vector.broadcast %get3A_33 : vector<1x128xf32> to vector<1024x128xf32>
    %add3A_62 = arith.addf %dot_general3A_60, %add3A_61 : vector<1024x128xf32>
    %mul3A_63 = arith.constant 0.00999999977 : f32
    %mul3A_64 = vector.broadcast %mul3A_63 : f32 to vector<1024x128xf32>
    %mul3A_65 = arith.mulf %mul3A_64, %add3A_62 : vector<1024x128xf32>
    %max3A_66 = arith.maximumf %add3A_62, %mul3A_65 : vector<1024x128xf32>
    %dot_general3A_67 = arith.constant dense<0.000000e+00> : vector<1024x4xf32>
    %dot_general3A_68 = tpu.matmul %max3A_66, %get3A_9, %dot_general3A_67 {dimension_numbers = #tpu.dot_dimension_numbers<[1], [0], [0], [1], [0, 0, 1, 1], [], []>, transpose_lhs_hint = false} : vector<1024x128xf32>, vector<128x4xf32>, vector<1024x4xf32> -> vector<1024x4xf32>
    %add3A_69 = vector.broadcast %get3A_36 : vector<1x4xf32> to vector<1024x4xf32>
    %add3A_70 = arith.addf %dot_general3A_68, %add3A_69 : vector<1024x4xf32>
    %swap3A = arith.constant 0 : index
    %swap3A_71 = arith.constant 0 : index
    %swap3A_72 = vector.load %arg18[%swap3A, %swap3A_71] : memref<1024x4xf32, #tpu.memory_space<vmem>>, vector<1024x4xf32>
    tpu.vector_store %arg18[%swap3A, %swap3A_71], %add3A_70 {strides = array<i32>} : memref<1024x4xf32, #tpu.memory_space<vmem>>, vector<1024x4xf32>,
    %dot_general3A_73 = arith.constant dense<0.000000e+00> : vector<1024x256xf32>
    %dot_general3A_74 = tpu.matmul %reshape3A, %get3A_12, %dot_general3A_73 {dimension_numbers = #tpu.dot_dimension_numbers<[1], [0], [0], [1], [0, 0, 1, 1], [], []>, transpose_lhs_hint = false} : vector<1024x512xf32>, vector<512x256xf32>, vector<1024x256xf32> -> vector<1024x256xf32>
    %logistic3A = arith.negf %dot_general3A_74 : vector<1024x256xf32>
    %logistic3A_75 = math.exp %logistic3A : vector<1024x256xf32>
    %logistic3A_76 = arith.constant 1.000000e+00 : f32
    %logistic3A_77 = vector.broadcast %logistic3A_76 : f32 to vector<1024x256xf32>
    %logistic3A_78 = arith.addf %logistic3A_77, %logistic3A_75 : vector<1024x256xf32>
    %logistic3A_79 = arith.divf %logistic3A_77, %logistic3A_78 : vector<1024x256xf32>
    %dot_general3A_80 = arith.constant dense<0.000000e+00> : vector<1024x128xf32>
    %dot_general3A_81 = tpu.matmul %logistic3A_79, %get3A_15, %dot_general3A_80 {dimension_numbers = #tpu.dot_dimension_numbers<[1], [0], [0], [1], [0, 0, 1, 1], [], []>, transpose_lhs_hint = false} : vector<1024x256xf32>, vector<256x128xf32>, vector<1024x128xf32> -> vector<1024x128xf32>
    %add3A_82 = vector.broadcast %get3A_39 : vector<1x128xf32> to vector<1024x128xf32>
    %add3A_83 = arith.addf %dot_general3A_81, %add3A_82 : vector<1024x128xf32>
    %max3A_84 = arith.constant 0.000000e+00 : f32
    %max3A_85 = vector.broadcast %max3A_84 : f32 to vector<1024x128xf32>
    %max3A_86 = arith.maximumf %add3A_83, %max3A_85 : vector<1024x128xf32>
    %dot_general3A_87 = arith.constant dense<0.000000e+00> : vector<1024x128xf32>
    %dot_general3A_88 = tpu.matmul %max3A_86, %get3A_18, %dot_general3A_87 {dimension_numbers = #tpu.dot_dimension_numbers<[1], [0], [0], [1], [0, 0, 1, 1], [], []>, transpose_lhs_hint = false} : vector<1024x128xf32>, vector<128x128xf32>, vector<1024x128xf32> -> vector<1024x128xf32>
    %add3A_89 = vector.broadcast %get3A_42 : vector<1x128xf32> to vector<1024x128xf32>
    %add3A_90 = arith.addf %dot_general3A_88, %add3A_89 : vector<1024x128xf32>
    %dot_general3A_91 = arith.constant dense<0.000000e+00> : vector<1024x384xf32>
    %dot_general3A_92 = tpu.matmul %logistic3A_79, %get3A_21, %dot_general3A_91 {dimension_numbers = #tpu.dot_dimension_numbers<[1], [0], [0], [1], [0, 0, 1, 1], [], []>, transpose_lhs_hint = false} : vector<1024x256xf32>, vector<256x384xf32>, vector<1024x384xf32> -> vector<1024x384xf32>
    %add3A_93 = vector.broadcast %get3A_45 : vector<1x384xf32> to vector<1024x384xf32>
    %add3A_94 = arith.addf %dot_general3A_92, %add3A_93 : vector<1024x384xf32>
    %slice3A = vector.extract_strided_slice %add3A_94 {offsets = [0, 0], sizes = [1024, 128], strides = [1, 1]} : vector<1024x384xf32> to vector<1024x128xf32>
    %slice3A_95 = vector.extract_strided_slice %add3A_94 {offsets = [0, 128], sizes = [1024, 128], strides = [1, 1]} : vector<1024x384xf32> to vector<1024x128xf32>
    %slice3A_96 = vector.extract_strided_slice %add3A_94 {offsets = [0, 256], sizes = [1024, 128], strides = [1, 1]} : vector<1024x384xf32> to vector<1024x128xf32>
    %dot_general3A_97 = arith.constant dense<0.000000e+00> : vector<1024x384xf32>
    %dot_general3A_98 = tpu.matmul %add3A_90, %get3A_24, %dot_general3A_97 {dimension_numbers = #tpu.dot_dimension_numbers<[1], [0], [0], [1], [0, 0, 1, 1], [], []>, transpose_lhs_hint = false} : vector<1024x128xf32>, vector<128x384xf32>, vector<1024x384xf32> -> vector<1024x384xf32>
    %add3A_99 = vector.broadcast %get3A_48 : vector<1x384xf32> to vector<1024x384xf32>
    %add3A_100 = arith.addf %dot_general3A_98, %add3A_99 : vector<1024x384xf32>
    %slice3A_101 = vector.extract_strided_slice %add3A_100 {offsets = [0, 0], sizes = [1024, 128], strides = [1, 1]} : vector<1024x384xf32> to vector<1024x128xf32>
    %slice3A_102 = vector.extract_strided_slice %add3A_100 {offsets = [0, 128], sizes = [1024, 128], strides = [1, 1]} : vector<1024x384xf32> to vector<1024x128xf32>
    %slice3A_103 = vector.extract_strided_slice %add3A_100 {offsets = [0, 256], sizes = [1024, 128], strides = [1, 1]} : vector<1024x384xf32> to vector<1024x128xf32>
    %add3A_104 = arith.addf %slice3A, %slice3A_101 : vector<1024x128xf32>
    %logistic3A_105 = arith.negf %add3A_104 : vector<1024x128xf32>
    %logistic3A_106 = math.exp %logistic3A_105 : vector<1024x128xf32>
    %logistic3A_107 = arith.constant 1.000000e+00 : f32
    %logistic3A_108 = vector.broadcast %logistic3A_107 : f32 to vector<1024x128xf32>
    %logistic3A_109 = arith.addf %logistic3A_108, %logistic3A_106 : vector<1024x128xf32>
    %logistic3A_110 = arith.divf %logistic3A_108, %logistic3A_109 : vector<1024x128xf32>
    %add3A_111 = arith.addf %slice3A_95, %slice3A_102 : vector<1024x128xf32>
    %logistic3A_112 = arith.negf %add3A_111 : vector<1024x128xf32>
    %logistic3A_113 = math.exp %logistic3A_112 : vector<1024x128xf32>
    %logistic3A_114 = arith.constant 1.000000e+00 : f32
    %logistic3A_115 = vector.broadcast %logistic3A_114 : f32 to vector<1024x128xf32>
    %logistic3A_116 = arith.addf %logistic3A_115, %logistic3A_113 : vector<1024x128xf32>
    %logistic3A_117 = arith.divf %logistic3A_115, %logistic3A_116 : vector<1024x128xf32>
    %mul3A_118 = arith.mulf %logistic3A_110, %slice3A_103 : vector<1024x128xf32>
    %add3A_119 = arith.addf %slice3A_96, %mul3A_118 : vector<1024x128xf32>
    %tanh3A = math.tanh %add3A_119 : vector<1024x128xf32>
    %sub3A = arith.constant 1.000000e+00 : f32
    %sub3A_120 = vector.broadcast %sub3A : f32 to vector<1024x128xf32>
    %sub3A_121 = arith.subf %sub3A_120, %logistic3A_117 : vector<1024x128xf32>
    %mul3A_122 = arith.mulf %sub3A_121, %tanh3A : vector<1024x128xf32>
    %mul3A_123 = arith.mulf %logistic3A_117, %add3A_90 : vector<1024x128xf32>
    %add3A_124 = arith.addf %mul3A_122, %mul3A_123 : vector<1024x128xf32>
    %dot_general3A_125 = arith.constant dense<0.000000e+00> : vector<1024x128xf32>
    %dot_general3A_126 = tpu.matmul %add3A_124, %get3A_27, %dot_general3A_125 {dimension_numbers = #tpu.dot_dimension_numbers<[1], [0], [0], [1], [0, 0, 1, 1], [], []>, transpose_lhs_hint = false} : vector<1024x128xf32>, vector<128x128xf32>, vector<1024x128xf32> -> vector<1024x128xf32>
    %add3A_127 = vector.broadcast %get3A_51 : vector<1x128xf32> to vector<1024x128xf32>
    %add3A_128 = arith.addf %dot_general3A_126, %add3A_127 : vector<1024x128xf32>
    %swap3A_129 = arith.constant 0 : index
    %swap3A_130 = arith.constant 0 : index
    %swap3A_131 = arith.constant 0 : index
    %swap3A_132 = vector.load %arg19[%swap3A_129, %swap3A_130, %swap3A_131] : memref<9x1024x128xf32, #tpu.memory_space<vmem>>, vector<1x1024x128xf32>
    %swap3A_133 = vector.shape_cast %swap3A_132 : vector<1x1024x128xf32> to vector<1024x128xf32>
    %swap3A_134 = vector.shape_cast %add3A_128 : vector<1024x128xf32> to vector<1x1024x128xf32>
    tpu.vector_store %arg19[%swap3A_129, %swap3A_130, %swap3A_131], %swap3A_134 {strides = array<i32>} : memref<9x1024x128xf32, #tpu.memory_space<vmem>>, vector<1x1024x128xf32>,
    %dot_general3A_135 = arith.constant dense<0.000000e+00> : vector<1024x384xf32>
    %dot_general3A_136 = tpu.matmul %add3A_124, %get3A_24, %dot_general3A_135 {dimension_numbers = #tpu.dot_dimension_numbers<[1], [0], [0], [1], [0, 0, 1, 1], [], []>, transpose_lhs_hint = false} : vector<1024x128xf32>, vector<128x384xf32>, vector<1024x384xf32> -> vector<1024x384xf32>
    %add3A_137 = vector.broadcast %get3A_48 : vector<1x384xf32> to vector<1024x384xf32>
    %add3A_138 = arith.addf %dot_general3A_136, %add3A_137 : vector<1024x384xf32>
    %slice3A_139 = vector.extract_strided_slice %add3A_138 {offsets = [0, 0], sizes = [1024, 128], strides = [1, 1]} : vector<1024x384xf32> to vector<1024x128xf32>
    %slice3A_140 = vector.extract_strided_slice %add3A_138 {offsets = [0, 128], sizes = [1024, 128], strides = [1, 1]} : vector<1024x384xf32> to vector<1024x128xf32>
    %slice3A_141 = vector.extract_strided_slice %add3A_138 {offsets = [0, 256], sizes = [1024, 128], strides = [1, 1]} : vector<1024x384xf32> to vector<1024x128xf32>
    %add3A_142 = arith.addf %slice3A, %slice3A_139 : vector<1024x128xf32>
    %logistic3A_143 = arith.negf %add3A_142 : vector<1024x128xf32>
    %logistic3A_144 = math.exp %logistic3A_143 : vector<1024x128xf32>
    %logistic3A_145 = arith.constant 1.000000e+00 : f32
    %logistic3A_146 = vector.broadcast %logistic3A_145 : f32 to vector<1024x128xf32>
    %logistic3A_147 = arith.addf %logistic3A_146, %logistic3A_144 : vector<1024x128xf32>
    %logistic3A_148 = arith.divf %logistic3A_146, %logistic3A_147 : vector<1024x128xf32>
    %add3A_149 = arith.addf %slice3A_95, %slice3A_140 : vector<1024x128xf32>
    %logistic3A_150 = arith.negf %add3A_149 : vector<1024x128xf32>
    %logistic3A_151 = math.exp %logistic3A_150 : vector<1024x128xf32>
    %logistic3A_152 = arith.constant 1.000000e+00 : f32
    %logistic3A_153 = vector.broadcast %logistic3A_152 : f32 to vector<1024x128xf32>
    %logistic3A_154 = arith.addf %logistic3A_153, %logistic3A_151 : vector<1024x128xf32>
    %logistic3A_155 = arith.divf %logistic3A_153, %logistic3A_154 : vector<1024x128xf32>
    %mul3A_156 = arith.mulf %logistic3A_148, %slice3A_141 : vector<1024x128xf32>
    %add3A_157 = arith.addf %slice3A_96, %mul3A_156 : vector<1024x128xf32>
    %tanh3A_158 = math.tanh %add3A_157 : vector<1024x128xf32>
    %sub3A_159 = arith.constant 1.000000e+00 : f32
    %sub3A_160 = vector.broadcast %sub3A_159 : f32 to vector<1024x128xf32>
    %sub3A_161 = arith.subf %sub3A_160, %logistic3A_155 : vector<1024x128xf32>
    %mul3A_162 = arith.mulf %sub3A_161, %tanh3A_158 : vector<1024x128xf32>
    %mul3A_163 = arith.mulf %logistic3A_155, %add3A_124 : vector<1024x128xf32>
    %add3A_164 = arith.addf %mul3A_162, %mul3A_163 : vector<1024x128xf32>
    %dot_general3A_165 = arith.constant dense<0.000000e+00> : vector<1024x128xf32>
    %dot_general3A_166 = tpu.matmul %add3A_164, %get3A_27, %dot_general3A_165 {dimension_numbers = #tpu.dot_dimension_numbers<[1], [0], [0], [1], [0, 0, 1, 1], [], []>, transpose_lhs_hint = false} : vector<1024x128xf32>, vector<128x128xf32>, vector<1024x128xf32> -> vector<1024x128xf32>
    %add3A_167 = vector.broadcast %get3A_51 : vector<1x128xf32> to vector<1024x128xf32>
    %add3A_168 = arith.addf %dot_general3A_166, %add3A_167 : vector<1024x128xf32>
    %swap3A_169 = arith.constant 1 : index
    %swap3A_170 = arith.constant 0 : index
    %swap3A_171 = arith.constant 0 : index
    %swap3A_172 = vector.load %arg19[%swap3A_169, %swap3A_170, %swap3A_171] : memref<9x1024x128xf32, #tpu.memory_space<vmem>>, vector<1x1024x128xf32>
    %swap3A_173 = vector.shape_cast %swap3A_172 : vector<1x1024x128xf32> to vector<1024x128xf32>
    %swap3A_174 = vector.shape_cast %add3A_168 : vector<1024x128xf32> to vector<1x1024x128xf32>
    tpu.vector_store %arg19[%swap3A_169, %swap3A_170, %swap3A_171], %swap3A_174 {strides = array<i32>} : memref<9x1024x128xf32, #tpu.memory_space<vmem>>, vector<1x1024x128xf32>,
    %dot_general3A_175 = arith.constant dense<0.000000e+00> : vector<1024x384xf32>
    %dot_general3A_176 = tpu.matmul %add3A_164, %get3A_24, %dot_general3A_175 {dimension_numbers = #tpu.dot_dimension_numbers<[1], [0], [0], [1], [0, 0, 1, 1], [], []>, transpose_lhs_hint = false} : vector<1024x128xf32>, vector<128x384xf32>, vector<1024x384xf32> -> vector<1024x384xf32>
    %add3A_177 = vector.broadcast %get3A_48 : vector<1x384xf32> to vector<1024x384xf32>
    %add3A_178 = arith.addf %dot_general3A_176, %add3A_177 : vector<1024x384xf32>
    %slice3A_179 = vector.extract_strided_slice %add3A_178 {offsets = [0, 0], sizes = [1024, 128], strides = [1, 1]} : vector<1024x384xf32> to vector<1024x128xf32>
    %slice3A_180 = vector.extract_strided_slice %add3A_178 {offsets = [0, 128], sizes = [1024, 128], strides = [1, 1]} : vector<1024x384xf32> to vector<1024x128xf32>
    %slice3A_181 = vector.extract_strided_slice %add3A_178 {offsets = [0, 256], sizes = [1024, 128], strides = [1, 1]} : vector<1024x384xf32> to vector<1024x128xf32>
    %add3A_182 = arith.addf %slice3A, %slice3A_179 : vector<1024x128xf32>
    %logistic3A_183 = arith.negf %add3A_182 : vector<1024x128xf32>
    %logistic3A_184 = math.exp %logistic3A_183 : vector<1024x128xf32>
    %logistic3A_185 = arith.constant 1.000000e+00 : f32
    %logistic3A_186 = vector.broadcast %logistic3A_185 : f32 to vector<1024x128xf32>
    %logistic3A_187 = arith.addf %logistic3A_186, %logistic3A_184 : vector<1024x128xf32>
    %logistic3A_188 = arith.divf %logistic3A_186, %logistic3A_187 : vector<1024x128xf32>
    %add3A_189 = arith.addf %slice3A_95, %slice3A_180 : vector<1024x128xf32>
    %logistic3A_190 = arith.negf %add3A_189 : vector<1024x128xf32>
    %logistic3A_191 = math.exp %logistic3A_190 : vector<1024x128xf32>
    %logistic3A_192 = arith.constant 1.000000e+00 : f32
    %logistic3A_193 = vector.broadcast %logistic3A_192 : f32 to vector<1024x128xf32>
    %logistic3A_194 = arith.addf %logistic3A_193, %logistic3A_191 : vector<1024x128xf32>
    %logistic3A_195 = arith.divf %logistic3A_193, %logistic3A_194 : vector<1024x128xf32>
    %mul3A_196 = arith.mulf %logistic3A_188, %slice3A_181 : vector<1024x128xf32>
    %add3A_197 = arith.addf %slice3A_96, %mul3A_196 : vector<1024x128xf32>
    %tanh3A_198 = math.tanh %add3A_197 : vector<1024x128xf32>
    %sub3A_199 = arith.constant 1.000000e+00 : f32
    %sub3A_200 = vector.broadcast %sub3A_199 : f32 to vector<1024x128xf32>
    %sub3A_201 = arith.subf %sub3A_200, %logistic3A_195 : vector<1024x128xf32>
    %mul3A_202 = arith.mulf %sub3A_201, %tanh3A_198 : vector<1024x128xf32>
    %mul3A_203 = arith.mulf %logistic3A_195, %add3A_164 : vector<1024x128xf32>
    %add3A_204 = arith.addf %mul3A_202, %mul3A_203 : vector<1024x128xf32>
    %dot_general3A_205 = arith.constant dense<0.000000e+00> : vector<1024x128xf32>
    %dot_general3A_206 = tpu.matmul %add3A_204, %get3A_27, %dot_general3A_205 {dimension_numbers = #tpu.dot_dimension_numbers<[1], [0], [0], [1], [0, 0, 1, 1], [], []>, transpose_lhs_hint = false} : vector<1024x128xf32>, vector<128x128xf32>, vector<1024x128xf32> -> vector<1024x128xf32>
    %add3A_207 = vector.broadcast %get3A_51 : vector<1x128xf32> to vector<1024x128xf32>
    %add3A_208 = arith.addf %dot_general3A_206, %add3A_207 : vector<1024x128xf32>
    %swap3A_209 = arith.constant 2 : index
    %swap3A_210 = arith.constant 0 : index
    %swap3A_211 = arith.constant 0 : index
    %swap3A_212 = vector.load %arg19[%swap3A_209, %swap3A_210, %swap3A_211] : memref<9x1024x128xf32, #tpu.memory_space<vmem>>, vector<1x1024x128xf32>
    %swap3A_213 = vector.shape_cast %swap3A_212 : vector<1x1024x128xf32> to vector<1024x128xf32>
    %swap3A_214 = vector.shape_cast %add3A_208 : vector<1024x128xf32> to vector<1x1024x128xf32>
    tpu.vector_store %arg19[%swap3A_209, %swap3A_210, %swap3A_211], %swap3A_214 {strides = array<i32>} : memref<9x1024x128xf32, #tpu.memory_space<vmem>>, vector<1x1024x128xf32>,
    %dot_general3A_215 = arith.constant dense<0.000000e+00> : vector<1024x384xf32>
    %dot_general3A_216 = tpu.matmul %add3A_204, %get3A_24, %dot_general3A_215 {dimension_numbers = #tpu.dot_dimension_numbers<[1], [0], [0], [1], [0, 0, 1, 1], [], []>, transpose_lhs_hint = false} : vector<1024x128xf32>, vector<128x384xf32>, vector<1024x384xf32> -> vector<1024x384xf32>
    %add3A_217 = vector.broadcast %get3A_48 : vector<1x384xf32> to vector<1024x384xf32>
    %add3A_218 = arith.addf %dot_general3A_216, %add3A_217 : vector<1024x384xf32>
    %slice3A_219 = vector.extract_strided_slice %add3A_218 {offsets = [0, 0], sizes = [1024, 128], strides = [1, 1]} : vector<1024x384xf32> to vector<1024x128xf32>
    %slice3A_220 = vector.extract_strided_slice %add3A_218 {offsets = [0, 128], sizes = [1024, 128], strides = [1, 1]} : vector<1024x384xf32> to vector<1024x128xf32>
    %slice3A_221 = vector.extract_strided_slice %add3A_218 {offsets = [0, 256], sizes = [1024, 128], strides = [1, 1]} : vector<1024x384xf32> to vector<1024x128xf32>
    %add3A_222 = arith.addf %slice3A, %slice3A_219 : vector<1024x128xf32>
    %logistic3A_223 = arith.negf %add3A_222 : vector<1024x128xf32>
    %logistic3A_224 = math.exp %logistic3A_223 : vector<1024x128xf32>
    %logistic3A_225 = arith.constant 1.000000e+00 : f32
    %logistic3A_226 = vector.broadcast %logistic3A_225 : f32 to vector<1024x128xf32>
    %logistic3A_227 = arith.addf %logistic3A_226, %logistic3A_224 : vector<1024x128xf32>
    %logistic3A_228 = arith.divf %logistic3A_226, %logistic3A_227 : vector<1024x128xf32>
    %add3A_229 = arith.addf %slice3A_95, %slice3A_220 : vector<1024x128xf32>
    %logistic3A_230 = arith.negf %add3A_229 : vector<1024x128xf32>
    %logistic3A_231 = math.exp %logistic3A_230 : vector<1024x128xf32>
    %logistic3A_232 = arith.constant 1.000000e+00 : f32
    %logistic3A_233 = vector.broadcast %logistic3A_232 : f32 to vector<1024x128xf32>
    %logistic3A_234 = arith.addf %logistic3A_233, %logistic3A_231 : vector<1024x128xf32>
    %logistic3A_235 = arith.divf %logistic3A_233, %logistic3A_234 : vector<1024x128xf32>
    %mul3A_236 = arith.mulf %logistic3A_228, %slice3A_221 : vector<1024x128xf32>
    %add3A_237 = arith.addf %slice3A_96, %mul3A_236 : vector<1024x128xf32>
    %tanh3A_238 = math.tanh %add3A_237 : vector<1024x128xf32>
    %sub3A_239 = arith.constant 1.000000e+00 : f32
    %sub3A_240 = vector.broadcast %sub3A_239 : f32 to vector<1024x128xf32>
    %sub3A_241 = arith.subf %sub3A_240, %logistic3A_235 : vector<1024x128xf32>
    %mul3A_242 = arith.mulf %sub3A_241, %tanh3A_238 : vector<1024x128xf32>
    %mul3A_243 = arith.mulf %logistic3A_235, %add3A_204 : vector<1024x128xf32>
    %add3A_244 = arith.addf %mul3A_242, %mul3A_243 : vector<1024x128xf32>
    %dot_general3A_245 = arith.constant dense<0.000000e+00> : vector<1024x128xf32>
    %dot_general3A_246 = tpu.matmul %add3A_244, %get3A_27, %dot_general3A_245 {dimension_numbers = #tpu.dot_dimension_numbers<[1], [0], [0], [1], [0, 0, 1, 1], [], []>, transpose_lhs_hint = false} : vector<1024x128xf32>, vector<128x128xf32>, vector<1024x128xf32> -> vector<1024x128xf32>
    %add3A_247 = vector.broadcast %get3A_51 : vector<1x128xf32> to vector<1024x128xf32>
    %add3A_248 = arith.addf %dot_general3A_246, %add3A_247 : vector<1024x128xf32>
    %swap3A_249 = arith.constant 3 : index
    %swap3A_250 = arith.constant 0 : index
    %swap3A_251 = arith.constant 0 : index
    %swap3A_252 = vector.load %arg19[%swap3A_249, %swap3A_250, %swap3A_251] : memref<9x1024x128xf32, #tpu.memory_space<vmem>>, vector<1x1024x128xf32>
    %swap3A_253 = vector.shape_cast %swap3A_252 : vector<1x1024x128xf32> to vector<1024x128xf32>
    %swap3A_254 = vector.shape_cast %add3A_248 : vector<1024x128xf32> to vector<1x1024x128xf32>
    tpu.vector_store %arg19[%swap3A_249, %swap3A_250, %swap3A_251], %swap3A_254 {strides = array<i32>} : memref<9x1024x128xf32, #tpu.memory_space<vmem>>, vector<1x1024x128xf32>,
    %dot_general3A_255 = arith.constant dense<0.000000e+00> : vector<1024x384xf32>
    %dot_general3A_256 = tpu.matmul %add3A_244, %get3A_24, %dot_general3A_255 {dimension_numbers = #tpu.dot_dimension_numbers<[1], [0], [0], [1], [0, 0, 1, 1], [], []>, transpose_lhs_hint = false} : vector<1024x128xf32>, vector<128x384xf32>, vector<1024x384xf32> -> vector<1024x384xf32>
    %add3A_257 = vector.broadcast %get3A_48 : vector<1x384xf32> to vector<1024x384xf32>
    %add3A_258 = arith.addf %dot_general3A_256, %add3A_257 : vector<1024x384xf32>
    %slice3A_259 = vector.extract_strided_slice %add3A_258 {offsets = [0, 0], sizes = [1024, 128], strides = [1, 1]} : vector<1024x384xf32> to vector<1024x128xf32>
    %slice3A_260 = vector.extract_strided_slice %add3A_258 {offsets = [0, 128], sizes = [1024, 128], strides = [1, 1]} : vector<1024x384xf32> to vector<1024x128xf32>
    %slice3A_261 = vector.extract_strided_slice %add3A_258 {offsets = [0, 256], sizes = [1024, 128], strides = [1, 1]} : vector<1024x384xf32> to vector<1024x128xf32>
    %add3A_262 = arith.addf %slice3A, %slice3A_259 : vector<1024x128xf32>
    %logistic3A_263 = arith.negf %add3A_262 : vector<1024x128xf32>
    %logistic3A_264 = math.exp %logistic3A_263 : vector<1024x128xf32>
    %logistic3A_265 = arith.constant 1.000000e+00 : f32
    %logistic3A_266 = vector.broadcast %logistic3A_265 : f32 to vector<1024x128xf32>
    %logistic3A_267 = arith.addf %logistic3A_266, %logistic3A_264 : vector<1024x128xf32>
    %logistic3A_268 = arith.divf %logistic3A_266, %logistic3A_267 : vector<1024x128xf32>
    %add3A_269 = arith.addf %slice3A_95, %slice3A_260 : vector<1024x128xf32>
    %logistic3A_270 = arith.negf %add3A_269 : vector<1024x128xf32>
    %logistic3A_271 = math.exp %logistic3A_270 : vector<1024x128xf32>
    %logistic3A_272 = arith.constant 1.000000e+00 : f32
    %logistic3A_273 = vector.broadcast %logistic3A_272 : f32 to vector<1024x128xf32>
    %logistic3A_274 = arith.addf %logistic3A_273, %logistic3A_271 : vector<1024x128xf32>
    %logistic3A_275 = arith.divf %logistic3A_273, %logistic3A_274 : vector<1024x128xf32>
    %mul3A_276 = arith.mulf %logistic3A_268, %slice3A_261 : vector<1024x128xf32>
    %add3A_277 = arith.addf %slice3A_96, %mul3A_276 : vector<1024x128xf32>
    %tanh3A_278 = math.tanh %add3A_277 : vector<1024x128xf32>
    %sub3A_279 = arith.constant 1.000000e+00 : f32
    %sub3A_280 = vector.broadcast %sub3A_279 : f32 to vector<1024x128xf32>
    %sub3A_281 = arith.subf %sub3A_280, %logistic3A_275 : vector<1024x128xf32>
    %mul3A_282 = arith.mulf %sub3A_281, %tanh3A_278 : vector<1024x128xf32>
    %mul3A_283 = arith.mulf %logistic3A_275, %add3A_244 : vector<1024x128xf32>
    %add3A_284 = arith.addf %mul3A_282, %mul3A_283 : vector<1024x128xf32>
    %dot_general3A_285 = arith.constant dense<0.000000e+00> : vector<1024x128xf32>
    %dot_general3A_286 = tpu.matmul %add3A_284, %get3A_27, %dot_general3A_285 {dimension_numbers = #tpu.dot_dimension_numbers<[1], [0], [0], [1], [0, 0, 1, 1], [], []>, transpose_lhs_hint = false} : vector<1024x128xf32>, vector<128x128xf32>, vector<1024x128xf32> -> vector<1024x128xf32>
    %add3A_287 = vector.broadcast %get3A_51 : vector<1x128xf32> to vector<1024x128xf32>
    %add3A_288 = arith.addf %dot_general3A_286, %add3A_287 : vector<1024x128xf32>
    %swap3A_289 = arith.constant 4 : index
    %swap3A_290 = arith.constant 0 : index
    %swap3A_291 = arith.constant 0 : index
    %swap3A_292 = vector.load %arg19[%swap3A_289, %swap3A_290, %swap3A_291] : memref<9x1024x128xf32, #tpu.memory_space<vmem>>, vector<1x1024x128xf32>
    %swap3A_293 = vector.shape_cast %swap3A_292 : vector<1x1024x128xf32> to vector<1024x128xf32>
    %swap3A_294 = vector.shape_cast %add3A_288 : vector<1024x128xf32> to vector<1x1024x128xf32>
    tpu.vector_store %arg19[%swap3A_289, %swap3A_290, %swap3A_291], %swap3A_294 {strides = array<i32>} : memref<9x1024x128xf32, #tpu.memory_space<vmem>>, vector<1x1024x128xf32>,
    %dot_general3A_295 = arith.constant dense<0.000000e+00> : vector<1024x384xf32>
    %dot_general3A_296 = tpu.matmul %add3A_284, %get3A_24, %dot_general3A_295 {dimension_numbers = #tpu.dot_dimension_numbers<[1], [0], [0], [1], [0, 0, 1, 1], [], []>, transpose_lhs_hint = false} : vector<1024x128xf32>, vector<128x384xf32>, vector<1024x384xf32> -> vector<1024x384xf32>
    %add3A_297 = vector.broadcast %get3A_48 : vector<1x384xf32> to vector<1024x384xf32>
    %add3A_298 = arith.addf %dot_general3A_296, %add3A_297 : vector<1024x384xf32>
    %slice3A_299 = vector.extract_strided_slice %add3A_298 {offsets = [0, 0], sizes = [1024, 128], strides = [1, 1]} : vector<1024x384xf32> to vector<1024x128xf32>
    %slice3A_300 = vector.extract_strided_slice %add3A_298 {offsets = [0, 128], sizes = [1024, 128], strides = [1, 1]} : vector<1024x384xf32> to vector<1024x128xf32>
    %slice3A_301 = vector.extract_strided_slice %add3A_298 {offsets = [0, 256], sizes = [1024, 128], strides = [1, 1]} : vector<1024x384xf32> to vector<1024x128xf32>
    %add3A_302 = arith.addf %slice3A, %slice3A_299 : vector<1024x128xf32>
    %logistic3A_303 = arith.negf %add3A_302 : vector<1024x128xf32>
    %logistic3A_304 = math.exp %logistic3A_303 : vector<1024x128xf32>
    %logistic3A_305 = arith.constant 1.000000e+00 : f32
    %logistic3A_306 = vector.broadcast %logistic3A_305 : f32 to vector<1024x128xf32>
    %logistic3A_307 = arith.addf %logistic3A_306, %logistic3A_304 : vector<1024x128xf32>
    %logistic3A_308 = arith.divf %logistic3A_306, %logistic3A_307 : vector<1024x128xf32>
    %add3A_309 = arith.addf %slice3A_95, %slice3A_300 : vector<1024x128xf32>
    %logistic3A_310 = arith.negf %add3A_309 : vector<1024x128xf32>
    %logistic3A_311 = math.exp %logistic3A_310 : vector<1024x128xf32>
    %logistic3A_312 = arith.constant 1.000000e+00 : f32
    %logistic3A_313 = vector.broadcast %logistic3A_312 : f32 to vector<1024x128xf32>
    %logistic3A_314 = arith.addf %logistic3A_313, %logistic3A_311 : vector<1024x128xf32>
    %logistic3A_315 = arith.divf %logistic3A_313, %logistic3A_314 : vector<1024x128xf32>
    %mul3A_316 = arith.mulf %logistic3A_308, %slice3A_301 : vector<1024x128xf32>
    %add3A_317 = arith.addf %slice3A_96, %mul3A_316 : vector<1024x128xf32>
    %tanh3A_318 = math.tanh %add3A_317 : vector<1024x128xf32>
    %sub3A_319 = arith.constant 1.000000e+00 : f32
    %sub3A_320 = vector.broadcast %sub3A_319 : f32 to vector<1024x128xf32>
    %sub3A_321 = arith.subf %sub3A_320, %logistic3A_315 : vector<1024x128xf32>
    %mul3A_322 = arith.mulf %sub3A_321, %tanh3A_318 : vector<1024x128xf32>
    %mul3A_323 = arith.mulf %logistic3A_315, %add3A_284 : vector<1024x128xf32>
    %add3A_324 = arith.addf %mul3A_322, %mul3A_323 : vector<1024x128xf32>
    %dot_general3A_325 = arith.constant dense<0.000000e+00> : vector<1024x128xf32>
    %dot_general3A_326 = tpu.matmul %add3A_324, %get3A_27, %dot_general3A_325 {dimension_numbers = #tpu.dot_dimension_numbers<[1], [0], [0], [1], [0, 0, 1, 1], [], []>, transpose_lhs_hint = false} : vector<1024x128xf32>, vector<128x128xf32>, vector<1024x128xf32> -> vector<1024x128xf32>
    %add3A_327 = vector.broadcast %get3A_51 : vector<1x128xf32> to vector<1024x128xf32>
    %add3A_328 = arith.addf %dot_general3A_326, %add3A_327 : vector<1024x128xf32>
    %swap3A_329 = arith.constant 5 : index
    %swap3A_330 = arith.constant 0 : index
    %swap3A_331 = arith.constant 0 : index
    %swap3A_332 = vector.load %arg19[%swap3A_329, %swap3A_330, %swap3A_331] : memref<9x1024x128xf32, #tpu.memory_space<vmem>>, vector<1x1024x128xf32>
    %swap3A_333 = vector.shape_cast %swap3A_332 : vector<1x1024x128xf32> to vector<1024x128xf32>
    %swap3A_334 = vector.shape_cast %add3A_328 : vector<1024x128xf32> to vector<1x1024x128xf32>
    tpu.vector_store %arg19[%swap3A_329, %swap3A_330, %swap3A_331], %swap3A_334 {strides = array<i32>} : memref<9x1024x128xf32, #tpu.memory_space<vmem>>, vector<1x1024x128xf32>,
    %dot_general3A_335 = arith.constant dense<0.000000e+00> : vector<1024x384xf32>
    %dot_general3A_336 = tpu.matmul %add3A_324, %get3A_24, %dot_general3A_335 {dimension_numbers = #tpu.dot_dimension_numbers<[1], [0], [0], [1], [0, 0, 1, 1], [], []>, transpose_lhs_hint = false} : vector<1024x128xf32>, vector<128x384xf32>, vector<1024x384xf32> -> vector<1024x384xf32>
    %add3A_337 = vector.broadcast %get3A_48 : vector<1x384xf32> to vector<1024x384xf32>
    %add3A_338 = arith.addf %dot_general3A_336, %add3A_337 : vector<1024x384xf32>
    %slice3A_339 = vector.extract_strided_slice %add3A_338 {offsets = [0, 0], sizes = [1024, 128], strides = [1, 1]} : vector<1024x384xf32> to vector<1024x128xf32>
    %slice3A_340 = vector.extract_strided_slice %add3A_338 {offsets = [0, 128], sizes = [1024, 128], strides = [1, 1]} : vector<1024x384xf32> to vector<1024x128xf32>
    %slice3A_341 = vector.extract_strided_slice %add3A_338 {offsets = [0, 256], sizes = [1024, 128], strides = [1, 1]} : vector<1024x384xf32> to vector<1024x128xf32>
    %add3A_342 = arith.addf %slice3A, %slice3A_339 : vector<1024x128xf32>
    %logistic3A_343 = arith.negf %add3A_342 : vector<1024x128xf32>
    %logistic3A_344 = math.exp %logistic3A_343 : vector<1024x128xf32>
    %logistic3A_345 = arith.constant 1.000000e+00 : f32
    %logistic3A_346 = vector.broadcast %logistic3A_345 : f32 to vector<1024x128xf32>
    %logistic3A_347 = arith.addf %logistic3A_346, %logistic3A_344 : vector<1024x128xf32>
    %logistic3A_348 = arith.divf %logistic3A_346, %logistic3A_347 : vector<1024x128xf32>
    %add3A_349 = arith.addf %slice3A_95, %slice3A_340 : vector<1024x128xf32>
    %logistic3A_350 = arith.negf %add3A_349 : vector<1024x128xf32>
    %logistic3A_351 = math.exp %logistic3A_350 : vector<1024x128xf32>
    %logistic3A_352 = arith.constant 1.000000e+00 : f32
    %logistic3A_353 = vector.broadcast %logistic3A_352 : f32 to vector<1024x128xf32>
    %logistic3A_354 = arith.addf %logistic3A_353, %logistic3A_351 : vector<1024x128xf32>
    %logistic3A_355 = arith.divf %logistic3A_353, %logistic3A_354 : vector<1024x128xf32>
    %mul3A_356 = arith.mulf %logistic3A_348, %slice3A_341 : vector<1024x128xf32>
    %add3A_357 = arith.addf %slice3A_96, %mul3A_356 : vector<1024x128xf32>
    %tanh3A_358 = math.tanh %add3A_357 : vector<1024x128xf32>
    %sub3A_359 = arith.constant 1.000000e+00 : f32
    %sub3A_360 = vector.broadcast %sub3A_359 : f32 to vector<1024x128xf32>
    %sub3A_361 = arith.subf %sub3A_360, %logistic3A_355 : vector<1024x128xf32>
    %mul3A_362 = arith.mulf %sub3A_361, %tanh3A_358 : vector<1024x128xf32>
    %mul3A_363 = arith.mulf %logistic3A_355, %add3A_324 : vector<1024x128xf32>
    %add3A_364 = arith.addf %mul3A_362, %mul3A_363 : vector<1024x128xf32>
    %dot_general3A_365 = arith.constant dense<0.000000e+00> : vector<1024x128xf32>
    %dot_general3A_366 = tpu.matmul %add3A_364, %get3A_27, %dot_general3A_365 {dimension_numbers = #tpu.dot_dimension_numbers<[1], [0], [0], [1], [0, 0, 1, 1], [], []>, transpose_lhs_hint = false} : vector<1024x128xf32>, vector<128x128xf32>, vector<1024x128xf32> -> vector<1024x128xf32>
    %add3A_367 = vector.broadcast %get3A_51 : vector<1x128xf32> to vector<1024x128xf32>
    %add3A_368 = arith.addf %dot_general3A_366, %add3A_367 : vector<1024x128xf32>
    %swap3A_369 = arith.constant 6 : index
    %swap3A_370 = arith.constant 0 : index
    %swap3A_371 = arith.constant 0 : index
    %swap3A_372 = vector.load %arg19[%swap3A_369, %swap3A_370, %swap3A_371] : memref<9x1024x128xf32, #tpu.memory_space<vmem>>, vector<1x1024x128xf32>
    %swap3A_373 = vector.shape_cast %swap3A_372 : vector<1x1024x128xf32> to vector<1024x128xf32>
    %swap3A_374 = vector.shape_cast %add3A_368 : vector<1024x128xf32> to vector<1x1024x128xf32>
    tpu.vector_store %arg19[%swap3A_369, %swap3A_370, %swap3A_371], %swap3A_374 {strides = array<i32>} : memref<9x1024x128xf32, #tpu.memory_space<vmem>>, vector<1x1024x128xf32>,
    %dot_general3A_375 = arith.constant dense<0.000000e+00> : vector<1024x384xf32>
    %dot_general3A_376 = tpu.matmul %add3A_364, %get3A_24, %dot_general3A_375 {dimension_numbers = #tpu.dot_dimension_numbers<[1], [0], [0], [1], [0, 0, 1, 1], [], []>, transpose_lhs_hint = false} : vector<1024x128xf32>, vector<128x384xf32>, vector<1024x384xf32> -> vector<1024x384xf32>
    %add3A_377 = vector.broadcast %get3A_48 : vector<1x384xf32> to vector<1024x384xf32>
    %add3A_378 = arith.addf %dot_general3A_376, %add3A_377 : vector<1024x384xf32>
    %slice3A_379 = vector.extract_strided_slice %add3A_378 {offsets = [0, 0], sizes = [1024, 128], strides = [1, 1]} : vector<1024x384xf32> to vector<1024x128xf32>
    %slice3A_380 = vector.extract_strided_slice %add3A_378 {offsets = [0, 128], sizes = [1024, 128], strides = [1, 1]} : vector<1024x384xf32> to vector<1024x128xf32>
    %slice3A_381 = vector.extract_strided_slice %add3A_378 {offsets = [0, 256], sizes = [1024, 128], strides = [1, 1]} : vector<1024x384xf32> to vector<1024x128xf32>
    %add3A_382 = arith.addf %slice3A, %slice3A_379 : vector<1024x128xf32>
    %logistic3A_383 = arith.negf %add3A_382 : vector<1024x128xf32>
    %logistic3A_384 = math.exp %logistic3A_383 : vector<1024x128xf32>
    %logistic3A_385 = arith.constant 1.000000e+00 : f32
    %logistic3A_386 = vector.broadcast %logistic3A_385 : f32 to vector<1024x128xf32>
    %logistic3A_387 = arith.addf %logistic3A_386, %logistic3A_384 : vector<1024x128xf32>
    %logistic3A_388 = arith.divf %logistic3A_386, %logistic3A_387 : vector<1024x128xf32>
    %add3A_389 = arith.addf %slice3A_95, %slice3A_380 : vector<1024x128xf32>
    %logistic3A_390 = arith.negf %add3A_389 : vector<1024x128xf32>
    %logistic3A_391 = math.exp %logistic3A_390 : vector<1024x128xf32>
    %logistic3A_392 = arith.constant 1.000000e+00 : f32
    %logistic3A_393 = vector.broadcast %logistic3A_392 : f32 to vector<1024x128xf32>
    %logistic3A_394 = arith.addf %logistic3A_393, %logistic3A_391 : vector<1024x128xf32>
    %logistic3A_395 = arith.divf %logistic3A_393, %logistic3A_394 : vector<1024x128xf32>
    %mul3A_396 = arith.mulf %logistic3A_388, %slice3A_381 : vector<1024x128xf32>
    %add3A_397 = arith.addf %slice3A_96, %mul3A_396 : vector<1024x128xf32>
    %tanh3A_398 = math.tanh %add3A_397 : vector<1024x128xf32>
    %sub3A_399 = arith.constant 1.000000e+00 : f32
    %sub3A_400 = vector.broadcast %sub3A_399 : f32 to vector<1024x128xf32>
    %sub3A_401 = arith.subf %sub3A_400, %logistic3A_395 : vector<1024x128xf32>
    %mul3A_402 = arith.mulf %sub3A_401, %tanh3A_398 : vector<1024x128xf32>
    %mul3A_403 = arith.mulf %logistic3A_395, %add3A_364 : vector<1024x128xf32>
    %add3A_404 = arith.addf %mul3A_402, %mul3A_403 : vector<1024x128xf32>
    %dot_general3A_405 = arith.constant dense<0.000000e+00> : vector<1024x128xf32>
    %dot_general3A_406 = tpu.matmul %add3A_404, %get3A_27, %dot_general3A_405 {dimension_numbers = #tpu.dot_dimension_numbers<[1], [0], [0], [1], [0, 0, 1, 1], [], []>, transpose_lhs_hint = false} : vector<1024x128xf32>, vector<128x128xf32>, vector<1024x128xf32> -> vector<1024x128xf32>
    %add3A_407 = vector.broadcast %get3A_51 : vector<1x128xf32> to vector<1024x128xf32>
    %add3A_408 = arith.addf %dot_general3A_406, %add3A_407 : vector<1024x128xf32>
    %swap3A_409 = arith.constant 7 : index
    %swap3A_410 = arith.constant 0 : index
    %swap3A_411 = arith.constant 0 : index
    %swap3A_412 = vector.load %arg19[%swap3A_409, %swap3A_410, %swap3A_411] : memref<9x1024x128xf32, #tpu.memory_space<vmem>>, vector<1x1024x128xf32>
    %swap3A_413 = vector.shape_cast %swap3A_412 : vector<1x1024x128xf32> to vector<1024x128xf32>
    %swap3A_414 = vector.shape_cast %add3A_408 : vector<1024x128xf32> to vector<1x1024x128xf32>
    tpu.vector_store %arg19[%swap3A_409, %swap3A_410, %swap3A_411], %swap3A_414 {strides = array<i32>} : memref<9x1024x128xf32, #tpu.memory_space<vmem>>, vector<1x1024x128xf32>,
    %dot_general3A_415 = arith.constant dense<0.000000e+00> : vector<1024x384xf32>
    %dot_general3A_416 = tpu.matmul %add3A_404, %get3A_24, %dot_general3A_415 {dimension_numbers = #tpu.dot_dimension_numbers<[1], [0], [0], [1], [0, 0, 1, 1], [], []>, transpose_lhs_hint = false} : vector<1024x128xf32>, vector<128x384xf32>, vector<1024x384xf32> -> vector<1024x384xf32>
    %add3A_417 = vector.broadcast %get3A_48 : vector<1x384xf32> to vector<1024x384xf32>
    %add3A_418 = arith.addf %dot_general3A_416, %add3A_417 : vector<1024x384xf32>
    %slice3A_419 = vector.extract_strided_slice %add3A_418 {offsets = [0, 0], sizes = [1024, 128], strides = [1, 1]} : vector<1024x384xf32> to vector<1024x128xf32>
    %slice3A_420 = vector.extract_strided_slice %add3A_418 {offsets = [0, 128], sizes = [1024, 128], strides = [1, 1]} : vector<1024x384xf32> to vector<1024x128xf32>
    %slice3A_421 = vector.extract_strided_slice %add3A_418 {offsets = [0, 256], sizes = [1024, 128], strides = [1, 1]} : vector<1024x384xf32> to vector<1024x128xf32>
    %add3A_422 = arith.addf %slice3A, %slice3A_419 : vector<1024x128xf32>
    %logistic3A_423 = arith.negf %add3A_422 : vector<1024x128xf32>
    %logistic3A_424 = math.exp %logistic3A_423 : vector<1024x128xf32>
    %logistic3A_425 = arith.constant 1.000000e+00 : f32
    %logistic3A_426 = vector.broadcast %logistic3A_425 : f32 to vector<1024x128xf32>
    %logistic3A_427 = arith.addf %logistic3A_426, %logistic3A_424 : vector<1024x128xf32>
    %logistic3A_428 = arith.divf %logistic3A_426, %logistic3A_427 : vector<1024x128xf32>
    %add3A_429 = arith.addf %slice3A_95, %slice3A_420 : vector<1024x128xf32>
    %logistic3A_430 = arith.negf %add3A_429 : vector<1024x128xf32>
    %logistic3A_431 = math.exp %logistic3A_430 : vector<1024x128xf32>
    %logistic3A_432 = arith.constant 1.000000e+00 : f32
    %logistic3A_433 = vector.broadcast %logistic3A_432 : f32 to vector<1024x128xf32>
    %logistic3A_434 = arith.addf %logistic3A_433, %logistic3A_431 : vector<1024x128xf32>
    %logistic3A_435 = arith.divf %logistic3A_433, %logistic3A_434 : vector<1024x128xf32>
    %mul3A_436 = arith.mulf %logistic3A_428, %slice3A_421 : vector<1024x128xf32>
    %add3A_437 = arith.addf %slice3A_96, %mul3A_436 : vector<1024x128xf32>
    %tanh3A_438 = math.tanh %add3A_437 : vector<1024x128xf32>
    %sub3A_439 = arith.constant 1.000000e+00 : f32
    %sub3A_440 = vector.broadcast %sub3A_439 : f32 to vector<1024x128xf32>
    %sub3A_441 = arith.subf %sub3A_440, %logistic3A_435 : vector<1024x128xf32>
    %mul3A_442 = arith.mulf %sub3A_441, %tanh3A_438 : vector<1024x128xf32>
    %mul3A_443 = arith.mulf %logistic3A_435, %add3A_404 : vector<1024x128xf32>
    %add3A_444 = arith.addf %mul3A_442, %mul3A_443 : vector<1024x128xf32>
    %dot_general3A_445 = arith.constant dense<0.000000e+00> : vector<1024x128xf32>
    %dot_general3A_446 = tpu.matmul %add3A_444, %get3A_27, %dot_general3A_445 {dimension_numbers = #tpu.dot_dimension_numbers<[1], [0], [0], [1], [0, 0, 1, 1], [], []>, transpose_lhs_hint = false} : vector<1024x128xf32>, vector<128x128xf32>, vector<1024x128xf32> -> vector<1024x128xf32>
    %add3A_447 = vector.broadcast %get3A_51 : vector<1x128xf32> to vector<1024x128xf32>
    %add3A_448 = arith.addf %dot_general3A_446, %add3A_447 : vector<1024x128xf32>
    %swap3A_449 = arith.constant 8 : index
    %swap3A_450 = arith.constant 0 : index
    %swap3A_451 = arith.constant 0 : index
    %swap3A_452 = vector.load %arg19[%swap3A_449, %swap3A_450, %swap3A_451] : memref<9x1024x128xf32, #tpu.memory_space<vmem>>, vector<1x1024x128xf32>
    %swap3A_453 = vector.shape_cast %swap3A_452 : vector<1x1024x128xf32> to vector<1024x128xf32>
    %swap3A_454 = vector.shape_cast %add3A_448 : vector<1024x128xf32> to vector<1x1024x128xf32>
    tpu.vector_store %arg19[%swap3A_449, %swap3A_450, %swap3A_451], %swap3A_454 {strides = array<i32>} : memref<9x1024x128xf32, #tpu.memory_space<vmem>>, vector<1x1024x128xf32>,
    return
  }
  func.func @transform_0(%arg0: i32) -> (i32, i32) {
    %c0_i32 = arith.constant 0 : i32
    %c0_i32_0 = arith.constant 0 : i32
    return %arg0, %c0_i32 : i32, i32
  }
  func.func @transform_1(%arg0: i32) -> (i32, i32) {
    %c0_i32 = arith.constant 0 : i32
    %c0_i32_0 = arith.constant 0 : i32
    %c0_i32_1 = arith.constant 0 : i32
    return %c0_i32, %c0_i32_0 : i32, i32
  }
  func.func @transform_2(%arg0: i32) -> (i32, i32) {
    %c0_i32 = arith.constant 0 : i32
    %c0_i32_0 = arith.constant 0 : i32
    %c0_i32_1 = arith.constant 0 : i32
    return %c0_i32, %c0_i32_0 : i32, i32
  }
  func.func @transform_3(%arg0: i32) -> (i32, i32) {
    %c0_i32 = arith.constant 0 : i32
    %c0_i32_0 = arith.constant 0 : i32
    %c0_i32_1 = arith.constant 0 : i32
    return %c0_i32, %c0_i32_0 : i32, i32
  }
  func.func @transform_4(%arg0: i32) -> (i32, i32) {
    %c0_i32 = arith.constant 0 : i32
    %c0_i32_0 = arith.constant 0 : i32
    %c0_i32_1 = arith.constant 0 : i32
    return %c0_i32, %c0_i32_0 : i32, i32
  }
  func.func @transform_5(%arg0: i32) -> (i32, i32) {
    %c0_i32 = arith.constant 0 : i32
    %c0_i32_0 = arith.constant 0 : i32
    %c0_i32_1 = arith.constant 0 : i32
    return %c0_i32, %c0_i32_0 : i32, i32
  }
  func.func @transform_6(%arg0: i32) -> (i32, i32) {
    %c0_i32 = arith.constant 0 : i32
    %c0_i32_0 = arith.constant 0 : i32
    %c0_i32_1 = arith.constant 0 : i32
    return %c0_i32, %c0_i32_0 : i32, i32
  }
  func.func @transform_7(%arg0: i32) -> (i32, i32) {
    %c0_i32 = arith.constant 0 : i32
    %c0_i32_0 = arith.constant 0 : i32
    %c0_i32_1 = arith.constant 0 : i32
    return %c0_i32, %c0_i32_0 : i32, i32
  }
  func.func @transform_8(%arg0: i32) -> (i32, i32) {
    %c0_i32 = arith.constant 0 : i32
    %c0_i32_0 = arith.constant 0 : i32
    %c0_i32_1 = arith.constant 0 : i32
    return %c0_i32, %c0_i32_0 : i32, i32
  }
  func.func @transform_9(%arg0: i32) -> (i32, i32) {
    %c0_i32 = arith.constant 0 : i32
    %c0_i32_0 = arith.constant 0 : i32
    %c0_i32_1 = arith.constant 0 : i32
    return %c0_i32, %c0_i32_0 : i32, i32
  }
  func.func @transform_10(%arg0: i32) -> (i32, i32) {
    %c0_i32 = arith.constant 0 : i32
    %c0_i32_0 = arith.constant 0 : i32
    %c0_i32_1 = arith.constant 0 : i32
    return %c0_i32, %c0_i32_0 : i32, i32
  }
  func.func @transform_11(%arg0: i32) -> (i32, i32) {
    %c0_i32 = arith.constant 0 : i32
    %c0_i32_0 = arith.constant 0 : i32
    %c0_i32_1 = arith.constant 0 : i32
    return %c0_i32, %c0_i32_0 : i32, i32
  }
  func.func @transform_12(%arg0: i32) -> (i32, i32) {
    %c0_i32 = arith.constant 0 : i32
    %c0_i32_0 = arith.constant 0 : i32
    %c0_i32_1 = arith.constant 0 : i32
    return %c0_i32, %c0_i32_0 : i32, i32
  }
  func.func @transform_13(%arg0: i32) -> (i32, i32) {
    %c0_i32 = arith.constant 0 : i32
    %c0_i32_0 = arith.constant 0 : i32
    %c0_i32_1 = arith.constant 0 : i32
    return %c0_i32, %c0_i32_0 : i32, i32
  }
  func.func @transform_14(%arg0: i32) -> (i32, i32) {
    %c0_i32 = arith.constant 0 : i32
    %c0_i32_0 = arith.constant 0 : i32
    %c0_i32_1 = arith.constant 0 : i32
    return %c0_i32, %c0_i32_0 : i32, i32
  }
  func.func @transform_15(%arg0: i32) -> (i32, i32) {
    %c0_i32 = arith.constant 0 : i32
    %c0_i32_0 = arith.constant 0 : i32
    %c0_i32_1 = arith.constant 0 : i32
    return %c0_i32, %c0_i32_0 : i32, i32
  }
  func.func @transform_16(%arg0: i32) -> (i32, i32) {
    %c0_i32 = arith.constant 0 : i32
    %c0_i32_0 = arith.constant 0 : i32
    %c0_i32_1 = arith.constant 0 : i32
    return %c0_i32, %c0_i32_0 : i32, i32
  }
  func.func @transform_17(%arg0: i32) -> (i32, i32) {
    %c0_i32 = arith.constant 0 : i32
    %c0_i32_0 = arith.constant 0 : i32
    return %arg0, %c0_i32 : i32, i32
  }
  func.func @transform_18(%arg0: i32) -> (i32, i32, i32) {
    %c0_i32 = arith.constant 0 : i32
    %c0_i32_0 = arith.constant 0 : i32
    %c0_i32_1 = arith.constant 0 : i32
    return %c0_i32, %arg0, %c0_i32_0 : i32, i32, i32
  }
}

module attributes {stable_mosaic.version = 14 : i64} {
  func.func @_stage3_body(%arg0: i32, %arg1: memref<8192x32xf32, #tpu.memory_space<vmem>>, %arg2: memref<896x1xf32, #tpu.memory_space<vmem>>, %arg3: memref<128x1024xf32, #tpu.memory_space<vmem>>, %arg4: memref<32x37xf32, #tpu.memory_space<vmem>>, %arg5: memref<32x32xf32, #tpu.memory_space<vmem>>, %arg6: memref<32x32xf32, #tpu.memory_space<vmem>>, %arg7: memref<32x32xf32, #tpu.memory_space<vmem>>, %arg8: memref<64x96xf32, #tpu.memory_space<vmem>>, %arg9: memref<32x64xf32, #tpu.memory_space<vmem>>, %arg10: memref<32x32xf32, #tpu.memory_space<vmem>>, %arg11: memref<32x32xf32, #tpu.memory_space<vmem>>, %arg12: memref<32x32xf32, #tpu.memory_space<vmem>>, %arg13: memref<21x32xf32, #tpu.memory_space<vmem>>, %arg14: memref<21x16384xf32, #tpu.memory_space<vmem>>, %arg15: memref<21x8192xf32, #tpu.memory_space<vmem>>) attributes {dimension_semantics = [#tpu.dimension_semantics<arbitrary>], iteration_bounds = array<i64: 4>, scalar_prefetch = 0 : i64, scratch_operands = 1 : i64, tpu.core_type = #tpu.core_type<tc>, window_params = [{pipeline_mode = #tpu.pipeline_mode<synchronous>, transform_indices = @transform_0, window_bounds = array<i64: 8192, 32>}, {pipeline_mode = #tpu.pipeline_mode<synchronous>, transform_indices = @transform_1, window_bounds = array<i64: 896, 1>}, {pipeline_mode = #tpu.pipeline_mode<synchronous>, transform_indices = @transform_2, window_bounds = array<i64: 128, 1024>}, {pipeline_mode = #tpu.pipeline_mode<synchronous>, transform_indices = @transform_3, window_bounds = array<i64: 32, 37>}, {pipeline_mode = #tpu.pipeline_mode<synchronous>, transform_indices = @transform_4, window_bounds = array<i64: 32, 32>}, {pipeline_mode = #tpu.pipeline_mode<synchronous>, transform_indices = @transform_5, window_bounds = array<i64: 32, 32>}, {pipeline_mode = #tpu.pipeline_mode<synchronous>, transform_indices = @transform_6, window_bounds = array<i64: 32, 32>}, {pipeline_mode = #tpu.pipeline_mode<synchronous>, transform_indices = @transform_7, window_bounds = array<i64: 64, 96>}, {pipeline_mode = #tpu.pipeline_mode<synchronous>, transform_indices = @transform_8, window_bounds = array<i64: 32, 64>}, {pipeline_mode = #tpu.pipeline_mode<synchronous>, transform_indices = @transform_9, window_bounds = array<i64: 32, 32>}, {pipeline_mode = #tpu.pipeline_mode<synchronous>, transform_indices = @transform_10, window_bounds = array<i64: 32, 32>}, {pipeline_mode = #tpu.pipeline_mode<synchronous>, transform_indices = @transform_11, window_bounds = array<i64: 32, 32>}, {pipeline_mode = #tpu.pipeline_mode<synchronous>, transform_indices = @transform_12, window_bounds = array<i64: 21, 32>}, {transform_indices = @transform_13, window_bounds = array<i64: 21, 16384>}]} {
    %eq3A = arith.constant 0 : i32
    %eq3A_0 = arith.cmpi eq, %arg0, %eq3A : i32
    %convert_element_type3A = arith.extui %eq3A_0 : i1 to i32
    %cond3A = arith.constant 0 : i32
    %cond3A_1 = arith.cmpi ne, %convert_element_type3A, %cond3A : i32
    scf.if %cond3A_1 {
      %get3A_239 = arith.constant 0 : index
      %get3A_240 = arith.constant 0 : index
      %get3A_241 = vector.load %arg1[%get3A_239, %get3A_240] : memref<8192x32xf32, #tpu.memory_space<vmem>>, vector<8192x32xf32>
      %transpose3A = tpu.transpose %get3A_241, [1, 0] : vector<8192x32xf32> -> vector<32x8192xf32>
      %get3A_242 = arith.constant 0 : index
      %get3A_243 = arith.constant 0 : index
      %get3A_244 = vector.load %arg4[%get3A_242, %get3A_243] : memref<32x37xf32, #tpu.memory_space<vmem>>, vector<32x37xf32>
      %get3A_245 = arith.constant 0 : index
      %get3A_246 = arith.constant 0 : index
      %get3A_247 = vector.load %arg5[%get3A_245, %get3A_246] : memref<32x32xf32, #tpu.memory_space<vmem>>, vector<32x32xf32>
      %slice3A = vector.extract_strided_slice %get3A_244 {offsets = [0, 0], sizes = [32, 32], strides = [1, 1]} : vector<32x37xf32> to vector<32x32xf32>
      %dot_general3A_248 = arith.constant dense<0.000000e+00> : vector<32x8192xf32>
      %dot_general3A_249 = tpu.matmul %slice3A, %transpose3A, %dot_general3A_248 {dimension_numbers = #tpu.dot_dimension_numbers<[1], [0], [0], [1], [0, 0, 1, 1], [], []>, transpose_lhs_hint = false} : vector<32x32xf32>, vector<32x8192xf32>, vector<32x8192xf32> -> vector<32x8192xf32>
      %get3A_250 = arith.constant 0 : index
      %get3A_251 = arith.constant 0 : index
      %get3A_252 = vector.load %arg2[%get3A_250, %get3A_251] : memref<896x1xf32, #tpu.memory_space<vmem>>, vector<32x1xf32>
      %get3A_253 = arith.constant 32 : index
      %get3A_254 = arith.constant 0 : index
      %get3A_255 = vector.load %arg2[%get3A_253, %get3A_254] : memref<896x1xf32, #tpu.memory_space<vmem>>, vector<32x1xf32>
      %get3A_256 = arith.constant 64 : index
      %get3A_257 = arith.constant 0 : index
      %get3A_258 = vector.load %arg2[%get3A_256, %get3A_257] : memref<896x1xf32, #tpu.memory_space<vmem>>, vector<32x1xf32>
      %get3A_259 = arith.constant 96 : index
      %get3A_260 = arith.constant 0 : index
      %get3A_261 = vector.load %arg2[%get3A_259, %get3A_260] : memref<896x1xf32, #tpu.memory_space<vmem>>, vector<32x1xf32>
      %add3A_262 = vector.broadcast %get3A_252 : vector<32x1xf32> to vector<32x8192xf32>
      %add3A_263 = arith.addf %dot_general3A_249, %add3A_262 : vector<32x8192xf32>
      %reduce_sum3A = arith.constant dense<0.000000e+00> : vector<32xf32>
      %reduce_sum3A_264 = vector.multi_reduction <add>, %add3A_263, %reduce_sum3A [1] : vector<32x8192xf32> to vector<32xf32>
      %broadcast_in_dim3A = vector.shape_cast %reduce_sum3A_264 : vector<32xf32> to vector<32x1xf32>
      %div3A = arith.constant 8.192000e+03 : f32
      %div3A_265 = vector.broadcast %div3A : f32 to vector<32x1xf32>
      %div3A_266 = arith.divf %broadcast_in_dim3A, %div3A_265 : vector<32x1xf32>
      %sub3A = vector.broadcast %div3A_266 : vector<32x1xf32> to vector<32x8192xf32>
      %sub3A_267 = arith.subf %add3A_263, %sub3A : vector<32x8192xf32>
      %mul3A_268 = arith.mulf %sub3A_267, %sub3A_267 : vector<32x8192xf32>
      %reduce_sum3A_269 = arith.constant dense<0.000000e+00> : vector<32xf32>
      %reduce_sum3A_270 = vector.multi_reduction <add>, %mul3A_268, %reduce_sum3A_269 [1] : vector<32x8192xf32> to vector<32xf32>
      %broadcast_in_dim3A_271 = vector.shape_cast %reduce_sum3A_270 : vector<32xf32> to vector<32x1xf32>
      %div3A_272 = arith.constant 8.192000e+03 : f32
      %div3A_273 = vector.broadcast %div3A_272 : f32 to vector<32x1xf32>
      %div3A_274 = arith.divf %broadcast_in_dim3A_271, %div3A_273 : vector<32x1xf32>
      %add3A_275 = arith.constant 9.99999974E-6 : f32
      %add3A_276 = vector.broadcast %add3A_275 : f32 to vector<32x1xf32>
      %add3A_277 = arith.addf %div3A_274, %add3A_276 : vector<32x1xf32>
      %sqrt3A = math.sqrt %add3A_277 : vector<32x1xf32>
      %div3A_278 = arith.divf %get3A_255, %sqrt3A : vector<32x1xf32>
      %mul3A_279 = vector.broadcast %div3A_278 : vector<32x1xf32> to vector<32x8192xf32>
      %mul3A_280 = arith.mulf %sub3A_267, %mul3A_279 : vector<32x8192xf32>
      %add3A_281 = vector.broadcast %get3A_258 : vector<32x1xf32> to vector<32x8192xf32>
      %add3A_282 = arith.addf %mul3A_280, %add3A_281 : vector<32x8192xf32>
      %mul3A_283 = arith.constant 0.00999999977 : f32
      %mul3A_284 = vector.broadcast %mul3A_283 : f32 to vector<32x8192xf32>
      %mul3A_285 = arith.mulf %mul3A_284, %add3A_282 : vector<32x8192xf32>
      %max3A = arith.maximumf %add3A_282, %mul3A_285 : vector<32x8192xf32>
      %dot_general3A_286 = arith.constant dense<0.000000e+00> : vector<32x8192xf32>
      %dot_general3A_287 = tpu.matmul %get3A_247, %max3A, %dot_general3A_286 {dimension_numbers = #tpu.dot_dimension_numbers<[1], [0], [0], [1], [0, 0, 1, 1], [], []>, transpose_lhs_hint = false} : vector<32x32xf32>, vector<32x8192xf32>, vector<32x8192xf32> -> vector<32x8192xf32>
      %add3A_288 = vector.broadcast %get3A_261 : vector<32x1xf32> to vector<32x8192xf32>
      %add3A_289 = arith.addf %dot_general3A_287, %add3A_288 : vector<32x8192xf32>
      %get3A_290 = arith.constant 128 : index
      %get3A_291 = arith.constant 0 : index
      %get3A_292 = vector.load %arg2[%get3A_290, %get3A_291] : memref<896x1xf32, #tpu.memory_space<vmem>>, vector<32x1xf32>
      %get3A_293 = arith.constant 160 : index
      %get3A_294 = arith.constant 0 : index
      %get3A_295 = vector.load %arg2[%get3A_293, %get3A_294] : memref<896x1xf32, #tpu.memory_space<vmem>>, vector<32x1xf32>
      %reduce_sum3A_296 = arith.constant dense<0.000000e+00> : vector<32xf32>
      %reduce_sum3A_297 = vector.multi_reduction <add>, %add3A_289, %reduce_sum3A_296 [1] : vector<32x8192xf32> to vector<32xf32>
      %broadcast_in_dim3A_298 = vector.shape_cast %reduce_sum3A_297 : vector<32xf32> to vector<32x1xf32>
      %div3A_299 = arith.constant 8.192000e+03 : f32
      %div3A_300 = vector.broadcast %div3A_299 : f32 to vector<32x1xf32>
      %div3A_301 = arith.divf %broadcast_in_dim3A_298, %div3A_300 : vector<32x1xf32>
      %sub3A_302 = vector.broadcast %div3A_301 : vector<32x1xf32> to vector<32x8192xf32>
      %sub3A_303 = arith.subf %add3A_289, %sub3A_302 : vector<32x8192xf32>
      %mul3A_304 = arith.mulf %sub3A_303, %sub3A_303 : vector<32x8192xf32>
      %reduce_sum3A_305 = arith.constant dense<0.000000e+00> : vector<32xf32>
      %reduce_sum3A_306 = vector.multi_reduction <add>, %mul3A_304, %reduce_sum3A_305 [1] : vector<32x8192xf32> to vector<32xf32>
      %broadcast_in_dim3A_307 = vector.shape_cast %reduce_sum3A_306 : vector<32xf32> to vector<32x1xf32>
      %div3A_308 = arith.constant 8.192000e+03 : f32
      %div3A_309 = vector.broadcast %div3A_308 : f32 to vector<32x1xf32>
      %div3A_310 = arith.divf %broadcast_in_dim3A_307, %div3A_309 : vector<32x1xf32>
      %add3A_311 = arith.constant 9.99999974E-6 : f32
      %add3A_312 = vector.broadcast %add3A_311 : f32 to vector<32x1xf32>
      %add3A_313 = arith.addf %div3A_310, %add3A_312 : vector<32x1xf32>
      %sqrt3A_314 = math.sqrt %add3A_313 : vector<32x1xf32>
      %div3A_315 = arith.divf %get3A_292, %sqrt3A_314 : vector<32x1xf32>
      %mul3A_316 = vector.broadcast %div3A_315 : vector<32x1xf32> to vector<32x8192xf32>
      %mul3A_317 = arith.mulf %sub3A_303, %mul3A_316 : vector<32x8192xf32>
      %add3A_318 = vector.broadcast %get3A_295 : vector<32x1xf32> to vector<32x8192xf32>
      %add3A_319 = arith.addf %mul3A_317, %add3A_318 : vector<32x8192xf32>
      %mul3A_320 = arith.constant 0.00999999977 : f32
      %mul3A_321 = vector.broadcast %mul3A_320 : f32 to vector<32x8192xf32>
      %mul3A_322 = arith.mulf %mul3A_321, %add3A_319 : vector<32x8192xf32>
      %max3A_323 = arith.maximumf %add3A_319, %mul3A_322 : vector<32x8192xf32>
      %get3A_324 = arith.constant 0 : index
      %get3A_325 = arith.constant 0 : index
      %get3A_326 = vector.load %arg6[%get3A_324, %get3A_325] : memref<32x32xf32, #tpu.memory_space<vmem>>, vector<32x32xf32>
      %get3A_327 = arith.constant 0 : index
      %get3A_328 = arith.constant 0 : index
      %get3A_329 = vector.load %arg7[%get3A_327, %get3A_328] : memref<32x32xf32, #tpu.memory_space<vmem>>, vector<32x32xf32>
      %mul3A_330 = arith.constant 8.000000e+00 : f32
      %mul3A_331 = vector.broadcast %mul3A_330 : f32 to vector<32x8192xf32>
      %mul3A_332 = arith.mulf %mul3A_331, %max3A_323 : vector<32x8192xf32>
      %dot_general3A_333 = arith.constant dense<0.000000e+00> : vector<32x8192xf32>
      %dot_general3A_334 = tpu.matmul %get3A_326, %mul3A_332, %dot_general3A_333 {dimension_numbers = #tpu.dot_dimension_numbers<[1], [0], [0], [1], [0, 0, 1, 1], [], []>, transpose_lhs_hint = false} : vector<32x32xf32>, vector<32x8192xf32>, vector<32x8192xf32> -> vector<32x8192xf32>
      %get3A_335 = arith.constant 192 : index
      %get3A_336 = arith.constant 0 : index
      %get3A_337 = vector.load %arg2[%get3A_335, %get3A_336] : memref<896x1xf32, #tpu.memory_space<vmem>>, vector<32x1xf32>
      %get3A_338 = arith.constant 224 : index
      %get3A_339 = arith.constant 0 : index
      %get3A_340 = vector.load %arg2[%get3A_338, %get3A_339] : memref<896x1xf32, #tpu.memory_space<vmem>>, vector<32x1xf32>
      %get3A_341 = arith.constant 256 : index
      %get3A_342 = arith.constant 0 : index
      %get3A_343 = vector.load %arg2[%get3A_341, %get3A_342] : memref<896x1xf32, #tpu.memory_space<vmem>>, vector<32x1xf32>
      %get3A_344 = arith.constant 288 : index
      %get3A_345 = arith.constant 0 : index
      %get3A_346 = vector.load %arg2[%get3A_344, %get3A_345] : memref<896x1xf32, #tpu.memory_space<vmem>>, vector<32x1xf32>
      %add3A_347 = vector.broadcast %get3A_337 : vector<32x1xf32> to vector<32x8192xf32>
      %add3A_348 = arith.addf %dot_general3A_334, %add3A_347 : vector<32x8192xf32>
      %reduce_sum3A_349 = arith.constant dense<0.000000e+00> : vector<32xf32>
      %reduce_sum3A_350 = vector.multi_reduction <add>, %add3A_348, %reduce_sum3A_349 [1] : vector<32x8192xf32> to vector<32xf32>
      %broadcast_in_dim3A_351 = vector.shape_cast %reduce_sum3A_350 : vector<32xf32> to vector<32x1xf32>
      %div3A_352 = arith.constant 8.192000e+03 : f32
      %div3A_353 = vector.broadcast %div3A_352 : f32 to vector<32x1xf32>
      %div3A_354 = arith.divf %broadcast_in_dim3A_351, %div3A_353 : vector<32x1xf32>
      %sub3A_355 = vector.broadcast %div3A_354 : vector<32x1xf32> to vector<32x8192xf32>
      %sub3A_356 = arith.subf %add3A_348, %sub3A_355 : vector<32x8192xf32>
      %mul3A_357 = arith.mulf %sub3A_356, %sub3A_356 : vector<32x8192xf32>
      %reduce_sum3A_358 = arith.constant dense<0.000000e+00> : vector<32xf32>
      %reduce_sum3A_359 = vector.multi_reduction <add>, %mul3A_357, %reduce_sum3A_358 [1] : vector<32x8192xf32> to vector<32xf32>
      %broadcast_in_dim3A_360 = vector.shape_cast %reduce_sum3A_359 : vector<32xf32> to vector<32x1xf32>
      %div3A_361 = arith.constant 8.192000e+03 : f32
      %div3A_362 = vector.broadcast %div3A_361 : f32 to vector<32x1xf32>
      %div3A_363 = arith.divf %broadcast_in_dim3A_360, %div3A_362 : vector<32x1xf32>
      %add3A_364 = arith.constant 9.99999974E-6 : f32
      %add3A_365 = vector.broadcast %add3A_364 : f32 to vector<32x1xf32>
      %add3A_366 = arith.addf %div3A_363, %add3A_365 : vector<32x1xf32>
      %sqrt3A_367 = math.sqrt %add3A_366 : vector<32x1xf32>
      %div3A_368 = arith.divf %get3A_340, %sqrt3A_367 : vector<32x1xf32>
      %mul3A_369 = vector.broadcast %div3A_368 : vector<32x1xf32> to vector<32x8192xf32>
      %mul3A_370 = arith.mulf %sub3A_356, %mul3A_369 : vector<32x8192xf32>
      %add3A_371 = vector.broadcast %get3A_343 : vector<32x1xf32> to vector<32x8192xf32>
      %add3A_372 = arith.addf %mul3A_370, %add3A_371 : vector<32x8192xf32>
      %mul3A_373 = arith.constant 0.00999999977 : f32
      %mul3A_374 = vector.broadcast %mul3A_373 : f32 to vector<32x8192xf32>
      %mul3A_375 = arith.mulf %mul3A_374, %add3A_372 : vector<32x8192xf32>
      %max3A_376 = arith.maximumf %add3A_372, %mul3A_375 : vector<32x8192xf32>
      %dot_general3A_377 = arith.constant dense<0.000000e+00> : vector<32x8192xf32>
      %dot_general3A_378 = tpu.matmul %get3A_329, %max3A_376, %dot_general3A_377 {dimension_numbers = #tpu.dot_dimension_numbers<[1], [0], [0], [1], [0, 0, 1, 1], [], []>, transpose_lhs_hint = false} : vector<32x32xf32>, vector<32x8192xf32>, vector<32x8192xf32> -> vector<32x8192xf32>
      %add3A_379 = vector.broadcast %get3A_346 : vector<32x1xf32> to vector<32x8192xf32>
      %add3A_380 = arith.addf %dot_general3A_378, %add3A_379 : vector<32x8192xf32>
      %get3A_381 = arith.constant 320 : index
      %get3A_382 = arith.constant 0 : index
      %get3A_383 = vector.load %arg2[%get3A_381, %get3A_382] : memref<896x1xf32, #tpu.memory_space<vmem>>, vector<32x1xf32>
      %get3A_384 = arith.constant 352 : index
      %get3A_385 = arith.constant 0 : index
      %get3A_386 = vector.load %arg2[%get3A_384, %get3A_385] : memref<896x1xf32, #tpu.memory_space<vmem>>, vector<32x1xf32>
      %reduce_sum3A_387 = arith.constant dense<0.000000e+00> : vector<32xf32>
      %reduce_sum3A_388 = vector.multi_reduction <add>, %add3A_380, %reduce_sum3A_387 [1] : vector<32x8192xf32> to vector<32xf32>
      %broadcast_in_dim3A_389 = vector.shape_cast %reduce_sum3A_388 : vector<32xf32> to vector<32x1xf32>
      %div3A_390 = arith.constant 8.192000e+03 : f32
      %div3A_391 = vector.broadcast %div3A_390 : f32 to vector<32x1xf32>
      %div3A_392 = arith.divf %broadcast_in_dim3A_389, %div3A_391 : vector<32x1xf32>
      %sub3A_393 = vector.broadcast %div3A_392 : vector<32x1xf32> to vector<32x8192xf32>
      %sub3A_394 = arith.subf %add3A_380, %sub3A_393 : vector<32x8192xf32>
      %mul3A_395 = arith.mulf %sub3A_394, %sub3A_394 : vector<32x8192xf32>
      %reduce_sum3A_396 = arith.constant dense<0.000000e+00> : vector<32xf32>
      %reduce_sum3A_397 = vector.multi_reduction <add>, %mul3A_395, %reduce_sum3A_396 [1] : vector<32x8192xf32> to vector<32xf32>
      %broadcast_in_dim3A_398 = vector.shape_cast %reduce_sum3A_397 : vector<32xf32> to vector<32x1xf32>
      %div3A_399 = arith.constant 8.192000e+03 : f32
      %div3A_400 = vector.broadcast %div3A_399 : f32 to vector<32x1xf32>
      %div3A_401 = arith.divf %broadcast_in_dim3A_398, %div3A_400 : vector<32x1xf32>
      %add3A_402 = arith.constant 9.99999974E-6 : f32
      %add3A_403 = vector.broadcast %add3A_402 : f32 to vector<32x1xf32>
      %add3A_404 = arith.addf %div3A_401, %add3A_403 : vector<32x1xf32>
      %sqrt3A_405 = math.sqrt %add3A_404 : vector<32x1xf32>
      %div3A_406 = arith.divf %get3A_383, %sqrt3A_405 : vector<32x1xf32>
      %mul3A_407 = vector.broadcast %div3A_406 : vector<32x1xf32> to vector<32x8192xf32>
      %mul3A_408 = arith.mulf %sub3A_394, %mul3A_407 : vector<32x8192xf32>
      %add3A_409 = vector.broadcast %get3A_386 : vector<32x1xf32> to vector<32x8192xf32>
      %add3A_410 = arith.addf %mul3A_408, %add3A_409 : vector<32x8192xf32>
      %mul3A_411 = arith.constant 0.00999999977 : f32
      %mul3A_412 = vector.broadcast %mul3A_411 : f32 to vector<32x8192xf32>
      %mul3A_413 = arith.mulf %mul3A_412, %add3A_410 : vector<32x8192xf32>
      %max3A_414 = arith.maximumf %add3A_410, %mul3A_413 : vector<32x8192xf32>
      %get3A_415 = arith.constant 0 : index
      %get3A_416 = arith.constant 0 : index
      %get3A_417 = vector.load %arg8[%get3A_415, %get3A_416] : memref<64x96xf32, #tpu.memory_space<vmem>>, vector<64x96xf32>
      %slice3A_418 = vector.extract_strided_slice %get3A_417 {offsets = [0, 0], sizes = [64, 32], strides = [1, 1]} : vector<64x96xf32> to vector<64x32xf32>
      %slice3A_419 = vector.extract_strided_slice %get3A_417 {offsets = [0, 32], sizes = [64, 64], strides = [1, 1]} : vector<64x96xf32> to vector<64x64xf32>
      %mul3A_420 = arith.constant 8.000000e+00 : f32
      %mul3A_421 = vector.broadcast %mul3A_420 : f32 to vector<32x8192xf32>
      %mul3A_422 = arith.mulf %mul3A_421, %max3A_414 : vector<32x8192xf32>
      %dot_general3A_423 = arith.constant dense<0.000000e+00> : vector<64x8192xf32>
      %dot_general3A_424 = tpu.matmul %slice3A_418, %mul3A_422, %dot_general3A_423 {dimension_numbers = #tpu.dot_dimension_numbers<[1], [0], [0], [1], [0, 0, 1, 1], [], []>, transpose_lhs_hint = false} : vector<64x32xf32>, vector<32x8192xf32>, vector<64x8192xf32> -> vector<64x8192xf32>
      %get3A_425 = arith.constant 384 : index
      %get3A_426 = arith.constant 0 : index
      %get3A_427 = vector.load %arg2[%get3A_425, %get3A_426] : memref<896x1xf32, #tpu.memory_space<vmem>>, vector<64x1xf32>
      %get3A_428 = arith.constant 448 : index
      %get3A_429 = arith.constant 0 : index
      %get3A_430 = vector.load %arg2[%get3A_428, %get3A_429] : memref<896x1xf32, #tpu.memory_space<vmem>>, vector<64x1xf32>
      %get3A_431 = arith.constant 512 : index
      %get3A_432 = arith.constant 0 : index
      %get3A_433 = vector.load %arg2[%get3A_431, %get3A_432] : memref<896x1xf32, #tpu.memory_space<vmem>>, vector<64x1xf32>
      %get3A_434 = arith.constant 576 : index
      %get3A_435 = arith.constant 0 : index
      %get3A_436 = vector.load %arg2[%get3A_434, %get3A_435] : memref<896x1xf32, #tpu.memory_space<vmem>>, vector<64x1xf32>
      %add3A_437 = vector.broadcast %get3A_427 : vector<64x1xf32> to vector<64x8192xf32>
      %add3A_438 = arith.addf %dot_general3A_424, %add3A_437 : vector<64x8192xf32>
      %reduce_sum3A_439 = arith.constant dense<0.000000e+00> : vector<64xf32>
      %reduce_sum3A_440 = vector.multi_reduction <add>, %add3A_438, %reduce_sum3A_439 [1] : vector<64x8192xf32> to vector<64xf32>
      %broadcast_in_dim3A_441 = vector.shape_cast %reduce_sum3A_440 : vector<64xf32> to vector<64x1xf32>
      %div3A_442 = arith.constant 8.192000e+03 : f32
      %div3A_443 = vector.broadcast %div3A_442 : f32 to vector<64x1xf32>
      %div3A_444 = arith.divf %broadcast_in_dim3A_441, %div3A_443 : vector<64x1xf32>
      %sub3A_445 = vector.broadcast %div3A_444 : vector<64x1xf32> to vector<64x8192xf32>
      %sub3A_446 = arith.subf %add3A_438, %sub3A_445 : vector<64x8192xf32>
      %mul3A_447 = arith.mulf %sub3A_446, %sub3A_446 : vector<64x8192xf32>
      %reduce_sum3A_448 = arith.constant dense<0.000000e+00> : vector<64xf32>
      %reduce_sum3A_449 = vector.multi_reduction <add>, %mul3A_447, %reduce_sum3A_448 [1] : vector<64x8192xf32> to vector<64xf32>
      %broadcast_in_dim3A_450 = vector.shape_cast %reduce_sum3A_449 : vector<64xf32> to vector<64x1xf32>
      %div3A_451 = arith.constant 8.192000e+03 : f32
      %div3A_452 = vector.broadcast %div3A_451 : f32 to vector<64x1xf32>
      %div3A_453 = arith.divf %broadcast_in_dim3A_450, %div3A_452 : vector<64x1xf32>
      %add3A_454 = arith.constant 9.99999974E-6 : f32
      %add3A_455 = vector.broadcast %add3A_454 : f32 to vector<64x1xf32>
      %add3A_456 = arith.addf %div3A_453, %add3A_455 : vector<64x1xf32>
      %sqrt3A_457 = math.sqrt %add3A_456 : vector<64x1xf32>
      %div3A_458 = arith.divf %get3A_430, %sqrt3A_457 : vector<64x1xf32>
      %mul3A_459 = vector.broadcast %div3A_458 : vector<64x1xf32> to vector<64x8192xf32>
      %mul3A_460 = arith.mulf %sub3A_446, %mul3A_459 : vector<64x8192xf32>
      %add3A_461 = vector.broadcast %get3A_433 : vector<64x1xf32> to vector<64x8192xf32>
      %add3A_462 = arith.addf %mul3A_460, %add3A_461 : vector<64x8192xf32>
      %mul3A_463 = arith.constant 0.00999999977 : f32
      %mul3A_464 = vector.broadcast %mul3A_463 : f32 to vector<64x8192xf32>
      %mul3A_465 = arith.mulf %mul3A_464, %add3A_462 : vector<64x8192xf32>
      %max3A_466 = arith.maximumf %add3A_462, %mul3A_465 : vector<64x8192xf32>
      %dot_general3A_467 = arith.constant dense<0.000000e+00> : vector<64x8192xf32>
      %dot_general3A_468 = tpu.matmul %slice3A_419, %max3A_466, %dot_general3A_467 {dimension_numbers = #tpu.dot_dimension_numbers<[1], [0], [0], [1], [0, 0, 1, 1], [], []>, transpose_lhs_hint = false} : vector<64x64xf32>, vector<64x8192xf32>, vector<64x8192xf32> -> vector<64x8192xf32>
      %add3A_469 = vector.broadcast %get3A_436 : vector<64x1xf32> to vector<64x8192xf32>
      %add3A_470 = arith.addf %dot_general3A_468, %add3A_469 : vector<64x8192xf32>
      %get3A_471 = arith.constant 640 : index
      %get3A_472 = arith.constant 0 : index
      %get3A_473 = vector.load %arg2[%get3A_471, %get3A_472] : memref<896x1xf32, #tpu.memory_space<vmem>>, vector<64x1xf32>
      %get3A_474 = arith.constant 704 : index
      %get3A_475 = arith.constant 0 : index
      %get3A_476 = vector.load %arg2[%get3A_474, %get3A_475] : memref<896x1xf32, #tpu.memory_space<vmem>>, vector<64x1xf32>
      %reduce_sum3A_477 = arith.constant dense<0.000000e+00> : vector<64xf32>
      %reduce_sum3A_478 = vector.multi_reduction <add>, %add3A_470, %reduce_sum3A_477 [1] : vector<64x8192xf32> to vector<64xf32>
      %broadcast_in_dim3A_479 = vector.shape_cast %reduce_sum3A_478 : vector<64xf32> to vector<64x1xf32>
      %div3A_480 = arith.constant 8.192000e+03 : f32
      %div3A_481 = vector.broadcast %div3A_480 : f32 to vector<64x1xf32>
      %div3A_482 = arith.divf %broadcast_in_dim3A_479, %div3A_481 : vector<64x1xf32>
      %sub3A_483 = vector.broadcast %div3A_482 : vector<64x1xf32> to vector<64x8192xf32>
      %sub3A_484 = arith.subf %add3A_470, %sub3A_483 : vector<64x8192xf32>
      %mul3A_485 = arith.mulf %sub3A_484, %sub3A_484 : vector<64x8192xf32>
      %reduce_sum3A_486 = arith.constant dense<0.000000e+00> : vector<64xf32>
      %reduce_sum3A_487 = vector.multi_reduction <add>, %mul3A_485, %reduce_sum3A_486 [1] : vector<64x8192xf32> to vector<64xf32>
      %broadcast_in_dim3A_488 = vector.shape_cast %reduce_sum3A_487 : vector<64xf32> to vector<64x1xf32>
      %div3A_489 = arith.constant 8.192000e+03 : f32
      %div3A_490 = vector.broadcast %div3A_489 : f32 to vector<64x1xf32>
      %div3A_491 = arith.divf %broadcast_in_dim3A_488, %div3A_490 : vector<64x1xf32>
      %add3A_492 = arith.constant 9.99999974E-6 : f32
      %add3A_493 = vector.broadcast %add3A_492 : f32 to vector<64x1xf32>
      %add3A_494 = arith.addf %div3A_491, %add3A_493 : vector<64x1xf32>
      %sqrt3A_495 = math.sqrt %add3A_494 : vector<64x1xf32>
      %div3A_496 = arith.divf %get3A_473, %sqrt3A_495 : vector<64x1xf32>
      %mul3A_497 = vector.broadcast %div3A_496 : vector<64x1xf32> to vector<64x8192xf32>
      %mul3A_498 = arith.mulf %sub3A_484, %mul3A_497 : vector<64x8192xf32>
      %add3A_499 = vector.broadcast %get3A_476 : vector<64x1xf32> to vector<64x8192xf32>
      %add3A_500 = arith.addf %mul3A_498, %add3A_499 : vector<64x8192xf32>
      %mul3A_501 = arith.constant 0.00999999977 : f32
      %mul3A_502 = vector.broadcast %mul3A_501 : f32 to vector<64x8192xf32>
      %mul3A_503 = arith.mulf %mul3A_502, %add3A_500 : vector<64x8192xf32>
      %max3A_504 = arith.maximumf %add3A_500, %mul3A_503 : vector<64x8192xf32>
      %get3A_505 = arith.constant 0 : index
      %get3A_506 = arith.constant 0 : index
      %get3A_507 = vector.load %arg9[%get3A_505, %get3A_506] : memref<32x64xf32, #tpu.memory_space<vmem>>, vector<32x64xf32>
      %get3A_508 = arith.constant 0 : index
      %get3A_509 = arith.constant 0 : index
      %get3A_510 = vector.load %arg10[%get3A_508, %get3A_509] : memref<32x32xf32, #tpu.memory_space<vmem>>, vector<32x32xf32>
      %mul3A_511 = arith.constant 8.000000e+00 : f32
      %mul3A_512 = vector.broadcast %mul3A_511 : f32 to vector<64x8192xf32>
      %mul3A_513 = arith.mulf %mul3A_512, %max3A_504 : vector<64x8192xf32>
      %dot_general3A_514 = arith.constant dense<0.000000e+00> : vector<32x8192xf32>
      %dot_general3A_515 = tpu.matmul %get3A_507, %mul3A_513, %dot_general3A_514 {dimension_numbers = #tpu.dot_dimension_numbers<[1], [0], [0], [1], [0, 0, 1, 1], [], []>, transpose_lhs_hint = false} : vector<32x64xf32>, vector<64x8192xf32>, vector<32x8192xf32> -> vector<32x8192xf32>
      %get3A_516 = arith.constant 768 : index
      %get3A_517 = arith.constant 0 : index
      %get3A_518 = vector.load %arg2[%get3A_516, %get3A_517] : memref<896x1xf32, #tpu.memory_space<vmem>>, vector<32x1xf32>
      %get3A_519 = arith.constant 800 : index
      %get3A_520 = arith.constant 0 : index
      %get3A_521 = vector.load %arg2[%get3A_519, %get3A_520] : memref<896x1xf32, #tpu.memory_space<vmem>>, vector<32x1xf32>
      %get3A_522 = arith.constant 832 : index
      %get3A_523 = arith.constant 0 : index
      %get3A_524 = vector.load %arg2[%get3A_522, %get3A_523] : memref<896x1xf32, #tpu.memory_space<vmem>>, vector<32x1xf32>
      %get3A_525 = arith.constant 864 : index
      %get3A_526 = arith.constant 0 : index
      %get3A_527 = vector.load %arg2[%get3A_525, %get3A_526] : memref<896x1xf32, #tpu.memory_space<vmem>>, vector<32x1xf32>
      %add3A_528 = vector.broadcast %get3A_518 : vector<32x1xf32> to vector<32x8192xf32>
      %add3A_529 = arith.addf %dot_general3A_515, %add3A_528 : vector<32x8192xf32>
      %reduce_sum3A_530 = arith.constant dense<0.000000e+00> : vector<32xf32>
      %reduce_sum3A_531 = vector.multi_reduction <add>, %add3A_529, %reduce_sum3A_530 [1] : vector<32x8192xf32> to vector<32xf32>
      %broadcast_in_dim3A_532 = vector.shape_cast %reduce_sum3A_531 : vector<32xf32> to vector<32x1xf32>
      %div3A_533 = arith.constant 8.192000e+03 : f32
      %div3A_534 = vector.broadcast %div3A_533 : f32 to vector<32x1xf32>
      %div3A_535 = arith.divf %broadcast_in_dim3A_532, %div3A_534 : vector<32x1xf32>
      %sub3A_536 = vector.broadcast %div3A_535 : vector<32x1xf32> to vector<32x8192xf32>
      %sub3A_537 = arith.subf %add3A_529, %sub3A_536 : vector<32x8192xf32>
      %mul3A_538 = arith.mulf %sub3A_537, %sub3A_537 : vector<32x8192xf32>
      %reduce_sum3A_539 = arith.constant dense<0.000000e+00> : vector<32xf32>
      %reduce_sum3A_540 = vector.multi_reduction <add>, %mul3A_538, %reduce_sum3A_539 [1] : vector<32x8192xf32> to vector<32xf32>
      %broadcast_in_dim3A_541 = vector.shape_cast %reduce_sum3A_540 : vector<32xf32> to vector<32x1xf32>
      %div3A_542 = arith.constant 8.192000e+03 : f32
      %div3A_543 = vector.broadcast %div3A_542 : f32 to vector<32x1xf32>
      %div3A_544 = arith.divf %broadcast_in_dim3A_541, %div3A_543 : vector<32x1xf32>
      %add3A_545 = arith.constant 9.99999974E-6 : f32
      %add3A_546 = vector.broadcast %add3A_545 : f32 to vector<32x1xf32>
      %add3A_547 = arith.addf %div3A_544, %add3A_546 : vector<32x1xf32>
      %sqrt3A_548 = math.sqrt %add3A_547 : vector<32x1xf32>
      %div3A_549 = arith.divf %get3A_521, %sqrt3A_548 : vector<32x1xf32>
      %mul3A_550 = vector.broadcast %div3A_549 : vector<32x1xf32> to vector<32x8192xf32>
      %mul3A_551 = arith.mulf %sub3A_537, %mul3A_550 : vector<32x8192xf32>
      %add3A_552 = vector.broadcast %get3A_524 : vector<32x1xf32> to vector<32x8192xf32>
      %add3A_553 = arith.addf %mul3A_551, %add3A_552 : vector<32x8192xf32>
      %mul3A_554 = arith.constant 0.00999999977 : f32
      %mul3A_555 = vector.broadcast %mul3A_554 : f32 to vector<32x8192xf32>
      %mul3A_556 = arith.mulf %mul3A_555, %add3A_553 : vector<32x8192xf32>
      %max3A_557 = arith.maximumf %add3A_553, %mul3A_556 : vector<32x8192xf32>
      %dot_general3A_558 = arith.constant dense<0.000000e+00> : vector<32x8192xf32>
      %dot_general3A_559 = tpu.matmul %get3A_510, %max3A_557, %dot_general3A_558 {dimension_numbers = #tpu.dot_dimension_numbers<[1], [0], [0], [1], [0, 0, 1, 1], [], []>, transpose_lhs_hint = false} : vector<32x32xf32>, vector<32x8192xf32>, vector<32x8192xf32> -> vector<32x8192xf32>
      %add3A_560 = vector.broadcast %get3A_527 : vector<32x1xf32> to vector<32x8192xf32>
      %add3A_561 = arith.addf %dot_general3A_559, %add3A_560 : vector<32x8192xf32>
      %get3A_562 = arith.constant 0 : index
      %get3A_563 = arith.constant 0 : index
      %get3A_564 = vector.load %arg11[%get3A_562, %get3A_563] : memref<32x32xf32, #tpu.memory_space<vmem>>, vector<32x32xf32>
      %get3A_565 = arith.constant 0 : index
      %get3A_566 = arith.constant 0 : index
      %get3A_567 = vector.load %arg12[%get3A_565, %get3A_566] : memref<32x32xf32, #tpu.memory_space<vmem>>, vector<32x32xf32>
      %get3A_568 = arith.constant 0 : index
      %get3A_569 = arith.constant 0 : index
      %get3A_570 = vector.load %arg13[%get3A_568, %get3A_569] : memref<21x32xf32, #tpu.memory_space<vmem>>, vector<21x32xf32>
      %dot_general3A_571 = arith.constant dense<0.000000e+00> : vector<32x8192xf32>
      %dot_general3A_572 = tpu.matmul %get3A_564, %add3A_561, %dot_general3A_571 {dimension_numbers = #tpu.dot_dimension_numbers<[1], [0], [0], [1], [0, 0, 1, 1], [], []>, transpose_lhs_hint = false} : vector<32x32xf32>, vector<32x8192xf32>, vector<32x8192xf32> -> vector<32x8192xf32>
      %mul3A_573 = arith.constant 0.00999999977 : f32
      %mul3A_574 = vector.broadcast %mul3A_573 : f32 to vector<32x8192xf32>
      %mul3A_575 = arith.mulf %mul3A_574, %dot_general3A_572 : vector<32x8192xf32>
      %max3A_576 = arith.maximumf %dot_general3A_572, %mul3A_575 : vector<32x8192xf32>
      %dot_general3A_577 = arith.constant dense<0.000000e+00> : vector<32x8192xf32>
      %dot_general3A_578 = tpu.matmul %get3A_567, %max3A_576, %dot_general3A_577 {dimension_numbers = #tpu.dot_dimension_numbers<[1], [0], [0], [1], [0, 0, 1, 1], [], []>, transpose_lhs_hint = false} : vector<32x32xf32>, vector<32x8192xf32>, vector<32x8192xf32> -> vector<32x8192xf32>
      %mul3A_579 = arith.constant 0.00999999977 : f32
      %mul3A_580 = vector.broadcast %mul3A_579 : f32 to vector<32x8192xf32>
      %mul3A_581 = arith.mulf %mul3A_580, %dot_general3A_578 : vector<32x8192xf32>
      %max3A_582 = arith.maximumf %dot_general3A_578, %mul3A_581 : vector<32x8192xf32>
      %dot_general3A_583 = arith.constant dense<0.000000e+00> : vector<21x8192xf32>
      %dot_general3A_584 = tpu.matmul %get3A_570, %max3A_582, %dot_general3A_583 {dimension_numbers = #tpu.dot_dimension_numbers<[1], [0], [0], [1], [0, 0, 1, 1], [], []>, transpose_lhs_hint = false} : vector<21x32xf32>, vector<32x8192xf32>, vector<21x8192xf32> -> vector<21x8192xf32>
      %swap3A_585 = arith.constant 0 : index
      %swap3A_586 = arith.constant 0 : index
      %swap3A_587 = vector.load %arg15[%swap3A_585, %swap3A_586] : memref<21x8192xf32, #tpu.memory_space<vmem>>, vector<21x8192xf32>
      tpu.vector_store %arg15[%swap3A_585, %swap3A_586], %dot_general3A_584 {strides = array<i32>} : memref<21x8192xf32, #tpu.memory_space<vmem>>, vector<21x8192xf32>,
    } else {
    }
    %mul3A = arith.constant 16 : i32
    %mul3A_2 = arith.muli %arg0, %mul3A : i32
    %add3A = arith.constant 0 : i32
    %add3A_3 = arith.addi %mul3A_2, %add3A : i32
    %mul3A_4 = arith.constant 128 : i32
    %mul3A_5 = arith.muli %mul3A_4, %add3A_3 : i32
    %get3A = arith.constant 0 : index
    %get3A_6 = arith.index_cast %mul3A_5 : i32 to index
    %get3A_7 = vector.load %arg15[%get3A, %get3A_6] : memref<21x8192xf32, #tpu.memory_space<vmem>>, vector<21x128xf32>
    %get3A_8 = arith.constant 0 : index
    %get3A_9 = arith.constant 0 : index
    %get3A_10 = vector.load %arg3[%get3A_8, %get3A_9] : memref<128x1024xf32, #tpu.memory_space<vmem>>, vector<128x1024xf32>
    %dot_general3A = arith.constant dense<0.000000e+00> : vector<21x1024xf32>
    %dot_general3A_11 = tpu.matmul %get3A_7, %get3A_10, %dot_general3A {dimension_numbers = #tpu.dot_dimension_numbers<[1], [0], [0], [1], [0, 0, 1, 1], [], []>, transpose_lhs_hint = false} : vector<21x128xf32>, vector<128x1024xf32>, vector<21x1024xf32> -> vector<21x1024xf32>
    %swap3A = arith.constant 0 : index
    %swap3A_12 = arith.constant 0 : index
    %swap3A_13 = vector.load %arg14[%swap3A, %swap3A_12] : memref<21x16384xf32, #tpu.memory_space<vmem>>, vector<21x1024xf32>
    tpu.vector_store %arg14[%swap3A, %swap3A_12], %dot_general3A_11 {strides = array<i32>} : memref<21x16384xf32, #tpu.memory_space<vmem>>, vector<21x1024xf32>,
    %add3A_14 = arith.constant 1 : i32
    %add3A_15 = arith.addi %mul3A_2, %add3A_14 : i32
    %mul3A_16 = arith.constant 128 : i32
    %mul3A_17 = arith.muli %mul3A_16, %add3A_15 : i32
    %get3A_18 = arith.constant 0 : index
    %get3A_19 = arith.index_cast %mul3A_17 : i32 to index
    %get3A_20 = vector.load %arg15[%get3A_18, %get3A_19] : memref<21x8192xf32, #tpu.memory_space<vmem>>, vector<21x128xf32>
    %get3A_21 = arith.constant 0 : index
    %get3A_22 = arith.constant 0 : index
    %get3A_23 = vector.load %arg3[%get3A_21, %get3A_22] : memref<128x1024xf32, #tpu.memory_space<vmem>>, vector<128x1024xf32>
    %dot_general3A_24 = arith.constant dense<0.000000e+00> : vector<21x1024xf32>
    %dot_general3A_25 = tpu.matmul %get3A_20, %get3A_23, %dot_general3A_24 {dimension_numbers = #tpu.dot_dimension_numbers<[1], [0], [0], [1], [0, 0, 1, 1], [], []>, transpose_lhs_hint = false} : vector<21x128xf32>, vector<128x1024xf32>, vector<21x1024xf32> -> vector<21x1024xf32>
    %swap3A_26 = arith.constant 0 : index
    %swap3A_27 = arith.constant 1024 : index
    %swap3A_28 = vector.load %arg14[%swap3A_26, %swap3A_27] : memref<21x16384xf32, #tpu.memory_space<vmem>>, vector<21x1024xf32>
    tpu.vector_store %arg14[%swap3A_26, %swap3A_27], %dot_general3A_25 {strides = array<i32>} : memref<21x16384xf32, #tpu.memory_space<vmem>>, vector<21x1024xf32>,
    %add3A_29 = arith.constant 2 : i32
    %add3A_30 = arith.addi %mul3A_2, %add3A_29 : i32
    %mul3A_31 = arith.constant 128 : i32
    %mul3A_32 = arith.muli %mul3A_31, %add3A_30 : i32
    %get3A_33 = arith.constant 0 : index
    %get3A_34 = arith.index_cast %mul3A_32 : i32 to index
    %get3A_35 = vector.load %arg15[%get3A_33, %get3A_34] : memref<21x8192xf32, #tpu.memory_space<vmem>>, vector<21x128xf32>
    %get3A_36 = arith.constant 0 : index
    %get3A_37 = arith.constant 0 : index
    %get3A_38 = vector.load %arg3[%get3A_36, %get3A_37] : memref<128x1024xf32, #tpu.memory_space<vmem>>, vector<128x1024xf32>
    %dot_general3A_39 = arith.constant dense<0.000000e+00> : vector<21x1024xf32>
    %dot_general3A_40 = tpu.matmul %get3A_35, %get3A_38, %dot_general3A_39 {dimension_numbers = #tpu.dot_dimension_numbers<[1], [0], [0], [1], [0, 0, 1, 1], [], []>, transpose_lhs_hint = false} : vector<21x128xf32>, vector<128x1024xf32>, vector<21x1024xf32> -> vector<21x1024xf32>
    %swap3A_41 = arith.constant 0 : index
    %swap3A_42 = arith.constant 2048 : index
    %swap3A_43 = vector.load %arg14[%swap3A_41, %swap3A_42] : memref<21x16384xf32, #tpu.memory_space<vmem>>, vector<21x1024xf32>
    tpu.vector_store %arg14[%swap3A_41, %swap3A_42], %dot_general3A_40 {strides = array<i32>} : memref<21x16384xf32, #tpu.memory_space<vmem>>, vector<21x1024xf32>,
    %add3A_44 = arith.constant 3 : i32
    %add3A_45 = arith.addi %mul3A_2, %add3A_44 : i32
    %mul3A_46 = arith.constant 128 : i32
    %mul3A_47 = arith.muli %mul3A_46, %add3A_45 : i32
    %get3A_48 = arith.constant 0 : index
    %get3A_49 = arith.index_cast %mul3A_47 : i32 to index
    %get3A_50 = vector.load %arg15[%get3A_48, %get3A_49] : memref<21x8192xf32, #tpu.memory_space<vmem>>, vector<21x128xf32>
    %get3A_51 = arith.constant 0 : index
    %get3A_52 = arith.constant 0 : index
    %get3A_53 = vector.load %arg3[%get3A_51, %get3A_52] : memref<128x1024xf32, #tpu.memory_space<vmem>>, vector<128x1024xf32>
    %dot_general3A_54 = arith.constant dense<0.000000e+00> : vector<21x1024xf32>
    %dot_general3A_55 = tpu.matmul %get3A_50, %get3A_53, %dot_general3A_54 {dimension_numbers = #tpu.dot_dimension_numbers<[1], [0], [0], [1], [0, 0, 1, 1], [], []>, transpose_lhs_hint = false} : vector<21x128xf32>, vector<128x1024xf32>, vector<21x1024xf32> -> vector<21x1024xf32>
    %swap3A_56 = arith.constant 0 : index
    %swap3A_57 = arith.constant 3072 : index
    %swap3A_58 = vector.load %arg14[%swap3A_56, %swap3A_57] : memref<21x16384xf32, #tpu.memory_space<vmem>>, vector<21x1024xf32>
    tpu.vector_store %arg14[%swap3A_56, %swap3A_57], %dot_general3A_55 {strides = array<i32>} : memref<21x16384xf32, #tpu.memory_space<vmem>>, vector<21x1024xf32>,
    %add3A_59 = arith.constant 4 : i32
    %add3A_60 = arith.addi %mul3A_2, %add3A_59 : i32
    %mul3A_61 = arith.constant 128 : i32
    %mul3A_62 = arith.muli %mul3A_61, %add3A_60 : i32
    %get3A_63 = arith.constant 0 : index
    %get3A_64 = arith.index_cast %mul3A_62 : i32 to index
    %get3A_65 = vector.load %arg15[%get3A_63, %get3A_64] : memref<21x8192xf32, #tpu.memory_space<vmem>>, vector<21x128xf32>
    %get3A_66 = arith.constant 0 : index
    %get3A_67 = arith.constant 0 : index
    %get3A_68 = vector.load %arg3[%get3A_66, %get3A_67] : memref<128x1024xf32, #tpu.memory_space<vmem>>, vector<128x1024xf32>
    %dot_general3A_69 = arith.constant dense<0.000000e+00> : vector<21x1024xf32>
    %dot_general3A_70 = tpu.matmul %get3A_65, %get3A_68, %dot_general3A_69 {dimension_numbers = #tpu.dot_dimension_numbers<[1], [0], [0], [1], [0, 0, 1, 1], [], []>, transpose_lhs_hint = false} : vector<21x128xf32>, vector<128x1024xf32>, vector<21x1024xf32> -> vector<21x1024xf32>
    %swap3A_71 = arith.constant 0 : index
    %swap3A_72 = arith.constant 4096 : index
    %swap3A_73 = vector.load %arg14[%swap3A_71, %swap3A_72] : memref<21x16384xf32, #tpu.memory_space<vmem>>, vector<21x1024xf32>
    tpu.vector_store %arg14[%swap3A_71, %swap3A_72], %dot_general3A_70 {strides = array<i32>} : memref<21x16384xf32, #tpu.memory_space<vmem>>, vector<21x1024xf32>,
    %add3A_74 = arith.constant 5 : i32
    %add3A_75 = arith.addi %mul3A_2, %add3A_74 : i32
    %mul3A_76 = arith.constant 128 : i32
    %mul3A_77 = arith.muli %mul3A_76, %add3A_75 : i32
    %get3A_78 = arith.constant 0 : index
    %get3A_79 = arith.index_cast %mul3A_77 : i32 to index
    %get3A_80 = vector.load %arg15[%get3A_78, %get3A_79] : memref<21x8192xf32, #tpu.memory_space<vmem>>, vector<21x128xf32>
    %get3A_81 = arith.constant 0 : index
    %get3A_82 = arith.constant 0 : index
    %get3A_83 = vector.load %arg3[%get3A_81, %get3A_82] : memref<128x1024xf32, #tpu.memory_space<vmem>>, vector<128x1024xf32>
    %dot_general3A_84 = arith.constant dense<0.000000e+00> : vector<21x1024xf32>
    %dot_general3A_85 = tpu.matmul %get3A_80, %get3A_83, %dot_general3A_84 {dimension_numbers = #tpu.dot_dimension_numbers<[1], [0], [0], [1], [0, 0, 1, 1], [], []>, transpose_lhs_hint = false} : vector<21x128xf32>, vector<128x1024xf32>, vector<21x1024xf32> -> vector<21x1024xf32>
    %swap3A_86 = arith.constant 0 : index
    %swap3A_87 = arith.constant 5120 : index
    %swap3A_88 = vector.load %arg14[%swap3A_86, %swap3A_87] : memref<21x16384xf32, #tpu.memory_space<vmem>>, vector<21x1024xf32>
    tpu.vector_store %arg14[%swap3A_86, %swap3A_87], %dot_general3A_85 {strides = array<i32>} : memref<21x16384xf32, #tpu.memory_space<vmem>>, vector<21x1024xf32>,
    %add3A_89 = arith.constant 6 : i32
    %add3A_90 = arith.addi %mul3A_2, %add3A_89 : i32
    %mul3A_91 = arith.constant 128 : i32
    %mul3A_92 = arith.muli %mul3A_91, %add3A_90 : i32
    %get3A_93 = arith.constant 0 : index
    %get3A_94 = arith.index_cast %mul3A_92 : i32 to index
    %get3A_95 = vector.load %arg15[%get3A_93, %get3A_94] : memref<21x8192xf32, #tpu.memory_space<vmem>>, vector<21x128xf32>
    %get3A_96 = arith.constant 0 : index
    %get3A_97 = arith.constant 0 : index
    %get3A_98 = vector.load %arg3[%get3A_96, %get3A_97] : memref<128x1024xf32, #tpu.memory_space<vmem>>, vector<128x1024xf32>
    %dot_general3A_99 = arith.constant dense<0.000000e+00> : vector<21x1024xf32>
    %dot_general3A_100 = tpu.matmul %get3A_95, %get3A_98, %dot_general3A_99 {dimension_numbers = #tpu.dot_dimension_numbers<[1], [0], [0], [1], [0, 0, 1, 1], [], []>, transpose_lhs_hint = false} : vector<21x128xf32>, vector<128x1024xf32>, vector<21x1024xf32> -> vector<21x1024xf32>
    %swap3A_101 = arith.constant 0 : index
    %swap3A_102 = arith.constant 6144 : index
    %swap3A_103 = vector.load %arg14[%swap3A_101, %swap3A_102] : memref<21x16384xf32, #tpu.memory_space<vmem>>, vector<21x1024xf32>
    tpu.vector_store %arg14[%swap3A_101, %swap3A_102], %dot_general3A_100 {strides = array<i32>} : memref<21x16384xf32, #tpu.memory_space<vmem>>, vector<21x1024xf32>,
    %add3A_104 = arith.constant 7 : i32
    %add3A_105 = arith.addi %mul3A_2, %add3A_104 : i32
    %mul3A_106 = arith.constant 128 : i32
    %mul3A_107 = arith.muli %mul3A_106, %add3A_105 : i32
    %get3A_108 = arith.constant 0 : index
    %get3A_109 = arith.index_cast %mul3A_107 : i32 to index
    %get3A_110 = vector.load %arg15[%get3A_108, %get3A_109] : memref<21x8192xf32, #tpu.memory_space<vmem>>, vector<21x128xf32>
    %get3A_111 = arith.constant 0 : index
    %get3A_112 = arith.constant 0 : index
    %get3A_113 = vector.load %arg3[%get3A_111, %get3A_112] : memref<128x1024xf32, #tpu.memory_space<vmem>>, vector<128x1024xf32>
    %dot_general3A_114 = arith.constant dense<0.000000e+00> : vector<21x1024xf32>
    %dot_general3A_115 = tpu.matmul %get3A_110, %get3A_113, %dot_general3A_114 {dimension_numbers = #tpu.dot_dimension_numbers<[1], [0], [0], [1], [0, 0, 1, 1], [], []>, transpose_lhs_hint = false} : vector<21x128xf32>, vector<128x1024xf32>, vector<21x1024xf32> -> vector<21x1024xf32>
    %swap3A_116 = arith.constant 0 : index
    %swap3A_117 = arith.constant 7168 : index
    %swap3A_118 = vector.load %arg14[%swap3A_116, %swap3A_117] : memref<21x16384xf32, #tpu.memory_space<vmem>>, vector<21x1024xf32>
    tpu.vector_store %arg14[%swap3A_116, %swap3A_117], %dot_general3A_115 {strides = array<i32>} : memref<21x16384xf32, #tpu.memory_space<vmem>>, vector<21x1024xf32>,
    %add3A_119 = arith.constant 8 : i32
    %add3A_120 = arith.addi %mul3A_2, %add3A_119 : i32
    %mul3A_121 = arith.constant 128 : i32
    %mul3A_122 = arith.muli %mul3A_121, %add3A_120 : i32
    %get3A_123 = arith.constant 0 : index
    %get3A_124 = arith.index_cast %mul3A_122 : i32 to index
    %get3A_125 = vector.load %arg15[%get3A_123, %get3A_124] : memref<21x8192xf32, #tpu.memory_space<vmem>>, vector<21x128xf32>
    %get3A_126 = arith.constant 0 : index
    %get3A_127 = arith.constant 0 : index
    %get3A_128 = vector.load %arg3[%get3A_126, %get3A_127] : memref<128x1024xf32, #tpu.memory_space<vmem>>, vector<128x1024xf32>
    %dot_general3A_129 = arith.constant dense<0.000000e+00> : vector<21x1024xf32>
    %dot_general3A_130 = tpu.matmul %get3A_125, %get3A_128, %dot_general3A_129 {dimension_numbers = #tpu.dot_dimension_numbers<[1], [0], [0], [1], [0, 0, 1, 1], [], []>, transpose_lhs_hint = false} : vector<21x128xf32>, vector<128x1024xf32>, vector<21x1024xf32> -> vector<21x1024xf32>
    %swap3A_131 = arith.constant 0 : index
    %swap3A_132 = arith.constant 8192 : index
    %swap3A_133 = vector.load %arg14[%swap3A_131, %swap3A_132] : memref<21x16384xf32, #tpu.memory_space<vmem>>, vector<21x1024xf32>
    tpu.vector_store %arg14[%swap3A_131, %swap3A_132], %dot_general3A_130 {strides = array<i32>} : memref<21x16384xf32, #tpu.memory_space<vmem>>, vector<21x1024xf32>,
    %add3A_134 = arith.constant 9 : i32
    %add3A_135 = arith.addi %mul3A_2, %add3A_134 : i32
    %mul3A_136 = arith.constant 128 : i32
    %mul3A_137 = arith.muli %mul3A_136, %add3A_135 : i32
    %get3A_138 = arith.constant 0 : index
    %get3A_139 = arith.index_cast %mul3A_137 : i32 to index
    %get3A_140 = vector.load %arg15[%get3A_138, %get3A_139] : memref<21x8192xf32, #tpu.memory_space<vmem>>, vector<21x128xf32>
    %get3A_141 = arith.constant 0 : index
    %get3A_142 = arith.constant 0 : index
    %get3A_143 = vector.load %arg3[%get3A_141, %get3A_142] : memref<128x1024xf32, #tpu.memory_space<vmem>>, vector<128x1024xf32>
    %dot_general3A_144 = arith.constant dense<0.000000e+00> : vector<21x1024xf32>
    %dot_general3A_145 = tpu.matmul %get3A_140, %get3A_143, %dot_general3A_144 {dimension_numbers = #tpu.dot_dimension_numbers<[1], [0], [0], [1], [0, 0, 1, 1], [], []>, transpose_lhs_hint = false} : vector<21x128xf32>, vector<128x1024xf32>, vector<21x1024xf32> -> vector<21x1024xf32>
    %swap3A_146 = arith.constant 0 : index
    %swap3A_147 = arith.constant 9216 : index
    %swap3A_148 = vector.load %arg14[%swap3A_146, %swap3A_147] : memref<21x16384xf32, #tpu.memory_space<vmem>>, vector<21x1024xf32>
    tpu.vector_store %arg14[%swap3A_146, %swap3A_147], %dot_general3A_145 {strides = array<i32>} : memref<21x16384xf32, #tpu.memory_space<vmem>>, vector<21x1024xf32>,
    %add3A_149 = arith.constant 10 : i32
    %add3A_150 = arith.addi %mul3A_2, %add3A_149 : i32
    %mul3A_151 = arith.constant 128 : i32
    %mul3A_152 = arith.muli %mul3A_151, %add3A_150 : i32
    %get3A_153 = arith.constant 0 : index
    %get3A_154 = arith.index_cast %mul3A_152 : i32 to index
    %get3A_155 = vector.load %arg15[%get3A_153, %get3A_154] : memref<21x8192xf32, #tpu.memory_space<vmem>>, vector<21x128xf32>
    %get3A_156 = arith.constant 0 : index
    %get3A_157 = arith.constant 0 : index
    %get3A_158 = vector.load %arg3[%get3A_156, %get3A_157] : memref<128x1024xf32, #tpu.memory_space<vmem>>, vector<128x1024xf32>
    %dot_general3A_159 = arith.constant dense<0.000000e+00> : vector<21x1024xf32>
    %dot_general3A_160 = tpu.matmul %get3A_155, %get3A_158, %dot_general3A_159 {dimension_numbers = #tpu.dot_dimension_numbers<[1], [0], [0], [1], [0, 0, 1, 1], [], []>, transpose_lhs_hint = false} : vector<21x128xf32>, vector<128x1024xf32>, vector<21x1024xf32> -> vector<21x1024xf32>
    %swap3A_161 = arith.constant 0 : index
    %swap3A_162 = arith.constant 10240 : index
    %swap3A_163 = vector.load %arg14[%swap3A_161, %swap3A_162] : memref<21x16384xf32, #tpu.memory_space<vmem>>, vector<21x1024xf32>
    tpu.vector_store %arg14[%swap3A_161, %swap3A_162], %dot_general3A_160 {strides = array<i32>} : memref<21x16384xf32, #tpu.memory_space<vmem>>, vector<21x1024xf32>,
    %add3A_164 = arith.constant 11 : i32
    %add3A_165 = arith.addi %mul3A_2, %add3A_164 : i32
    %mul3A_166 = arith.constant 128 : i32
    %mul3A_167 = arith.muli %mul3A_166, %add3A_165 : i32
    %get3A_168 = arith.constant 0 : index
    %get3A_169 = arith.index_cast %mul3A_167 : i32 to index
    %get3A_170 = vector.load %arg15[%get3A_168, %get3A_169] : memref<21x8192xf32, #tpu.memory_space<vmem>>, vector<21x128xf32>
    %get3A_171 = arith.constant 0 : index
    %get3A_172 = arith.constant 0 : index
    %get3A_173 = vector.load %arg3[%get3A_171, %get3A_172] : memref<128x1024xf32, #tpu.memory_space<vmem>>, vector<128x1024xf32>
    %dot_general3A_174 = arith.constant dense<0.000000e+00> : vector<21x1024xf32>
    %dot_general3A_175 = tpu.matmul %get3A_170, %get3A_173, %dot_general3A_174 {dimension_numbers = #tpu.dot_dimension_numbers<[1], [0], [0], [1], [0, 0, 1, 1], [], []>, transpose_lhs_hint = false} : vector<21x128xf32>, vector<128x1024xf32>, vector<21x1024xf32> -> vector<21x1024xf32>
    %swap3A_176 = arith.constant 0 : index
    %swap3A_177 = arith.constant 11264 : index
    %swap3A_178 = vector.load %arg14[%swap3A_176, %swap3A_177] : memref<21x16384xf32, #tpu.memory_space<vmem>>, vector<21x1024xf32>
    tpu.vector_store %arg14[%swap3A_176, %swap3A_177], %dot_general3A_175 {strides = array<i32>} : memref<21x16384xf32, #tpu.memory_space<vmem>>, vector<21x1024xf32>,
    %add3A_179 = arith.constant 12 : i32
    %add3A_180 = arith.addi %mul3A_2, %add3A_179 : i32
    %mul3A_181 = arith.constant 128 : i32
    %mul3A_182 = arith.muli %mul3A_181, %add3A_180 : i32
    %get3A_183 = arith.constant 0 : index
    %get3A_184 = arith.index_cast %mul3A_182 : i32 to index
    %get3A_185 = vector.load %arg15[%get3A_183, %get3A_184] : memref<21x8192xf32, #tpu.memory_space<vmem>>, vector<21x128xf32>
    %get3A_186 = arith.constant 0 : index
    %get3A_187 = arith.constant 0 : index
    %get3A_188 = vector.load %arg3[%get3A_186, %get3A_187] : memref<128x1024xf32, #tpu.memory_space<vmem>>, vector<128x1024xf32>
    %dot_general3A_189 = arith.constant dense<0.000000e+00> : vector<21x1024xf32>
    %dot_general3A_190 = tpu.matmul %get3A_185, %get3A_188, %dot_general3A_189 {dimension_numbers = #tpu.dot_dimension_numbers<[1], [0], [0], [1], [0, 0, 1, 1], [], []>, transpose_lhs_hint = false} : vector<21x128xf32>, vector<128x1024xf32>, vector<21x1024xf32> -> vector<21x1024xf32>
    %swap3A_191 = arith.constant 0 : index
    %swap3A_192 = arith.constant 12288 : index
    %swap3A_193 = vector.load %arg14[%swap3A_191, %swap3A_192] : memref<21x16384xf32, #tpu.memory_space<vmem>>, vector<21x1024xf32>
    tpu.vector_store %arg14[%swap3A_191, %swap3A_192], %dot_general3A_190 {strides = array<i32>} : memref<21x16384xf32, #tpu.memory_space<vmem>>, vector<21x1024xf32>,
    %add3A_194 = arith.constant 13 : i32
    %add3A_195 = arith.addi %mul3A_2, %add3A_194 : i32
    %mul3A_196 = arith.constant 128 : i32
    %mul3A_197 = arith.muli %mul3A_196, %add3A_195 : i32
    %get3A_198 = arith.constant 0 : index
    %get3A_199 = arith.index_cast %mul3A_197 : i32 to index
    %get3A_200 = vector.load %arg15[%get3A_198, %get3A_199] : memref<21x8192xf32, #tpu.memory_space<vmem>>, vector<21x128xf32>
    %get3A_201 = arith.constant 0 : index
    %get3A_202 = arith.constant 0 : index
    %get3A_203 = vector.load %arg3[%get3A_201, %get3A_202] : memref<128x1024xf32, #tpu.memory_space<vmem>>, vector<128x1024xf32>
    %dot_general3A_204 = arith.constant dense<0.000000e+00> : vector<21x1024xf32>
    %dot_general3A_205 = tpu.matmul %get3A_200, %get3A_203, %dot_general3A_204 {dimension_numbers = #tpu.dot_dimension_numbers<[1], [0], [0], [1], [0, 0, 1, 1], [], []>, transpose_lhs_hint = false} : vector<21x128xf32>, vector<128x1024xf32>, vector<21x1024xf32> -> vector<21x1024xf32>
    %swap3A_206 = arith.constant 0 : index
    %swap3A_207 = arith.constant 13312 : index
    %swap3A_208 = vector.load %arg14[%swap3A_206, %swap3A_207] : memref<21x16384xf32, #tpu.memory_space<vmem>>, vector<21x1024xf32>
    tpu.vector_store %arg14[%swap3A_206, %swap3A_207], %dot_general3A_205 {strides = array<i32>} : memref<21x16384xf32, #tpu.memory_space<vmem>>, vector<21x1024xf32>,
    %add3A_209 = arith.constant 14 : i32
    %add3A_210 = arith.addi %mul3A_2, %add3A_209 : i32
    %mul3A_211 = arith.constant 128 : i32
    %mul3A_212 = arith.muli %mul3A_211, %add3A_210 : i32
    %get3A_213 = arith.constant 0 : index
    %get3A_214 = arith.index_cast %mul3A_212 : i32 to index
    %get3A_215 = vector.load %arg15[%get3A_213, %get3A_214] : memref<21x8192xf32, #tpu.memory_space<vmem>>, vector<21x128xf32>
    %get3A_216 = arith.constant 0 : index
    %get3A_217 = arith.constant 0 : index
    %get3A_218 = vector.load %arg3[%get3A_216, %get3A_217] : memref<128x1024xf32, #tpu.memory_space<vmem>>, vector<128x1024xf32>
    %dot_general3A_219 = arith.constant dense<0.000000e+00> : vector<21x1024xf32>
    %dot_general3A_220 = tpu.matmul %get3A_215, %get3A_218, %dot_general3A_219 {dimension_numbers = #tpu.dot_dimension_numbers<[1], [0], [0], [1], [0, 0, 1, 1], [], []>, transpose_lhs_hint = false} : vector<21x128xf32>, vector<128x1024xf32>, vector<21x1024xf32> -> vector<21x1024xf32>
    %swap3A_221 = arith.constant 0 : index
    %swap3A_222 = arith.constant 14336 : index
    %swap3A_223 = vector.load %arg14[%swap3A_221, %swap3A_222] : memref<21x16384xf32, #tpu.memory_space<vmem>>, vector<21x1024xf32>
    tpu.vector_store %arg14[%swap3A_221, %swap3A_222], %dot_general3A_220 {strides = array<i32>} : memref<21x16384xf32, #tpu.memory_space<vmem>>, vector<21x1024xf32>,
    %add3A_224 = arith.constant 15 : i32
    %add3A_225 = arith.addi %mul3A_2, %add3A_224 : i32
    %mul3A_226 = arith.constant 128 : i32
    %mul3A_227 = arith.muli %mul3A_226, %add3A_225 : i32
    %get3A_228 = arith.constant 0 : index
    %get3A_229 = arith.index_cast %mul3A_227 : i32 to index
    %get3A_230 = vector.load %arg15[%get3A_228, %get3A_229] : memref<21x8192xf32, #tpu.memory_space<vmem>>, vector<21x128xf32>
    %get3A_231 = arith.constant 0 : index
    %get3A_232 = arith.constant 0 : index
    %get3A_233 = vector.load %arg3[%get3A_231, %get3A_232] : memref<128x1024xf32, #tpu.memory_space<vmem>>, vector<128x1024xf32>
    %dot_general3A_234 = arith.constant dense<0.000000e+00> : vector<21x1024xf32>
    %dot_general3A_235 = tpu.matmul %get3A_230, %get3A_233, %dot_general3A_234 {dimension_numbers = #tpu.dot_dimension_numbers<[1], [0], [0], [1], [0, 0, 1, 1], [], []>, transpose_lhs_hint = false} : vector<21x128xf32>, vector<128x1024xf32>, vector<21x1024xf32> -> vector<21x1024xf32>
    %swap3A_236 = arith.constant 0 : index
    %swap3A_237 = arith.constant 15360 : index
    %swap3A_238 = vector.load %arg14[%swap3A_236, %swap3A_237] : memref<21x16384xf32, #tpu.memory_space<vmem>>, vector<21x1024xf32>
    tpu.vector_store %arg14[%swap3A_236, %swap3A_237], %dot_general3A_235 {strides = array<i32>} : memref<21x16384xf32, #tpu.memory_space<vmem>>, vector<21x1024xf32>,
    return
  }
  func.func @transform_0(%arg0: i32) -> (i32, i32) {
    %c0_i32 = arith.constant 0 : i32
    %c0_i32_0 = arith.constant 0 : i32
    %c0_i32_1 = arith.constant 0 : i32
    return %c0_i32, %c0_i32_0 : i32, i32
  }
  func.func @transform_1(%arg0: i32) -> (i32, i32) {
    %c0_i32 = arith.constant 0 : i32
    %c0_i32_0 = arith.constant 0 : i32
    %c0_i32_1 = arith.constant 0 : i32
    return %c0_i32, %c0_i32_0 : i32, i32
  }
  func.func @transform_2(%arg0: i32) -> (i32, i32) {
    %c0_i32 = arith.constant 0 : i32
    %c0_i32_0 = arith.constant 0 : i32
    %c0_i32_1 = arith.constant 0 : i32
    return %c0_i32, %c0_i32_0 : i32, i32
  }
  func.func @transform_3(%arg0: i32) -> (i32, i32) {
    %c0_i32 = arith.constant 0 : i32
    %c0_i32_0 = arith.constant 0 : i32
    %c0_i32_1 = arith.constant 0 : i32
    return %c0_i32, %c0_i32_0 : i32, i32
  }
  func.func @transform_4(%arg0: i32) -> (i32, i32) {
    %c0_i32 = arith.constant 0 : i32
    %c0_i32_0 = arith.constant 0 : i32
    %c0_i32_1 = arith.constant 0 : i32
    return %c0_i32, %c0_i32_0 : i32, i32
  }
  func.func @transform_5(%arg0: i32) -> (i32, i32) {
    %c0_i32 = arith.constant 0 : i32
    %c0_i32_0 = arith.constant 0 : i32
    %c0_i32_1 = arith.constant 0 : i32
    return %c0_i32, %c0_i32_0 : i32, i32
  }
  func.func @transform_6(%arg0: i32) -> (i32, i32) {
    %c0_i32 = arith.constant 0 : i32
    %c0_i32_0 = arith.constant 0 : i32
    %c0_i32_1 = arith.constant 0 : i32
    return %c0_i32, %c0_i32_0 : i32, i32
  }
  func.func @transform_7(%arg0: i32) -> (i32, i32) {
    %c0_i32 = arith.constant 0 : i32
    %c0_i32_0 = arith.constant 0 : i32
    %c0_i32_1 = arith.constant 0 : i32
    return %c0_i32, %c0_i32_0 : i32, i32
  }
  func.func @transform_8(%arg0: i32) -> (i32, i32) {
    %c0_i32 = arith.constant 0 : i32
    %c0_i32_0 = arith.constant 0 : i32
    %c0_i32_1 = arith.constant 0 : i32
    return %c0_i32, %c0_i32_0 : i32, i32
  }
  func.func @transform_9(%arg0: i32) -> (i32, i32) {
    %c0_i32 = arith.constant 0 : i32
    %c0_i32_0 = arith.constant 0 : i32
    %c0_i32_1 = arith.constant 0 : i32
    return %c0_i32, %c0_i32_0 : i32, i32
  }
  func.func @transform_10(%arg0: i32) -> (i32, i32) {
    %c0_i32 = arith.constant 0 : i32
    %c0_i32_0 = arith.constant 0 : i32
    %c0_i32_1 = arith.constant 0 : i32
    return %c0_i32, %c0_i32_0 : i32, i32
  }
  func.func @transform_11(%arg0: i32) -> (i32, i32) {
    %c0_i32 = arith.constant 0 : i32
    %c0_i32_0 = arith.constant 0 : i32
    %c0_i32_1 = arith.constant 0 : i32
    return %c0_i32, %c0_i32_0 : i32, i32
  }
  func.func @transform_12(%arg0: i32) -> (i32, i32) {
    %c0_i32 = arith.constant 0 : i32
    %c0_i32_0 = arith.constant 0 : i32
    %c0_i32_1 = arith.constant 0 : i32
    return %c0_i32, %c0_i32_0 : i32, i32
  }
  func.func @transform_13(%arg0: i32) -> (i32, i32) {
    %c0_i32 = arith.constant 0 : i32
    %c0_i32_0 = arith.constant 0 : i32
    return %c0_i32, %arg0 : i32, i32
  }
}

</mosaic_0001>

<sc_bundles>
// kernel: kernel.5.cloned.1.call-start
scs
__scs_entry_jumppad:
0x0: {  	(pc) =	sbr.rel $0x88, $3  }
0x1: {  	(tag) =	ssettag $0x0;
	lr =	simm.s32 $0x1  }
0x2: {  	[smem:$0x3F6D] =	sst lr;
	_ =	strace $0xD0000000  }
0x3: {  	_ = 	snop  }
0x4: {  	_ = 	snop  }
0x5: {  	_ = 	snop  }
0x6: {  	_ = 	snop  }
0x7: {  	_ = 	snop  }
__scs_overlays_trampoline_lowered:
0x8: {  	[smem:$0x3F7C] =	sst s0  }
0x9: {  	[smem:$0x3F7D] =	sst s1  }
0xa: {  	[smem:$0x3F7E] =	sst s2  }
0xb: {  	[smem:$0x3F7F] =	sst s3  }
0xc: {  	[smem:$0x3F80] =	sst s4  }
0xd: {  	[smem:$0x3F81] =	sst s5  }
0xe: {  	[smem:$0x3F82] =	sst s6  }
0xf: {  	[smem:$0x3F83] =	sst s7  }
0x10: {  	[smem:$0x3F84] =	sst s8  }
0x11: {  	[smem:$0x3F85] =	sst s9;
	s0 =	simm.s32 @!p0 $0x0  }
0x12: {  	s1 =	sld [smem:$0x3F6B];
	s0 =	simm.s32 @p0 $0x1  }
0x13: {  	[smem:$0x3F86] =	sst s0;
	s0 =	simm.s32 @!p1 $0x0  }
0x14: {  	s2 =	sld [smem:$0x3F6A];
	s0 =	simm.s32 @p1 $0x1  }
0x15: {  	[smem:$0x3F87] =	sst s0;
	s0 =	simm.s32 @!p2 $0x0  }
0x16: {  	s3 =	sld [smem:$0x3FDB];
	s0 =	simm.s32 @p2 $0x1  }
0x17: {  	s4 =	simm.s32 $0x1BF5;
	[smem:$0x3F89] =	sst s0  }
0x18: {  	s0 =	sld [smem:$0x3F6C];
	_ =	swait.ge [sflag:s4], $0x0  }
0x19: {  	s7 =	sld [smem:$0x3F6D]  }
0x1a: {  	s8 =	sadd.s32 $0xFFFFE003, lr  }
0x1b: {  	s9 =	sadd.s32 $0xFFFFFEF7, lr;
	s5 =	simm.s32 $0xFFFFFFFF;
	p2 =	slt.u32 s8, $0xFFFFF086  }
0x1c: {  	p1 =	slt.u32 s9, $0xF7A;
	s5 =	simm.s32 @!p2 $0x0  }
0x1d: {  	s5 =	simm.s32 @p1 $0x1;
	p0 =	seq.s32 s7, s2  }
0x1e: {  	s7 =	smul.u32 @!p0 $0xF7A, s2;
	p2 =	seq.s32 @!p0 s5, $0x0  }
0x1f: {  	s9 =	smul.u32 $0xF7A, s1;
	s8 =	simm.s32 @!p0 $0x1BF5;
	p2 =	por !p2, p0  }
0x20: {  	[sflag:s8] =	ssyncset.s32 @!p0 $0xFFFFF086;
	s6 =	sadd.s32 @!p0 s3, s7;
	s7 =	simm.s32 @!p0 $0x108  }
0x21: {  	s3 =	sadd.s32 s3, s9;
	s6 =	sadd.s32 @!p0 $0x88, s6;
	s7 =	simm.s32 @p2 $0x1082  }
0x22: {  	[simem:s7], [sflag:s8] =	dma.local @!p0 [hbm:s6], $0xF7A  }
0x23: {  	s9 =	sor.u32 $0xD0000000, s2;
	s6 =	simm.s32 $0x108;
	_ =	swait.ge @!p0 [sflag:s8], $0x0  }
0x24: {  	s3 =	sadd.s32 $0x88, s3;
	s6 =	simm.s32 @!p1 $0x1082;
	[sflag:s4] =	ssyncset.s32 $0xFFFFF086  }
0x25: {  	[simem:s6], [sflag:s4] =	dma.local [hbm:s3], $0xF7A  }
0x26: {  	[smem:$0x3F6D] =	sst s1;
	(tag) =	ssettag s2;
	_ =	strace s9  }
0x27: {  	s1 =	sld [smem:$0x3F7D]  }
0x28: {  	s2 =	sld [smem:$0x3F7E]  }
0x29: {  	s4 =	sld [smem:$0x3F80]  }
0x2a: {  	p0 =	seq.s32 s5, $0x0;
	s5 =	sld [smem:$0x3F81]  }
0x2b: {  	s6 =	sld [smem:$0x3F82]  }
0x2c: {  	s7 =	sld [smem:$0x3F83]  }
0x2d: {  	s3 =	simm.s32 $0x108;
	s8 =	sld [smem:$0x3F84]  }
0x2e: {  	s3 =	simm.s32 @!p0 $0x1082;
	s9 =	sld [smem:$0x3F85]  }
0x2f: {  	lr =	sadd.s32 s0, s3;
	s0 =	sld [smem:$0x3F7C]  }
0x30: {  	s3 =	sld [smem:$0x3F7F]  }
0x31: {  	[smem:$0x3F88] =	sst s10  }
0x32: {  	s10 =	sld [smem:$0x3F86];
	_ =	sdelay $0x3  }
0x33: {  	p0 =	seq.s32 s10, $0x1;
	s10 =	sld [smem:$0x3F88];
	_ =	sdelay $0x3  }
0x34: {  	[smem:$0x3F88] =	sst s10  }
0x35: {  	s10 =	sld [smem:$0x3F87];
	_ =	sdelay $0x3  }
0x36: {  	p1 =	seq.s32 s10, $0x1;
	s10 =	sld [smem:$0x3F88];
	_ =	sdelay $0x3  }
0x37: {  	[smem:$0x3F88] =	sst s10  }
0x38: {  	s10 =	sld [smem:$0x3F89]  }
0x39: {  	_ = 	snop;
	(pc) =	sbr.ind lr, $3  }
0x3a: {  	_ = 	snop  }
0x3b: {  	_ = 	snop  }
0x3c: {  	p2 =	seq.s32 s10, $0x1;
	s10 =	sld [smem:$0x3F88]  }
0x3d: {  	_ =	shalt  }
0x3e: {  	_ =	shalt  }
0x3f: {  	_ =	shalt  }
0x40: {  	_ =	shalt  }
0x41: {  	_ =	shalt  }
0x42: {  	_ =	shalt  }
0x43: {  	_ =	shalt  }
0x44: {  	_ =	shalt  }
0x45: {  	_ =	shalt  }
0x46: {  	_ =	shalt  }
0x47: {  	_ =	shalt  }
0x48: {  	_ =	shalt  }
0x49: {  	_ =	shalt  }
0x4a: {  	_ =	shalt  }
0x4b: {  	_ =	shalt  }
0x4c: {  	_ =	shalt  }
0x4d: {  	_ =	shalt  }
0x4e: {  	_ =	shalt  }
0x4f: {  	_ =	shalt  }
0x50: {  	_ =	shalt  }
0x51: {  	_ =	shalt  }
0x52: {  	_ =	shalt  }
0x53: {  	_ =	shalt  }
0x54: {  	_ =	shalt  }
0x55: {  	_ =	shalt  }
0x56: {  	_ =	shalt  }
0x57: {  	_ =	shalt  }
0x58: {  	_ =	shalt  }
0x59: {  	_ =	shalt  }
0x5a: {  	_ =	shalt  }
0x5b: {  	_ =	shalt  }
0x5c: {  	_ =	shalt  }
0x5d: {  	_ =	shalt  }
0x5e: {  	_ =	shalt  }
0x5f: {  	_ =	shalt  }
0x60: {  	_ =	shalt  }
0x61: {  	_ =	shalt  }
0x62: {  	_ =	shalt  }
0x63: {  	_ =	shalt  }
0x64: {  	_ =	shalt  }
0x65: {  	_ =	shalt  }
0x66: {  	_ =	shalt  }
0x67: {  	_ =	shalt  }
0x68: {  	_ =	shalt  }
0x69: {  	_ =	shalt  }
0x6a: {  	_ =	shalt  }
0x6b: {  	_ =	shalt  }
0x6c: {  	_ =	shalt  }
0x6d: {  	_ =	shalt  }
0x6e: {  	_ =	shalt  }
0x6f: {  	_ =	shalt  }
0x70: {  	_ =	shalt  }
0x71: {  	_ =	shalt  }
0x72: {  	_ =	shalt  }
0x73: {  	_ =	shalt  }
0x74: {  	_ =	shalt  }
0x75: {  	_ =	shalt  }
0x76: {  	_ =	shalt  }
0x77: {  	_ =	shalt  }
0x78: {  	_ =	shalt  }
0x79: {  	_ =	shalt  }
0x7a: {  	_ =	shalt  }
0x7b: {  	_ =	shalt  }
0x7c: {  	_ =	shalt  }
0x7d: {  	_ =	shalt  }
0x7e: {  	_ =	shalt  }
0x7f: {  	_ =	shalt  }
0x80: {  	_ =	shalt  }
0x81: {  	_ =	shalt  }
0x82: {  	_ =	shalt  }
0x83: {  	_ =	shalt  }
0x84: {  	_ =	shalt  }
0x85: {  	_ =	shalt  }
0x86: {  	_ =	shalt  }
0x87: {  	_ =	shalt  }
.Lfunc_end0:
.L_simem_size_0:
called_computation_lowered:
.L_overlay_start_0:
0x88: {  	s2 =	sld [smem:$0x3FD9]  }
0x89: {  	s3 =	sld [smem:$0x3FFE];
	_ =	sdelay $0x1  }
0x8a: {  	s1 =	srdreg.scid  }
0x8b: {  	s0 =	sand.u32 $0x1, s1  }
0x8c: {  	s14 =	sshll.u32 s0, $0xA;
	s2 =	sadd.s32 s3, s2  }
0x8d: {  	s2 =	sadd.s32 s2, s14  }
0x8e: {  	[smem:$0x3F94] =	sst s2  }
0x8f: {  	_ = 	snop  }
0x90: {  	s2 =	sld [smem:$0x3FD0];
	_ =	sdelay $0x2  }
0x91: {  	s15 =	simm.s32 $0xA;
	s4 =	simm.s32 $0x10  }
0x92: {  	[smem:s4], [sflag:s15] =	dma.local [hbm:s2], $0x1  }
0x93: {  	_ =	swait.eq [sflag:s15], $0x1  }
0x94: {  	[sflag:s15] =	ssyncset.done $0x0  }
0x95: {  	[sflag:s15] =	ssyncadd.s32 $0xFFFFFFFF  }
0x96: {  	s16 =	sld [smem:$0x10];
	(tm) =	ssettm $0x1  }
0x97: {  	s17 =	sld [smem:$0x3FFB];
	_ =	sdelay $0x3  }
0x98: {  	_ =	strace s17  }
0x99: {  	s3 =	sld [smem:$0x3FFC];
	_ =	sdelay $0x3  }
0x9a: {  	_ =	strace s3  }
0x9b: {  	s3 =	sld [smem:$0x3FFD];
	_ =	sdelay $0x3  }
0x9c: {  	_ =	strace s3  }
0x9d: {  	_ =	strace $0x8FFFFFFF  }
0x9e: {  	s18 =	sld [smem:$0x3FDB];
	_ =	sdelay $0x1  }
0x9f: {  	s19 =	simm.s32 $_scs_section_size  }
0xa0: {  	s5 =	simm.s32 $_size__tile_overlayer_lowered;
	s6 =	simm.s32 $_tile_overlayer_lowered  }
0xa1: {  	s22 =	simm.s32 $0x1BFF;
	s21 =	sshll.u32 s6, $0x1;
	s3 =	sadd.s32 s19, s18  }
0xa2: {  	s7 =	simm.s32 $0x0;
	s20 =	sshll.u32 s5, $0x1;
	s5 =	sadd.s32 s21, s3  }
0xa3: {  	[timem:s7], [sflag:s22] =	dma.local [hbm:s5], s20  }
0xa4: {  	_ =	swait.ge [sflag:s22], s20  }
0xa5: {  	s4 =	ssub.s32 $0x0, s20;
	[sflag:s22] =	ssyncset.done $0x0  }
0xa6: {  	[sflag:s22] =	ssyncadd.s32 s4;
	_ =	sdelay $0x1  }
0xa7: {  	s23 =	simm.s32 $0x1B8B  }
0xa8: {  	_ =	swait.ge [sflag:s23], $0x1  }
0xa9: {  	[sflag:s23] =	ssyncset.done $0x0  }
0xaa: {  	s25 =	simm.s32 $0x1B8E;
	s24 =	sld [smem:$0x3FFE];
	[sflag:s23] =	ssyncadd.s32 $0xFFFFFFFF  }
0xab: {  	s26 =	simm.s32 $execute0_lowered;
	[smem:$0x3FD2] =	sst s25  }
0xac: {  	s5 =	sshll.u32 s26, $0x1;
	_ =	strace $0x80000046;
	[dreg:$0x1] =	wrdreg $0xFFFFFFFF  }
0xad: {  	s28 =	simm.s32 $_size_execute0_lowered;
	s3 =	sadd.s32 s3, s5;
	[dreg:$0x0] =	wrdreg $0x0  }
0xae: {  	s5 =	sshll.u32 s28, $0x1;
	[dreg:$0x2] =	wrdreg s3  }
0xaf: {  	[dreg:$0x3] =	wrdreg s5  }
0xb0: {  	[dreg:$0x4] =	wrdreg $0xC0  }
0xb1: {  	_ =	task [dreg:s7], $0x5FFFF  }
0xb2: {  	[dreg:$0x1] =	wrdreg $0xFFFFFFFF  }
0xb3: {  	[dreg:$0x0] =	wrdreg $0x60  }
0xb4: {  	[dreg:$0x2] =	wrdreg s24  }
0xb5: {  	[dreg:$0x3] =	wrdreg s16  }
0xb6: {  	[dreg:$0x4] =	wrdreg $0x9  }
0xb7: {  	_ =	task.clear_ibuf [dreg:s7], $0x5FFFF;
	_ =	strace $0x90000046  }
0xb8: {  	s29 =	simm.s32 $0x9;
	_ =	strace $0x80000048  }
0xb9: {  	_ =	swait.ge [sflag:s29], $0x1  }
0xba: {  	[sflag:s29] =	ssyncadd.s32 $0xFFFFFFFF  }
0xbb: {  	_ =	strace $0x90000048  }
0xbc: {  	_ =	sfence  }
0xbd: {  	s30 =	sld [smem:$0x0];
	_ =	sdelay $0x2  }
0xbe: {  	s31 =	sshll.u32 s1, $0xD;
	s1 =	sshrl.u32 s1, $0x2  }
0xbf: {  	s3 =	sand.u32 $0x4000, s31;
	s1 =	sadd.s32 s1, s30  }
0xc0: {  	s0 =	sor.u32 s3, s0;
	s1 =	sshll.u32 s1, $0x11  }
0xc1: {  	s0 =	sor.u32 s1, s0  }
0xc2: {  	s0 =	sadd.s32 $0x8F2B, s0  }
0xc3: {  	[sflag:s0] =	ssyncadd.remote.s32 $0x1  }
0xc4: {  	_ =	sfence.sel $0xFFFF  }
0xc5: {  	[dreg:$0x0] =	wrdreg $0xFFFFFFFF;
	(pc) =	sbr.abs _section_cstart, $3  }
0xc6: {  	[dreg:$0x1] =	wrdreg $0xFFFFFFFF  }
0xc7: {  	_ =	task.clear_ibuf [dreg:s7], $0x2FFFF;
	_ =	strace $0x9FFFFFFF  }
0xc8: {  	(tm) =	ssettm $0x7FFFFFFF  }
0xc9: {  	_ =	shalt  }
tec
execute0_lowered:
.L_overlay_start_1:
0x0: {  	(tag) =	ssettag $0x1  }
0x1: {  	s3 =	rddreg [dreg:$0x0];
	s1 =	srdreg.scid  }
0x2: {  	s0 =	stileid.u32;
	s7 =	rddreg [dreg:$0x1];
	s2 =	simm.s32 $0x0  }
0x3: {  	s11 =	simm.s32 $0x2;
	s12 =	simm.s32 $0x9000;
	s13 =	simm.s32 $0x3  }
0x4: {  	s4 =	sand.u32 $0x1, s1;
	s5 =	sshll.u32 s0, $0x1;
	s1 =	rddreg [dreg:$0x2]  }
0x5: {  	s14 =	simm.s32 $0x0;
	[smem:$0x7FF] =	sst s2;
	s6 =	sor.u32 s4, s5  }
0x6: {  	s9 =	sadd.s32 $0x7000, s3;
	s4 =	ssub.s32 $0x2, s4;
	s5 =	smul.u32 $0x12000, s6  }
0x7: {  	s8 =	smul.u32 $0x2400, s6;
	s29 =	sshrl.u32 s4, $0x1;
	s31 =	sshll.u32 s6, $0xC  }
0x8: {  	_ =	strace $0x80000047;
	s10 =	ssub.s32 s4, s29;
	s7 =	sadd.s32 s7, s31  }
0x9: {  	s5 =	sshrl.u32 s5, $0x3;
	s3 =	sadd.s32 s9, s8;
	s8 =	smax.u32 s10, $0x1  }
0xa: {  	s10 =	simm.s32 $0x1;
	s30 =	sadd.s32 s9, s5;
	s9 =	simm.s32 $0x4800  }
0xb: {  	s4 =	sadd.s32 $0x900, s30;
	s5 =	sadd.s32 $0x1200, s30;
	s6 =	sadd.s32 $0x1B00, s30  }
.LBB2_1:
0xc: {  	[tilespmem:s2], [sflag:$0x1] =	stream.linear.gather [hbm4b:s3+s2], $0x4800, $0x38;
	[tilespmem:$0x11000] =	vst v63  }
0xd: {  	_ = 	snop  }
0xe: {  	[tilespmem:s9], [sflag:$0x2] =	stream.linear.gather [hbm4b:s4+s2], $0x4800, $0x38;
	[tilespmem:$0x11000] =	vst v63  }
0xf: {  	_ =	swait.ge [sflag:s10], $0x4800  }
0x10: {  	[sflag:s10] =	ssyncset.done $0x0  }
0x11: {  	s15 =	simm.s32 $0x240;
	[sflag:s10] =	ssyncadd.s32 $0xFFFFB800  }
0x12: {  	v0 =	vld [tilespmem:s15+$0xFFFFFDE0]  }
0x13: {  	v1 =	vld [tilespmem:s15+$0xFFFFFDC0];
	_ =	sdelay $0x1  }
0x14: {  	v2 =	vld [tilespmem:s15+$0xFFFFFE00];
	_ =	sdelay $0x1  }
0x15: {  	v3 =	vld [tilespmem:s15+$0xFFFFFE20]  }
0x16: {  	v0 =	vadd.f32 v0, v1  }
0x17: {  	v1 =	vld [tilespmem:s15+$0xFFFFFE40]  }
0x18: {  	v0 =	vadd.f32 v2, v0  }
0x19: {  	v2 =	vld [tilespmem:s15+$0xFFFFFE60]  }
0x1a: {  	v0 =	vadd.f32 v3, v0  }
0x1b: {  	v3 =	vld [tilespmem:s15+$0xFFFFFE80]  }
0x1c: {  	v0 =	vadd.f32 v1, v0  }
0x1d: {  	v1 =	vld [tilespmem:s15+$0xFFFFFEA0]  }
0x1e: {  	v0 =	vadd.f32 v2, v0;
	_ =	sdelay $0x1  }
0x1f: {  	v0 =	vadd.f32 v3, v0;
	_ =	sdelay $0x1  }
0x20: {  	v0 =	vadd.f32 v1, v0  }
0x21: {  	s16 =	simm.s32 $0x0  }
0x22: {  	[tilespmem:s16+$0x9000] =	vst v0  }
0x23: {  	v0 =	vld [tilespmem:s15+$0xFFFFFDD0]  }
0x24: {  	v1 =	vld [tilespmem:s15+$0xFFFFFDF0];
	_ =	sdelay $0x1  }
0x25: {  	v2 =	vld [tilespmem:s15+$0xFFFFFE10];
	_ =	sdelay $0x1  }
0x26: {  	v3 =	vld [tilespmem:s15+$0xFFFFFE30]  }
0x27: {  	v0 =	vadd.f32 v1, v0  }
0x28: {  	v1 =	vld [tilespmem:s15+$0xFFFFFE50]  }
0x29: {  	v0 =	vadd.f32 v2, v0  }
0x2a: {  	v2 =	vld [tilespmem:s15+$0xFFFFFE70]  }
0x2b: {  	v0 =	vadd.f32 v3, v0  }
0x2c: {  	v3 =	vld [tilespmem:s15+$0xFFFFFE90]  }
0x2d: {  	v0 =	vadd.f32 v1, v0  }
0x2e: {  	v1 =	vld [tilespmem:s15+$0xFFFFFEB0]  }
0x2f: {  	v0 =	vadd.f32 v2, v0;
	_ =	sdelay $0x1  }
0x30: {  	v0 =	vadd.f32 v3, v0;
	_ =	sdelay $0x1  }
0x31: {  	v0 =	vadd.f32 v1, v0;
	_ =	sdelay $0x1  }
0x32: {  	[tilespmem:s16+$0x9010] =	vst v0  }
0x33: {  	v0 =	vld [tilespmem:s15+$0xFFFFFEE0]  }
0x34: {  	v1 =	vld [tilespmem:s15+$0xFFFFFF00];
	_ =	sdelay $0x1  }
0x35: {  	v2 =	vld [tilespmem:s15+$0xFFFFFF20];
	_ =	sdelay $0x1  }
0x36: {  	v3 =	vld [tilespmem:s15+$0xFFFFFF40]  }
0x37: {  	v0 =	vadd.f32 v1, v0  }
0x38: {  	v1 =	vld [tilespmem:s15+$0xFFFFFF60]  }
0x39: {  	v0 =	vadd.f32 v2, v0  }
0x3a: {  	v2 =	vld [tilespmem:s15+$0xFFFFFF80]  }
0x3b: {  	v0 =	vadd.f32 v3, v0  }
0x3c: {  	v3 =	vld [tilespmem:s15+$0xFFFFFFA0]  }
0x3d: {  	v0 =	vadd.f32 v1, v0  }
0x3e: {  	v1 =	vld [tilespmem:s15+$0xFFFFFFC0]  }
0x3f: {  	v0 =	vadd.f32 v2, v0;
	_ =	sdelay $0x1  }
0x40: {  	v0 =	vadd.f32 v3, v0;
	_ =	sdelay $0x1  }
0x41: {  	v0 =	vadd.f32 v1, v0;
	_ =	sdelay $0x1  }
0x42: {  	[tilespmem:s16+$0x9080] =	vst v0  }
0x43: {  	v0 =	vld [tilespmem:s15+$0xFFFFFEF0]  }
0x44: {  	v1 =	vld [tilespmem:s15+$0xFFFFFF10];
	_ =	sdelay $0x1  }
0x45: {  	v2 =	vld [tilespmem:s15+$0xFFFFFF30];
	_ =	sdelay $0x1  }
0x46: {  	v3 =	vld [tilespmem:s15+$0xFFFFFF50]  }
0x47: {  	v0 =	vadd.f32 v1, v0  }
0x48: {  	v1 =	vld [tilespmem:s15+$0xFFFFFF70]  }
0x49: {  	v0 =	vadd.f32 v2, v0  }
0x4a: {  	v2 =	vld [tilespmem:s15+$0xFFFFFF90]  }
0x4b: {  	v0 =	vadd.f32 v3, v0  }
0x4c: {  	v3 =	vld [tilespmem:s15+$0xFFFFFFB0]  }
0x4d: {  	v0 =	vadd.f32 v1, v0  }
0x4e: {  	v1 =	vld [tilespmem:s15+$0xFFFFFFD0]  }
0x4f: {  	v0 =	vadd.f32 v2, v0;
	_ =	sdelay $0x1  }
0x50: {  	v0 =	vadd.f32 v3, v0;
	_ =	sdelay $0x1  }
0x51: {  	v0 =	vadd.f32 v1, v0;
	_ =	sdelay $0x1  }
0x52: {  	[tilespmem:s16+$0x9090] =	vst v0  }
0x53: {  	v0 =	vld [tilespmem:s15+$0x0]  }
0x54: {  	v1 =	vld [tilespmem:s15+$0x20];
	_ =	sdelay $0x1  }
0x55: {  	v2 =	vld [tilespmem:s15+$0x40];
	_ =	sdelay $0x1  }
0x56: {  	v3 =	vld [tilespmem:s15+$0x60]  }
0x57: {  	v0 =	vadd.f32 v1, v0  }
0x58: {  	v1 =	vld [tilespmem:s15+$0x80]  }
0x59: {  	v0 =	vadd.f32 v2, v0  }
0x5a: {  	v2 =	vld [tilespmem:s15+$0xA0]  }
0x5b: {  	v0 =	vadd.f32 v3, v0  }
0x5c: {  	v3 =	vld [tilespmem:s15+$0xC0]  }
0x5d: {  	v0 =	vadd.f32 v1, v0  }
0x5e: {  	v1 =	vld [tilespmem:s15+$0xE0]  }
0x5f: {  	v0 =	vadd.f32 v2, v0;
	_ =	sdelay $0x1  }
0x60: {  	v0 =	vadd.f32 v3, v0;
	_ =	sdelay $0x1  }
0x61: {  	v0 =	vadd.f32 v1, v0;
	_ =	sdelay $0x1  }
0x62: {  	[tilespmem:s16+$0x9100] =	vst v0  }
0x63: {  	v0 =	vld [tilespmem:s15+$0x10]  }
0x64: {  	v1 =	vld [tilespmem:s15+$0x30];
	_ =	sdelay $0x1  }
0x65: {  	v2 =	vld [tilespmem:s15+$0x50];
	_ =	sdelay $0x1  }
0x66: {  	v3 =	vld [tilespmem:s15+$0x70]  }
0x67: {  	v0 =	vadd.f32 v1, v0  }
0x68: {  	v1 =	vld [tilespmem:s15+$0x90]  }
0x69: {  	v0 =	vadd.f32 v2, v0  }
0x6a: {  	v2 =	vld [tilespmem:s15+$0xB0]  }
0x6b: {  	v0 =	vadd.f32 v3, v0  }
0x6c: {  	v3 =	vld [tilespmem:s15+$0xD0]  }
0x6d: {  	v0 =	vadd.f32 v1, v0  }
0x6e: {  	v1 =	vld [tilespmem:s15+$0xF0]  }
0x6f: {  	v0 =	vadd.f32 v2, v0;
	_ =	sdelay $0x1  }
0x70: {  	v0 =	vadd.f32 v3, v0;
	_ =	sdelay $0x1  }
0x71: {  	v0 =	vadd.f32 v1, v0;
	_ =	sdelay $0x1  }
0x72: {  	[tilespmem:s16+$0x9110] =	vst v0  }
0x73: {  	v0 =	vld [tilespmem:s15+$0x120]  }
0x74: {  	v1 =	vld [tilespmem:s15+$0x140];
	_ =	sdelay $0x1  }
0x75: {  	v2 =	vld [tilespmem:s15+$0x160];
	_ =	sdelay $0x1  }
0x76: {  	v3 =	vld [tilespmem:s15+$0x180]  }
0x77: {  	v0 =	vadd.f32 v1, v0  }
0x78: {  	v1 =	vld [tilespmem:s15+$0x1A0]  }
0x79: {  	v0 =	vadd.f32 v2, v0  }
0x7a: {  	v2 =	vld [tilespmem:s15+$0x1C0]  }
0x7b: {  	v0 =	vadd.f32 v3, v0  }
0x7c: {  	v3 =	vld [tilespmem:s15+$0x1E0]  }
0x7d: {  	v0 =	vadd.f32 v1, v0  }
0x7e: {  	v1 =	vld [tilespmem:s15+$0x200]  }
0x7f: {  	v0 =	vadd.f32 v2, v0;
	_ =	sdelay $0x1  }
0x80: {  	v0 =	vadd.f32 v3, v0;
	_ =	sdelay $0x1  }
0x81: {  	v0 =	vadd.f32 v1, v0;
	_ =	sdelay $0x1  }
0x82: {  	[tilespmem:s16+$0x9180] =	vst v0  }
0x83: {  	v0 =	vld [tilespmem:s15+$0x130]  }
0x84: {  	v1 =	vld [tilespmem:s15+$0x150];
	_ =	sdelay $0x1  }
0x85: {  	v2 =	vld [tilespmem:s15+$0x170];
	_ =	sdelay $0x1  }
0x86: {  	v4 =	vld [tilespmem:s15+$0x190]  }
0x87: {  	v1 =	vadd.f32 v1, v0  }
0x88: {  	v3 =	vld [tilespmem:s15+$0x1B0]  }
0x89: {  	v0 =	vld [tilespmem:s15+$0x1D0];
	v5 =	vadd.f32 v2, v1  }
0x8a: {  	v1 =	vld [tilespmem:s15+$0x1F0]  }
0x8b: {  	s17 =	simm.s32 $0x800;
	v2 =	vld [tilespmem:s15+$0x210];
	v4 =	vadd.f32 v4, v5  }
.LBB2_2:
0x8c: {  	p0 =	sne.s32 s17, $0x7800  }
0x8d: {  	s15 =	sadd.s32 $0x480, s15;
	s18 =	smov.u32 s17;
	s17 =	sadd.s32 $0x800, s17;
	v3 =	vadd.f32 v3, v4  }
0x8e: {  	_ = 	snop  }
0x8f: {  	v0 =	vadd.f32 v0, v3;
	_ =	sdelay $0x1  }
0x90: {  	v0 =	vadd.f32 v1, v0;
	_ =	sdelay $0x1  }
0x91: {  	v0 =	vadd.f32 v2, v0;
	_ =	sdelay $0x1  }
0x92: {  	[tilespmem:s16+$0x9190] =	vst v0  }
0x93: {  	v0 =	vld [tilespmem:s15+$0xFFFFFDE0]  }
0x94: {  	v1 =	vld [tilespmem:s15+$0xFFFFFDC0]  }
0x95: {  	v2 =	vld [tilespmem:s15+$0xFFFFFE00];
	_ =	sdelay $0x2  }
0x96: {  	v3 =	vld [tilespmem:s15+$0xFFFFFE20]  }
0x97: {  	v0 =	vadd.f32 v0, v1  }
0x98: {  	v1 =	vld [tilespmem:s15+$0xFFFFFE40]  }
0x99: {  	v0 =	vadd.f32 v2, v0  }
0x9a: {  	v2 =	vld [tilespmem:s15+$0xFFFFFE60]  }
0x9b: {  	v0 =	vadd.f32 v3, v0  }
0x9c: {  	v3 =	vld [tilespmem:s15+$0xFFFFFE80]  }
0x9d: {  	v0 =	vadd.f32 v1, v0  }
0x9e: {  	v1 =	vld [tilespmem:s15+$0xFFFFFEA0]  }
0x9f: {  	v0 =	vadd.f32 v2, v0;
	_ =	sdelay $0x1  }
0xa0: {  	v0 =	vadd.f32 v3, v0;
	_ =	sdelay $0x1  }
0xa1: {  	v0 =	vadd.f32 v1, v0  }
0xa2: {  	s16 =	sshra.s32 s18, $0x2  }
0xa3: {  	[tilespmem:s16+$0x9000] =	vst v0  }
0xa4: {  	v0 =	vld [tilespmem:s15+$0xFFFFFDD0]  }
0xa5: {  	v1 =	vld [tilespmem:s15+$0xFFFFFDF0];
	_ =	sdelay $0x1  }
0xa6: {  	v2 =	vld [tilespmem:s15+$0xFFFFFE10];
	_ =	sdelay $0x1  }
0xa7: {  	v3 =	vld [tilespmem:s15+$0xFFFFFE30]  }
0xa8: {  	v0 =	vadd.f32 v1, v0  }
0xa9: {  	v1 =	vld [tilespmem:s15+$0xFFFFFE50]  }
0xaa: {  	v0 =	vadd.f32 v2, v0  }
0xab: {  	v2 =	vld [tilespmem:s15+$0xFFFFFE70]  }
0xac: {  	v0 =	vadd.f32 v3, v0  }
0xad: {  	v3 =	vld [tilespmem:s15+$0xFFFFFE90]  }
0xae: {  	v0 =	vadd.f32 v1, v0  }
0xaf: {  	v1 =	vld [tilespmem:s15+$0xFFFFFEB0]  }
0xb0: {  	v0 =	vadd.f32 v2, v0;
	_ =	sdelay $0x1  }
0xb1: {  	v0 =	vadd.f32 v3, v0;
	_ =	sdelay $0x1  }
0xb2: {  	v0 =	vadd.f32 v1, v0;
	_ =	sdelay $0x1  }
0xb3: {  	[tilespmem:s16+$0x9010] =	vst v0  }
0xb4: {  	v0 =	vld [tilespmem:s15+$0xFFFFFEE0]  }
0xb5: {  	v1 =	vld [tilespmem:s15+$0xFFFFFF00];
	_ =	sdelay $0x1  }
0xb6: {  	v2 =	vld [tilespmem:s15+$0xFFFFFF20];
	_ =	sdelay $0x1  }
0xb7: {  	v3 =	vld [tilespmem:s15+$0xFFFFFF40]  }
0xb8: {  	v0 =	vadd.f32 v1, v0  }
0xb9: {  	v1 =	vld [tilespmem:s15+$0xFFFFFF60]  }
0xba: {  	v0 =	vadd.f32 v2, v0  }
0xbb: {  	v2 =	vld [tilespmem:s15+$0xFFFFFF80]  }
0xbc: {  	v0 =	vadd.f32 v3, v0  }
0xbd: {  	v3 =	vld [tilespmem:s15+$0xFFFFFFA0]  }
0xbe: {  	v0 =	vadd.f32 v1, v0  }
0xbf: {  	v1 =	vld [tilespmem:s15+$0xFFFFFFC0]  }
0xc0: {  	v0 =	vadd.f32 v2, v0;
	_ =	sdelay $0x1  }
0xc1: {  	v0 =	vadd.f32 v3, v0;
	_ =	sdelay $0x1  }
0xc2: {  	v0 =	vadd.f32 v1, v0;
	_ =	sdelay $0x1  }
0xc3: {  	[tilespmem:s16+$0x9080] =	vst v0  }
0xc4: {  	v0 =	vld [tilespmem:s15+$0xFFFFFEF0]  }
0xc5: {  	v1 =	vld [tilespmem:s15+$0xFFFFFF10];
	_ =	sdelay $0x1  }
0xc6: {  	v2 =	vld [tilespmem:s15+$0xFFFFFF30];
	_ =	sdelay $0x1  }
0xc7: {  	v3 =	vld [tilespmem:s15+$0xFFFFFF50]  }
0xc8: {  	v0 =	vadd.f32 v1, v0  }
0xc9: {  	v1 =	vld [tilespmem:s15+$0xFFFFFF70]  }
0xca: {  	v0 =	vadd.f32 v2, v0  }
0xcb: {  	v2 =	vld [tilespmem:s15+$0xFFFFFF90]  }
0xcc: {  	v0 =	vadd.f32 v3, v0  }
0xcd: {  	v3 =	vld [tilespmem:s15+$0xFFFFFFB0]  }
0xce: {  	v0 =	vadd.f32 v1, v0  }
0xcf: {  	v1 =	vld [tilespmem:s15+$0xFFFFFFD0]  }
0xd0: {  	v0 =	vadd.f32 v2, v0;
	_ =	sdelay $0x1  }
0xd1: {  	v0 =	vadd.f32 v3, v0;
	_ =	sdelay $0x1  }
0xd2: {  	v0 =	vadd.f32 v1, v0;
	_ =	sdelay $0x1  }
0xd3: {  	[tilespmem:s16+$0x9090] =	vst v0  }
0xd4: {  	v0 =	vld [tilespmem:s15+$0x0]  }
0xd5: {  	v1 =	vld [tilespmem:s15+$0x20];
	_ =	sdelay $0x1  }
0xd6: {  	v2 =	vld [tilespmem:s15+$0x40];
	_ =	sdelay $0x1  }
0xd7: {  	v3 =	vld [tilespmem:s15+$0x60]  }
0xd8: {  	v0 =	vadd.f32 v1, v0  }
0xd9: {  	v1 =	vld [tilespmem:s15+$0x80]  }
0xda: {  	v0 =	vadd.f32 v2, v0  }
0xdb: {  	v2 =	vld [tilespmem:s15+$0xA0]  }
0xdc: {  	v0 =	vadd.f32 v3, v0  }
0xdd: {  	v3 =	vld [tilespmem:s15+$0xC0]  }
0xde: {  	v0 =	vadd.f32 v1, v0  }
0xdf: {  	v1 =	vld [tilespmem:s15+$0xE0]  }
0xe0: {  	v0 =	vadd.f32 v2, v0;
	_ =	sdelay $0x1  }
0xe1: {  	v0 =	vadd.f32 v3, v0;
	_ =	sdelay $0x1  }
0xe2: {  	v0 =	vadd.f32 v1, v0;
	_ =	sdelay $0x1  }
0xe3: {  	[tilespmem:s16+$0x9100] =	vst v0  }
0xe4: {  	v0 =	vld [tilespmem:s15+$0x10]  }
0xe5: {  	v1 =	vld [tilespmem:s15+$0x30]  }
0xe6: {  	v2 =	vld [tilespmem:s15+$0x50]  }
0xe7: {  	v3 =	vld [tilespmem:s15+$0x70]  }
0xe8: {  	v4 =	vld [tilespmem:s15+$0x90]  }
0xe9: {  	v5 =	vld [tilespmem:s15+$0xB0]  }
0xea: {  	v0 =	vadd.f32 v1, v0;
	v1 =	vld [tilespmem:s15+$0xD0]  }
0xeb: {  	v6 =	vld [tilespmem:s15+$0xF0]  }
0xec: {  	v0 =	vadd.f32 v2, v0;
	_ =	sdelay $0x1  }
0xed: {  	v0 =	vadd.f32 v3, v0;
	_ =	sdelay $0x1  }
0xee: {  	v0 =	vadd.f32 v4, v0;
	_ =	sdelay $0x1  }
0xef: {  	v0 =	vadd.f32 v5, v0;
	_ =	sdelay $0x1  }
0xf0: {  	v0 =	vadd.f32 v1, v0;
	_ =	sdelay $0x1  }
0xf1: {  	v0 =	vadd.f32 v6, v0;
	_ =	sdelay $0x1  }
0xf2: {  	[tilespmem:s16+$0x9110] =	vst v0  }
0xf3: {  	v0 =	vld [tilespmem:s15+$0x120]  }
0xf4: {  	v1 =	vld [tilespmem:s15+$0x140]  }
0xf5: {  	v2 =	vld [tilespmem:s15+$0x160]  }
0xf6: {  	v3 =	vld [tilespmem:s15+$0x180]  }
0xf7: {  	v4 =	vld [tilespmem:s15+$0x1A0]  }
0xf8: {  	v5 =	vld [tilespmem:s15+$0x1C0]  }
0xf9: {  	v0 =	vadd.f32 v1, v0;
	v1 =	vld [tilespmem:s15+$0x1E0]  }
0xfa: {  	v6 =	vld [tilespmem:s15+$0x200]  }
0xfb: {  	v0 =	vadd.f32 v2, v0;
	_ =	sdelay $0x1  }
0xfc: {  	v0 =	vadd.f32 v3, v0;
	_ =	sdelay $0x1  }
0xfd: {  	v0 =	vadd.f32 v4, v0;
	_ =	sdelay $0x1  }
0xfe: {  	v0 =	vadd.f32 v5, v0;
	_ =	sdelay $0x1  }
0xff: {  	v0 =	vadd.f32 v1, v0;
	_ =	sdelay $0x1  }
0x100: {  	v0 =	vadd.f32 v6, v0;
	_ =	sdelay $0x1  }
0x101: {  	[tilespmem:s16+$0x9180] =	vst v0  }
0x102: {  	v1 =	vld [tilespmem:s15+$0x130]  }
0x103: {  	v2 =	vld [tilespmem:s15+$0x150]  }
0x104: {  	v4 =	vld [tilespmem:s15+$0x170]  }
0x105: {  	v5 =	vld [tilespmem:s15+$0x190]  }
0x106: {  	v3 =	vld [tilespmem:s15+$0x1B0]  }
0x107: {  	v0 =	vld [tilespmem:s15+$0x1D0]  }
.Ltmp0:
0x108: {  	v6 =	vadd.f32 v2, v1;
	v1 =	vld [tilespmem:s15+$0x1F0];
	(pc) =	sbr.rel @p0 .LBB2_2-.Ltmp0, $3  }
0x109: {  	v2 =	vld [tilespmem:s15+$0x210]  }
0x10a: {  	v4 =	vadd.f32 v4, v6;
	_ =	sdelay $0x1  }
0x10b: {  	v4 =	vadd.f32 v5, v4  }
0x10c: {  	_ = 	snop  }
0x10d: {  	v3 =	vadd.f32 v3, v4;
	_ =	sdelay $0x1  }
0x10e: {  	v0 =	vadd.f32 v0, v3;
	_ =	sdelay $0x1  }
0x10f: {  	v0 =	vadd.f32 v1, v0;
	_ =	sdelay $0x1  }
0x110: {  	v0 =	vadd.f32 v2, v0;
	_ =	sdelay $0x1  }
0x111: {  	s15 =	simm.s32 $0x0;
	[tilespmem:s16+$0x9190] =	vst v0  }
0x112: {  	[tilespmem:s15], [sflag:$0x1] =	stream.linear.gather [hbm4b:s5+s15], $0x4800, $0x38;
	[tilespmem:$0x11000] =	vst v63  }
0x113: {  	_ =	swait.ge [sflag:s11], $0x4800  }
0x114: {  	[sflag:s11] =	ssyncset.done $0x0  }
0x115: {  	s31 =	simm.s32 $0x0;
	[sflag:s11] =	ssyncadd.s32 $0xFFFFB800  }
0x116: {  	v0 =	vld [tilespmem:s31+$0x4800]  }
0x117: {  	v1 =	vld [tilespmem:s31+$0x4820];
	_ =	sdelay $0x1  }
0x118: {  	v2 =	vld [tilespmem:s31+$0x4840];
	_ =	sdelay $0x1  }
0x119: {  	v3 =	vld [tilespmem:s31+$0x4860]  }
0x11a: {  	v0 =	vadd.f32 v1, v0  }
0x11b: {  	v1 =	vld [tilespmem:s31+$0x4880]  }
0x11c: {  	v0 =	vadd.f32 v2, v0  }
0x11d: {  	v2 =	vld [tilespmem:s31+$0x48A0]  }
0x11e: {  	v0 =	vadd.f32 v3, v0  }
0x11f: {  	v3 =	vld [tilespmem:s31+$0x48C0]  }
0x120: {  	v0 =	vadd.f32 v1, v0  }
0x121: {  	v1 =	vld [tilespmem:s31+$0x48E0]  }
0x122: {  	v0 =	vadd.f32 v2, v0;
	_ =	sdelay $0x1  }
0x123: {  	v0 =	vadd.f32 v3, v0;
	_ =	sdelay $0x1  }
0x124: {  	v0 =	vadd.f32 v1, v0  }
0x125: {  	s15 =	simm.s32 $0xB190  }
0x126: {  	[tilespmem:s15+$0xFFFFFE70] =	vst v0  }
0x127: {  	v0 =	vld [tilespmem:s31+$0x4810]  }
0x128: {  	v1 =	vld [tilespmem:s31+$0x4830];
	_ =	sdelay $0x1  }
0x129: {  	v2 =	vld [tilespmem:s31+$0x4850];
	_ =	sdelay $0x1  }
0x12a: {  	v3 =	vld [tilespmem:s31+$0x4870]  }
0x12b: {  	v0 =	vadd.f32 v1, v0  }
0x12c: {  	v1 =	vld [tilespmem:s31+$0x4890]  }
0x12d: {  	v0 =	vadd.f32 v2, v0  }
0x12e: {  	v2 =	vld [tilespmem:s31+$0x48B0]  }
0x12f: {  	v0 =	vadd.f32 v3, v0  }
0x130: {  	v3 =	vld [tilespmem:s31+$0x48D0]  }
0x131: {  	v0 =	vadd.f32 v1, v0  }
0x132: {  	v1 =	vld [tilespmem:s31+$0x48F0]  }
0x133: {  	v0 =	vadd.f32 v2, v0;
	_ =	sdelay $0x1  }
0x134: {  	v0 =	vadd.f32 v3, v0;
	_ =	sdelay $0x1  }
0x135: {  	v0 =	vadd.f32 v1, v0;
	_ =	sdelay $0x1  }
0x136: {  	[tilespmem:s15+$0xFFFFFE80] =	vst v0  }
0x137: {  	v0 =	vld [tilespmem:s31+$0x4920]  }
0x138: {  	v1 =	vld [tilespmem:s31+$0x4940];
	_ =	sdelay $0x1  }
0x139: {  	v2 =	vld [tilespmem:s31+$0x4960];
	_ =	sdelay $0x1  }
0x13a: {  	v3 =	vld [tilespmem:s31+$0x4980]  }
0x13b: {  	v0 =	vadd.f32 v1, v0  }
0x13c: {  	v1 =	vld [tilespmem:s31+$0x49A0]  }
0x13d: {  	v0 =	vadd.f32 v2, v0  }
0x13e: {  	v2 =	vld [tilespmem:s31+$0x49C0]  }
0x13f: {  	v0 =	vadd.f32 v3, v0  }
0x140: {  	v3 =	vld [tilespmem:s31+$0x49E0]  }
0x141: {  	v0 =	vadd.f32 v1, v0  }
0x142: {  	v1 =	vld [tilespmem:s31+$0x4A00]  }
0x143: {  	v0 =	vadd.f32 v2, v0;
	_ =	sdelay $0x1  }
0x144: {  	v0 =	vadd.f32 v3, v0;
	_ =	sdelay $0x1  }
0x145: {  	v0 =	vadd.f32 v1, v0;
	_ =	sdelay $0x1  }
0x146: {  	[tilespmem:s15+$0xFFFFFEF0] =	vst v0  }
0x147: {  	v0 =	vld [tilespmem:s31+$0x4930]  }
0x148: {  	v1 =	vld [tilespmem:s31+$0x4950];
	_ =	sdelay $0x1  }
0x149: {  	v2 =	vld [tilespmem:s31+$0x4970];
	_ =	sdelay $0x1  }
0x14a: {  	v3 =	vld [tilespmem:s31+$0x4990]  }
0x14b: {  	v0 =	vadd.f32 v1, v0  }
0x14c: {  	v1 =	vld [tilespmem:s31+$0x49B0]  }
0x14d: {  	v0 =	vadd.f32 v2, v0  }
0x14e: {  	v2 =	vld [tilespmem:s31+$0x49D0]  }
0x14f: {  	v0 =	vadd.f32 v3, v0  }
0x150: {  	v3 =	vld [tilespmem:s31+$0x49F0]  }
0x151: {  	v0 =	vadd.f32 v1, v0  }
0x152: {  	v1 =	vld [tilespmem:s31+$0x4A10]  }
0x153: {  	v0 =	vadd.f32 v2, v0;
	_ =	sdelay $0x1  }
0x154: {  	v0 =	vadd.f32 v3, v0;
	_ =	sdelay $0x1  }
0x155: {  	v0 =	vadd.f32 v1, v0;
	_ =	sdelay $0x1  }
0x156: {  	[tilespmem:s15+$0xFFFFFF00] =	vst v0  }
0x157: {  	v0 =	vld [tilespmem:s31+$0x4A40]  }
0x158: {  	v1 =	vld [tilespmem:s31+$0x4A60];
	_ =	sdelay $0x1  }
0x159: {  	v2 =	vld [tilespmem:s31+$0x4A80];
	_ =	sdelay $0x1  }
0x15a: {  	v3 =	vld [tilespmem:s31+$0x4AA0]  }
0x15b: {  	v0 =	vadd.f32 v1, v0  }
0x15c: {  	v1 =	vld [tilespmem:s31+$0x4AC0]  }
0x15d: {  	v0 =	vadd.f32 v2, v0  }
0x15e: {  	v2 =	vld [tilespmem:s31+$0x4AE0]  }
0x15f: {  	v0 =	vadd.f32 v3, v0  }
0x160: {  	v3 =	vld [tilespmem:s31+$0x4B00]  }
0x161: {  	v0 =	vadd.f32 v1, v0  }
0x162: {  	v1 =	vld [tilespmem:s31+$0x4B20]  }
0x163: {  	v0 =	vadd.f32 v2, v0;
	_ =	sdelay $0x1  }
0x164: {  	v0 =	vadd.f32 v3, v0;
	_ =	sdelay $0x1  }
0x165: {  	v0 =	vadd.f32 v1, v0;
	_ =	sdelay $0x1  }
0x166: {  	[tilespmem:s15+$0xFFFFFF70] =	vst v0  }
0x167: {  	v0 =	vld [tilespmem:s31+$0x4A50]  }
0x168: {  	v1 =	vld [tilespmem:s31+$0x4A70];
	_ =	sdelay $0x1  }
0x169: {  	v2 =	vld [tilespmem:s31+$0x4A90];
	_ =	sdelay $0x1  }
0x16a: {  	v3 =	vld [tilespmem:s31+$0x4AB0]  }
0x16b: {  	v0 =	vadd.f32 v1, v0  }
0x16c: {  	v1 =	vld [tilespmem:s31+$0x4AD0]  }
0x16d: {  	v0 =	vadd.f32 v2, v0  }
0x16e: {  	v2 =	vld [tilespmem:s31+$0x4AF0]  }
0x16f: {  	v0 =	vadd.f32 v3, v0  }
0x170: {  	v3 =	vld [tilespmem:s31+$0x4B10]  }
0x171: {  	v0 =	vadd.f32 v1, v0  }
0x172: {  	v1 =	vld [tilespmem:s31+$0x4B30]  }
0x173: {  	v0 =	vadd.f32 v2, v0;
	_ =	sdelay $0x1  }
0x174: {  	v0 =	vadd.f32 v3, v0;
	_ =	sdelay $0x1  }
0x175: {  	v0 =	vadd.f32 v1, v0;
	_ =	sdelay $0x1  }
0x176: {  	[tilespmem:s15+$0xFFFFFF80] =	vst v0  }
0x177: {  	v0 =	vld [tilespmem:s31+$0x4B60]  }
0x178: {  	v1 =	vld [tilespmem:s31+$0x4B80];
	_ =	sdelay $0x1  }
0x179: {  	v2 =	vld [tilespmem:s31+$0x4BA0];
	_ =	sdelay $0x1  }
0x17a: {  	v3 =	vld [tilespmem:s31+$0x4BC0]  }
0x17b: {  	v0 =	vadd.f32 v1, v0  }
0x17c: {  	v1 =	vld [tilespmem:s31+$0x4BE0]  }
0x17d: {  	v0 =	vadd.f32 v2, v0  }
0x17e: {  	v2 =	vld [tilespmem:s31+$0x4C00]  }
0x17f: {  	v0 =	vadd.f32 v3, v0  }
0x180: {  	v3 =	vld [tilespmem:s31+$0x4C20]  }
0x181: {  	v0 =	vadd.f32 v1, v0  }
0x182: {  	v1 =	vld [tilespmem:s31+$0x4C40]  }
0x183: {  	v0 =	vadd.f32 v2, v0;
	_ =	sdelay $0x1  }
0x184: {  	v0 =	vadd.f32 v3, v0;
	_ =	sdelay $0x1  }
0x185: {  	v0 =	vadd.f32 v1, v0;
	_ =	sdelay $0x1  }
0x186: {  	[tilespmem:s15+$0xFFFFFFF0] =	vst v0  }
0x187: {  	v0 =	vld [tilespmem:s31+$0x4B70]  }
0x188: {  	v1 =	vld [tilespmem:s31+$0x4B90];
	_ =	sdelay $0x1  }
0x189: {  	v2 =	vld [tilespmem:s31+$0x4BB0];
	_ =	sdelay $0x1  }
0x18a: {  	v4 =	vld [tilespmem:s31+$0x4BD0]  }
0x18b: {  	v3 =	vadd.f32 v1, v0  }
0x18c: {  	v1 =	vld [tilespmem:s31+$0x4BF0]  }
0x18d: {  	v0 =	vld [tilespmem:s31+$0x4C10];
	v5 =	vadd.f32 v2, v3  }
0x18e: {  	v2 =	vld [tilespmem:s31+$0x4C30]  }
0x18f: {  	s17 =	simm.s32 $0x1200;
	s16 =	simm.s32 $0xB190;
	v3 =	vld [tilespmem:s31+$0x4C50];
	v4 =	vadd.f32 v4, v5  }
.LBB2_4:
0x190: {  	p0 =	sne.s32 s17, $0x10E00  }
0x191: {  	s15 =	sadd.s32 $0x200, s15;
	s18 =	smov.u32 s17;
	s17 =	sadd.s32 $0x1200, s17  }
0x192: {  	v1 =	vadd.f32 v1, v4;
	_ =	sdelay $0x1  }
0x193: {  	v0 =	vadd.f32 v0, v1;
	_ =	sdelay $0x1  }
0x194: {  	v0 =	vadd.f32 v2, v0;
	_ =	sdelay $0x1  }
0x195: {  	v0 =	vadd.f32 v3, v0  }
0x196: {  	s18 =	sshra.s32 s18, $0x2  }
0x197: {  	[tilespmem:s16+$0x0] =	vst v0;
	s16 =	smov.u32 s15  }
0x198: {  	v0 =	vld [tilespmem:s18+$0x4800]  }
0x199: {  	v1 =	vld [tilespmem:s18+$0x4820]  }
0x19a: {  	v2 =	vld [tilespmem:s18+$0x4840];
	_ =	sdelay $0x1  }
0x19b: {  	v3 =	vld [tilespmem:s18+$0x4860];
	_ =	sdelay $0x1  }
0x19c: {  	v0 =	vadd.f32 v1, v0  }
0x19d: {  	v1 =	vld [tilespmem:s18+$0x4880]  }
0x19e: {  	v0 =	vadd.f32 v2, v0  }
0x19f: {  	v2 =	vld [tilespmem:s18+$0x48A0]  }
0x1a0: {  	v0 =	vadd.f32 v3, v0  }
0x1a1: {  	v3 =	vld [tilespmem:s18+$0x48C0]  }
0x1a2: {  	v0 =	vadd.f32 v1, v0  }
0x1a3: {  	v1 =	vld [tilespmem:s18+$0x48E0]  }
0x1a4: {  	v0 =	vadd.f32 v2, v0;
	_ =	sdelay $0x1  }
0x1a5: {  	v0 =	vadd.f32 v3, v0;
	_ =	sdelay $0x1  }
0x1a6: {  	v0 =	vadd.f32 v1, v0;
	_ =	sdelay $0x1  }
0x1a7: {  	[tilespmem:s15+$0xFFFFFE70] =	vst v0  }
0x1a8: {  	v0 =	vld [tilespmem:s18+$0x4810]  }
0x1a9: {  	v1 =	vld [tilespmem:s18+$0x4830];
	_ =	sdelay $0x1  }
0x1aa: {  	v2 =	vld [tilespmem:s18+$0x4850];
	_ =	sdelay $0x1  }
0x1ab: {  	v3 =	vld [tilespmem:s18+$0x4870]  }
0x1ac: {  	v0 =	vadd.f32 v1, v0  }
0x1ad: {  	v1 =	vld [tilespmem:s18+$0x4890]  }
0x1ae: {  	v0 =	vadd.f32 v2, v0  }
0x1af: {  	v2 =	vld [tilespmem:s18+$0x48B0]  }
0x1b0: {  	v0 =	vadd.f32 v3, v0  }
0x1b1: {  	v3 =	vld [tilespmem:s18+$0x48D0]  }
0x1b2: {  	v0 =	vadd.f32 v1, v0  }
0x1b3: {  	v1 =	vld [tilespmem:s18+$0x48F0]  }
0x1b4: {  	v0 =	vadd.f32 v2, v0;
	_ =	sdelay $0x1  }
0x1b5: {  	v0 =	vadd.f32 v3, v0;
	_ =	sdelay $0x1  }
0x1b6: {  	v0 =	vadd.f32 v1, v0;
	_ =	sdelay $0x1  }
0x1b7: {  	[tilespmem:s15+$0xFFFFFE80] =	vst v0  }
0x1b8: {  	v0 =	vld [tilespmem:s18+$0x4920]  }
0x1b9: {  	v1 =	vld [tilespmem:s18+$0x4940];
	_ =	sdelay $0x1  }
0x1ba: {  	v2 =	vld [tilespmem:s18+$0x4960];
	_ =	sdelay $0x1  }
0x1bb: {  	v3 =	vld [tilespmem:s18+$0x4980]  }
0x1bc: {  	v0 =	vadd.f32 v1, v0  }
0x1bd: {  	v1 =	vld [tilespmem:s18+$0x49A0]  }
0x1be: {  	v0 =	vadd.f32 v2, v0  }
0x1bf: {  	v2 =	vld [tilespmem:s18+$0x49C0]  }
0x1c0: {  	v0 =	vadd.f32 v3, v0  }
0x1c1: {  	v3 =	vld [tilespmem:s18+$0x49E0]  }
0x1c2: {  	v0 =	vadd.f32 v1, v0  }
0x1c3: {  	v1 =	vld [tilespmem:s18+$0x4A00]  }
0x1c4: {  	v0 =	vadd.f32 v2, v0;
	_ =	sdelay $0x1  }
0x1c5: {  	v0 =	vadd.f32 v3, v0;
	_ =	sdelay $0x1  }
0x1c6: {  	v0 =	vadd.f32 v1, v0;
	_ =	sdelay $0x1  }
0x1c7: {  	[tilespmem:s15+$0xFFFFFEF0] =	vst v0  }
0x1c8: {  	v0 =	vld [tilespmem:s18+$0x4930]  }
0x1c9: {  	v1 =	vld [tilespmem:s18+$0x4950];
	_ =	sdelay $0x1  }
0x1ca: {  	v2 =	vld [tilespmem:s18+$0x4970];
	_ =	sdelay $0x1  }
0x1cb: {  	v3 =	vld [tilespmem:s18+$0x4990]  }
0x1cc: {  	v0 =	vadd.f32 v1, v0  }
0x1cd: {  	v1 =	vld [tilespmem:s18+$0x49B0]  }
0x1ce: {  	v0 =	vadd.f32 v2, v0  }
0x1cf: {  	v2 =	vld [tilespmem:s18+$0x49D0]  }
0x1d0: {  	v0 =	vadd.f32 v3, v0  }
0x1d1: {  	v3 =	vld [tilespmem:s18+$0x49F0]  }
0x1d2: {  	v0 =	vadd.f32 v1, v0  }
0x1d3: {  	v1 =	vld [tilespmem:s18+$0x4A10]  }
0x1d4: {  	v0 =	vadd.f32 v2, v0;
	_ =	sdelay $0x1  }
0x1d5: {  	v0 =	vadd.f32 v3, v0;
	_ =	sdelay $0x1  }
0x1d6: {  	v0 =	vadd.f32 v1, v0;
	_ =	sdelay $0x1  }
0x1d7: {  	[tilespmem:s15+$0xFFFFFF00] =	vst v0  }
0x1d8: {  	v0 =	vld [tilespmem:s18+$0x4A40]  }
0x1d9: {  	v1 =	vld [tilespmem:s18+$0x4A60]  }
0x1da: {  	v2 =	vld [tilespmem:s18+$0x4A80];
	_ =	sdelay $0x2  }
0x1db: {  	v3 =	vld [tilespmem:s18+$0x4AA0]  }
0x1dc: {  	v0 =	vadd.f32 v1, v0  }
0x1dd: {  	v1 =	vld [tilespmem:s18+$0x4AC0]  }
0x1de: {  	v0 =	vadd.f32 v2, v0  }
0x1df: {  	v2 =	vld [tilespmem:s18+$0x4AE0]  }
0x1e0: {  	v0 =	vadd.f32 v3, v0  }
0x1e1: {  	v3 =	vld [tilespmem:s18+$0x4B00]  }
0x1e2: {  	v0 =	vadd.f32 v1, v0  }
0x1e3: {  	v1 =	vld [tilespmem:s18+$0x4B20]  }
0x1e4: {  	v0 =	vadd.f32 v2, v0;
	_ =	sdelay $0x1  }
0x1e5: {  	v0 =	vadd.f32 v3, v0;
	_ =	sdelay $0x1  }
0x1e6: {  	v0 =	vadd.f32 v1, v0;
	_ =	sdelay $0x1  }
0x1e7: {  	[tilespmem:s15+$0xFFFFFF70] =	vst v0  }
0x1e8: {  	v0 =	vld [tilespmem:s18+$0x4A50]  }
0x1e9: {  	v1 =	vld [tilespmem:s18+$0x4A70]  }
0x1ea: {  	v2 =	vld [tilespmem:s18+$0x4A90]  }
0x1eb: {  	v3 =	vld [tilespmem:s18+$0x4AB0]  }
0x1ec: {  	v4 =	vld [tilespmem:s18+$0x4AD0]  }
0x1ed: {  	v5 =	vld [tilespmem:s18+$0x4AF0]  }
0x1ee: {  	v0 =	vadd.f32 v1, v0;
	v1 =	vld [tilespmem:s18+$0x4B10]  }
0x1ef: {  	v6 =	vld [tilespmem:s18+$0x4B30]  }
0x1f0: {  	v0 =	vadd.f32 v2, v0;
	_ =	sdelay $0x1  }
0x1f1: {  	v0 =	vadd.f32 v3, v0;
	_ =	sdelay $0x1  }
0x1f2: {  	v0 =	vadd.f32 v4, v0;
	_ =	sdelay $0x1  }
0x1f3: {  	v0 =	vadd.f32 v5, v0;
	_ =	sdelay $0x1  }
0x1f4: {  	v0 =	vadd.f32 v1, v0;
	_ =	sdelay $0x1  }
0x1f5: {  	v0 =	vadd.f32 v6, v0;
	_ =	sdelay $0x1  }
0x1f6: {  	[tilespmem:s15+$0xFFFFFF80] =	vst v0  }
0x1f7: {  	v0 =	vld [tilespmem:s18+$0x4B60]  }
0x1f8: {  	v1 =	vld [tilespmem:s18+$0x4B80]  }
0x1f9: {  	v2 =	vld [tilespmem:s18+$0x4BA0]  }
0x1fa: {  	v3 =	vld [tilespmem:s18+$0x4BC0]  }
0x1fb: {  	v4 =	vld [tilespmem:s18+$0x4BE0]  }
0x1fc: {  	v5 =	vld [tilespmem:s18+$0x4C00]  }
0x1fd: {  	v0 =	vadd.f32 v1, v0;
	v1 =	vld [tilespmem:s18+$0x4C20]  }
0x1fe: {  	v6 =	vld [tilespmem:s18+$0x4C40]  }
0x1ff: {  	v0 =	vadd.f32 v2, v0;
	_ =	sdelay $0x1  }
0x200: {  	v0 =	vadd.f32 v3, v0;
	_ =	sdelay $0x1  }
0x201: {  	v0 =	vadd.f32 v4, v0;
	_ =	sdelay $0x1  }
0x202: {  	v0 =	vadd.f32 v5, v0;
	_ =	sdelay $0x1  }
0x203: {  	v0 =	vadd.f32 v1, v0;
	_ =	sdelay $0x1  }
0x204: {  	v0 =	vadd.f32 v6, v0;
	_ =	sdelay $0x1  }
0x205: {  	[tilespmem:s15+$0xFFFFFFF0] =	vst v0  }
0x206: {  	v2 =	vld [tilespmem:s18+$0x4B70]  }
0x207: {  	v3 =	vld [tilespmem:s18+$0x4B90]  }
0x208: {  	v4 =	vld [tilespmem:s18+$0x4BB0]  }
0x209: {  	v5 =	vld [tilespmem:s18+$0x4BD0]  }
0x20a: {  	v1 =	vld [tilespmem:s18+$0x4BF0]  }
0x20b: {  	v0 =	vld [tilespmem:s18+$0x4C10]  }
.Ltmp1:
0x20c: {  	v6 =	vadd.f32 v3, v2;
	v2 =	vld [tilespmem:s18+$0x4C30];
	(pc) =	sbr.rel @p0 .LBB2_4-.Ltmp1, $3  }
0x20d: {  	v3 =	vld [tilespmem:s18+$0x4C50]  }
0x20e: {  	v4 =	vadd.f32 v4, v6;
	_ =	sdelay $0x1  }
0x20f: {  	v4 =	vadd.f32 v5, v4  }
0x210: {  	_ = 	snop  }
0x211: {  	v1 =	vadd.f32 v1, v4;
	_ =	sdelay $0x1  }
0x212: {  	v0 =	vadd.f32 v0, v1;
	_ =	sdelay $0x1  }
0x213: {  	v0 =	vadd.f32 v2, v0;
	_ =	sdelay $0x1  }
0x214: {  	v0 =	vadd.f32 v3, v0;
	_ =	sdelay $0x1  }
0x215: {  	s15 =	simm.s32 $0x0;
	[tilespmem:s16+$0x0] =	vst v0  }
0x216: {  	[tilespmem:s9], [sflag:$0x2] =	stream.linear.gather [hbm4b:s6+s15], $0x4800, $0x38;
	[tilespmem:$0x11000] =	vst v63  }
0x217: {  	_ =	swait.ge [sflag:s10], $0x4800  }
0x218: {  	[sflag:s10] =	ssyncset.done $0x0  }
0x219: {  	s15 =	simm.s32 $0x240;
	[sflag:s10] =	ssyncadd.s32 $0xFFFFB800  }
0x21a: {  	v0 =	vld [tilespmem:s15+$0xFFFFFDE0]  }
0x21b: {  	v1 =	vld [tilespmem:s15+$0xFFFFFDC0];
	_ =	sdelay $0x1  }
0x21c: {  	v2 =	vld [tilespmem:s15+$0xFFFFFE00];
	_ =	sdelay $0x1  }
0x21d: {  	v3 =	vld [tilespmem:s15+$0xFFFFFE20]  }
0x21e: {  	v0 =	vadd.f32 v0, v1  }
0x21f: {  	v1 =	vld [tilespmem:s15+$0xFFFFFE40]  }
0x220: {  	v0 =	vadd.f32 v2, v0  }
0x221: {  	v2 =	vld [tilespmem:s15+$0xFFFFFE60]  }
0x222: {  	v0 =	vadd.f32 v3, v0  }
0x223: {  	v3 =	vld [tilespmem:s15+$0xFFFFFE80]  }
0x224: {  	v0 =	vadd.f32 v1, v0  }
0x225: {  	v1 =	vld [tilespmem:s15+$0xFFFFFEA0]  }
0x226: {  	v0 =	vadd.f32 v2, v0;
	_ =	sdelay $0x1  }
0x227: {  	v0 =	vadd.f32 v3, v0;
	_ =	sdelay $0x1  }
0x228: {  	v0 =	vadd.f32 v1, v0  }
0x229: {  	s16 =	simm.s32 $0x0  }
0x22a: {  	[tilespmem:s16+$0xD000] =	vst v0  }
0x22b: {  	v0 =	vld [tilespmem:s15+$0xFFFFFDD0]  }
0x22c: {  	v1 =	vld [tilespmem:s15+$0xFFFFFDF0];
	_ =	sdelay $0x1  }
0x22d: {  	v2 =	vld [tilespmem:s15+$0xFFFFFE10];
	_ =	sdelay $0x1  }
0x22e: {  	v3 =	vld [tilespmem:s15+$0xFFFFFE30]  }
0x22f: {  	v0 =	vadd.f32 v1, v0  }
0x230: {  	v1 =	vld [tilespmem:s15+$0xFFFFFE50]  }
0x231: {  	v0 =	vadd.f32 v2, v0  }
0x232: {  	v2 =	vld [tilespmem:s15+$0xFFFFFE70]  }
0x233: {  	v0 =	vadd.f32 v3, v0  }
0x234: {  	v3 =	vld [tilespmem:s15+$0xFFFFFE90]  }
0x235: {  	v0 =	vadd.f32 v1, v0  }
0x236: {  	v1 =	vld [tilespmem:s15+$0xFFFFFEB0]  }
0x237: {  	v0 =	vadd.f32 v2, v0;
	_ =	sdelay $0x1  }
0x238: {  	v0 =	vadd.f32 v3, v0;
	_ =	sdelay $0x1  }
0x239: {  	v0 =	vadd.f32 v1, v0;
	_ =	sdelay $0x1  }
0x23a: {  	[tilespmem:s16+$0xD010] =	vst v0  }
0x23b: {  	v0 =	vld [tilespmem:s15+$0xFFFFFEE0]  }
0x23c: {  	v1 =	vld [tilespmem:s15+$0xFFFFFF00];
	_ =	sdelay $0x1  }
0x23d: {  	v2 =	vld [tilespmem:s15+$0xFFFFFF20];
	_ =	sdelay $0x1  }
0x23e: {  	v3 =	vld [tilespmem:s15+$0xFFFFFF40]  }
0x23f: {  	v0 =	vadd.f32 v1, v0  }
0x240: {  	v1 =	vld [tilespmem:s15+$0xFFFFFF60]  }
0x241: {  	v0 =	vadd.f32 v2, v0  }
0x242: {  	v2 =	vld [tilespmem:s15+$0xFFFFFF80]  }
0x243: {  	v0 =	vadd.f32 v3, v0  }
0x244: {  	v3 =	vld [tilespmem:s15+$0xFFFFFFA0]  }
0x245: {  	v0 =	vadd.f32 v1, v0  }
0x246: {  	v1 =	vld [tilespmem:s15+$0xFFFFFFC0]  }
0x247: {  	v0 =	vadd.f32 v2, v0;
	_ =	sdelay $0x1  }
0x248: {  	v0 =	vadd.f32 v3, v0;
	_ =	sdelay $0x1  }
0x249: {  	v0 =	vadd.f32 v1, v0;
	_ =	sdelay $0x1  }
0x24a: {  	[tilespmem:s16+$0xD080] =	vst v0  }
0x24b: {  	v0 =	vld [tilespmem:s15+$0xFFFFFEF0]  }
0x24c: {  	v1 =	vld [tilespmem:s15+$0xFFFFFF10];
	_ =	sdelay $0x1  }
0x24d: {  	v2 =	vld [tilespmem:s15+$0xFFFFFF30];
	_ =	sdelay $0x1  }
0x24e: {  	v3 =	vld [tilespmem:s15+$0xFFFFFF50]  }
0x24f: {  	v0 =	vadd.f32 v1, v0  }
0x250: {  	v1 =	vld [tilespmem:s15+$0xFFFFFF70]  }
0x251: {  	v0 =	vadd.f32 v2, v0  }
0x252: {  	v2 =	vld [tilespmem:s15+$0xFFFFFF90]  }
0x253: {  	v0 =	vadd.f32 v3, v0  }
0x254: {  	v3 =	vld [tilespmem:s15+$0xFFFFFFB0]  }
0x255: {  	v0 =	vadd.f32 v1, v0  }
0x256: {  	v1 =	vld [tilespmem:s15+$0xFFFFFFD0]  }
0x257: {  	v0 =	vadd.f32 v2, v0;
	_ =	sdelay $0x1  }
0x258: {  	v0 =	vadd.f32 v3, v0;
	_ =	sdelay $0x1  }
0x259: {  	v0 =	vadd.f32 v1, v0;
	_ =	sdelay $0x1  }
0x25a: {  	[tilespmem:s16+$0xD090] =	vst v0  }
0x25b: {  	v0 =	vld [tilespmem:s15+$0x0]  }
0x25c: {  	v1 =	vld [tilespmem:s15+$0x20];
	_ =	sdelay $0x1  }
0x25d: {  	v2 =	vld [tilespmem:s15+$0x40];
	_ =	sdelay $0x1  }
0x25e: {  	v3 =	vld [tilespmem:s15+$0x60]  }
0x25f: {  	v0 =	vadd.f32 v1, v0  }
0x260: {  	v1 =	vld [tilespmem:s15+$0x80]  }
0x261: {  	v0 =	vadd.f32 v2, v0  }
0x262: {  	v2 =	vld [tilespmem:s15+$0xA0]  }
0x263: {  	v0 =	vadd.f32 v3, v0  }
0x264: {  	v3 =	vld [tilespmem:s15+$0xC0]  }
0x265: {  	v0 =	vadd.f32 v1, v0  }
0x266: {  	v1 =	vld [tilespmem:s15+$0xE0]  }
0x267: {  	v0 =	vadd.f32 v2, v0;
	_ =	sdelay $0x1  }
0x268: {  	v0 =	vadd.f32 v3, v0;
	_ =	sdelay $0x1  }
0x269: {  	v0 =	vadd.f32 v1, v0;
	_ =	sdelay $0x1  }
0x26a: {  	[tilespmem:s16+$0xD100] =	vst v0  }
0x26b: {  	v0 =	vld [tilespmem:s15+$0x10]  }
0x26c: {  	v1 =	vld [tilespmem:s15+$0x30];
	_ =	sdelay $0x1  }
0x26d: {  	v2 =	vld [tilespmem:s15+$0x50];
	_ =	sdelay $0x1  }
0x26e: {  	v3 =	vld [tilespmem:s15+$0x70]  }
0x26f: {  	v0 =	vadd.f32 v1, v0  }
0x270: {  	v1 =	vld [tilespmem:s15+$0x90]  }
0x271: {  	v0 =	vadd.f32 v2, v0  }
0x272: {  	v2 =	vld [tilespmem:s15+$0xB0]  }
0x273: {  	v0 =	vadd.f32 v3, v0  }
0x274: {  	v3 =	vld [tilespmem:s15+$0xD0]  }
0x275: {  	v0 =	vadd.f32 v1, v0  }
0x276: {  	v1 =	vld [tilespmem:s15+$0xF0]  }
0x277: {  	v0 =	vadd.f32 v2, v0;
	_ =	sdelay $0x1  }
0x278: {  	v0 =	vadd.f32 v3, v0;
	_ =	sdelay $0x1  }
0x279: {  	v0 =	vadd.f32 v1, v0;
	_ =	sdelay $0x1  }
0x27a: {  	[tilespmem:s16+$0xD110] =	vst v0  }
0x27b: {  	v0 =	vld [tilespmem:s15+$0x120]  }
0x27c: {  	v1 =	vld [tilespmem:s15+$0x140];
	_ =	sdelay $0x1  }
0x27d: {  	v2 =	vld [tilespmem:s15+$0x160];
	_ =	sdelay $0x1  }
0x27e: {  	v3 =	vld [tilespmem:s15+$0x180]  }
0x27f: {  	v0 =	vadd.f32 v1, v0  }
0x280: {  	v1 =	vld [tilespmem:s15+$0x1A0]  }
0x281: {  	v0 =	vadd.f32 v2, v0  }
0x282: {  	v2 =	vld [tilespmem:s15+$0x1C0]  }
0x283: {  	v0 =	vadd.f32 v3, v0  }
0x284: {  	v3 =	vld [tilespmem:s15+$0x1E0]  }
0x285: {  	v0 =	vadd.f32 v1, v0  }
0x286: {  	v1 =	vld [tilespmem:s15+$0x200]  }
0x287: {  	v0 =	vadd.f32 v2, v0;
	_ =	sdelay $0x1  }
0x288: {  	v0 =	vadd.f32 v3, v0;
	_ =	sdelay $0x1  }
0x289: {  	v0 =	vadd.f32 v1, v0;
	_ =	sdelay $0x1  }
0x28a: {  	[tilespmem:s16+$0xD180] =	vst v0  }
0x28b: {  	v0 =	vld [tilespmem:s15+$0x130]  }
0x28c: {  	v1 =	vld [tilespmem:s15+$0x150];
	_ =	sdelay $0x1  }
0x28d: {  	v2 =	vld [tilespmem:s15+$0x170];
	_ =	sdelay $0x1  }
0x28e: {  	v4 =	vld [tilespmem:s15+$0x190]  }
0x28f: {  	v1 =	vadd.f32 v1, v0  }
0x290: {  	v3 =	vld [tilespmem:s15+$0x1B0]  }
0x291: {  	v0 =	vld [tilespmem:s15+$0x1D0];
	v5 =	vadd.f32 v2, v1  }
0x292: {  	v1 =	vld [tilespmem:s15+$0x1F0]  }
0x293: {  	s17 =	simm.s32 $0x800;
	v2 =	vld [tilespmem:s15+$0x210];
	v4 =	vadd.f32 v4, v5  }
.LBB2_6:
0x294: {  	p0 =	sne.s32 s17, $0x7800  }
0x295: {  	s15 =	sadd.s32 $0x480, s15;
	s18 =	smov.u32 s17;
	s17 =	sadd.s32 $0x800, s17;
	v3 =	vadd.f32 v3, v4  }
0x296: {  	_ = 	snop  }
0x297: {  	v0 =	vadd.f32 v0, v3;
	_ =	sdelay $0x1  }
0x298: {  	v0 =	vadd.f32 v1, v0;
	_ =	sdelay $0x1  }
0x299: {  	v0 =	vadd.f32 v2, v0;
	_ =	sdelay $0x1  }
0x29a: {  	[tilespmem:s16+$0xD190] =	vst v0  }
0x29b: {  	v0 =	vld [tilespmem:s15+$0xFFFFFDE0]  }
0x29c: {  	v1 =	vld [tilespmem:s15+$0xFFFFFDC0]  }
0x29d: {  	v2 =	vld [tilespmem:s15+$0xFFFFFE00];
	_ =	sdelay $0x2  }
0x29e: {  	v3 =	vld [tilespmem:s15+$0xFFFFFE20]  }
0x29f: {  	v0 =	vadd.f32 v0, v1  }
0x2a0: {  	v1 =	vld [tilespmem:s15+$0xFFFFFE40]  }
0x2a1: {  	v0 =	vadd.f32 v2, v0  }
0x2a2: {  	v2 =	vld [tilespmem:s15+$0xFFFFFE60]  }
0x2a3: {  	v0 =	vadd.f32 v3, v0  }
0x2a4: {  	v3 =	vld [tilespmem:s15+$0xFFFFFE80]  }
0x2a5: {  	v0 =	vadd.f32 v1, v0  }
0x2a6: {  	v1 =	vld [tilespmem:s15+$0xFFFFFEA0]  }
0x2a7: {  	v0 =	vadd.f32 v2, v0;
	_ =	sdelay $0x1  }
0x2a8: {  	v0 =	vadd.f32 v3, v0;
	_ =	sdelay $0x1  }
0x2a9: {  	v0 =	vadd.f32 v1, v0  }
0x2aa: {  	s16 =	sshra.s32 s18, $0x2  }
0x2ab: {  	[tilespmem:s16+$0xD000] =	vst v0  }
0x2ac: {  	v0 =	vld [tilespmem:s15+$0xFFFFFDD0]  }
0x2ad: {  	v1 =	vld [tilespmem:s15+$0xFFFFFDF0];
	_ =	sdelay $0x1  }
0x2ae: {  	v2 =	vld [tilespmem:s15+$0xFFFFFE10];
	_ =	sdelay $0x1  }
0x2af: {  	v3 =	vld [tilespmem:s15+$0xFFFFFE30]  }
0x2b0: {  	v0 =	vadd.f32 v1, v0  }
0x2b1: {  	v1 =	vld [tilespmem:s15+$0xFFFFFE50]  }
0x2b2: {  	v0 =	vadd.f32 v2, v0  }
0x2b3: {  	v2 =	vld [tilespmem:s15+$0xFFFFFE70]  }
0x2b4: {  	v0 =	vadd.f32 v3, v0  }
0x2b5: {  	v3 =	vld [tilespmem:s15+$0xFFFFFE90]  }
0x2b6: {  	v0 =	vadd.f32 v1, v0  }
0x2b7: {  	v1 =	vld [tilespmem:s15+$0xFFFFFEB0]  }
0x2b8: {  	v0 =	vadd.f32 v2, v0;
	_ =	sdelay $0x1  }
0x2b9: {  	v0 =	vadd.f32 v3, v0;
	_ =	sdelay $0x1  }
0x2ba: {  	v0 =	vadd.f32 v1, v0;
	_ =	sdelay $0x1  }
0x2bb: {  	[tilespmem:s16+$0xD010] =	vst v0  }
0x2bc: {  	v0 =	vld [tilespmem:s15+$0xFFFFFEE0]  }
0x2bd: {  	v1 =	vld [tilespmem:s15+$0xFFFFFF00];
	_ =	sdelay $0x1  }
0x2be: {  	v2 =	vld [tilespmem:s15+$0xFFFFFF20];
	_ =	sdelay $0x1  }
0x2bf: {  	v3 =	vld [tilespmem:s15+$0xFFFFFF40]  }
0x2c0: {  	v0 =	vadd.f32 v1, v0  }
0x2c1: {  	v1 =	vld [tilespmem:s15+$0xFFFFFF60]  }
0x2c2: {  	v0 =	vadd.f32 v2, v0  }
0x2c3: {  	v2 =	vld [tilespmem:s15+$0xFFFFFF80]  }
0x2c4: {  	v0 =	vadd.f32 v3, v0  }
0x2c5: {  	v3 =	vld [tilespmem:s15+$0xFFFFFFA0]  }
0x2c6: {  	v0 =	vadd.f32 v1, v0  }
0x2c7: {  	v1 =	vld [tilespmem:s15+$0xFFFFFFC0]  }
0x2c8: {  	v0 =	vadd.f32 v2, v0;
	_ =	sdelay $0x1  }
0x2c9: {  	v0 =	vadd.f32 v3, v0;
	_ =	sdelay $0x1  }
0x2ca: {  	v0 =	vadd.f32 v1, v0;
	_ =	sdelay $0x1  }
0x2cb: {  	[tilespmem:s16+$0xD080] =	vst v0  }
0x2cc: {  	v0 =	vld [tilespmem:s15+$0xFFFFFEF0]  }
0x2cd: {  	v1 =	vld [tilespmem:s15+$0xFFFFFF10];
	_ =	sdelay $0x1  }
0x2ce: {  	v2 =	vld [tilespmem:s15+$0xFFFFFF30];
	_ =	sdelay $0x1  }
0x2cf: {  	v3 =	vld [tilespmem:s15+$0xFFFFFF50]  }
0x2d0: {  	v0 =	vadd.f32 v1, v0  }
0x2d1: {  	v1 =	vld [tilespmem:s15+$0xFFFFFF70]  }
0x2d2: {  	v0 =	vadd.f32 v2, v0  }
0x2d3: {  	v2 =	vld [tilespmem:s15+$0xFFFFFF90]  }
0x2d4: {  	v0 =	vadd.f32 v3, v0  }
0x2d5: {  	v3 =	vld [tilespmem:s15+$0xFFFFFFB0]  }
0x2d6: {  	v0 =	vadd.f32 v1, v0  }
0x2d7: {  	v1 =	vld [tilespmem:s15+$0xFFFFFFD0]  }
0x2d8: {  	v0 =	vadd.f32 v2, v0;
	_ =	sdelay $0x1  }
0x2d9: {  	v0 =	vadd.f32 v3, v0;
	_ =	sdelay $0x1  }
0x2da: {  	v0 =	vadd.f32 v1, v0;
	_ =	sdelay $0x1  }
0x2db: {  	[tilespmem:s16+$0xD090] =	vst v0  }
0x2dc: {  	v0 =	vld [tilespmem:s15+$0x0]  }
0x2dd: {  	v1 =	vld [tilespmem:s15+$0x20];
	_ =	sdelay $0x1  }
0x2de: {  	v2 =	vld [tilespmem:s15+$0x40];
	_ =	sdelay $0x1  }
0x2df: {  	v3 =	vld [tilespmem:s15+$0x60]  }
0x2e0: {  	v0 =	vadd.f32 v1, v0  }
0x2e1: {  	v1 =	vld [tilespmem:s15+$0x80]  }
0x2e2: {  	v0 =	vadd.f32 v2, v0  }
0x2e3: {  	v2 =	vld [tilespmem:s15+$0xA0]  }
0x2e4: {  	v0 =	vadd.f32 v3, v0  }
0x2e5: {  	v3 =	vld [tilespmem:s15+$0xC0]  }
0x2e6: {  	v0 =	vadd.f32 v1, v0  }
0x2e7: {  	v1 =	vld [tilespmem:s15+$0xE0]  }
0x2e8: {  	v0 =	vadd.f32 v2, v0;
	_ =	sdelay $0x1  }
0x2e9: {  	v0 =	vadd.f32 v3, v0;
	_ =	sdelay $0x1  }
0x2ea: {  	v0 =	vadd.f32 v1, v0;
	_ =	sdelay $0x1  }
0x2eb: {  	[tilespmem:s16+$0xD100] =	vst v0  }
0x2ec: {  	v0 =	vld [tilespmem:s15+$0x10]  }
0x2ed: {  	v1 =	vld [tilespmem:s15+$0x30]  }
0x2ee: {  	v2 =	vld [tilespmem:s15+$0x50]  }
0x2ef: {  	v3 =	vld [tilespmem:s15+$0x70]  }
0x2f0: {  	v4 =	vld [tilespmem:s15+$0x90]  }
0x2f1: {  	v5 =	vld [tilespmem:s15+$0xB0]  }
0x2f2: {  	v0 =	vadd.f32 v1, v0;
	v1 =	vld [tilespmem:s15+$0xD0]  }
0x2f3: {  	v6 =	vld [tilespmem:s15+$0xF0]  }
0x2f4: {  	v0 =	vadd.f32 v2, v0;
	_ =	sdelay $0x1  }
0x2f5: {  	v0 =	vadd.f32 v3, v0;
	_ =	sdelay $0x1  }
0x2f6: {  	v0 =	vadd.f32 v4, v0;
	_ =	sdelay $0x1  }
0x2f7: {  	v0 =	vadd.f32 v5, v0;
	_ =	sdelay $0x1  }
0x2f8: {  	v0 =	vadd.f32 v1, v0;
	_ =	sdelay $0x1  }
0x2f9: {  	v0 =	vadd.f32 v6, v0;
	_ =	sdelay $0x1  }
0x2fa: {  	[tilespmem:s16+$0xD110] =	vst v0  }
0x2fb: {  	v0 =	vld [tilespmem:s15+$0x120]  }
0x2fc: {  	v1 =	vld [tilespmem:s15+$0x140]  }
0x2fd: {  	v2 =	vld [tilespmem:s15+$0x160]  }
0x2fe: {  	v3 =	vld [tilespmem:s15+$0x180]  }
0x2ff: {  	v4 =	vld [tilespmem:s15+$0x1A0]  }
0x300: {  	v5 =	vld [tilespmem:s15+$0x1C0]  }
0x301: {  	v0 =	vadd.f32 v1, v0;
	v1 =	vld [tilespmem:s15+$0x1E0]  }
0x302: {  	v6 =	vld [tilespmem:s15+$0x200]  }
0x303: {  	v0 =	vadd.f32 v2, v0;
	_ =	sdelay $0x1  }
0x304: {  	v0 =	vadd.f32 v3, v0;
	_ =	sdelay $0x1  }
0x305: {  	v0 =	vadd.f32 v4, v0;
	_ =	sdelay $0x1  }
0x306: {  	v0 =	vadd.f32 v5, v0;
	_ =	sdelay $0x1  }
0x307: {  	v0 =	vadd.f32 v1, v0;
	_ =	sdelay $0x1  }
0x308: {  	v0 =	vadd.f32 v6, v0;
	_ =	sdelay $0x1  }
0x309: {  	[tilespmem:s16+$0xD180] =	vst v0  }
0x30a: {  	v1 =	vld [tilespmem:s15+$0x130]  }
0x30b: {  	v2 =	vld [tilespmem:s15+$0x150]  }
0x30c: {  	v4 =	vld [tilespmem:s15+$0x170]  }
0x30d: {  	v5 =	vld [tilespmem:s15+$0x190]  }
0x30e: {  	v3 =	vld [tilespmem:s15+$0x1B0]  }
0x30f: {  	v0 =	vld [tilespmem:s15+$0x1D0]  }
.Ltmp2:
0x310: {  	v6 =	vadd.f32 v2, v1;
	v1 =	vld [tilespmem:s15+$0x1F0];
	(pc) =	sbr.rel @p0 .LBB2_6-.Ltmp2, $3  }
0x311: {  	v2 =	vld [tilespmem:s15+$0x210]  }
0x312: {  	v4 =	vadd.f32 v4, v6;
	_ =	sdelay $0x1  }
0x313: {  	v4 =	vadd.f32 v5, v4  }
0x314: {  	_ = 	snop  }
0x315: {  	v3 =	vadd.f32 v3, v4;
	_ =	sdelay $0x1  }
0x316: {  	v0 =	vadd.f32 v0, v3;
	_ =	sdelay $0x1  }
0x317: {  	v0 =	vadd.f32 v1, v0;
	_ =	sdelay $0x1  }
0x318: {  	v0 =	vadd.f32 v2, v0;
	_ =	sdelay $0x1  }
0x319: {  	[tilespmem:s16+$0xD190] =	vst v0  }
0x31a: {  	_ =	swait.ge [sflag:s11], $0x4800  }
0x31b: {  	[sflag:s11] =	ssyncset.done $0x0  }
0x31c: {  	s31 =	simm.s32 $0x0;
	[sflag:s11] =	ssyncadd.s32 $0xFFFFB800  }
0x31d: {  	v0 =	vld [tilespmem:s31+$0x4800]  }
0x31e: {  	v1 =	vld [tilespmem:s31+$0x4820];
	_ =	sdelay $0x1  }
0x31f: {  	v2 =	vld [tilespmem:s31+$0x4840];
	_ =	sdelay $0x1  }
0x320: {  	v3 =	vld [tilespmem:s31+$0x4860]  }
0x321: {  	v0 =	vadd.f32 v1, v0  }
0x322: {  	v1 =	vld [tilespmem:s31+$0x4880]  }
0x323: {  	v0 =	vadd.f32 v2, v0  }
0x324: {  	v2 =	vld [tilespmem:s31+$0x48A0]  }
0x325: {  	v0 =	vadd.f32 v3, v0  }
0x326: {  	v3 =	vld [tilespmem:s31+$0x48C0]  }
0x327: {  	v0 =	vadd.f32 v1, v0  }
0x328: {  	v1 =	vld [tilespmem:s31+$0x48E0]  }
0x329: {  	v0 =	vadd.f32 v2, v0;
	_ =	sdelay $0x1  }
0x32a: {  	v0 =	vadd.f32 v3, v0;
	_ =	sdelay $0x1  }
0x32b: {  	v0 =	vadd.f32 v1, v0  }
0x32c: {  	s15 =	simm.s32 $0xF000  }
0x32d: {  	[tilespmem:s15+$0x0] =	vst v0  }
0x32e: {  	v0 =	vld [tilespmem:s31+$0x4810]  }
0x32f: {  	v1 =	vld [tilespmem:s31+$0x4830];
	_ =	sdelay $0x1  }
0x330: {  	v2 =	vld [tilespmem:s31+$0x4850];
	_ =	sdelay $0x1  }
0x331: {  	v3 =	vld [tilespmem:s31+$0x4870]  }
0x332: {  	v0 =	vadd.f32 v1, v0  }
0x333: {  	v1 =	vld [tilespmem:s31+$0x4890]  }
0x334: {  	v0 =	vadd.f32 v2, v0  }
0x335: {  	v2 =	vld [tilespmem:s31+$0x48B0]  }
0x336: {  	v0 =	vadd.f32 v3, v0  }
0x337: {  	v3 =	vld [tilespmem:s31+$0x48D0]  }
0x338: {  	v0 =	vadd.f32 v1, v0  }
0x339: {  	v1 =	vld [tilespmem:s31+$0x48F0]  }
0x33a: {  	v0 =	vadd.f32 v2, v0;
	_ =	sdelay $0x1  }
0x33b: {  	v0 =	vadd.f32 v3, v0;
	_ =	sdelay $0x1  }
0x33c: {  	v0 =	vadd.f32 v1, v0;
	_ =	sdelay $0x1  }
0x33d: {  	[tilespmem:s15+$0x10] =	vst v0  }
0x33e: {  	v0 =	vld [tilespmem:s31+$0x4920]  }
0x33f: {  	v1 =	vld [tilespmem:s31+$0x4940];
	_ =	sdelay $0x1  }
0x340: {  	v2 =	vld [tilespmem:s31+$0x4960];
	_ =	sdelay $0x1  }
0x341: {  	v3 =	vld [tilespmem:s31+$0x4980]  }
0x342: {  	v0 =	vadd.f32 v1, v0  }
0x343: {  	v1 =	vld [tilespmem:s31+$0x49A0]  }
0x344: {  	v0 =	vadd.f32 v2, v0  }
0x345: {  	v2 =	vld [tilespmem:s31+$0x49C0]  }
0x346: {  	v0 =	vadd.f32 v3, v0  }
0x347: {  	v3 =	vld [tilespmem:s31+$0x49E0]  }
0x348: {  	v0 =	vadd.f32 v1, v0  }
0x349: {  	v1 =	vld [tilespmem:s31+$0x4A00]  }
0x34a: {  	v0 =	vadd.f32 v2, v0;
	_ =	sdelay $0x1  }
0x34b: {  	v0 =	vadd.f32 v3, v0;
	_ =	sdelay $0x1  }
0x34c: {  	v0 =	vadd.f32 v1, v0;
	_ =	sdelay $0x1  }
0x34d: {  	[tilespmem:s15+$0x80] =	vst v0  }
0x34e: {  	v0 =	vld [tilespmem:s31+$0x4930]  }
0x34f: {  	v1 =	vld [tilespmem:s31+$0x4950];
	_ =	sdelay $0x1  }
0x350: {  	v2 =	vld [tilespmem:s31+$0x4970];
	_ =	sdelay $0x1  }
0x351: {  	v3 =	vld [tilespmem:s31+$0x4990]  }
0x352: {  	v0 =	vadd.f32 v1, v0  }
0x353: {  	v1 =	vld [tilespmem:s31+$0x49B0]  }
0x354: {  	v0 =	vadd.f32 v2, v0  }
0x355: {  	v2 =	vld [tilespmem:s31+$0x49D0]  }
0x356: {  	v0 =	vadd.f32 v3, v0  }
0x357: {  	v3 =	vld [tilespmem:s31+$0x49F0]  }
0x358: {  	v0 =	vadd.f32 v1, v0  }
0x359: {  	v1 =	vld [tilespmem:s31+$0x4A10]  }
0x35a: {  	v0 =	vadd.f32 v2, v0;
	_ =	sdelay $0x1  }
0x35b: {  	v0 =	vadd.f32 v3, v0;
	_ =	sdelay $0x1  }
0x35c: {  	v0 =	vadd.f32 v1, v0;
	_ =	sdelay $0x1  }
0x35d: {  	[tilespmem:s15+$0x90] =	vst v0  }
0x35e: {  	v0 =	vld [tilespmem:s31+$0x4A40]  }
0x35f: {  	v1 =	vld [tilespmem:s31+$0x4A60];
	_ =	sdelay $0x1  }
0x360: {  	v2 =	vld [tilespmem:s31+$0x4A80];
	_ =	sdelay $0x1  }
0x361: {  	v3 =	vld [tilespmem:s31+$0x4AA0]  }
0x362: {  	v0 =	vadd.f32 v1, v0  }
0x363: {  	v1 =	vld [tilespmem:s31+$0x4AC0]  }
0x364: {  	v0 =	vadd.f32 v2, v0  }
0x365: {  	v2 =	vld [tilespmem:s31+$0x4AE0]  }
0x366: {  	v0 =	vadd.f32 v3, v0  }
0x367: {  	v3 =	vld [tilespmem:s31+$0x4B00]  }
0x368: {  	v0 =	vadd.f32 v1, v0  }
0x369: {  	v1 =	vld [tilespmem:s31+$0x4B20]  }
0x36a: {  	v0 =	vadd.f32 v2, v0;
	_ =	sdelay $0x1  }
0x36b: {  	v0 =	vadd.f32 v3, v0;
	_ =	sdelay $0x1  }
0x36c: {  	v0 =	vadd.f32 v1, v0;
	_ =	sdelay $0x1  }
0x36d: {  	[tilespmem:s15+$0x100] =	vst v0  }
0x36e: {  	v0 =	vld [tilespmem:s31+$0x4A50]  }
0x36f: {  	v1 =	vld [tilespmem:s31+$0x4A70];
	_ =	sdelay $0x1  }
0x370: {  	v2 =	vld [tilespmem:s31+$0x4A90];
	_ =	sdelay $0x1  }
0x371: {  	v3 =	vld [tilespmem:s31+$0x4AB0]  }
0x372: {  	v0 =	vadd.f32 v1, v0  }
0x373: {  	v1 =	vld [tilespmem:s31+$0x4AD0]  }
0x374: {  	v0 =	vadd.f32 v2, v0  }
0x375: {  	v2 =	vld [tilespmem:s31+$0x4AF0]  }
0x376: {  	v0 =	vadd.f32 v3, v0  }
0x377: {  	v3 =	vld [tilespmem:s31+$0x4B10]  }
0x378: {  	v0 =	vadd.f32 v1, v0  }
0x379: {  	v1 =	vld [tilespmem:s31+$0x4B30]  }
0x37a: {  	v0 =	vadd.f32 v2, v0;
	_ =	sdelay $0x1  }
0x37b: {  	v0 =	vadd.f32 v3, v0;
	_ =	sdelay $0x1  }
0x37c: {  	v0 =	vadd.f32 v1, v0;
	_ =	sdelay $0x1  }
0x37d: {  	[tilespmem:s15+$0x110] =	vst v0  }
0x37e: {  	v0 =	vld [tilespmem:s31+$0x4B60]  }
0x37f: {  	v1 =	vld [tilespmem:s31+$0x4B80];
	_ =	sdelay $0x1  }
0x380: {  	v2 =	vld [tilespmem:s31+$0x4BA0];
	_ =	sdelay $0x1  }
0x381: {  	v3 =	vld [tilespmem:s31+$0x4BC0]  }
0x382: {  	v0 =	vadd.f32 v1, v0  }
0x383: {  	v1 =	vld [tilespmem:s31+$0x4BE0]  }
0x384: {  	v0 =	vadd.f32 v2, v0  }
0x385: {  	v2 =	vld [tilespmem:s31+$0x4C00]  }
0x386: {  	v0 =	vadd.f32 v3, v0  }
0x387: {  	v3 =	vld [tilespmem:s31+$0x4C20]  }
0x388: {  	v0 =	vadd.f32 v1, v0  }
0x389: {  	v1 =	vld [tilespmem:s31+$0x4C40]  }
0x38a: {  	v0 =	vadd.f32 v2, v0;
	_ =	sdelay $0x1  }
0x38b: {  	v0 =	vadd.f32 v3, v0;
	_ =	sdelay $0x1  }
0x38c: {  	v0 =	vadd.f32 v1, v0;
	_ =	sdelay $0x1  }
0x38d: {  	[tilespmem:s15+$0x180] =	vst v0  }
0x38e: {  	v0 =	vld [tilespmem:s31+$0x4B70]  }
0x38f: {  	v1 =	vld [tilespmem:s31+$0x4B90];
	_ =	sdelay $0x1  }
0x390: {  	v2 =	vld [tilespmem:s31+$0x4BB0];
	_ =	sdelay $0x1  }
0x391: {  	v4 =	vld [tilespmem:s31+$0x4BD0]  }
0x392: {  	v3 =	vadd.f32 v1, v0  }
0x393: {  	v1 =	vld [tilespmem:s31+$0x4BF0]  }
0x394: {  	v0 =	vld [tilespmem:s31+$0x4C10];
	v5 =	vadd.f32 v2, v3  }
0x395: {  	v2 =	vld [tilespmem:s31+$0x4C30]  }
0x396: {  	s17 =	simm.s32 $0x1200;
	s16 =	simm.s32 $0xF000;
	v3 =	vld [tilespmem:s31+$0x4C50];
	v4 =	vadd.f32 v4, v5  }
.LBB2_8:
0x397: {  	p0 =	sne.s32 s17, $0x10E00  }
0x398: {  	s15 =	sadd.s32 $0x200, s15;
	s18 =	smov.u32 s17;
	s17 =	sadd.s32 $0x1200, s17  }
0x399: {  	v1 =	vadd.f32 v1, v4;
	_ =	sdelay $0x1  }
0x39a: {  	v0 =	vadd.f32 v0, v1;
	_ =	sdelay $0x1  }
0x39b: {  	v0 =	vadd.f32 v2, v0;
	_ =	sdelay $0x1  }
0x39c: {  	v0 =	vadd.f32 v3, v0  }
0x39d: {  	s18 =	sshra.s32 s18, $0x2  }
0x39e: {  	[tilespmem:s16+$0x190] =	vst v0;
	s16 =	smov.u32 s15  }
0x39f: {  	v0 =	vld [tilespmem:s18+$0x4800]  }
0x3a0: {  	v1 =	vld [tilespmem:s18+$0x4820]  }
0x3a1: {  	v2 =	vld [tilespmem:s18+$0x4840];
	_ =	sdelay $0x1  }
0x3a2: {  	v3 =	vld [tilespmem:s18+$0x4860];
	_ =	sdelay $0x1  }
0x3a3: {  	v0 =	vadd.f32 v1, v0  }
0x3a4: {  	v1 =	vld [tilespmem:s18+$0x4880]  }
0x3a5: {  	v0 =	vadd.f32 v2, v0  }
0x3a6: {  	v2 =	vld [tilespmem:s18+$0x48A0]  }
0x3a7: {  	v0 =	vadd.f32 v3, v0  }
0x3a8: {  	v3 =	vld [tilespmem:s18+$0x48C0]  }
0x3a9: {  	v0 =	vadd.f32 v1, v0  }
0x3aa: {  	v1 =	vld [tilespmem:s18+$0x48E0]  }
0x3ab: {  	v0 =	vadd.f32 v2, v0;
	_ =	sdelay $0x1  }
0x3ac: {  	v0 =	vadd.f32 v3, v0;
	_ =	sdelay $0x1  }
0x3ad: {  	v0 =	vadd.f32 v1, v0;
	_ =	sdelay $0x1  }
0x3ae: {  	[tilespmem:s15+$0x0] =	vst v0  }
0x3af: {  	v0 =	vld [tilespmem:s18+$0x4810]  }
0x3b0: {  	v1 =	vld [tilespmem:s18+$0x4830];
	_ =	sdelay $0x1  }
0x3b1: {  	v2 =	vld [tilespmem:s18+$0x4850];
	_ =	sdelay $0x1  }
0x3b2: {  	v3 =	vld [tilespmem:s18+$0x4870]  }
0x3b3: {  	v0 =	vadd.f32 v1, v0  }
0x3b4: {  	v1 =	vld [tilespmem:s18+$0x4890]  }
0x3b5: {  	v0 =	vadd.f32 v2, v0  }
0x3b6: {  	v2 =	vld [tilespmem:s18+$0x48B0]  }
0x3b7: {  	v0 =	vadd.f32 v3, v0  }
0x3b8: {  	v3 =	vld [tilespmem:s18+$0x48D0]  }
0x3b9: {  	v0 =	vadd.f32 v1, v0  }
0x3ba: {  	v1 =	vld [tilespmem:s18+$0x48F0]  }
0x3bb: {  	v0 =	vadd.f32 v2, v0;
	_ =	sdelay $0x1  }
0x3bc: {  	v0 =	vadd.f32 v3, v0;
	_ =	sdelay $0x1  }
0x3bd: {  	v0 =	vadd.f32 v1, v0;
	_ =	sdelay $0x1  }
0x3be: {  	[tilespmem:s15+$0x10] =	vst v0  }
0x3bf: {  	v0 =	vld [tilespmem:s18+$0x4920]  }
0x3c0: {  	v1 =	vld [tilespmem:s18+$0x4940];
	_ =	sdelay $0x1  }
0x3c1: {  	v2 =	vld [tilespmem:s18+$0x4960];
	_ =	sdelay $0x1  }
0x3c2: {  	v3 =	vld [tilespmem:s18+$0x4980]  }
0x3c3: {  	v0 =	vadd.f32 v1, v0  }
0x3c4: {  	v1 =	vld [tilespmem:s18+$0x49A0]  }
0x3c5: {  	v0 =	vadd.f32 v2, v0  }
0x3c6: {  	v2 =	vld [tilespmem:s18+$0x49C0]  }
0x3c7: {  	v0 =	vadd.f32 v3, v0  }
0x3c8: {  	v3 =	vld [tilespmem:s18+$0x49E0]  }
0x3c9: {  	v0 =	vadd.f32 v1, v0  }
0x3ca: {  	v1 =	vld [tilespmem:s18+$0x4A00]  }
0x3cb: {  	v0 =	vadd.f32 v2, v0;
	_ =	sdelay $0x1  }
0x3cc: {  	v0 =	vadd.f32 v3, v0;
	_ =	sdelay $0x1  }
0x3cd: {  	v0 =	vadd.f32 v1, v0;
	_ =	sdelay $0x1  }
0x3ce: {  	[tilespmem:s15+$0x80] =	vst v0  }
0x3cf: {  	v0 =	vld [tilespmem:s18+$0x4930]  }
0x3d0: {  	v1 =	vld [tilespmem:s18+$0x4950];
	_ =	sdelay $0x1  }
0x3d1: {  	v2 =	vld [tilespmem:s18+$0x4970];
	_ =	sdelay $0x1  }
0x3d2: {  	v3 =	vld [tilespmem:s18+$0x4990]  }
0x3d3: {  	v0 =	vadd.f32 v1, v0  }
0x3d4: {  	v1 =	vld [tilespmem:s18+$0x49B0]  }
0x3d5: {  	v0 =	vadd.f32 v2, v0  }
0x3d6: {  	v2 =	vld [tilespmem:s18+$0x49D0]  }
0x3d7: {  	v0 =	vadd.f32 v3, v0  }
0x3d8: {  	v3 =	vld [tilespmem:s18+$0x49F0]  }
0x3d9: {  	v0 =	vadd.f32 v1, v0  }
0x3da: {  	v1 =	vld [tilespmem:s18+$0x4A10]  }
0x3db: {  	v0 =	vadd.f32 v2, v0;
	_ =	sdelay $0x1  }
0x3dc: {  	v0 =	vadd.f32 v3, v0;
	_ =	sdelay $0x1  }
0x3dd: {  	v0 =	vadd.f32 v1, v0;
	_ =	sdelay $0x1  }
0x3de: {  	[tilespmem:s15+$0x90] =	vst v0  }
0x3df: {  	v0 =	vld [tilespmem:s18+$0x4A40]  }
0x3e0: {  	v1 =	vld [tilespmem:s18+$0x4A60]  }
0x3e1: {  	v2 =	vld [tilespmem:s18+$0x4A80];
	_ =	sdelay $0x2  }
0x3e2: {  	v3 =	vld [tilespmem:s18+$0x4AA0]  }
0x3e3: {  	v0 =	vadd.f32 v1, v0  }
0x3e4: {  	v1 =	vld [tilespmem:s18+$0x4AC0]  }
0x3e5: {  	v0 =	vadd.f32 v2, v0  }
0x3e6: {  	v2 =	vld [tilespmem:s18+$0x4AE0]  }
0x3e7: {  	v0 =	vadd.f32 v3, v0  }
0x3e8: {  	v3 =	vld [tilespmem:s18+$0x4B00]  }
0x3e9: {  	v0 =	vadd.f32 v1, v0  }
0x3ea: {  	v1 =	vld [tilespmem:s18+$0x4B20]  }
0x3eb: {  	v0 =	vadd.f32 v2, v0;
	_ =	sdelay $0x1  }
0x3ec: {  	v0 =	vadd.f32 v3, v0;
	_ =	sdelay $0x1  }
0x3ed: {  	v0 =	vadd.f32 v1, v0;
	_ =	sdelay $0x1  }
0x3ee: {  	[tilespmem:s15+$0x100] =	vst v0  }
0x3ef: {  	v0 =	vld [tilespmem:s18+$0x4A50]  }
0x3f0: {  	v1 =	vld [tilespmem:s18+$0x4A70]  }
0x3f1: {  	v2 =	vld [tilespmem:s18+$0x4A90]  }
0x3f2: {  	v3 =	vld [tilespmem:s18+$0x4AB0]  }
0x3f3: {  	v4 =	vld [tilespmem:s18+$0x4AD0]  }
0x3f4: {  	v5 =	vld [tilespmem:s18+$0x4AF0]  }
0x3f5: {  	v0 =	vadd.f32 v1, v0;
	v1 =	vld [tilespmem:s18+$0x4B10]  }
0x3f6: {  	v6 =	vld [tilespmem:s18+$0x4B30]  }
0x3f7: {  	v0 =	vadd.f32 v2, v0;
	_ =	sdelay $0x1  }
0x3f8: {  	v0 =	vadd.f32 v3, v0;
	_ =	sdelay $0x1  }
0x3f9: {  	v0 =	vadd.f32 v4, v0;
	_ =	sdelay $0x1  }
0x3fa: {  	v0 =	vadd.f32 v5, v0;
	_ =	sdelay $0x1  }
0x3fb: {  	v0 =	vadd.f32 v1, v0;
	_ =	sdelay $0x1  }
0x3fc: {  	v0 =	vadd.f32 v6, v0;
	_ =	sdelay $0x1  }
0x3fd: {  	[tilespmem:s15+$0x110] =	vst v0  }
0x3fe: {  	v0 =	vld [tilespmem:s18+$0x4B60]  }
0x3ff: {  	v1 =	vld [tilespmem:s18+$0x4B80]  }
0x400: {  	v2 =	vld [tilespmem:s18+$0x4BA0]  }
0x401: {  	v3 =	vld [tilespmem:s18+$0x4BC0]  }
0x402: {  	v4 =	vld [tilespmem:s18+$0x4BE0]  }
0x403: {  	v5 =	vld [tilespmem:s18+$0x4C00]  }
0x404: {  	v0 =	vadd.f32 v1, v0;
	v1 =	vld [tilespmem:s18+$0x4C20]  }
0x405: {  	v6 =	vld [tilespmem:s18+$0x4C40]  }
0x406: {  	v0 =	vadd.f32 v2, v0;
	_ =	sdelay $0x1  }
0x407: {  	v0 =	vadd.f32 v3, v0;
	_ =	sdelay $0x1  }
0x408: {  	v0 =	vadd.f32 v4, v0;
	_ =	sdelay $0x1  }
0x409: {  	v0 =	vadd.f32 v5, v0;
	_ =	sdelay $0x1  }
0x40a: {  	v0 =	vadd.f32 v1, v0;
	_ =	sdelay $0x1  }
0x40b: {  	v0 =	vadd.f32 v6, v0;
	_ =	sdelay $0x1  }
0x40c: {  	[tilespmem:s15+$0x180] =	vst v0  }
0x40d: {  	v2 =	vld [tilespmem:s18+$0x4B70]  }
0x40e: {  	v3 =	vld [tilespmem:s18+$0x4B90]  }
0x40f: {  	v4 =	vld [tilespmem:s18+$0x4BB0]  }
0x410: {  	v5 =	vld [tilespmem:s18+$0x4BD0]  }
0x411: {  	v1 =	vld [tilespmem:s18+$0x4BF0]  }
0x412: {  	v0 =	vld [tilespmem:s18+$0x4C10]  }
.Ltmp3:
0x413: {  	v6 =	vadd.f32 v3, v2;
	v2 =	vld [tilespmem:s18+$0x4C30];
	(pc) =	sbr.rel @p0 .LBB2_8-.Ltmp3, $3  }
0x414: {  	v3 =	vld [tilespmem:s18+$0x4C50]  }
0x415: {  	v4 =	vadd.f32 v4, v6;
	_ =	sdelay $0x1  }
0x416: {  	v4 =	vadd.f32 v5, v4  }
0x417: {  	_ = 	snop  }
0x418: {  	v1 =	vadd.f32 v1, v4;
	_ =	sdelay $0x1  }
0x419: {  	v0 =	vadd.f32 v0, v1;
	_ =	sdelay $0x1  }
0x41a: {  	v0 =	vadd.f32 v2, v0;
	_ =	sdelay $0x1  }
0x41b: {  	s14 =	sadd.s32 $0x1, s14;
	v0 =	vadd.f32 v3, v0  }
0x41c: {  	p0 =	sne.s32 s14, s8  }
.Ltmp4:
0x41d: {  	[tilespmem:s16+$0x190] =	vst v0;
	(pc) =	sbr.rel @p0 .LBB2_1-.Ltmp4, $4  }
0x41e: {  	[hbm4b:s7+s2] =	stream.linear.scatter [tilespmem:s12], [sflag:$0x3], $0x8000, $0x38;
	[tilespmem:$0x11000] =	vst v63  }
0x41f: {  	_ =	swait.ge [sflag:s13], $0x8000  }
0x420: {  	[sflag:s13] =	ssyncset.done $0x0  }
0x421: {  	[sflag:s13] =	ssyncadd.s32 $0xFFFF8000  }
0x422: {  	_ =	sfence.sel $0x180000  }
0x423: {  	[bflag:$0x0] =	sbarrier.arrive $0xFFFF  }
0x424: {  	p0 =	sne.s32 s0, $0x0;
	_ =	strace $0x90000047  }
0x425: {  	s0 =	sadd.s32 @!p0 $0x100000, s1;
	[bflag:$0x2] =	sbarrier.arrive $0xFFFF  }
0x426: {  	[sflag:s0] =	ssyncadd.tile.s32 @!p0 $0x1;
	_ =	shalt  }
.Lfunc_end2:
_tile_overlayer_lowered:
.L_overlay_start_2:
0x427: {  	(tag) =	ssettag $0x2  }
0x428: {  	s0 =	rddreg [dreg:$0x0];
	s2 =	stileid.u32  }
0x429: {  	s1 =	rddreg [dreg:$0x1];
	p0 =	sne.s32 s2, $0x0  }
0x42a: {  	s3 =	rddreg [dreg:$0x2];
	[bflag:$0x3] =	sbarrier.arrive $0xFFFF;
	s2 =	simm.s32 @!p0 $0x1C03  }
0x42b: {  	[timem:s3], [sflag:s2] =	dma.local @!p0 [hbm:s0], s1  }
0x42c: {  	s0 =	simm.s32 @!p0 $0x3  }
0x42d: {  	_ =	swait.ge @!p0 [sflag:s0], s1  }
0x42e: {  	s1 =	ssub.s32 @!p0 $0x0, s1;
	[sflag:s0] =	ssyncset.done @!p0 $0x0  }
0x42f: {  	[sflag:s0] =	ssyncadd.s32 @!p0 s1  }
0x430: {  	[bflag:$0x3] =	sbarrier.arrive $0xFFFF  }
0x431: {  	_ =	shalt  }

</sc_bundles>
